<compile_context>
chip_gen: v7x
topology: tpu7x:2x2x1
jax: 0.10.2.dev20260603
libtpu: 0.0.44.dev20260713+nightly
codegen_flags: <defaults>
</compile_context>

<pallas_src>
import functools

import jax
import jax.numpy as jnp
from jax import lax
from jax.experimental import pallas as pl
from jax.experimental.pallas import tpu as pltpu
from jax.experimental.pallas import tpu_sc as plsc

N = 10000
D = 128
E = 320000
R = 4

NW = 32
CHUNK = 64
NCH = 157
EPT = NCH * CHUNK
E_PAD = NW * EPT
TRASH = N
ACC_ROWS = 10112
SPT = ACC_ROWS // 16
ZPIECES = tuple((k * 64, 64) for k in range(9)) + ((576, 56),)

BLK = 400
GRID = N // BLK


def _mish(v):
    sp = jnp.log1p(jnp.exp(-jnp.abs(v))) + jnp.maximum(v, 0.0)
    return v * jnp.tanh(sp)




def _sc_body(x_hbm, src_hbm, dst3_hbm, dropw_hbm, out_hbm,
             src_buf, eff_buf, drop_tbl, rows_buf,
             sem0, sem1, acc):
    c = lax.axis_index("c")
    s = lax.axis_index("s")
    wid = c * 16 + s
    row0 = s * SPT

    pltpu.sync_copy(src_hbm.at[pl.ds(wid * EPT, EPT)], src_buf)
    pltpu.sync_copy(dropw_hbm, drop_tbl)

    zero16f = jnp.zeros((16,), jnp.float32)

    def zb_body(j, carry):
        for k in range(8):
            rows_buf[0, j, pl.ds(k * 16, 16)] = zero16f
        return carry

    lax.fori_loop(0, CHUNK, zb_body, None)
    for off, nr in ZPIECES:
        pltpu.sync_copy(rows_buf.at[0, pl.ds(0, nr)],
                        acc.at[pl.ds(row0 + off, nr)])

    trash16 = jnp.full((16,), TRASH, jnp.int32)

    for r in range(R):
        pltpu.sync_copy(dst3_hbm.at[wid], eff_buf)

        def eff_body(j, carry):
            base = j * CHUNK
            for k in range(CHUNK // 16):
                sv = src_buf[pl.ds(base + k * 16, 16)]
                dv = eff_buf[j, pl.ds(k * 16, 16)]
                wv = plsc.load_gather(drop_tbl, [
                    lax.shift_right_logical(sv, 3)])
                sh = ((sv & 7) << 2) + r
                bit = lax.shift_right_logical(wv, sh) & 1
                eff = jnp.where(bit != 0, trash16, dv)
                eff_buf[j, pl.ds(k * 16, 16)] = eff
            return carry

        lax.fori_loop(0, NCH, eff_body, None)

        plsc.subcore_barrier()

        pltpu.async_copy(
            x_hbm.at[src_buf.at[pl.ds(0, CHUNK)]], rows_buf.at[0], sem0)

        def gwait(u, sem):
            pltpu.make_async_copy(x_hbm.at[pl.ds(0, CHUNK)],
                                  rows_buf.at[u], sem).wait()

        def dma_body(i, carry):
            a = i * 2
            pltpu.async_copy(
                x_hbm.at[src_buf.at[pl.ds((a + 1) * CHUNK, CHUNK)]],
                rows_buf.at[1], sem1)
            gwait(0, sem0)
            pltpu.sync_copy(rows_buf.at[0],
                            acc.at[eff_buf.at[a]], add=True)
            pltpu.async_copy(
                x_hbm.at[src_buf.at[pl.ds((a + 2) * CHUNK, CHUNK)]],
                rows_buf.at[0], sem0)
            gwait(1, sem1)
            pltpu.sync_copy(rows_buf.at[1],
                            acc.at[eff_buf.at[a + 1]], add=True)
            return carry

        lax.fori_loop(0, (NCH - 1) // 2, dma_body, None)
        gwait(0, sem0)
        pltpu.sync_copy(rows_buf.at[0],
                        acc.at[eff_buf.at[NCH - 1]], add=True)

        plsc.subcore_barrier()

        pltpu.sync_copy(acc.at[pl.ds(row0, SPT)],
                        out_hbm.at[r, c, pl.ds(row0, SPT)])


DROPW = 1256


def _sc_agg(x, src_p, dst3, drop_words):
    mesh = plsc.VectorSubcoreMesh(core_axis_name="c", subcore_axis_name="s")
    fn = pl.kernel(
        _sc_body,
        out_type=jax.ShapeDtypeStruct((R, 2, ACC_ROWS, D), jnp.float32),
        mesh=mesh,
        compiler_params=pltpu.CompilerParams(needs_layout_passes=False),
        scratch_types=[
            pltpu.VMEM((NCH * CHUNK,), jnp.int32),
            pltpu.VMEM((NCH, CHUNK), jnp.int32),
            pltpu.VMEM((DROPW,), jnp.int32),
            pltpu.VMEM((2, CHUNK, D), jnp.float32),
            pltpu.SemaphoreType.DMA,
            pltpu.SemaphoreType.DMA,
            pltpu.VMEM_SHARED((ACC_ROWS, D), jnp.float32),
        ],
    )
    return fn(x, src_p, dst3, drop_words)


def _pack_drop(drop):
    bits4 = jnp.sum(drop.astype(jnp.int32) << jnp.arange(R)[:, None], axis=0)
    bits4 = jnp.concatenate(
        [bits4, jnp.zeros((DROPW * 8 - N,), jnp.int32)])
    return jnp.sum(bits4.reshape(DROPW, 8) << (4 * jnp.arange(8)), axis=1)




def _mlp_body(x_ref, w1_ref, b1_ref, w2_ref, b2_ref, o_ref):
    t = _mish(jnp.dot(x_ref[...], w1_ref[...],
                      preferred_element_type=jnp.float32) + b1_ref[...])
    o_ref[...] = jnp.dot(t, w2_ref[...],
                         preferred_element_type=jnp.float32) + b2_ref[...]


def _mlp_call(x, W1, b1, W2, b2):
    return pl.pallas_call(
        _mlp_body,
        grid=(GRID,),
        in_specs=[
            pl.BlockSpec((BLK, D), lambda i: (i, 0)),
            pl.BlockSpec((D, D), lambda i: (0, 0)),
            pl.BlockSpec((1, D), lambda i: (0, 0)),
            pl.BlockSpec((D, D), lambda i: (0, 0)),
            pl.BlockSpec((1, D), lambda i: (0, 0)),
        ],
        out_specs=pl.BlockSpec((BLK, D), lambda i: (i, 0)),
        out_shape=jax.ShapeDtypeStruct((N, D), jnp.float32),
    )(x, W1, b1.reshape(1, D), W2, b2.reshape(1, D))


def _post_body(x_ref, keep_ref, p_ref, wa_ref, ba_ref, wb_ref, bb_ref,
               s_ref, sm_ref, sq_ref):
    i = pl.program_id(0)
    xb = x_ref[...]
    kb = keep_ref[...]
    p = p_ref[...]
    acc = jnp.zeros((BLK, D), jnp.float32)
    prev = jnp.zeros((BLK, D), jnp.float32)
    for r in range(R):
        cum = p[r, 0] + p[r, 1]
        h = xb * kb[:, r:r + 1] + (cum - prev)
        prev = cum
        t = _mish(jnp.dot(h, wa_ref[...],
                          preferred_element_type=jnp.float32) + ba_ref[...])
        acc = acc + jnp.dot(t, wb_ref[...],
                            preferred_element_type=jnp.float32) + bb_ref[...]
    sb = acc * (1.0 / R) + xb
    s_ref[...] = sb

    @pl.when(i == 0)
    def _():
        sm_ref[...] = jnp.zeros((1, D), jnp.float32)
        sq_ref[...] = jnp.zeros((1, D), jnp.float32)

    sm_ref[...] += jnp.sum(sb, axis=0, keepdims=True)
    sq_ref[...] += jnp.sum(sb * sb, axis=0, keepdims=True)


def _post_call(x, keepT, P, Wa, ba, Wb, bb):
    return pl.pallas_call(
        _post_body,
        grid=(GRID,),
        in_specs=[
            pl.BlockSpec((BLK, D), lambda i: (i, 0)),
            pl.BlockSpec((BLK, R), lambda i: (i, 0)),
            pl.BlockSpec((R, 2, BLK, D), lambda i: (0, 0, i, 0)),
            pl.BlockSpec((D, D), lambda i: (0, 0)),
            pl.BlockSpec((1, D), lambda i: (0, 0)),
            pl.BlockSpec((D, D), lambda i: (0, 0)),
            pl.BlockSpec((1, D), lambda i: (0, 0)),
        ],
        out_specs=[
            pl.BlockSpec((BLK, D), lambda i: (i, 0)),
            pl.BlockSpec((1, D), lambda i: (0, 0)),
            pl.BlockSpec((1, D), lambda i: (0, 0)),
        ],
        out_shape=[
            jax.ShapeDtypeStruct((N, D), jnp.float32),
            jax.ShapeDtypeStruct((1, D), jnp.float32),
            jax.ShapeDtypeStruct((1, D), jnp.float32),
        ],
    )(x, keepT, P, Wa, ba.reshape(1, D), Wb, bb.reshape(1, D))


def _bn_body(s_ref, sm_ref, sq_ref, g_ref, be_ref, o_ref):
    mu = sm_ref[...] * (1.0 / N)
    var = sq_ref[...] * (1.0 / N) - mu * mu
    inv = lax.rsqrt(var + 1e-5)
    o_ref[...] = _mish(g_ref[...] * (s_ref[...] - mu) * inv + be_ref[...])


def _bn_res_body(s_ref, sm_ref, sq_ref, g_ref, be_ref, res_ref, o_ref):
    mu = sm_ref[...] * (1.0 / N)
    var = sq_ref[...] * (1.0 / N) - mu * mu
    inv = lax.rsqrt(var + 1e-5)
    o_ref[...] = res_ref[...] + _mish(
        g_ref[...] * (s_ref[...] - mu) * inv + be_ref[...])


def _bn_call(sarr, sm, sq, g, be, res=None):
    specs = [
        pl.BlockSpec((BLK, D), lambda i: (i, 0)),
        pl.BlockSpec((1, D), lambda i: (0, 0)),
        pl.BlockSpec((1, D), lambda i: (0, 0)),
        pl.BlockSpec((1, D), lambda i: (0, 0)),
        pl.BlockSpec((1, D), lambda i: (0, 0)),
    ]
    args = [sarr, sm, sq, g.reshape(1, D), be.reshape(1, D)]
    body = _bn_body
    if res is not None:
        specs.append(pl.BlockSpec((BLK, D), lambda i: (i, 0)))
        args.append(res)
        body = _bn_res_body
    return pl.pallas_call(
        body,
        grid=(GRID,),
        in_specs=specs,
        out_specs=pl.BlockSpec((BLK, D), lambda i: (i, 0)),
        out_shape=jax.ShapeDtypeStruct((N, D), jnp.float32),
    )(*args)




def kernel(x, edge_index, drop0, drop1, Wn1, bn1, Wn2, bn2,
           W0a, b0a, W0b, b0b, g0, be0, W1a, b1a, W1b, b1b, g1, be1):
    drop0_w = _pack_drop(drop0)
    drop1_w = _pack_drop(drop1)
    keep0T = (1.0 - drop0.astype(jnp.float32)).T
    keep1T = (1.0 - drop1.astype(jnp.float32)).T

    pad = E_PAD - E
    src_p = jnp.concatenate([edge_index[0], jnp.zeros((pad,), jnp.int32)])
    dst3 = jnp.concatenate(
        [edge_index[1], jnp.full((pad,), TRASH, jnp.int32)]
    ).reshape(NW, NCH, CHUNK)

    x_proj = _mlp_call(x, Wn1, bn1, Wn2, bn2)

    P0 = _sc_agg(x_proj, src_p, dst3, drop0_w)
    s1, sm1, sq1 = _post_call(x_proj, keep0T, P0, W0a, b0a, W0b, b0b)
    h1 = _bn_call(s1, sm1, sq1, g0, be0)

    P1 = _sc_agg(h1, src_p, dst3, drop1_w)
    s2, sm2, sq2 = _post_call(h1, keep1T, P1, W1a, b1a, W1b, b1b)
    out = _bn_call(s2, sm2, sq2, g1, be1, x_proj)
    return out

# --- scband reference (transcript-rebuilt; emitter-appended) ---
"""Pipeline reference for scband-gindrop-encoder-38319698215465 (READ-ONLY COPY).

The authoritative reference and input builder live on the scoring server;
editing this copy changes nothing except your own understanding.
"""

import jax, jax.numpy as jnp
import numpy as np

NUM_RUNS = 4
P = 0.1
N = 10000
E = 320000
D = 128


def mish(x):
    return x * jnp.tanh(jax.nn.softplus(x))


def setup_inputs(seed: int = 0) -> dict:
    key = jax.random.key(seed)
    ks = jax.random.split(key, 24)
    inp = {}
    inp['x'] = jax.random.normal(ks[0], (N, D), dtype=jnp.float32)
    inp['edge_index'] = jax.random.randint(ks[1], (2, E), 0, N, dtype=jnp.int32)
    # drop masks (bernoulli, per run per node) for each of the 2 GINDrop layers
    inp['drop0'] = jax.random.bernoulli(ks[2], P, (NUM_RUNS, N))
    inp['drop1'] = jax.random.bernoulli(ks[3], P, (NUM_RUNS, N))
    s = 0.05
    # node_input_mlp: Linear(D,D) -> Mish -> Linear(D,D)
    inp['Wn1'] = jax.random.normal(ks[4], (D, D), dtype=jnp.float32) * s
    inp['bn1'] = jnp.zeros((D,), dtype=jnp.float32)
    inp['Wn2'] = jax.random.normal(ks[5], (D, D), dtype=jnp.float32) * s
    inp['bn2'] = jnp.zeros((D,), dtype=jnp.float32)
    # GINDrop layer 0 inner MLP: Linear(D,D) -> Mish -> Linear(D,D)
    inp['W0a'] = jax.random.normal(ks[6], (D, D), dtype=jnp.float32) * s
    inp['b0a'] = jnp.zeros((D,), dtype=jnp.float32)
    inp['W0b'] = jax.random.normal(ks[7], (D, D), dtype=jnp.float32) * s
    inp['b0b'] = jnp.zeros((D,), dtype=jnp.float32)
    inp['g0'] = jnp.ones((D,), dtype=jnp.float32)
    inp['be0'] = jnp.zeros((D,), dtype=jnp.float32)
    # GINDrop layer 1 inner MLP
    inp['W1a'] = jax.random.normal(ks[8], (D, D), dtype=jnp.float32) * s
    inp['b1a'] = jnp.zeros((D,), dtype=jnp.float32)
    inp['W1b'] = jax.random.normal(ks[9], (D, D), dtype=jnp.float32) * s
    inp['b1b'] = jnp.zeros((D,), dtype=jnp.float32)
    inp['g1'] = jnp.ones((D,), dtype=jnp.float32)
    inp['be1'] = jnp.zeros((D,), dtype=jnp.float32)
    return inp


def _gin_drop(x, edge_index, drop, Wa, ba, Wb, bb):
    # x: [N, D] -> expand to runs, drop nodes, flatten
    x_orig = x
    xr = jnp.broadcast_to(x[None, :, :], (NUM_RUNS, x.shape[0], x.shape[1]))
    xr = jnp.where(drop[:, :, None], jnp.zeros((), dtype=x.dtype), xr)
    xf = xr.reshape(NUM_RUNS * x.shape[0], x.shape[1])
    # offset edges per run, faithful to torch: offset = edge_index.max() + 1
    offset = jnp.max(edge_index) + 1
    run_off = jnp.arange(NUM_RUNS, dtype=edge_index.dtype) * offset
    src = (edge_index[0][None, :] + run_off[:, None]).reshape(-1)
    dst = (edge_index[1][None, :] + run_off[:, None]).reshape(-1)
    # GINConv (eps=0): nn(x + sum_{j in N(i)} x_j)
    agg = jax.ops.segment_sum(jnp.take(xf, src, axis=0), dst, num_segments=NUM_RUNS * x.shape[0])
    h = xf + agg
    h = mish(h @ Wa + ba) @ Wb + bb
    m = h.reshape(NUM_RUNS, x.shape[0], -1).mean(axis=0)
    return m + x_orig


def _bn(x, gamma, beta):
    mu = jnp.mean(x, axis=0)
    var = jnp.var(x, axis=0)
    return gamma * (x - mu) / jnp.sqrt(var + 1e-5) + beta


def reference(x, edge_index, drop0, drop1, Wn1, bn1, Wn2, bn2, W0a, b0a, W0b, b0b, g0, be0, W1a, b1a, W1b, b1b, g1, be1):
    x_proj = mish(x @ Wn1 + bn1) @ Wn2 + bn2
    h = _gin_drop(x_proj, edge_index, drop0, W0a, b0a, W0b, b0b)
    h = mish(_bn(h, g0, be0))
    h = _gin_drop(h, edge_index, drop1, W1a, b1a, W1b, b1b)
    h = mish(_bn(h, g1, be1))
    return x_proj + h

if __name__ == "__main__":
    import jax
    _d = setup_inputs()
    print(jax.jit(kernel)(*tuple(_d.values())))

</pallas_src>

<mosaic_0001>
#map = affine_map<(d0, d1) -> (0, 0)>
#map1 = affine_map<(d0, d1) -> (0)>
#map2 = affine_map<(d0, d1) -> (0, 0, 0)>
#map3 = affine_map<(d0, d1) -> (0, 0, 0, 0)>
module attributes {stable_mosaic.version = 14 : i64} {
  func.func @_sc_body(%arg0: i32, %arg1: i32, %arg2: memref<10000x128xf32, #tpu.memory_space<hbm>>, %arg3: memref<321536xi32, #tpu.memory_space<hbm>>, %arg4: memref<32x157x64xi32, #tpu.memory_space<hbm>>, %arg5: memref<1256xi32, #tpu.memory_space<hbm>>, %arg6: memref<4x2x10112x128xf32, #tpu.memory_space<hbm>>, %arg7: memref<10048xi32, #tpu.memory_space<vmem>>, %arg8: memref<157x64xi32, #tpu.memory_space<vmem>>, %arg9: memref<1256xi32, #tpu.memory_space<vmem>>, %arg10: memref<2x64x128xf32, #tpu.memory_space<vmem>>, %arg11: memref<!tpu.dma_semaphore, #tpu.memory_space<semaphore_mem>>, %arg12: memref<!tpu.dma_semaphore, #tpu.memory_space<semaphore_mem>>, %arg13: memref<10112x128xf32, #tpu.memory_space<vmem_shared>>) attributes {dimension_semantics = [#tpu.dimension_semantics<core_parallel>, #tpu.dimension_semantics<subcore_parallel>], iteration_bounds = array<i64: 2, 16>, scalar_prefetch = 0 : i64, scratch_operands = 7 : i64, tpu.core_type = #tpu.core_type<sc_vector_subcore>, window_params = [{transform_indices = #map}, {transform_indices = #map1}, {transform_indices = #map2}, {transform_indices = #map1}, {transform_indices = #map3}]} {
    %mul3A = arith.constant 16 : i32
    %mul3A_0 = arith.muli %arg0, %mul3A : i32
    %add3A = arith.addi %mul3A_0, %arg1 : i32
    %mul3A_1 = arith.constant 632 : i32
    %mul3A_2 = arith.muli %arg1, %mul3A_1 : i32
    %mul3A_3 = arith.constant 10048 : i32
    %mul3A_4 = arith.muli %add3A, %mul3A_3 : i32
    "tpu.region"() ({
      %run_scoped3A_198 = tpu.sem_alloc : memref<!tpu.dma_semaphore, #tpu.memory_space<semaphore_mem>>
      %dma_start3A_199 = tpu.memref_slice %arg3[%mul3A_4] : memref<321536xi32, #tpu.memory_space<hbm>> -> memref<10048xi32, #tpu.memory_space<hbm>>
      %dma_start3A_200 = tpu.memref_slice %arg3[%mul3A_4] : memref<321536xi32, #tpu.memory_space<hbm>> -> memref<10048xi32, #tpu.memory_space<hbm>>
      tpu.enqueue_dma source(%dma_start3A_200 : memref<10048xi32, #tpu.memory_space<hbm>>) target(%arg7 : memref<10048xi32, #tpu.memory_space<vmem>>) target_semaphore(%run_scoped3A_198 : memref<!tpu.dma_semaphore, #tpu.memory_space<semaphore_mem>>)
      %dma_wait3A_201 = tpu.memref_slice %arg3[%mul3A_4] : memref<321536xi32, #tpu.memory_space<hbm>> -> memref<10048xi32, #tpu.memory_space<hbm>>
      %dma_wait3A_202 = tpu.memref_slice %arg3[%mul3A_4] : memref<321536xi32, #tpu.memory_space<hbm>> -> memref<10048xi32, #tpu.memory_space<hbm>>
      tpu.wait_dma2 semaphore(%run_scoped3A_198 : memref<!tpu.dma_semaphore, #tpu.memory_space<semaphore_mem>>) src(%dma_wait3A_202 : memref<10048xi32, #tpu.memory_space<hbm>>) dst(%arg7 : memref<10048xi32, #tpu.memory_space<vmem>>)
      tpu.yield
    }) : () -> ()
    "tpu.region"() ({
      %run_scoped3A_198 = tpu.sem_alloc : memref<!tpu.dma_semaphore, #tpu.memory_space<semaphore_mem>>
      tpu.enqueue_dma source(%arg5 : memref<1256xi32, #tpu.memory_space<hbm>>) target(%arg9 : memref<1256xi32, #tpu.memory_space<vmem>>) target_semaphore(%run_scoped3A_198 : memref<!tpu.dma_semaphore, #tpu.memory_space<semaphore_mem>>)
      tpu.wait_dma2 semaphore(%run_scoped3A_198 : memref<!tpu.dma_semaphore, #tpu.memory_space<semaphore_mem>>) src(%arg5 : memref<1256xi32, #tpu.memory_space<hbm>>) dst(%arg9 : memref<1256xi32, #tpu.memory_space<vmem>>)
      tpu.yield
    }) : () -> ()
    %broadcast_in_dim3A = arith.constant 0.000000e+00 : f32
    %broadcast_in_dim3A_5 = vector.broadcast %broadcast_in_dim3A : f32 to vector<16xf32>
    %scan3A = arith.constant 0 : i32
    %scan3A_6 = arith.constant 64 : i32
    %scan3A_7 = arith.addi %scan3A, %scan3A_6 : i32
    %scan3A_8 = arith.constant 1 : i32
    scf.for %scan3A_198 = %scan3A to %scan3A_7 step %scan3A_8  : i32 {
      %swap3A = arith.constant 0 : i32
      %swap3A_199 = arith.index_cast %swap3A : i32 to index
      %swap3A_200 = arith.index_cast %scan3A_198 : i32 to index
      %swap3A_201 = arith.constant 0 : index
      %swap3A_202 = tpu.vector_load %arg10[%swap3A_199, %swap3A_200, %swap3A_201] {strides = array<i32>} : memref<2x64x128xf32, #tpu.memory_space<vmem>>, vector<16xf32>,
      tpu.vector_store %arg10[%swap3A_199, %swap3A_200, %swap3A_201], %broadcast_in_dim3A_5 {strides = array<i32>} : memref<2x64x128xf32, #tpu.memory_space<vmem>>, vector<16xf32>,
      %swap3A_203 = arith.constant 0 : i32
      %swap3A_204 = arith.index_cast %swap3A_203 : i32 to index
      %swap3A_205 = arith.index_cast %scan3A_198 : i32 to index
      %swap3A_206 = arith.constant 16 : index
      %swap3A_207 = tpu.vector_load %arg10[%swap3A_204, %swap3A_205, %swap3A_206] {strides = array<i32>} : memref<2x64x128xf32, #tpu.memory_space<vmem>>, vector<16xf32>,
      tpu.vector_store %arg10[%swap3A_204, %swap3A_205, %swap3A_206], %broadcast_in_dim3A_5 {strides = array<i32>} : memref<2x64x128xf32, #tpu.memory_space<vmem>>, vector<16xf32>,
      %swap3A_208 = arith.constant 0 : i32
      %swap3A_209 = arith.index_cast %swap3A_208 : i32 to index
      %swap3A_210 = arith.index_cast %scan3A_198 : i32 to index
      %swap3A_211 = arith.constant 32 : index
      %swap3A_212 = tpu.vector_load %arg10[%swap3A_209, %swap3A_210, %swap3A_211] {strides = array<i32>} : memref<2x64x128xf32, #tpu.memory_space<vmem>>, vector<16xf32>,
      tpu.vector_store %arg10[%swap3A_209, %swap3A_210, %swap3A_211], %broadcast_in_dim3A_5 {strides = array<i32>} : memref<2x64x128xf32, #tpu.memory_space<vmem>>, vector<16xf32>,
      %swap3A_213 = arith.constant 0 : i32
      %swap3A_214 = arith.index_cast %swap3A_213 : i32 to index
      %swap3A_215 = arith.index_cast %scan3A_198 : i32 to index
      %swap3A_216 = arith.constant 48 : index
      %swap3A_217 = tpu.vector_load %arg10[%swap3A_214, %swap3A_215, %swap3A_216] {strides = array<i32>} : memref<2x64x128xf32, #tpu.memory_space<vmem>>, vector<16xf32>,
      tpu.vector_store %arg10[%swap3A_214, %swap3A_215, %swap3A_216], %broadcast_in_dim3A_5 {strides = array<i32>} : memref<2x64x128xf32, #tpu.memory_space<vmem>>, vector<16xf32>,
      %swap3A_218 = arith.constant 0 : i32
      %swap3A_219 = arith.index_cast %swap3A_218 : i32 to index
      %swap3A_220 = arith.index_cast %scan3A_198 : i32 to index
      %swap3A_221 = arith.constant 64 : index
      %swap3A_222 = tpu.vector_load %arg10[%swap3A_219, %swap3A_220, %swap3A_221] {strides = array<i32>} : memref<2x64x128xf32, #tpu.memory_space<vmem>>, vector<16xf32>,
      tpu.vector_store %arg10[%swap3A_219, %swap3A_220, %swap3A_221], %broadcast_in_dim3A_5 {strides = array<i32>} : memref<2x64x128xf32, #tpu.memory_space<vmem>>, vector<16xf32>,
      %swap3A_223 = arith.constant 0 : i32
      %swap3A_224 = arith.index_cast %swap3A_223 : i32 to index
      %swap3A_225 = arith.index_cast %scan3A_198 : i32 to index
      %swap3A_226 = arith.constant 80 : index
      %swap3A_227 = tpu.vector_load %arg10[%swap3A_224, %swap3A_225, %swap3A_226] {strides = array<i32>} : memref<2x64x128xf32, #tpu.memory_space<vmem>>, vector<16xf32>,
      tpu.vector_store %arg10[%swap3A_224, %swap3A_225, %swap3A_226], %broadcast_in_dim3A_5 {strides = array<i32>} : memref<2x64x128xf32, #tpu.memory_space<vmem>>, vector<16xf32>,
      %swap3A_228 = arith.constant 0 : i32
      %swap3A_229 = arith.index_cast %swap3A_228 : i32 to index
      %swap3A_230 = arith.index_cast %scan3A_198 : i32 to index
      %swap3A_231 = arith.constant 96 : index
      %swap3A_232 = tpu.vector_load %arg10[%swap3A_229, %swap3A_230, %swap3A_231] {strides = array<i32>} : memref<2x64x128xf32, #tpu.memory_space<vmem>>, vector<16xf32>,
      tpu.vector_store %arg10[%swap3A_229, %swap3A_230, %swap3A_231], %broadcast_in_dim3A_5 {strides = array<i32>} : memref<2x64x128xf32, #tpu.memory_space<vmem>>, vector<16xf32>,
      %swap3A_233 = arith.constant 0 : i32
      %swap3A_234 = arith.index_cast %swap3A_233 : i32 to index
      %swap3A_235 = arith.index_cast %scan3A_198 : i32 to index
      %swap3A_236 = arith.constant 112 : index
      %swap3A_237 = tpu.vector_load %arg10[%swap3A_234, %swap3A_235, %swap3A_236] {strides = array<i32>} : memref<2x64x128xf32, #tpu.memory_space<vmem>>, vector<16xf32>,
      tpu.vector_store %arg10[%swap3A_234, %swap3A_235, %swap3A_236], %broadcast_in_dim3A_5 {strides = array<i32>} : memref<2x64x128xf32, #tpu.memory_space<vmem>>, vector<16xf32>,
    }
    %scan3A_9 = arith.constant 64 : i32
    %add3A_10 = arith.constant 0 : i32
    %add3A_11 = arith.addi %mul3A_2, %add3A_10 : i32
    %run_scoped3A = arith.constant 0 : i32
    "tpu.region"() ({
      %run_scoped3A_198 = tpu.sem_alloc : memref<!tpu.dma_semaphore, #tpu.memory_space<semaphore_mem>>
      %dma_start3A_199 = arith.constant 0 : i32
      %dma_start3A_200 = arith.constant 0 : i32
      %dma_start3A_201 = tpu.memref_slice %arg10[%run_scoped3A, %dma_start3A_199, %dma_start3A_200] : memref<2x64x128xf32, #tpu.memory_space<vmem>> -> memref<1x64x128xf32, #tpu.memory_space<vmem>>
      %dma_start3A_202 = tpu.memref_squeeze %dma_start3A_201 : memref<1x64x128xf32, #tpu.memory_space<vmem>> -> memref<64x128xf32, #tpu.memory_space<vmem>>
      %dma_start3A_203 = arith.constant 0 : i32
      %dma_start3A_204 = tpu.memref_slice %arg13[%add3A_11, %dma_start3A_203] : memref<10112x128xf32, #tpu.memory_space<vmem_shared>> -> memref<64x128xf32, #tpu.memory_space<vmem_shared>>
      %dma_start3A_205 = arith.constant 0 : i32
      %dma_start3A_206 = tpu.memref_slice %arg13[%add3A_11, %dma_start3A_205] : memref<10112x128xf32, #tpu.memory_space<vmem_shared>> -> memref<64x128xf32, #tpu.memory_space<vmem_shared>>
      %dma_start3A_207 = arith.constant 0 : i32
      %dma_start3A_208 = arith.constant 0 : i32
      %dma_start3A_209 = tpu.memref_slice %arg10[%run_scoped3A, %dma_start3A_207, %dma_start3A_208] : memref<2x64x128xf32, #tpu.memory_space<vmem>> -> memref<1x64x128xf32, #tpu.memory_space<vmem>>
      %dma_start3A_210 = tpu.memref_squeeze %dma_start3A_209 : memref<1x64x128xf32, #tpu.memory_space<vmem>> -> memref<64x128xf32, #tpu.memory_space<vmem>>
      tpu.enqueue_dma source(%dma_start3A_210 : memref<64x128xf32, #tpu.memory_space<vmem>>) target(%dma_start3A_206 : memref<64x128xf32, #tpu.memory_space<vmem_shared>>) target_semaphore(%run_scoped3A_198 : memref<!tpu.dma_semaphore, #tpu.memory_space<semaphore_mem>>)
      %dma_wait3A_211 = arith.constant 0 : i32
      %dma_wait3A_212 = arith.constant 0 : i32
      %dma_wait3A_213 = tpu.memref_slice %arg10[%run_scoped3A, %dma_wait3A_211, %dma_wait3A_212] : memref<2x64x128xf32, #tpu.memory_space<vmem>> -> memref<1x64x128xf32, #tpu.memory_space<vmem>>
      %dma_wait3A_214 = tpu.memref_squeeze %dma_wait3A_213 : memref<1x64x128xf32, #tpu.memory_space<vmem>> -> memref<64x128xf32, #tpu.memory_space<vmem>>
      %dma_wait3A_215 = arith.constant 0 : i32
      %dma_wait3A_216 = tpu.memref_slice %arg13[%add3A_11, %dma_wait3A_215] : memref<10112x128xf32, #tpu.memory_space<vmem_shared>> -> memref<64x128xf32, #tpu.memory_space<vmem_shared>>
      %dma_wait3A_217 = arith.constant 0 : i32
      %dma_wait3A_218 = tpu.memref_slice %arg13[%add3A_11, %dma_wait3A_217] : memref<10112x128xf32, #tpu.memory_space<vmem_shared>> -> memref<64x128xf32, #tpu.memory_space<vmem_shared>>
      %dma_wait3A_219 = arith.constant 0 : i32
      %dma_wait3A_220 = arith.constant 0 : i32
      %dma_wait3A_221 = tpu.memref_slice %arg10[%run_scoped3A, %dma_wait3A_219, %dma_wait3A_220] : memref<2x64x128xf32, #tpu.memory_space<vmem>> -> memref<1x64x128xf32, #tpu.memory_space<vmem>>
      %dma_wait3A_222 = tpu.memref_squeeze %dma_wait3A_221 : memref<1x64x128xf32, #tpu.memory_space<vmem>> -> memref<64x128xf32, #tpu.memory_space<vmem>>
      tpu.wait_dma2 semaphore(%run_scoped3A_198 : memref<!tpu.dma_semaphore, #tpu.memory_space<semaphore_mem>>) src(%dma_wait3A_222 : memref<64x128xf32, #tpu.memory_space<vmem>>) dst(%dma_wait3A_218 : memref<64x128xf32, #tpu.memory_space<vmem_shared>>)
      tpu.yield
    }) : () -> ()
    %add3A_12 = arith.constant 64 : i32
    %add3A_13 = arith.addi %mul3A_2, %add3A_12 : i32
    %run_scoped3A_14 = arith.constant 0 : i32
    "tpu.region"() ({
      %run_scoped3A_198 = tpu.sem_alloc : memref<!tpu.dma_semaphore, #tpu.memory_space<semaphore_mem>>
      %dma_start3A_199 = arith.constant 0 : i32
      %dma_start3A_200 = arith.constant 0 : i32
      %dma_start3A_201 = tpu.memref_slice %arg10[%run_scoped3A_14, %dma_start3A_199, %dma_start3A_200] : memref<2x64x128xf32, #tpu.memory_space<vmem>> -> memref<1x64x128xf32, #tpu.memory_space<vmem>>
      %dma_start3A_202 = tpu.memref_squeeze %dma_start3A_201 : memref<1x64x128xf32, #tpu.memory_space<vmem>> -> memref<64x128xf32, #tpu.memory_space<vmem>>
      %dma_start3A_203 = arith.constant 0 : i32
      %dma_start3A_204 = tpu.memref_slice %arg13[%add3A_13, %dma_start3A_203] : memref<10112x128xf32, #tpu.memory_space<vmem_shared>> -> memref<64x128xf32, #tpu.memory_space<vmem_shared>>
      %dma_start3A_205 = arith.constant 0 : i32
      %dma_start3A_206 = tpu.memref_slice %arg13[%add3A_13, %dma_start3A_205] : memref<10112x128xf32, #tpu.memory_space<vmem_shared>> -> memref<64x128xf32, #tpu.memory_space<vmem_shared>>
      %dma_start3A_207 = arith.constant 0 : i32
      %dma_start3A_208 = arith.constant 0 : i32
      %dma_start3A_209 = tpu.memref_slice %arg10[%run_scoped3A_14, %dma_start3A_207, %dma_start3A_208] : memref<2x64x128xf32, #tpu.memory_space<vmem>> -> memref<1x64x128xf32, #tpu.memory_space<vmem>>
      %dma_start3A_210 = tpu.memref_squeeze %dma_start3A_209 : memref<1x64x128xf32, #tpu.memory_space<vmem>> -> memref<64x128xf32, #tpu.memory_space<vmem>>
      tpu.enqueue_dma source(%dma_start3A_210 : memref<64x128xf32, #tpu.memory_space<vmem>>) target(%dma_start3A_206 : memref<64x128xf32, #tpu.memory_space<vmem_shared>>) target_semaphore(%run_scoped3A_198 : memref<!tpu.dma_semaphore, #tpu.memory_space<semaphore_mem>>)
      %dma_wait3A_211 = arith.constant 0 : i32
      %dma_wait3A_212 = arith.constant 0 : i32
      %dma_wait3A_213 = tpu.memref_slice %arg10[%run_scoped3A_14, %dma_wait3A_211, %dma_wait3A_212] : memref<2x64x128xf32, #tpu.memory_space<vmem>> -> memref<1x64x128xf32, #tpu.memory_space<vmem>>
      %dma_wait3A_214 = tpu.memref_squeeze %dma_wait3A_213 : memref<1x64x128xf32, #tpu.memory_space<vmem>> -> memref<64x128xf32, #tpu.memory_space<vmem>>
      %dma_wait3A_215 = arith.constant 0 : i32
      %dma_wait3A_216 = tpu.memref_slice %arg13[%add3A_13, %dma_wait3A_215] : memref<10112x128xf32, #tpu.memory_space<vmem_shared>> -> memref<64x128xf32, #tpu.memory_space<vmem_shared>>
      %dma_wait3A_217 = arith.constant 0 : i32
      %dma_wait3A_218 = tpu.memref_slice %arg13[%add3A_13, %dma_wait3A_217] : memref<10112x128xf32, #tpu.memory_space<vmem_shared>> -> memref<64x128xf32, #tpu.memory_space<vmem_shared>>
      %dma_wait3A_219 = arith.constant 0 : i32
      %dma_wait3A_220 = arith.constant 0 : i32
      %dma_wait3A_221 = tpu.memref_slice %arg10[%run_scoped3A_14, %dma_wait3A_219, %dma_wait3A_220] : memref<2x64x128xf32, #tpu.memory_space<vmem>> -> memref<1x64x128xf32, #tpu.memory_space<vmem>>
      %dma_wait3A_222 = tpu.memref_squeeze %dma_wait3A_221 : memref<1x64x128xf32, #tpu.memory_space<vmem>> -> memref<64x128xf32, #tpu.memory_space<vmem>>
      tpu.wait_dma2 semaphore(%run_scoped3A_198 : memref<!tpu.dma_semaphore, #tpu.memory_space<semaphore_mem>>) src(%dma_wait3A_222 : memref<64x128xf32, #tpu.memory_space<vmem>>) dst(%dma_wait3A_218 : memref<64x128xf32, #tpu.memory_space<vmem_shared>>)
      tpu.yield
    }) : () -> ()
    %add3A_15 = arith.constant 128 : i32
    %add3A_16 = arith.addi %mul3A_2, %add3A_15 : i32
    %run_scoped3A_17 = arith.constant 0 : i32
    "tpu.region"() ({
      %run_scoped3A_198 = tpu.sem_alloc : memref<!tpu.dma_semaphore, #tpu.memory_space<semaphore_mem>>
      %dma_start3A_199 = arith.constant 0 : i32
      %dma_start3A_200 = arith.constant 0 : i32
      %dma_start3A_201 = tpu.memref_slice %arg10[%run_scoped3A_17, %dma_start3A_199, %dma_start3A_200] : memref<2x64x128xf32, #tpu.memory_space<vmem>> -> memref<1x64x128xf32, #tpu.memory_space<vmem>>
      %dma_start3A_202 = tpu.memref_squeeze %dma_start3A_201 : memref<1x64x128xf32, #tpu.memory_space<vmem>> -> memref<64x128xf32, #tpu.memory_space<vmem>>
      %dma_start3A_203 = arith.constant 0 : i32
      %dma_start3A_204 = tpu.memref_slice %arg13[%add3A_16, %dma_start3A_203] : memref<10112x128xf32, #tpu.memory_space<vmem_shared>> -> memref<64x128xf32, #tpu.memory_space<vmem_shared>>
      %dma_start3A_205 = arith.constant 0 : i32
      %dma_start3A_206 = tpu.memref_slice %arg13[%add3A_16, %dma_start3A_205] : memref<10112x128xf32, #tpu.memory_space<vmem_shared>> -> memref<64x128xf32, #tpu.memory_space<vmem_shared>>
      %dma_start3A_207 = arith.constant 0 : i32
      %dma_start3A_208 = arith.constant 0 : i32
      %dma_start3A_209 = tpu.memref_slice %arg10[%run_scoped3A_17, %dma_start3A_207, %dma_start3A_208] : memref<2x64x128xf32, #tpu.memory_space<vmem>> -> memref<1x64x128xf32, #tpu.memory_space<vmem>>
      %dma_start3A_210 = tpu.memref_squeeze %dma_start3A_209 : memref<1x64x128xf32, #tpu.memory_space<vmem>> -> memref<64x128xf32, #tpu.memory_space<vmem>>
      tpu.enqueue_dma source(%dma_start3A_210 : memref<64x128xf32, #tpu.memory_space<vmem>>) target(%dma_start3A_206 : memref<64x128xf32, #tpu.memory_space<vmem_shared>>) target_semaphore(%run_scoped3A_198 : memref<!tpu.dma_semaphore, #tpu.memory_space<semaphore_mem>>)
      %dma_wait3A_211 = arith.constant 0 : i32
      %dma_wait3A_212 = arith.constant 0 : i32
      %dma_wait3A_213 = tpu.memref_slice %arg10[%run_scoped3A_17, %dma_wait3A_211, %dma_wait3A_212] : memref<2x64x128xf32, #tpu.memory_space<vmem>> -> memref<1x64x128xf32, #tpu.memory_space<vmem>>
      %dma_wait3A_214 = tpu.memref_squeeze %dma_wait3A_213 : memref<1x64x128xf32, #tpu.memory_space<vmem>> -> memref<64x128xf32, #tpu.memory_space<vmem>>
      %dma_wait3A_215 = arith.constant 0 : i32
      %dma_wait3A_216 = tpu.memref_slice %arg13[%add3A_16, %dma_wait3A_215] : memref<10112x128xf32, #tpu.memory_space<vmem_shared>> -> memref<64x128xf32, #tpu.memory_space<vmem_shared>>
      %dma_wait3A_217 = arith.constant 0 : i32
      %dma_wait3A_218 = tpu.memref_slice %arg13[%add3A_16, %dma_wait3A_217] : memref<10112x128xf32, #tpu.memory_space<vmem_shared>> -> memref<64x128xf32, #tpu.memory_space<vmem_shared>>
      %dma_wait3A_219 = arith.constant 0 : i32
      %dma_wait3A_220 = arith.constant 0 : i32
      %dma_wait3A_221 = tpu.memref_slice %arg10[%run_scoped3A_17, %dma_wait3A_219, %dma_wait3A_220] : memref<2x64x128xf32, #tpu.memory_space<vmem>> -> memref<1x64x128xf32, #tpu.memory_space<vmem>>
      %dma_wait3A_222 = tpu.memref_squeeze %dma_wait3A_221 : memref<1x64x128xf32, #tpu.memory_space<vmem>> -> memref<64x128xf32, #tpu.memory_space<vmem>>
      tpu.wait_dma2 semaphore(%run_scoped3A_198 : memref<!tpu.dma_semaphore, #tpu.memory_space<semaphore_mem>>) src(%dma_wait3A_222 : memref<64x128xf32, #tpu.memory_space<vmem>>) dst(%dma_wait3A_218 : memref<64x128xf32, #tpu.memory_space<vmem_shared>>)
      tpu.yield
    }) : () -> ()
    %add3A_18 = arith.constant 192 : i32
    %add3A_19 = arith.addi %mul3A_2, %add3A_18 : i32
    %run_scoped3A_20 = arith.constant 0 : i32
    "tpu.region"() ({
      %run_scoped3A_198 = tpu.sem_alloc : memref<!tpu.dma_semaphore, #tpu.memory_space<semaphore_mem>>
      %dma_start3A_199 = arith.constant 0 : i32
      %dma_start3A_200 = arith.constant 0 : i32
      %dma_start3A_201 = tpu.memref_slice %arg10[%run_scoped3A_20, %dma_start3A_199, %dma_start3A_200] : memref<2x64x128xf32, #tpu.memory_space<vmem>> -> memref<1x64x128xf32, #tpu.memory_space<vmem>>
      %dma_start3A_202 = tpu.memref_squeeze %dma_start3A_201 : memref<1x64x128xf32, #tpu.memory_space<vmem>> -> memref<64x128xf32, #tpu.memory_space<vmem>>
      %dma_start3A_203 = arith.constant 0 : i32
      %dma_start3A_204 = tpu.memref_slice %arg13[%add3A_19, %dma_start3A_203] : memref<10112x128xf32, #tpu.memory_space<vmem_shared>> -> memref<64x128xf32, #tpu.memory_space<vmem_shared>>
      %dma_start3A_205 = arith.constant 0 : i32
      %dma_start3A_206 = tpu.memref_slice %arg13[%add3A_19, %dma_start3A_205] : memref<10112x128xf32, #tpu.memory_space<vmem_shared>> -> memref<64x128xf32, #tpu.memory_space<vmem_shared>>
      %dma_start3A_207 = arith.constant 0 : i32
      %dma_start3A_208 = arith.constant 0 : i32
      %dma_start3A_209 = tpu.memref_slice %arg10[%run_scoped3A_20, %dma_start3A_207, %dma_start3A_208] : memref<2x64x128xf32, #tpu.memory_space<vmem>> -> memref<1x64x128xf32, #tpu.memory_space<vmem>>
      %dma_start3A_210 = tpu.memref_squeeze %dma_start3A_209 : memref<1x64x128xf32, #tpu.memory_space<vmem>> -> memref<64x128xf32, #tpu.memory_space<vmem>>
      tpu.enqueue_dma source(%dma_start3A_210 : memref<64x128xf32, #tpu.memory_space<vmem>>) target(%dma_start3A_206 : memref<64x128xf32, #tpu.memory_space<vmem_shared>>) target_semaphore(%run_scoped3A_198 : memref<!tpu.dma_semaphore, #tpu.memory_space<semaphore_mem>>)
      %dma_wait3A_211 = arith.constant 0 : i32
      %dma_wait3A_212 = arith.constant 0 : i32
      %dma_wait3A_213 = tpu.memref_slice %arg10[%run_scoped3A_20, %dma_wait3A_211, %dma_wait3A_212] : memref<2x64x128xf32, #tpu.memory_space<vmem>> -> memref<1x64x128xf32, #tpu.memory_space<vmem>>
      %dma_wait3A_214 = tpu.memref_squeeze %dma_wait3A_213 : memref<1x64x128xf32, #tpu.memory_space<vmem>> -> memref<64x128xf32, #tpu.memory_space<vmem>>
      %dma_wait3A_215 = arith.constant 0 : i32
      %dma_wait3A_216 = tpu.memref_slice %arg13[%add3A_19, %dma_wait3A_215] : memref<10112x128xf32, #tpu.memory_space<vmem_shared>> -> memref<64x128xf32, #tpu.memory_space<vmem_shared>>
      %dma_wait3A_217 = arith.constant 0 : i32
      %dma_wait3A_218 = tpu.memref_slice %arg13[%add3A_19, %dma_wait3A_217] : memref<10112x128xf32, #tpu.memory_space<vmem_shared>> -> memref<64x128xf32, #tpu.memory_space<vmem_shared>>
      %dma_wait3A_219 = arith.constant 0 : i32
      %dma_wait3A_220 = arith.constant 0 : i32
      %dma_wait3A_221 = tpu.memref_slice %arg10[%run_scoped3A_20, %dma_wait3A_219, %dma_wait3A_220] : memref<2x64x128xf32, #tpu.memory_space<vmem>> -> memref<1x64x128xf32, #tpu.memory_space<vmem>>
      %dma_wait3A_222 = tpu.memref_squeeze %dma_wait3A_221 : memref<1x64x128xf32, #tpu.memory_space<vmem>> -> memref<64x128xf32, #tpu.memory_space<vmem>>
      tpu.wait_dma2 semaphore(%run_scoped3A_198 : memref<!tpu.dma_semaphore, #tpu.memory_space<semaphore_mem>>) src(%dma_wait3A_222 : memref<64x128xf32, #tpu.memory_space<vmem>>) dst(%dma_wait3A_218 : memref<64x128xf32, #tpu.memory_space<vmem_shared>>)
      tpu.yield
    }) : () -> ()
    %add3A_21 = arith.constant 256 : i32
    %add3A_22 = arith.addi %mul3A_2, %add3A_21 : i32
    %run_scoped3A_23 = arith.constant 0 : i32
    "tpu.region"() ({
      %run_scoped3A_198 = tpu.sem_alloc : memref<!tpu.dma_semaphore, #tpu.memory_space<semaphore_mem>>
      %dma_start3A_199 = arith.constant 0 : i32
      %dma_start3A_200 = arith.constant 0 : i32
      %dma_start3A_201 = tpu.memref_slice %arg10[%run_scoped3A_23, %dma_start3A_199, %dma_start3A_200] : memref<2x64x128xf32, #tpu.memory_space<vmem>> -> memref<1x64x128xf32, #tpu.memory_space<vmem>>
      %dma_start3A_202 = tpu.memref_squeeze %dma_start3A_201 : memref<1x64x128xf32, #tpu.memory_space<vmem>> -> memref<64x128xf32, #tpu.memory_space<vmem>>
      %dma_start3A_203 = arith.constant 0 : i32
      %dma_start3A_204 = tpu.memref_slice %arg13[%add3A_22, %dma_start3A_203] : memref<10112x128xf32, #tpu.memory_space<vmem_shared>> -> memref<64x128xf32, #tpu.memory_space<vmem_shared>>
      %dma_start3A_205 = arith.constant 0 : i32
      %dma_start3A_206 = tpu.memref_slice %arg13[%add3A_22, %dma_start3A_205] : memref<10112x128xf32, #tpu.memory_space<vmem_shared>> -> memref<64x128xf32, #tpu.memory_space<vmem_shared>>
      %dma_start3A_207 = arith.constant 0 : i32
      %dma_start3A_208 = arith.constant 0 : i32
      %dma_start3A_209 = tpu.memref_slice %arg10[%run_scoped3A_23, %dma_start3A_207, %dma_start3A_208] : memref<2x64x128xf32, #tpu.memory_space<vmem>> -> memref<1x64x128xf32, #tpu.memory_space<vmem>>
      %dma_start3A_210 = tpu.memref_squeeze %dma_start3A_209 : memref<1x64x128xf32, #tpu.memory_space<vmem>> -> memref<64x128xf32, #tpu.memory_space<vmem>>
      tpu.enqueue_dma source(%dma_start3A_210 : memref<64x128xf32, #tpu.memory_space<vmem>>) target(%dma_start3A_206 : memref<64x128xf32, #tpu.memory_space<vmem_shared>>) target_semaphore(%run_scoped3A_198 : memref<!tpu.dma_semaphore, #tpu.memory_space<semaphore_mem>>)
      %dma_wait3A_211 = arith.constant 0 : i32
      %dma_wait3A_212 = arith.constant 0 : i32
      %dma_wait3A_213 = tpu.memref_slice %arg10[%run_scoped3A_23, %dma_wait3A_211, %dma_wait3A_212] : memref<2x64x128xf32, #tpu.memory_space<vmem>> -> memref<1x64x128xf32, #tpu.memory_space<vmem>>
      %dma_wait3A_214 = tpu.memref_squeeze %dma_wait3A_213 : memref<1x64x128xf32, #tpu.memory_space<vmem>> -> memref<64x128xf32, #tpu.memory_space<vmem>>
      %dma_wait3A_215 = arith.constant 0 : i32
      %dma_wait3A_216 = tpu.memref_slice %arg13[%add3A_22, %dma_wait3A_215] : memref<10112x128xf32, #tpu.memory_space<vmem_shared>> -> memref<64x128xf32, #tpu.memory_space<vmem_shared>>
      %dma_wait3A_217 = arith.constant 0 : i32
      %dma_wait3A_218 = tpu.memref_slice %arg13[%add3A_22, %dma_wait3A_217] : memref<10112x128xf32, #tpu.memory_space<vmem_shared>> -> memref<64x128xf32, #tpu.memory_space<vmem_shared>>
      %dma_wait3A_219 = arith.constant 0 : i32
      %dma_wait3A_220 = arith.constant 0 : i32
      %dma_wait3A_221 = tpu.memref_slice %arg10[%run_scoped3A_23, %dma_wait3A_219, %dma_wait3A_220] : memref<2x64x128xf32, #tpu.memory_space<vmem>> -> memref<1x64x128xf32, #tpu.memory_space<vmem>>
      %dma_wait3A_222 = tpu.memref_squeeze %dma_wait3A_221 : memref<1x64x128xf32, #tpu.memory_space<vmem>> -> memref<64x128xf32, #tpu.memory_space<vmem>>
      tpu.wait_dma2 semaphore(%run_scoped3A_198 : memref<!tpu.dma_semaphore, #tpu.memory_space<semaphore_mem>>) src(%dma_wait3A_222 : memref<64x128xf32, #tpu.memory_space<vmem>>) dst(%dma_wait3A_218 : memref<64x128xf32, #tpu.memory_space<vmem_shared>>)
      tpu.yield
    }) : () -> ()
    %add3A_24 = arith.constant 320 : i32
    %add3A_25 = arith.addi %mul3A_2, %add3A_24 : i32
    %run_scoped3A_26 = arith.constant 0 : i32
    "tpu.region"() ({
      %run_scoped3A_198 = tpu.sem_alloc : memref<!tpu.dma_semaphore, #tpu.memory_space<semaphore_mem>>
      %dma_start3A_199 = arith.constant 0 : i32
      %dma_start3A_200 = arith.constant 0 : i32
      %dma_start3A_201 = tpu.memref_slice %arg10[%run_scoped3A_26, %dma_start3A_199, %dma_start3A_200] : memref<2x64x128xf32, #tpu.memory_space<vmem>> -> memref<1x64x128xf32, #tpu.memory_space<vmem>>
      %dma_start3A_202 = tpu.memref_squeeze %dma_start3A_201 : memref<1x64x128xf32, #tpu.memory_space<vmem>> -> memref<64x128xf32, #tpu.memory_space<vmem>>
      %dma_start3A_203 = arith.constant 0 : i32
      %dma_start3A_204 = tpu.memref_slice %arg13[%add3A_25, %dma_start3A_203] : memref<10112x128xf32, #tpu.memory_space<vmem_shared>> -> memref<64x128xf32, #tpu.memory_space<vmem_shared>>
      %dma_start3A_205 = arith.constant 0 : i32
      %dma_start3A_206 = tpu.memref_slice %arg13[%add3A_25, %dma_start3A_205] : memref<10112x128xf32, #tpu.memory_space<vmem_shared>> -> memref<64x128xf32, #tpu.memory_space<vmem_shared>>
      %dma_start3A_207 = arith.constant 0 : i32
      %dma_start3A_208 = arith.constant 0 : i32
      %dma_start3A_209 = tpu.memref_slice %arg10[%run_scoped3A_26, %dma_start3A_207, %dma_start3A_208] : memref<2x64x128xf32, #tpu.memory_space<vmem>> -> memref<1x64x128xf32, #tpu.memory_space<vmem>>
      %dma_start3A_210 = tpu.memref_squeeze %dma_start3A_209 : memref<1x64x128xf32, #tpu.memory_space<vmem>> -> memref<64x128xf32, #tpu.memory_space<vmem>>
      tpu.enqueue_dma source(%dma_start3A_210 : memref<64x128xf32, #tpu.memory_space<vmem>>) target(%dma_start3A_206 : memref<64x128xf32, #tpu.memory_space<vmem_shared>>) target_semaphore(%run_scoped3A_198 : memref<!tpu.dma_semaphore, #tpu.memory_space<semaphore_mem>>)
      %dma_wait3A_211 = arith.constant 0 : i32
      %dma_wait3A_212 = arith.constant 0 : i32
      %dma_wait3A_213 = tpu.memref_slice %arg10[%run_scoped3A_26, %dma_wait3A_211, %dma_wait3A_212] : memref<2x64x128xf32, #tpu.memory_space<vmem>> -> memref<1x64x128xf32, #tpu.memory_space<vmem>>
      %dma_wait3A_214 = tpu.memref_squeeze %dma_wait3A_213 : memref<1x64x128xf32, #tpu.memory_space<vmem>> -> memref<64x128xf32, #tpu.memory_space<vmem>>
      %dma_wait3A_215 = arith.constant 0 : i32
      %dma_wait3A_216 = tpu.memref_slice %arg13[%add3A_25, %dma_wait3A_215] : memref<10112x128xf32, #tpu.memory_space<vmem_shared>> -> memref<64x128xf32, #tpu.memory_space<vmem_shared>>
      %dma_wait3A_217 = arith.constant 0 : i32
      %dma_wait3A_218 = tpu.memref_slice %arg13[%add3A_25, %dma_wait3A_217] : memref<10112x128xf32, #tpu.memory_space<vmem_shared>> -> memref<64x128xf32, #tpu.memory_space<vmem_shared>>
      %dma_wait3A_219 = arith.constant 0 : i32
      %dma_wait3A_220 = arith.constant 0 : i32
      %dma_wait3A_221 = tpu.memref_slice %arg10[%run_scoped3A_26, %dma_wait3A_219, %dma_wait3A_220] : memref<2x64x128xf32, #tpu.memory_space<vmem>> -> memref<1x64x128xf32, #tpu.memory_space<vmem>>
      %dma_wait3A_222 = tpu.memref_squeeze %dma_wait3A_221 : memref<1x64x128xf32, #tpu.memory_space<vmem>> -> memref<64x128xf32, #tpu.memory_space<vmem>>
      tpu.wait_dma2 semaphore(%run_scoped3A_198 : memref<!tpu.dma_semaphore, #tpu.memory_space<semaphore_mem>>) src(%dma_wait3A_222 : memref<64x128xf32, #tpu.memory_space<vmem>>) dst(%dma_wait3A_218 : memref<64x128xf32, #tpu.memory_space<vmem_shared>>)
      tpu.yield
    }) : () -> ()
    %add3A_27 = arith.constant 384 : i32
    %add3A_28 = arith.addi %mul3A_2, %add3A_27 : i32
    %run_scoped3A_29 = arith.constant 0 : i32
    "tpu.region"() ({
      %run_scoped3A_198 = tpu.sem_alloc : memref<!tpu.dma_semaphore, #tpu.memory_space<semaphore_mem>>
      %dma_start3A_199 = arith.constant 0 : i32
      %dma_start3A_200 = arith.constant 0 : i32
      %dma_start3A_201 = tpu.memref_slice %arg10[%run_scoped3A_29, %dma_start3A_199, %dma_start3A_200] : memref<2x64x128xf32, #tpu.memory_space<vmem>> -> memref<1x64x128xf32, #tpu.memory_space<vmem>>
      %dma_start3A_202 = tpu.memref_squeeze %dma_start3A_201 : memref<1x64x128xf32, #tpu.memory_space<vmem>> -> memref<64x128xf32, #tpu.memory_space<vmem>>
      %dma_start3A_203 = arith.constant 0 : i32
      %dma_start3A_204 = tpu.memref_slice %arg13[%add3A_28, %dma_start3A_203] : memref<10112x128xf32, #tpu.memory_space<vmem_shared>> -> memref<64x128xf32, #tpu.memory_space<vmem_shared>>
      %dma_start3A_205 = arith.constant 0 : i32
      %dma_start3A_206 = tpu.memref_slice %arg13[%add3A_28, %dma_start3A_205] : memref<10112x128xf32, #tpu.memory_space<vmem_shared>> -> memref<64x128xf32, #tpu.memory_space<vmem_shared>>
      %dma_start3A_207 = arith.constant 0 : i32
      %dma_start3A_208 = arith.constant 0 : i32
      %dma_start3A_209 = tpu.memref_slice %arg10[%run_scoped3A_29, %dma_start3A_207, %dma_start3A_208] : memref<2x64x128xf32, #tpu.memory_space<vmem>> -> memref<1x64x128xf32, #tpu.memory_space<vmem>>
      %dma_start3A_210 = tpu.memref_squeeze %dma_start3A_209 : memref<1x64x128xf32, #tpu.memory_space<vmem>> -> memref<64x128xf32, #tpu.memory_space<vmem>>
      tpu.enqueue_dma source(%dma_start3A_210 : memref<64x128xf32, #tpu.memory_space<vmem>>) target(%dma_start3A_206 : memref<64x128xf32, #tpu.memory_space<vmem_shared>>) target_semaphore(%run_scoped3A_198 : memref<!tpu.dma_semaphore, #tpu.memory_space<semaphore_mem>>)
      %dma_wait3A_211 = arith.constant 0 : i32
      %dma_wait3A_212 = arith.constant 0 : i32
      %dma_wait3A_213 = tpu.memref_slice %arg10[%run_scoped3A_29, %dma_wait3A_211, %dma_wait3A_212] : memref<2x64x128xf32, #tpu.memory_space<vmem>> -> memref<1x64x128xf32, #tpu.memory_space<vmem>>
      %dma_wait3A_214 = tpu.memref_squeeze %dma_wait3A_213 : memref<1x64x128xf32, #tpu.memory_space<vmem>> -> memref<64x128xf32, #tpu.memory_space<vmem>>
      %dma_wait3A_215 = arith.constant 0 : i32
      %dma_wait3A_216 = tpu.memref_slice %arg13[%add3A_28, %dma_wait3A_215] : memref<10112x128xf32, #tpu.memory_space<vmem_shared>> -> memref<64x128xf32, #tpu.memory_space<vmem_shared>>
      %dma_wait3A_217 = arith.constant 0 : i32
      %dma_wait3A_218 = tpu.memref_slice %arg13[%add3A_28, %dma_wait3A_217] : memref<10112x128xf32, #tpu.memory_space<vmem_shared>> -> memref<64x128xf32, #tpu.memory_space<vmem_shared>>
      %dma_wait3A_219 = arith.constant 0 : i32
      %dma_wait3A_220 = arith.constant 0 : i32
      %dma_wait3A_221 = tpu.memref_slice %arg10[%run_scoped3A_29, %dma_wait3A_219, %dma_wait3A_220] : memref<2x64x128xf32, #tpu.memory_space<vmem>> -> memref<1x64x128xf32, #tpu.memory_space<vmem>>
      %dma_wait3A_222 = tpu.memref_squeeze %dma_wait3A_221 : memref<1x64x128xf32, #tpu.memory_space<vmem>> -> memref<64x128xf32, #tpu.memory_space<vmem>>
      tpu.wait_dma2 semaphore(%run_scoped3A_198 : memref<!tpu.dma_semaphore, #tpu.memory_space<semaphore_mem>>) src(%dma_wait3A_222 : memref<64x128xf32, #tpu.memory_space<vmem>>) dst(%dma_wait3A_218 : memref<64x128xf32, #tpu.memory_space<vmem_shared>>)
      tpu.yield
    }) : () -> ()
    %add3A_30 = arith.constant 448 : i32
    %add3A_31 = arith.addi %mul3A_2, %add3A_30 : i32
    %run_scoped3A_32 = arith.constant 0 : i32
    "tpu.region"() ({
      %run_scoped3A_198 = tpu.sem_alloc : memref<!tpu.dma_semaphore, #tpu.memory_space<semaphore_mem>>
      %dma_start3A_199 = arith.constant 0 : i32
      %dma_start3A_200 = arith.constant 0 : i32
      %dma_start3A_201 = tpu.memref_slice %arg10[%run_scoped3A_32, %dma_start3A_199, %dma_start3A_200] : memref<2x64x128xf32, #tpu.memory_space<vmem>> -> memref<1x64x128xf32, #tpu.memory_space<vmem>>
      %dma_start3A_202 = tpu.memref_squeeze %dma_start3A_201 : memref<1x64x128xf32, #tpu.memory_space<vmem>> -> memref<64x128xf32, #tpu.memory_space<vmem>>
      %dma_start3A_203 = arith.constant 0 : i32
      %dma_start3A_204 = tpu.memref_slice %arg13[%add3A_31, %dma_start3A_203] : memref<10112x128xf32, #tpu.memory_space<vmem_shared>> -> memref<64x128xf32, #tpu.memory_space<vmem_shared>>
      %dma_start3A_205 = arith.constant 0 : i32
      %dma_start3A_206 = tpu.memref_slice %arg13[%add3A_31, %dma_start3A_205] : memref<10112x128xf32, #tpu.memory_space<vmem_shared>> -> memref<64x128xf32, #tpu.memory_space<vmem_shared>>
      %dma_start3A_207 = arith.constant 0 : i32
      %dma_start3A_208 = arith.constant 0 : i32
      %dma_start3A_209 = tpu.memref_slice %arg10[%run_scoped3A_32, %dma_start3A_207, %dma_start3A_208] : memref<2x64x128xf32, #tpu.memory_space<vmem>> -> memref<1x64x128xf32, #tpu.memory_space<vmem>>
      %dma_start3A_210 = tpu.memref_squeeze %dma_start3A_209 : memref<1x64x128xf32, #tpu.memory_space<vmem>> -> memref<64x128xf32, #tpu.memory_space<vmem>>
      tpu.enqueue_dma source(%dma_start3A_210 : memref<64x128xf32, #tpu.memory_space<vmem>>) target(%dma_start3A_206 : memref<64x128xf32, #tpu.memory_space<vmem_shared>>) target_semaphore(%run_scoped3A_198 : memref<!tpu.dma_semaphore, #tpu.memory_space<semaphore_mem>>)
      %dma_wait3A_211 = arith.constant 0 : i32
      %dma_wait3A_212 = arith.constant 0 : i32
      %dma_wait3A_213 = tpu.memref_slice %arg10[%run_scoped3A_32, %dma_wait3A_211, %dma_wait3A_212] : memref<2x64x128xf32, #tpu.memory_space<vmem>> -> memref<1x64x128xf32, #tpu.memory_space<vmem>>
      %dma_wait3A_214 = tpu.memref_squeeze %dma_wait3A_213 : memref<1x64x128xf32, #tpu.memory_space<vmem>> -> memref<64x128xf32, #tpu.memory_space<vmem>>
      %dma_wait3A_215 = arith.constant 0 : i32
      %dma_wait3A_216 = tpu.memref_slice %arg13[%add3A_31, %dma_wait3A_215] : memref<10112x128xf32, #tpu.memory_space<vmem_shared>> -> memref<64x128xf32, #tpu.memory_space<vmem_shared>>
      %dma_wait3A_217 = arith.constant 0 : i32
      %dma_wait3A_218 = tpu.memref_slice %arg13[%add3A_31, %dma_wait3A_217] : memref<10112x128xf32, #tpu.memory_space<vmem_shared>> -> memref<64x128xf32, #tpu.memory_space<vmem_shared>>
      %dma_wait3A_219 = arith.constant 0 : i32
      %dma_wait3A_220 = arith.constant 0 : i32
      %dma_wait3A_221 = tpu.memref_slice %arg10[%run_scoped3A_32, %dma_wait3A_219, %dma_wait3A_220] : memref<2x64x128xf32, #tpu.memory_space<vmem>> -> memref<1x64x128xf32, #tpu.memory_space<vmem>>
      %dma_wait3A_222 = tpu.memref_squeeze %dma_wait3A_221 : memref<1x64x128xf32, #tpu.memory_space<vmem>> -> memref<64x128xf32, #tpu.memory_space<vmem>>
      tpu.wait_dma2 semaphore(%run_scoped3A_198 : memref<!tpu.dma_semaphore, #tpu.memory_space<semaphore_mem>>) src(%dma_wait3A_222 : memref<64x128xf32, #tpu.memory_space<vmem>>) dst(%dma_wait3A_218 : memref<64x128xf32, #tpu.memory_space<vmem_shared>>)
      tpu.yield
    }) : () -> ()
    %add3A_33 = arith.constant 512 : i32
    %add3A_34 = arith.addi %mul3A_2, %add3A_33 : i32
    %run_scoped3A_35 = arith.constant 0 : i32
    "tpu.region"() ({
      %run_scoped3A_198 = tpu.sem_alloc : memref<!tpu.dma_semaphore, #tpu.memory_space<semaphore_mem>>
      %dma_start3A_199 = arith.constant 0 : i32
      %dma_start3A_200 = arith.constant 0 : i32
      %dma_start3A_201 = tpu.memref_slice %arg10[%run_scoped3A_35, %dma_start3A_199, %dma_start3A_200] : memref<2x64x128xf32, #tpu.memory_space<vmem>> -> memref<1x64x128xf32, #tpu.memory_space<vmem>>
      %dma_start3A_202 = tpu.memref_squeeze %dma_start3A_201 : memref<1x64x128xf32, #tpu.memory_space<vmem>> -> memref<64x128xf32, #tpu.memory_space<vmem>>
      %dma_start3A_203 = arith.constant 0 : i32
      %dma_start3A_204 = tpu.memref_slice %arg13[%add3A_34, %dma_start3A_203] : memref<10112x128xf32, #tpu.memory_space<vmem_shared>> -> memref<64x128xf32, #tpu.memory_space<vmem_shared>>
      %dma_start3A_205 = arith.constant 0 : i32
      %dma_start3A_206 = tpu.memref_slice %arg13[%add3A_34, %dma_start3A_205] : memref<10112x128xf32, #tpu.memory_space<vmem_shared>> -> memref<64x128xf32, #tpu.memory_space<vmem_shared>>
      %dma_start3A_207 = arith.constant 0 : i32
      %dma_start3A_208 = arith.constant 0 : i32
      %dma_start3A_209 = tpu.memref_slice %arg10[%run_scoped3A_35, %dma_start3A_207, %dma_start3A_208] : memref<2x64x128xf32, #tpu.memory_space<vmem>> -> memref<1x64x128xf32, #tpu.memory_space<vmem>>
      %dma_start3A_210 = tpu.memref_squeeze %dma_start3A_209 : memref<1x64x128xf32, #tpu.memory_space<vmem>> -> memref<64x128xf32, #tpu.memory_space<vmem>>
      tpu.enqueue_dma source(%dma_start3A_210 : memref<64x128xf32, #tpu.memory_space<vmem>>) target(%dma_start3A_206 : memref<64x128xf32, #tpu.memory_space<vmem_shared>>) target_semaphore(%run_scoped3A_198 : memref<!tpu.dma_semaphore, #tpu.memory_space<semaphore_mem>>)
      %dma_wait3A_211 = arith.constant 0 : i32
      %dma_wait3A_212 = arith.constant 0 : i32
      %dma_wait3A_213 = tpu.memref_slice %arg10[%run_scoped3A_35, %dma_wait3A_211, %dma_wait3A_212] : memref<2x64x128xf32, #tpu.memory_space<vmem>> -> memref<1x64x128xf32, #tpu.memory_space<vmem>>
      %dma_wait3A_214 = tpu.memref_squeeze %dma_wait3A_213 : memref<1x64x128xf32, #tpu.memory_space<vmem>> -> memref<64x128xf32, #tpu.memory_space<vmem>>
      %dma_wait3A_215 = arith.constant 0 : i32
      %dma_wait3A_216 = tpu.memref_slice %arg13[%add3A_34, %dma_wait3A_215] : memref<10112x128xf32, #tpu.memory_space<vmem_shared>> -> memref<64x128xf32, #tpu.memory_space<vmem_shared>>
      %dma_wait3A_217 = arith.constant 0 : i32
      %dma_wait3A_218 = tpu.memref_slice %arg13[%add3A_34, %dma_wait3A_217] : memref<10112x128xf32, #tpu.memory_space<vmem_shared>> -> memref<64x128xf32, #tpu.memory_space<vmem_shared>>
      %dma_wait3A_219 = arith.constant 0 : i32
      %dma_wait3A_220 = arith.constant 0 : i32
      %dma_wait3A_221 = tpu.memref_slice %arg10[%run_scoped3A_35, %dma_wait3A_219, %dma_wait3A_220] : memref<2x64x128xf32, #tpu.memory_space<vmem>> -> memref<1x64x128xf32, #tpu.memory_space<vmem>>
      %dma_wait3A_222 = tpu.memref_squeeze %dma_wait3A_221 : memref<1x64x128xf32, #tpu.memory_space<vmem>> -> memref<64x128xf32, #tpu.memory_space<vmem>>
      tpu.wait_dma2 semaphore(%run_scoped3A_198 : memref<!tpu.dma_semaphore, #tpu.memory_space<semaphore_mem>>) src(%dma_wait3A_222 : memref<64x128xf32, #tpu.memory_space<vmem>>) dst(%dma_wait3A_218 : memref<64x128xf32, #tpu.memory_space<vmem_shared>>)
      tpu.yield
    }) : () -> ()
    %add3A_36 = arith.constant 576 : i32
    %add3A_37 = arith.addi %mul3A_2, %add3A_36 : i32
    %run_scoped3A_38 = arith.constant 0 : i32
    "tpu.region"() ({
      %run_scoped3A_198 = tpu.sem_alloc : memref<!tpu.dma_semaphore, #tpu.memory_space<semaphore_mem>>
      %dma_start3A_199 = arith.constant 0 : i32
      %dma_start3A_200 = arith.constant 0 : i32
      %dma_start3A_201 = tpu.memref_slice %arg10[%run_scoped3A_38, %dma_start3A_199, %dma_start3A_200] : memref<2x64x128xf32, #tpu.memory_space<vmem>> -> memref<1x56x128xf32, #tpu.memory_space<vmem>>
      %dma_start3A_202 = tpu.memref_squeeze %dma_start3A_201 : memref<1x56x128xf32, #tpu.memory_space<vmem>> -> memref<56x128xf32, #tpu.memory_space<vmem>>
      %dma_start3A_203 = arith.constant 0 : i32
      %dma_start3A_204 = tpu.memref_slice %arg13[%add3A_37, %dma_start3A_203] : memref<10112x128xf32, #tpu.memory_space<vmem_shared>> -> memref<56x128xf32, #tpu.memory_space<vmem_shared>>
      %dma_start3A_205 = arith.constant 0 : i32
      %dma_start3A_206 = tpu.memref_slice %arg13[%add3A_37, %dma_start3A_205] : memref<10112x128xf32, #tpu.memory_space<vmem_shared>> -> memref<56x128xf32, #tpu.memory_space<vmem_shared>>
      %dma_start3A_207 = arith.constant 0 : i32
      %dma_start3A_208 = arith.constant 0 : i32
      %dma_start3A_209 = tpu.memref_slice %arg10[%run_scoped3A_38, %dma_start3A_207, %dma_start3A_208] : memref<2x64x128xf32, #tpu.memory_space<vmem>> -> memref<1x56x128xf32, #tpu.memory_space<vmem>>
      %dma_start3A_210 = tpu.memref_squeeze %dma_start3A_209 : memref<1x56x128xf32, #tpu.memory_space<vmem>> -> memref<56x128xf32, #tpu.memory_space<vmem>>
      tpu.enqueue_dma source(%dma_start3A_210 : memref<56x128xf32, #tpu.memory_space<vmem>>) target(%dma_start3A_206 : memref<56x128xf32, #tpu.memory_space<vmem_shared>>) target_semaphore(%run_scoped3A_198 : memref<!tpu.dma_semaphore, #tpu.memory_space<semaphore_mem>>)
      %dma_wait3A_211 = arith.constant 0 : i32
      %dma_wait3A_212 = arith.constant 0 : i32
      %dma_wait3A_213 = tpu.memref_slice %arg10[%run_scoped3A_38, %dma_wait3A_211, %dma_wait3A_212] : memref<2x64x128xf32, #tpu.memory_space<vmem>> -> memref<1x56x128xf32, #tpu.memory_space<vmem>>
      %dma_wait3A_214 = tpu.memref_squeeze %dma_wait3A_213 : memref<1x56x128xf32, #tpu.memory_space<vmem>> -> memref<56x128xf32, #tpu.memory_space<vmem>>
      %dma_wait3A_215 = arith.constant 0 : i32
      %dma_wait3A_216 = tpu.memref_slice %arg13[%add3A_37, %dma_wait3A_215] : memref<10112x128xf32, #tpu.memory_space<vmem_shared>> -> memref<56x128xf32, #tpu.memory_space<vmem_shared>>
      %dma_wait3A_217 = arith.constant 0 : i32
      %dma_wait3A_218 = tpu.memref_slice %arg13[%add3A_37, %dma_wait3A_217] : memref<10112x128xf32, #tpu.memory_space<vmem_shared>> -> memref<56x128xf32, #tpu.memory_space<vmem_shared>>
      %dma_wait3A_219 = arith.constant 0 : i32
      %dma_wait3A_220 = arith.constant 0 : i32
      %dma_wait3A_221 = tpu.memref_slice %arg10[%run_scoped3A_38, %dma_wait3A_219, %dma_wait3A_220] : memref<2x64x128xf32, #tpu.memory_space<vmem>> -> memref<1x56x128xf32, #tpu.memory_space<vmem>>
      %dma_wait3A_222 = tpu.memref_squeeze %dma_wait3A_221 : memref<1x56x128xf32, #tpu.memory_space<vmem>> -> memref<56x128xf32, #tpu.memory_space<vmem>>
      tpu.wait_dma2 semaphore(%run_scoped3A_198 : memref<!tpu.dma_semaphore, #tpu.memory_space<semaphore_mem>>) src(%dma_wait3A_222 : memref<56x128xf32, #tpu.memory_space<vmem>>) dst(%dma_wait3A_218 : memref<56x128xf32, #tpu.memory_space<vmem_shared>>)
      tpu.yield
    }) : () -> ()
    %broadcast_in_dim3A_39 = arith.constant 10000 : i32
    %broadcast_in_dim3A_40 = vector.broadcast %broadcast_in_dim3A_39 : i32 to vector<16xi32>
    "tpu.region"() ({
      %run_scoped3A_198 = tpu.sem_alloc : memref<!tpu.dma_semaphore, #tpu.memory_space<semaphore_mem>>
      %dma_start3A_199 = arith.constant 0 : i32
      %dma_start3A_200 = arith.constant 0 : i32
      %dma_start3A_201 = tpu.memref_slice %arg4[%add3A, %dma_start3A_199, %dma_start3A_200] : memref<32x157x64xi32, #tpu.memory_space<hbm>> -> memref<1x157x64xi32, #tpu.memory_space<hbm>>
      %dma_start3A_202 = tpu.memref_squeeze %dma_start3A_201 : memref<1x157x64xi32, #tpu.memory_space<hbm>> -> memref<157x64xi32, #tpu.memory_space<hbm>>
      %dma_start3A_203 = arith.constant 0 : i32
      %dma_start3A_204 = arith.constant 0 : i32
      %dma_start3A_205 = tpu.memref_slice %arg4[%add3A, %dma_start3A_203, %dma_start3A_204] : memref<32x157x64xi32, #tpu.memory_space<hbm>> -> memref<1x157x64xi32, #tpu.memory_space<hbm>>
      %dma_start3A_206 = tpu.memref_squeeze %dma_start3A_205 : memref<1x157x64xi32, #tpu.memory_space<hbm>> -> memref<157x64xi32, #tpu.memory_space<hbm>>
      tpu.enqueue_dma source(%dma_start3A_206 : memref<157x64xi32, #tpu.memory_space<hbm>>) target(%arg8 : memref<157x64xi32, #tpu.memory_space<vmem>>) target_semaphore(%run_scoped3A_198 : memref<!tpu.dma_semaphore, #tpu.memory_space<semaphore_mem>>)
      %dma_wait3A_207 = arith.constant 0 : i32
      %dma_wait3A_208 = arith.constant 0 : i32
      %dma_wait3A_209 = tpu.memref_slice %arg4[%add3A, %dma_wait3A_207, %dma_wait3A_208] : memref<32x157x64xi32, #tpu.memory_space<hbm>> -> memref<1x157x64xi32, #tpu.memory_space<hbm>>
      %dma_wait3A_210 = tpu.memref_squeeze %dma_wait3A_209 : memref<1x157x64xi32, #tpu.memory_space<hbm>> -> memref<157x64xi32, #tpu.memory_space<hbm>>
      %dma_wait3A_211 = arith.constant 0 : i32
      %dma_wait3A_212 = arith.constant 0 : i32
      %dma_wait3A_213 = tpu.memref_slice %arg4[%add3A, %dma_wait3A_211, %dma_wait3A_212] : memref<32x157x64xi32, #tpu.memory_space<hbm>> -> memref<1x157x64xi32, #tpu.memory_space<hbm>>
      %dma_wait3A_214 = tpu.memref_squeeze %dma_wait3A_213 : memref<1x157x64xi32, #tpu.memory_space<hbm>> -> memref<157x64xi32, #tpu.memory_space<hbm>>
      tpu.wait_dma2 semaphore(%run_scoped3A_198 : memref<!tpu.dma_semaphore, #tpu.memory_space<semaphore_mem>>) src(%dma_wait3A_214 : memref<157x64xi32, #tpu.memory_space<hbm>>) dst(%arg8 : memref<157x64xi32, #tpu.memory_space<vmem>>)
      tpu.yield
    }) : () -> ()
    %scan3A_41 = arith.constant 0 : i32
    %scan3A_42 = arith.constant 157 : i32
    %scan3A_43 = arith.addi %scan3A_41, %scan3A_42 : i32
    %scan3A_44 = arith.constant 1 : i32
    scf.for %scan3A_198 = %scan3A_41 to %scan3A_43 step %scan3A_44  : i32 {
      %mul3A_199 = arith.constant 64 : i32
      %mul3A_200 = arith.muli %scan3A_198, %mul3A_199 : i32
      %add3A_201 = arith.constant 0 : i32
      %add3A_202 = arith.addi %mul3A_200, %add3A_201 : i32
      %get3A = arith.index_cast %add3A_202 : i32 to index
      %get3A_203 = tpu.vector_load %arg7[%get3A] {strides = array<i32>} : memref<10048xi32, #tpu.memory_space<vmem>>, vector<16xi32>,
      %get3A_204 = arith.index_cast %scan3A_198 : i32 to index
      %get3A_205 = arith.constant 0 : index
      %get3A_206 = tpu.vector_load %arg8[%get3A_204, %get3A_205] {strides = array<i32>} : memref<157x64xi32, #tpu.memory_space<vmem>>, vector<16xi32>,
      %shift_right_logical3A = arith.constant 3 : i32
      %shift_right_logical3A_207 = vector.broadcast %shift_right_logical3A : i32 to vector<16xi32>
      %shift_right_logical3A_208 = arith.shrui %get3A_203, %shift_right_logical3A_207 : vector<16xi32>
      %gather3A = tpu.vector_load_idx %arg9[%shift_right_logical3A_208] : memref<1256xi32, #tpu.memory_space<vmem>>[vector<16xi32>], vector<16xi32>,
      %and3A = arith.constant 7 : i32
      %and3A_209 = vector.broadcast %and3A : i32 to vector<16xi32>
      %and3A_210 = arith.andi %get3A_203, %and3A_209 : vector<16xi32>
      %shift_left3A = arith.constant 2 : i32
      %shift_left3A_211 = vector.broadcast %shift_left3A : i32 to vector<16xi32>
      %shift_left3A_212 = arith.shli %and3A_210, %shift_left3A_211 : vector<16xi32>
      %add3A_213 = arith.constant 0 : i32
      %add3A_214 = vector.broadcast %add3A_213 : i32 to vector<16xi32>
      %add3A_215 = arith.addi %shift_left3A_212, %add3A_214 : vector<16xi32>
      %shift_right_logical3A_216 = arith.shrui %gather3A, %add3A_215 : vector<16xi32>
      %and3A_217 = arith.constant 1 : i32
      %and3A_218 = vector.broadcast %and3A_217 : i32 to vector<16xi32>
      %and3A_219 = arith.andi %shift_right_logical3A_216, %and3A_218 : vector<16xi32>
      %ne3A = arith.constant 0 : i32
      %ne3A_220 = vector.broadcast %ne3A : i32 to vector<16xi32>
      %ne3A_221 = arith.cmpi ne, %and3A_219, %ne3A_220 : vector<16xi32>
      %select_n3A = arith.select %ne3A_221, %broadcast_in_dim3A_40, %get3A_206 : vector<16xi1>, vector<16xi32>
      %swap3A = arith.index_cast %scan3A_198 : i32 to index
      %swap3A_222 = arith.constant 0 : index
      %swap3A_223 = tpu.vector_load %arg8[%swap3A, %swap3A_222] {strides = array<i32>} : memref<157x64xi32, #tpu.memory_space<vmem>>, vector<16xi32>,
      tpu.vector_store %arg8[%swap3A, %swap3A_222], %select_n3A {strides = array<i32>} : memref<157x64xi32, #tpu.memory_space<vmem>>, vector<16xi32>,
      %add3A_224 = arith.constant 16 : i32
      %add3A_225 = arith.addi %mul3A_200, %add3A_224 : i32
      %get3A_226 = arith.index_cast %add3A_225 : i32 to index
      %get3A_227 = tpu.vector_load %arg7[%get3A_226] {strides = array<i32>} : memref<10048xi32, #tpu.memory_space<vmem>>, vector<16xi32>,
      %get3A_228 = arith.index_cast %scan3A_198 : i32 to index
      %get3A_229 = arith.constant 16 : index
      %get3A_230 = tpu.vector_load %arg8[%get3A_228, %get3A_229] {strides = array<i32>} : memref<157x64xi32, #tpu.memory_space<vmem>>, vector<16xi32>,
      %shift_right_logical3A_231 = arith.constant 3 : i32
      %shift_right_logical3A_232 = vector.broadcast %shift_right_logical3A_231 : i32 to vector<16xi32>
      %shift_right_logical3A_233 = arith.shrui %get3A_227, %shift_right_logical3A_232 : vector<16xi32>
      %gather3A_234 = tpu.vector_load_idx %arg9[%shift_right_logical3A_233] : memref<1256xi32, #tpu.memory_space<vmem>>[vector<16xi32>], vector<16xi32>,
      %and3A_235 = arith.constant 7 : i32
      %and3A_236 = vector.broadcast %and3A_235 : i32 to vector<16xi32>
      %and3A_237 = arith.andi %get3A_227, %and3A_236 : vector<16xi32>
      %shift_left3A_238 = arith.constant 2 : i32
      %shift_left3A_239 = vector.broadcast %shift_left3A_238 : i32 to vector<16xi32>
      %shift_left3A_240 = arith.shli %and3A_237, %shift_left3A_239 : vector<16xi32>
      %add3A_241 = arith.constant 0 : i32
      %add3A_242 = vector.broadcast %add3A_241 : i32 to vector<16xi32>
      %add3A_243 = arith.addi %shift_left3A_240, %add3A_242 : vector<16xi32>
      %shift_right_logical3A_244 = arith.shrui %gather3A_234, %add3A_243 : vector<16xi32>
      %and3A_245 = arith.constant 1 : i32
      %and3A_246 = vector.broadcast %and3A_245 : i32 to vector<16xi32>
      %and3A_247 = arith.andi %shift_right_logical3A_244, %and3A_246 : vector<16xi32>
      %ne3A_248 = arith.constant 0 : i32
      %ne3A_249 = vector.broadcast %ne3A_248 : i32 to vector<16xi32>
      %ne3A_250 = arith.cmpi ne, %and3A_247, %ne3A_249 : vector<16xi32>
      %select_n3A_251 = arith.select %ne3A_250, %broadcast_in_dim3A_40, %get3A_230 : vector<16xi1>, vector<16xi32>
      %swap3A_252 = arith.index_cast %scan3A_198 : i32 to index
      %swap3A_253 = arith.constant 16 : index
      %swap3A_254 = tpu.vector_load %arg8[%swap3A_252, %swap3A_253] {strides = array<i32>} : memref<157x64xi32, #tpu.memory_space<vmem>>, vector<16xi32>,
      tpu.vector_store %arg8[%swap3A_252, %swap3A_253], %select_n3A_251 {strides = array<i32>} : memref<157x64xi32, #tpu.memory_space<vmem>>, vector<16xi32>,
      %add3A_255 = arith.constant 32 : i32
      %add3A_256 = arith.addi %mul3A_200, %add3A_255 : i32
      %get3A_257 = arith.index_cast %add3A_256 : i32 to index
      %get3A_258 = tpu.vector_load %arg7[%get3A_257] {strides = array<i32>} : memref<10048xi32, #tpu.memory_space<vmem>>, vector<16xi32>,
      %get3A_259 = arith.index_cast %scan3A_198 : i32 to index
      %get3A_260 = arith.constant 32 : index
      %get3A_261 = tpu.vector_load %arg8[%get3A_259, %get3A_260] {strides = array<i32>} : memref<157x64xi32, #tpu.memory_space<vmem>>, vector<16xi32>,
      %shift_right_logical3A_262 = arith.constant 3 : i32
      %shift_right_logical3A_263 = vector.broadcast %shift_right_logical3A_262 : i32 to vector<16xi32>
      %shift_right_logical3A_264 = arith.shrui %get3A_258, %shift_right_logical3A_263 : vector<16xi32>
      %gather3A_265 = tpu.vector_load_idx %arg9[%shift_right_logical3A_264] : memref<1256xi32, #tpu.memory_space<vmem>>[vector<16xi32>], vector<16xi32>,
      %and3A_266 = arith.constant 7 : i32
      %and3A_267 = vector.broadcast %and3A_266 : i32 to vector<16xi32>
      %and3A_268 = arith.andi %get3A_258, %and3A_267 : vector<16xi32>
      %shift_left3A_269 = arith.constant 2 : i32
      %shift_left3A_270 = vector.broadcast %shift_left3A_269 : i32 to vector<16xi32>
      %shift_left3A_271 = arith.shli %and3A_268, %shift_left3A_270 : vector<16xi32>
      %add3A_272 = arith.constant 0 : i32
      %add3A_273 = vector.broadcast %add3A_272 : i32 to vector<16xi32>
      %add3A_274 = arith.addi %shift_left3A_271, %add3A_273 : vector<16xi32>
      %shift_right_logical3A_275 = arith.shrui %gather3A_265, %add3A_274 : vector<16xi32>
      %and3A_276 = arith.constant 1 : i32
      %and3A_277 = vector.broadcast %and3A_276 : i32 to vector<16xi32>
      %and3A_278 = arith.andi %shift_right_logical3A_275, %and3A_277 : vector<16xi32>
      %ne3A_279 = arith.constant 0 : i32
      %ne3A_280 = vector.broadcast %ne3A_279 : i32 to vector<16xi32>
      %ne3A_281 = arith.cmpi ne, %and3A_278, %ne3A_280 : vector<16xi32>
      %select_n3A_282 = arith.select %ne3A_281, %broadcast_in_dim3A_40, %get3A_261 : vector<16xi1>, vector<16xi32>
      %swap3A_283 = arith.index_cast %scan3A_198 : i32 to index
      %swap3A_284 = arith.constant 32 : index
      %swap3A_285 = tpu.vector_load %arg8[%swap3A_283, %swap3A_284] {strides = array<i32>} : memref<157x64xi32, #tpu.memory_space<vmem>>, vector<16xi32>,
      tpu.vector_store %arg8[%swap3A_283, %swap3A_284], %select_n3A_282 {strides = array<i32>} : memref<157x64xi32, #tpu.memory_space<vmem>>, vector<16xi32>,
      %add3A_286 = arith.constant 48 : i32
      %add3A_287 = arith.addi %mul3A_200, %add3A_286 : i32
      %get3A_288 = arith.index_cast %add3A_287 : i32 to index
      %get3A_289 = tpu.vector_load %arg7[%get3A_288] {strides = array<i32>} : memref<10048xi32, #tpu.memory_space<vmem>>, vector<16xi32>,
      %get3A_290 = arith.index_cast %scan3A_198 : i32 to index
      %get3A_291 = arith.constant 48 : index
      %get3A_292 = tpu.vector_load %arg8[%get3A_290, %get3A_291] {strides = array<i32>} : memref<157x64xi32, #tpu.memory_space<vmem>>, vector<16xi32>,
      %shift_right_logical3A_293 = arith.constant 3 : i32
      %shift_right_logical3A_294 = vector.broadcast %shift_right_logical3A_293 : i32 to vector<16xi32>
      %shift_right_logical3A_295 = arith.shrui %get3A_289, %shift_right_logical3A_294 : vector<16xi32>
      %gather3A_296 = tpu.vector_load_idx %arg9[%shift_right_logical3A_295] : memref<1256xi32, #tpu.memory_space<vmem>>[vector<16xi32>], vector<16xi32>,
      %and3A_297 = arith.constant 7 : i32
      %and3A_298 = vector.broadcast %and3A_297 : i32 to vector<16xi32>
      %and3A_299 = arith.andi %get3A_289, %and3A_298 : vector<16xi32>
      %shift_left3A_300 = arith.constant 2 : i32
      %shift_left3A_301 = vector.broadcast %shift_left3A_300 : i32 to vector<16xi32>
      %shift_left3A_302 = arith.shli %and3A_299, %shift_left3A_301 : vector<16xi32>
      %add3A_303 = arith.constant 0 : i32
      %add3A_304 = vector.broadcast %add3A_303 : i32 to vector<16xi32>
      %add3A_305 = arith.addi %shift_left3A_302, %add3A_304 : vector<16xi32>
      %shift_right_logical3A_306 = arith.shrui %gather3A_296, %add3A_305 : vector<16xi32>
      %and3A_307 = arith.constant 1 : i32
      %and3A_308 = vector.broadcast %and3A_307 : i32 to vector<16xi32>
      %and3A_309 = arith.andi %shift_right_logical3A_306, %and3A_308 : vector<16xi32>
      %ne3A_310 = arith.constant 0 : i32
      %ne3A_311 = vector.broadcast %ne3A_310 : i32 to vector<16xi32>
      %ne3A_312 = arith.cmpi ne, %and3A_309, %ne3A_311 : vector<16xi32>
      %select_n3A_313 = arith.select %ne3A_312, %broadcast_in_dim3A_40, %get3A_292 : vector<16xi1>, vector<16xi32>
      %swap3A_314 = arith.index_cast %scan3A_198 : i32 to index
      %swap3A_315 = arith.constant 48 : index
      %swap3A_316 = tpu.vector_load %arg8[%swap3A_314, %swap3A_315] {strides = array<i32>} : memref<157x64xi32, #tpu.memory_space<vmem>>, vector<16xi32>,
      tpu.vector_store %arg8[%swap3A_314, %swap3A_315], %select_n3A_313 {strides = array<i32>} : memref<157x64xi32, #tpu.memory_space<vmem>>, vector<16xi32>,
    }
    %scan3A_45 = arith.constant 157 : i32
    %barrier3A = arith.constant 0 : index
    tpu.barrier barrier_id(%barrier3A)
    %dma_start3A = arith.constant 0 : i32
    %dma_start3A_46 = arith.constant 0 : i32
    %dma_start3A_47 = arith.constant 0 : i32
    %dma_start3A_48 = tpu.memref_slice %arg10[%dma_start3A, %dma_start3A_46, %dma_start3A_47] : memref<2x64x128xf32, #tpu.memory_space<vmem>> -> memref<1x64x128xf32, #tpu.memory_space<vmem>>
    %dma_start3A_49 = tpu.memref_squeeze %dma_start3A_48 : memref<1x64x128xf32, #tpu.memory_space<vmem>> -> memref<64x128xf32, #tpu.memory_space<vmem>>
    %dma_start3A_50 = arith.constant 0 : i32
    %dma_start3A_51 = tpu.memref_slice %arg7[%dma_start3A_50] : memref<10048xi32, #tpu.memory_space<vmem>> -> memref<64xi32, #tpu.memory_space<vmem>>
    %dma_start3A_52 = arith.constant 0 : i32
    %dma_start3A_53 = arith.constant 0 : i32
    %dma_start3A_54 = tpu.memref_slice %arg2[%dma_start3A_52, %dma_start3A_53] : memref<10000x128xf32, #tpu.memory_space<hbm>> -> memref<10000x128xf32, #tpu.memory_space<hbm>>
    tpu.enqueue_indirect_dma source(%dma_start3A_54 : memref<10000x128xf32, #tpu.memory_space<hbm>>) target(%dma_start3A_49 : memref<64x128xf32, #tpu.memory_space<vmem>>) offsets(%dma_start3A_51 : memref<64xi32, #tpu.memory_space<vmem>>) semaphore(%arg11 : memref<!tpu.dma_semaphore, #tpu.memory_space<semaphore_mem>>)
    %scan3A_55 = arith.constant 0 : i32
    %scan3A_56 = arith.constant 78 : i32
    %scan3A_57 = arith.addi %scan3A_55, %scan3A_56 : i32
    %scan3A_58 = arith.constant 1 : i32
    scf.for %scan3A_198 = %scan3A_55 to %scan3A_57 step %scan3A_58  : i32 {
      %mul3A_199 = arith.constant 2 : i32
      %mul3A_200 = arith.muli %scan3A_198, %mul3A_199 : i32
      %add3A_201 = arith.constant 1 : i32
      %add3A_202 = arith.addi %mul3A_200, %add3A_201 : i32
      %mul3A_203 = arith.constant 64 : i32
      %mul3A_204 = arith.muli %add3A_202, %mul3A_203 : i32
      %dma_start3A_205 = arith.constant 1 : i32
      %dma_start3A_206 = arith.constant 0 : i32
      %dma_start3A_207 = arith.constant 0 : i32
      %dma_start3A_208 = tpu.memref_slice %arg10[%dma_start3A_205, %dma_start3A_206, %dma_start3A_207] : memref<2x64x128xf32, #tpu.memory_space<vmem>> -> memref<1x64x128xf32, #tpu.memory_space<vmem>>
      %dma_start3A_209 = tpu.memref_squeeze %dma_start3A_208 : memref<1x64x128xf32, #tpu.memory_space<vmem>> -> memref<64x128xf32, #tpu.memory_space<vmem>>
      %dma_start3A_210 = tpu.memref_slice %arg7[%mul3A_204] : memref<10048xi32, #tpu.memory_space<vmem>> -> memref<64xi32, #tpu.memory_space<vmem>>
      %dma_start3A_211 = arith.constant 0 : i32
      %dma_start3A_212 = arith.constant 0 : i32
      %dma_start3A_213 = tpu.memref_slice %arg2[%dma_start3A_211, %dma_start3A_212] : memref<10000x128xf32, #tpu.memory_space<hbm>> -> memref<10000x128xf32, #tpu.memory_space<hbm>>
      tpu.enqueue_indirect_dma source(%dma_start3A_213 : memref<10000x128xf32, #tpu.memory_space<hbm>>) target(%dma_start3A_209 : memref<64x128xf32, #tpu.memory_space<vmem>>) offsets(%dma_start3A_210 : memref<64xi32, #tpu.memory_space<vmem>>) semaphore(%arg12 : memref<!tpu.dma_semaphore, #tpu.memory_space<semaphore_mem>>)
      %dma_wait3A_214 = arith.constant 0 : i32
      %dma_wait3A_215 = arith.constant 0 : i32
      %dma_wait3A_216 = arith.constant 0 : i32
      %dma_wait3A_217 = tpu.memref_slice %arg10[%dma_wait3A_214, %dma_wait3A_215, %dma_wait3A_216] : memref<2x64x128xf32, #tpu.memory_space<vmem>> -> memref<1x64x128xf32, #tpu.memory_space<vmem>>
      %dma_wait3A_218 = tpu.memref_squeeze %dma_wait3A_217 : memref<1x64x128xf32, #tpu.memory_space<vmem>> -> memref<64x128xf32, #tpu.memory_space<vmem>>
      %dma_wait3A_219 = arith.constant 0 : i32
      %dma_wait3A_220 = arith.constant 0 : i32
      %dma_wait3A_221 = tpu.memref_slice %arg2[%dma_wait3A_219, %dma_wait3A_220] : memref<10000x128xf32, #tpu.memory_space<hbm>> -> memref<64x128xf32, #tpu.memory_space<hbm>>
      %dma_wait3A_222 = arith.constant 0 : i32
      %dma_wait3A_223 = arith.constant 0 : i32
      %dma_wait3A_224 = tpu.memref_slice %arg10[%dma_wait3A_214, %dma_wait3A_222, %dma_wait3A_223] : memref<2x64x128xf32, #tpu.memory_space<vmem>> -> memref<1x64x128xf32, #tpu.memory_space<vmem>>
      %dma_wait3A_225 = tpu.memref_squeeze %dma_wait3A_224 : memref<1x64x128xf32, #tpu.memory_space<vmem>> -> memref<64x128xf32, #tpu.memory_space<vmem>>
      %dma_wait3A_226 = arith.constant 0 : i32
      %dma_wait3A_227 = arith.constant 0 : i32
      %dma_wait3A_228 = tpu.memref_slice %arg2[%dma_wait3A_226, %dma_wait3A_227] : memref<10000x128xf32, #tpu.memory_space<hbm>> -> memref<64x128xf32, #tpu.memory_space<hbm>>
      tpu.wait_dma2 semaphore(%arg11 : memref<!tpu.dma_semaphore, #tpu.memory_space<semaphore_mem>>) src(%dma_wait3A_228 : memref<64x128xf32, #tpu.memory_space<hbm>>) dst(%dma_wait3A_225 : memref<64x128xf32, #tpu.memory_space<vmem>>)
      %run_scoped3A_229 = arith.constant 0 : i32
      "tpu.region"() ({
        %run_scoped3A_261 = tpu.sem_alloc : memref<!tpu.dma_semaphore, #tpu.memory_space<semaphore_mem>>
        %dma_start3A_262 = arith.constant 0 : i32
        %dma_start3A_263 = arith.constant 0 : i32
        %dma_start3A_264 = tpu.memref_slice %arg10[%run_scoped3A_229, %dma_start3A_262, %dma_start3A_263] : memref<2x64x128xf32, #tpu.memory_space<vmem>> -> memref<1x64x128xf32, #tpu.memory_space<vmem>>
        %dma_start3A_265 = tpu.memref_squeeze %dma_start3A_264 : memref<1x64x128xf32, #tpu.memory_space<vmem>> -> memref<64x128xf32, #tpu.memory_space<vmem>>
        %dma_start3A_266 = arith.constant 0 : i32
        %dma_start3A_267 = tpu.memref_slice %arg8[%mul3A_200, %dma_start3A_266] : memref<157x64xi32, #tpu.memory_space<vmem>> -> memref<1x64xi32, #tpu.memory_space<vmem>>
        %dma_start3A_268 = tpu.memref_squeeze %dma_start3A_267 : memref<1x64xi32, #tpu.memory_space<vmem>> -> memref<64xi32, #tpu.memory_space<vmem>>
        %dma_start3A_269 = arith.constant 0 : i32
        %dma_start3A_270 = arith.constant 0 : i32
        %dma_start3A_271 = tpu.memref_slice %arg13[%dma_start3A_269, %dma_start3A_270] : memref<10112x128xf32, #tpu.memory_space<vmem_shared>> -> memref<10112x128xf32, #tpu.memory_space<vmem_shared>>
        tpu.enqueue_indirect_dma source(%dma_start3A_265 : memref<64x128xf32, #tpu.memory_space<vmem>>) target(%dma_start3A_271 : memref<10112x128xf32, #tpu.memory_space<vmem_shared>>) offsets(%dma_start3A_268 : memref<64xi32, #tpu.memory_space<vmem>>) semaphore(%run_scoped3A_261 : memref<!tpu.dma_semaphore, #tpu.memory_space<semaphore_mem>>) {add = true}
        %dma_wait3A_272 = arith.constant 0 : i32
        %dma_wait3A_273 = arith.constant 0 : i32
        %dma_wait3A_274 = tpu.memref_slice %arg10[%run_scoped3A_229, %dma_wait3A_272, %dma_wait3A_273] : memref<2x64x128xf32, #tpu.memory_space<vmem>> -> memref<1x64x128xf32, #tpu.memory_space<vmem>>
        %dma_wait3A_275 = tpu.memref_squeeze %dma_wait3A_274 : memref<1x64x128xf32, #tpu.memory_space<vmem>> -> memref<64x128xf32, #tpu.memory_space<vmem>>
        %dma_wait3A_276 = arith.constant 0 : i32
        %dma_wait3A_277 = tpu.memref_slice %arg8[%mul3A_200, %dma_wait3A_276] : memref<157x64xi32, #tpu.memory_space<vmem>> -> memref<1x64xi32, #tpu.memory_space<vmem>>
        %dma_wait3A_278 = tpu.memref_squeeze %dma_wait3A_277 : memref<1x64xi32, #tpu.memory_space<vmem>> -> memref<64xi32, #tpu.memory_space<vmem>>
        %dma_wait3A_279 = arith.constant 0 : i32
        %dma_wait3A_280 = arith.constant 0 : i32
        %dma_wait3A_281 = tpu.memref_slice %arg13[%dma_wait3A_279, %dma_wait3A_280] : memref<10112x128xf32, #tpu.memory_space<vmem_shared>> -> memref<10112x128xf32, #tpu.memory_space<vmem_shared>>
        tpu.wait_indirect_dma semaphore(%run_scoped3A_261 : memref<!tpu.dma_semaphore, #tpu.memory_space<semaphore_mem>>) src(%dma_wait3A_275 : memref<64x128xf32, #tpu.memory_space<vmem>>) dst(%dma_wait3A_281 : memref<10112x128xf32, #tpu.memory_space<vmem_shared>>)
        tpu.yield
      }) : () -> ()
      %add3A_230 = arith.constant 2 : i32
      %add3A_231 = arith.addi %mul3A_200, %add3A_230 : i32
      %mul3A_232 = arith.constant 64 : i32
      %mul3A_233 = arith.muli %add3A_231, %mul3A_232 : i32
      %dma_start3A_234 = arith.constant 0 : i32
      %dma_start3A_235 = arith.constant 0 : i32
      %dma_start3A_236 = arith.constant 0 : i32
      %dma_start3A_237 = tpu.memref_slice %arg10[%dma_start3A_234, %dma_start3A_235, %dma_start3A_236] : memref<2x64x128xf32, #tpu.memory_space<vmem>> -> memref<1x64x128xf32, #tpu.memory_space<vmem>>
      %dma_start3A_238 = tpu.memref_squeeze %dma_start3A_237 : memref<1x64x128xf32, #tpu.memory_space<vmem>> -> memref<64x128xf32, #tpu.memory_space<vmem>>
      %dma_start3A_239 = tpu.memref_slice %arg7[%mul3A_233] : memref<10048xi32, #tpu.memory_space<vmem>> -> memref<64xi32, #tpu.memory_space<vmem>>
      %dma_start3A_240 = arith.constant 0 : i32
      %dma_start3A_241 = arith.constant 0 : i32
      %dma_start3A_242 = tpu.memref_slice %arg2[%dma_start3A_240, %dma_start3A_241] : memref<10000x128xf32, #tpu.memory_space<hbm>> -> memref<10000x128xf32, #tpu.memory_space<hbm>>
      tpu.enqueue_indirect_dma source(%dma_start3A_242 : memref<10000x128xf32, #tpu.memory_space<hbm>>) target(%dma_start3A_238 : memref<64x128xf32, #tpu.memory_space<vmem>>) offsets(%dma_start3A_239 : memref<64xi32, #tpu.memory_space<vmem>>) semaphore(%arg11 : memref<!tpu.dma_semaphore, #tpu.memory_space<semaphore_mem>>)
      %dma_wait3A_243 = arith.constant 1 : i32
      %dma_wait3A_244 = arith.constant 0 : i32
      %dma_wait3A_245 = arith.constant 0 : i32
      %dma_wait3A_246 = tpu.memref_slice %arg10[%dma_wait3A_243, %dma_wait3A_244, %dma_wait3A_245] : memref<2x64x128xf32, #tpu.memory_space<vmem>> -> memref<1x64x128xf32, #tpu.memory_space<vmem>>
      %dma_wait3A_247 = tpu.memref_squeeze %dma_wait3A_246 : memref<1x64x128xf32, #tpu.memory_space<vmem>> -> memref<64x128xf32, #tpu.memory_space<vmem>>
      %dma_wait3A_248 = arith.constant 0 : i32
      %dma_wait3A_249 = arith.constant 0 : i32
      %dma_wait3A_250 = tpu.memref_slice %arg2[%dma_wait3A_248, %dma_wait3A_249] : memref<10000x128xf32, #tpu.memory_space<hbm>> -> memref<64x128xf32, #tpu.memory_space<hbm>>
      %dma_wait3A_251 = arith.constant 0 : i32
      %dma_wait3A_252 = arith.constant 0 : i32
      %dma_wait3A_253 = tpu.memref_slice %arg10[%dma_wait3A_243, %dma_wait3A_251, %dma_wait3A_252] : memref<2x64x128xf32, #tpu.memory_space<vmem>> -> memref<1x64x128xf32, #tpu.memory_space<vmem>>
      %dma_wait3A_254 = tpu.memref_squeeze %dma_wait3A_253 : memref<1x64x128xf32, #tpu.memory_space<vmem>> -> memref<64x128xf32, #tpu.memory_space<vmem>>
      %dma_wait3A_255 = arith.constant 0 : i32
      %dma_wait3A_256 = arith.constant 0 : i32
      %dma_wait3A_257 = tpu.memref_slice %arg2[%dma_wait3A_255, %dma_wait3A_256] : memref<10000x128xf32, #tpu.memory_space<hbm>> -> memref<64x128xf32, #tpu.memory_space<hbm>>
      tpu.wait_dma2 semaphore(%arg12 : memref<!tpu.dma_semaphore, #tpu.memory_space<semaphore_mem>>) src(%dma_wait3A_257 : memref<64x128xf32, #tpu.memory_space<hbm>>) dst(%dma_wait3A_254 : memref<64x128xf32, #tpu.memory_space<vmem>>)
      %add3A_258 = arith.constant 1 : i32
      %add3A_259 = arith.addi %mul3A_200, %add3A_258 : i32
      %run_scoped3A_260 = arith.constant 1 : i32
      "tpu.region"() ({
        %run_scoped3A_261 = tpu.sem_alloc : memref<!tpu.dma_semaphore, #tpu.memory_space<semaphore_mem>>
        %dma_start3A_262 = arith.constant 0 : i32
        %dma_start3A_263 = arith.constant 0 : i32
        %dma_start3A_264 = tpu.memref_slice %arg10[%run_scoped3A_260, %dma_start3A_262, %dma_start3A_263] : memref<2x64x128xf32, #tpu.memory_space<vmem>> -> memref<1x64x128xf32, #tpu.memory_space<vmem>>
        %dma_start3A_265 = tpu.memref_squeeze %dma_start3A_264 : memref<1x64x128xf32, #tpu.memory_space<vmem>> -> memref<64x128xf32, #tpu.memory_space<vmem>>
        %dma_start3A_266 = arith.constant 0 : i32
        %dma_start3A_267 = tpu.memref_slice %arg8[%add3A_259, %dma_start3A_266] : memref<157x64xi32, #tpu.memory_space<vmem>> -> memref<1x64xi32, #tpu.memory_space<vmem>>
        %dma_start3A_268 = tpu.memref_squeeze %dma_start3A_267 : memref<1x64xi32, #tpu.memory_space<vmem>> -> memref<64xi32, #tpu.memory_space<vmem>>
        %dma_start3A_269 = arith.constant 0 : i32
        %dma_start3A_270 = arith.constant 0 : i32
        %dma_start3A_271 = tpu.memref_slice %arg13[%dma_start3A_269, %dma_start3A_270] : memref<10112x128xf32, #tpu.memory_space<vmem_shared>> -> memref<10112x128xf32, #tpu.memory_space<vmem_shared>>
        tpu.enqueue_indirect_dma source(%dma_start3A_265 : memref<64x128xf32, #tpu.memory_space<vmem>>) target(%dma_start3A_271 : memref<10112x128xf32, #tpu.memory_space<vmem_shared>>) offsets(%dma_start3A_268 : memref<64xi32, #tpu.memory_space<vmem>>) semaphore(%run_scoped3A_261 : memref<!tpu.dma_semaphore, #tpu.memory_space<semaphore_mem>>) {add = true}
        %dma_wait3A_272 = arith.constant 0 : i32
        %dma_wait3A_273 = arith.constant 0 : i32
        %dma_wait3A_274 = tpu.memref_slice %arg10[%run_scoped3A_260, %dma_wait3A_272, %dma_wait3A_273] : memref<2x64x128xf32, #tpu.memory_space<vmem>> -> memref<1x64x128xf32, #tpu.memory_space<vmem>>
        %dma_wait3A_275 = tpu.memref_squeeze %dma_wait3A_274 : memref<1x64x128xf32, #tpu.memory_space<vmem>> -> memref<64x128xf32, #tpu.memory_space<vmem>>
        %dma_wait3A_276 = arith.constant 0 : i32
        %dma_wait3A_277 = tpu.memref_slice %arg8[%add3A_259, %dma_wait3A_276] : memref<157x64xi32, #tpu.memory_space<vmem>> -> memref<1x64xi32, #tpu.memory_space<vmem>>
        %dma_wait3A_278 = tpu.memref_squeeze %dma_wait3A_277 : memref<1x64xi32, #tpu.memory_space<vmem>> -> memref<64xi32, #tpu.memory_space<vmem>>
        %dma_wait3A_279 = arith.constant 0 : i32
        %dma_wait3A_280 = arith.constant 0 : i32
        %dma_wait3A_281 = tpu.memref_slice %arg13[%dma_wait3A_279, %dma_wait3A_280] : memref<10112x128xf32, #tpu.memory_space<vmem_shared>> -> memref<10112x128xf32, #tpu.memory_space<vmem_shared>>
        tpu.wait_indirect_dma semaphore(%run_scoped3A_261 : memref<!tpu.dma_semaphore, #tpu.memory_space<semaphore_mem>>) src(%dma_wait3A_275 : memref<64x128xf32, #tpu.memory_space<vmem>>) dst(%dma_wait3A_281 : memref<10112x128xf32, #tpu.memory_space<vmem_shared>>)
        tpu.yield
      }) : () -> ()
    }
    %scan3A_59 = arith.constant 78 : i32
    %dma_wait3A = arith.constant 0 : i32
    %dma_wait3A_60 = arith.constant 0 : i32
    %dma_wait3A_61 = arith.constant 0 : i32
    %dma_wait3A_62 = tpu.memref_slice %arg10[%dma_wait3A, %dma_wait3A_60, %dma_wait3A_61] : memref<2x64x128xf32, #tpu.memory_space<vmem>> -> memref<1x64x128xf32, #tpu.memory_space<vmem>>
    %dma_wait3A_63 = tpu.memref_squeeze %dma_wait3A_62 : memref<1x64x128xf32, #tpu.memory_space<vmem>> -> memref<64x128xf32, #tpu.memory_space<vmem>>
    %dma_wait3A_64 = arith.constant 0 : i32
    %dma_wait3A_65 = arith.constant 0 : i32
    %dma_wait3A_66 = tpu.memref_slice %arg2[%dma_wait3A_64, %dma_wait3A_65] : memref<10000x128xf32, #tpu.memory_space<hbm>> -> memref<64x128xf32, #tpu.memory_space<hbm>>
    %dma_wait3A_67 = arith.constant 0 : i32
    %dma_wait3A_68 = arith.constant 0 : i32
    %dma_wait3A_69 = tpu.memref_slice %arg10[%dma_wait3A, %dma_wait3A_67, %dma_wait3A_68] : memref<2x64x128xf32, #tpu.memory_space<vmem>> -> memref<1x64x128xf32, #tpu.memory_space<vmem>>
    %dma_wait3A_70 = tpu.memref_squeeze %dma_wait3A_69 : memref<1x64x128xf32, #tpu.memory_space<vmem>> -> memref<64x128xf32, #tpu.memory_space<vmem>>
    %dma_wait3A_71 = arith.constant 0 : i32
    %dma_wait3A_72 = arith.constant 0 : i32
    %dma_wait3A_73 = tpu.memref_slice %arg2[%dma_wait3A_71, %dma_wait3A_72] : memref<10000x128xf32, #tpu.memory_space<hbm>> -> memref<64x128xf32, #tpu.memory_space<hbm>>
    tpu.wait_dma2 semaphore(%arg11 : memref<!tpu.dma_semaphore, #tpu.memory_space<semaphore_mem>>) src(%dma_wait3A_73 : memref<64x128xf32, #tpu.memory_space<hbm>>) dst(%dma_wait3A_70 : memref<64x128xf32, #tpu.memory_space<vmem>>)
    %run_scoped3A_74 = arith.constant 0 : i32
    %run_scoped3A_75 = arith.constant 156 : i32
    "tpu.region"() ({
      %run_scoped3A_198 = tpu.sem_alloc : memref<!tpu.dma_semaphore, #tpu.memory_space<semaphore_mem>>
      %dma_start3A_199 = arith.constant 0 : i32
      %dma_start3A_200 = arith.constant 0 : i32
      %dma_start3A_201 = tpu.memref_slice %arg10[%run_scoped3A_74, %dma_start3A_199, %dma_start3A_200] : memref<2x64x128xf32, #tpu.memory_space<vmem>> -> memref<1x64x128xf32, #tpu.memory_space<vmem>>
      %dma_start3A_202 = tpu.memref_squeeze %dma_start3A_201 : memref<1x64x128xf32, #tpu.memory_space<vmem>> -> memref<64x128xf32, #tpu.memory_space<vmem>>
      %dma_start3A_203 = arith.constant 0 : i32
      %dma_start3A_204 = tpu.memref_slice %arg8[%run_scoped3A_75, %dma_start3A_203] : memref<157x64xi32, #tpu.memory_space<vmem>> -> memref<1x64xi32, #tpu.memory_space<vmem>>
      %dma_start3A_205 = tpu.memref_squeeze %dma_start3A_204 : memref<1x64xi32, #tpu.memory_space<vmem>> -> memref<64xi32, #tpu.memory_space<vmem>>
      %dma_start3A_206 = arith.constant 0 : i32
      %dma_start3A_207 = arith.constant 0 : i32
      %dma_start3A_208 = tpu.memref_slice %arg13[%dma_start3A_206, %dma_start3A_207] : memref<10112x128xf32, #tpu.memory_space<vmem_shared>> -> memref<10112x128xf32, #tpu.memory_space<vmem_shared>>
      tpu.enqueue_indirect_dma source(%dma_start3A_202 : memref<64x128xf32, #tpu.memory_space<vmem>>) target(%dma_start3A_208 : memref<10112x128xf32, #tpu.memory_space<vmem_shared>>) offsets(%dma_start3A_205 : memref<64xi32, #tpu.memory_space<vmem>>) semaphore(%run_scoped3A_198 : memref<!tpu.dma_semaphore, #tpu.memory_space<semaphore_mem>>) {add = true}
      %dma_wait3A_209 = arith.constant 0 : i32
      %dma_wait3A_210 = arith.constant 0 : i32
      %dma_wait3A_211 = tpu.memref_slice %arg10[%run_scoped3A_74, %dma_wait3A_209, %dma_wait3A_210] : memref<2x64x128xf32, #tpu.memory_space<vmem>> -> memref<1x64x128xf32, #tpu.memory_space<vmem>>
      %dma_wait3A_212 = tpu.memref_squeeze %dma_wait3A_211 : memref<1x64x128xf32, #tpu.memory_space<vmem>> -> memref<64x128xf32, #tpu.memory_space<vmem>>
      %dma_wait3A_213 = arith.constant 0 : i32
      %dma_wait3A_214 = tpu.memref_slice %arg8[%run_scoped3A_75, %dma_wait3A_213] : memref<157x64xi32, #tpu.memory_space<vmem>> -> memref<1x64xi32, #tpu.memory_space<vmem>>
      %dma_wait3A_215 = tpu.memref_squeeze %dma_wait3A_214 : memref<1x64xi32, #tpu.memory_space<vmem>> -> memref<64xi32, #tpu.memory_space<vmem>>
      %dma_wait3A_216 = arith.constant 0 : i32
      %dma_wait3A_217 = arith.constant 0 : i32
      %dma_wait3A_218 = tpu.memref_slice %arg13[%dma_wait3A_216, %dma_wait3A_217] : memref<10112x128xf32, #tpu.memory_space<vmem_shared>> -> memref<10112x128xf32, #tpu.memory_space<vmem_shared>>
      tpu.wait_indirect_dma semaphore(%run_scoped3A_198 : memref<!tpu.dma_semaphore, #tpu.memory_space<semaphore_mem>>) src(%dma_wait3A_212 : memref<64x128xf32, #tpu.memory_space<vmem>>) dst(%dma_wait3A_218 : memref<10112x128xf32, #tpu.memory_space<vmem_shared>>)
      tpu.yield
    }) : () -> ()
    %barrier3A_76 = arith.constant 0 : index
    tpu.barrier barrier_id(%barrier3A_76)
    %run_scoped3A_77 = arith.constant 0 : i32
    "tpu.region"() ({
      %run_scoped3A_198 = tpu.sem_alloc : memref<!tpu.dma_semaphore, #tpu.memory_space<semaphore_mem>>
      %dma_start3A_199 = arith.constant 0 : i32
      %dma_start3A_200 = tpu.memref_slice %arg6[%run_scoped3A_77, %arg0, %mul3A_2, %dma_start3A_199] : memref<4x2x10112x128xf32, #tpu.memory_space<hbm>> -> memref<1x1x632x128xf32, #tpu.memory_space<hbm>>
      %dma_start3A_201 = tpu.memref_squeeze %dma_start3A_200 : memref<1x1x632x128xf32, #tpu.memory_space<hbm>> -> memref<632x128xf32, #tpu.memory_space<hbm>>
      %dma_start3A_202 = arith.constant 0 : i32
      %dma_start3A_203 = tpu.memref_slice %arg13[%mul3A_2, %dma_start3A_202] : memref<10112x128xf32, #tpu.memory_space<vmem_shared>> -> memref<632x128xf32, #tpu.memory_space<vmem_shared>>
      tpu.enqueue_dma source(%dma_start3A_203 : memref<632x128xf32, #tpu.memory_space<vmem_shared>>) target(%dma_start3A_201 : memref<632x128xf32, #tpu.memory_space<hbm>>) target_semaphore(%run_scoped3A_198 : memref<!tpu.dma_semaphore, #tpu.memory_space<semaphore_mem>>)
      %dma_wait3A_204 = arith.constant 0 : i32
      %dma_wait3A_205 = tpu.memref_slice %arg6[%run_scoped3A_77, %arg0, %mul3A_2, %dma_wait3A_204] : memref<4x2x10112x128xf32, #tpu.memory_space<hbm>> -> memref<1x1x632x128xf32, #tpu.memory_space<hbm>>
      %dma_wait3A_206 = tpu.memref_squeeze %dma_wait3A_205 : memref<1x1x632x128xf32, #tpu.memory_space<hbm>> -> memref<632x128xf32, #tpu.memory_space<hbm>>
      %dma_wait3A_207 = arith.constant 0 : i32
      %dma_wait3A_208 = tpu.memref_slice %arg13[%mul3A_2, %dma_wait3A_207] : memref<10112x128xf32, #tpu.memory_space<vmem_shared>> -> memref<632x128xf32, #tpu.memory_space<vmem_shared>>
      tpu.wait_dma2 semaphore(%run_scoped3A_198 : memref<!tpu.dma_semaphore, #tpu.memory_space<semaphore_mem>>) src(%dma_wait3A_208 : memref<632x128xf32, #tpu.memory_space<vmem_shared>>) dst(%dma_wait3A_206 : memref<632x128xf32, #tpu.memory_space<hbm>>)
      tpu.yield
    }) : () -> ()
    "tpu.region"() ({
      %run_scoped3A_198 = tpu.sem_alloc : memref<!tpu.dma_semaphore, #tpu.memory_space<semaphore_mem>>
      %dma_start3A_199 = arith.constant 0 : i32
      %dma_start3A_200 = arith.constant 0 : i32
      %dma_start3A_201 = tpu.memref_slice %arg4[%add3A, %dma_start3A_199, %dma_start3A_200] : memref<32x157x64xi32, #tpu.memory_space<hbm>> -> memref<1x157x64xi32, #tpu.memory_space<hbm>>
      %dma_start3A_202 = tpu.memref_squeeze %dma_start3A_201 : memref<1x157x64xi32, #tpu.memory_space<hbm>> -> memref<157x64xi32, #tpu.memory_space<hbm>>
      %dma_start3A_203 = arith.constant 0 : i32
      %dma_start3A_204 = arith.constant 0 : i32
      %dma_start3A_205 = tpu.memref_slice %arg4[%add3A, %dma_start3A_203, %dma_start3A_204] : memref<32x157x64xi32, #tpu.memory_space<hbm>> -> memref<1x157x64xi32, #tpu.memory_space<hbm>>
      %dma_start3A_206 = tpu.memref_squeeze %dma_start3A_205 : memref<1x157x64xi32, #tpu.memory_space<hbm>> -> memref<157x64xi32, #tpu.memory_space<hbm>>
      tpu.enqueue_dma source(%dma_start3A_206 : memref<157x64xi32, #tpu.memory_space<hbm>>) target(%arg8 : memref<157x64xi32, #tpu.memory_space<vmem>>) target_semaphore(%run_scoped3A_198 : memref<!tpu.dma_semaphore, #tpu.memory_space<semaphore_mem>>)
      %dma_wait3A_207 = arith.constant 0 : i32
      %dma_wait3A_208 = arith.constant 0 : i32
      %dma_wait3A_209 = tpu.memref_slice %arg4[%add3A, %dma_wait3A_207, %dma_wait3A_208] : memref<32x157x64xi32, #tpu.memory_space<hbm>> -> memref<1x157x64xi32, #tpu.memory_space<hbm>>
      %dma_wait3A_210 = tpu.memref_squeeze %dma_wait3A_209 : memref<1x157x64xi32, #tpu.memory_space<hbm>> -> memref<157x64xi32, #tpu.memory_space<hbm>>
      %dma_wait3A_211 = arith.constant 0 : i32
      %dma_wait3A_212 = arith.constant 0 : i32
      %dma_wait3A_213 = tpu.memref_slice %arg4[%add3A, %dma_wait3A_211, %dma_wait3A_212] : memref<32x157x64xi32, #tpu.memory_space<hbm>> -> memref<1x157x64xi32, #tpu.memory_space<hbm>>
      %dma_wait3A_214 = tpu.memref_squeeze %dma_wait3A_213 : memref<1x157x64xi32, #tpu.memory_space<hbm>> -> memref<157x64xi32, #tpu.memory_space<hbm>>
      tpu.wait_dma2 semaphore(%run_scoped3A_198 : memref<!tpu.dma_semaphore, #tpu.memory_space<semaphore_mem>>) src(%dma_wait3A_214 : memref<157x64xi32, #tpu.memory_space<hbm>>) dst(%arg8 : memref<157x64xi32, #tpu.memory_space<vmem>>)
      tpu.yield
    }) : () -> ()
    %scan3A_78 = arith.constant 0 : i32
    %scan3A_79 = arith.constant 157 : i32
    %scan3A_80 = arith.addi %scan3A_78, %scan3A_79 : i32
    %scan3A_81 = arith.constant 1 : i32
    scf.for %scan3A_198 = %scan3A_78 to %scan3A_80 step %scan3A_81  : i32 {
      %mul3A_199 = arith.constant 64 : i32
      %mul3A_200 = arith.muli %scan3A_198, %mul3A_199 : i32
      %add3A_201 = arith.constant 0 : i32
      %add3A_202 = arith.addi %mul3A_200, %add3A_201 : i32
      %get3A = arith.index_cast %add3A_202 : i32 to index
      %get3A_203 = tpu.vector_load %arg7[%get3A] {strides = array<i32>} : memref<10048xi32, #tpu.memory_space<vmem>>, vector<16xi32>,
      %get3A_204 = arith.index_cast %scan3A_198 : i32 to index
      %get3A_205 = arith.constant 0 : index
      %get3A_206 = tpu.vector_load %arg8[%get3A_204, %get3A_205] {strides = array<i32>} : memref<157x64xi32, #tpu.memory_space<vmem>>, vector<16xi32>,
      %shift_right_logical3A = arith.constant 3 : i32
      %shift_right_logical3A_207 = vector.broadcast %shift_right_logical3A : i32 to vector<16xi32>
      %shift_right_logical3A_208 = arith.shrui %get3A_203, %shift_right_logical3A_207 : vector<16xi32>
      %gather3A = tpu.vector_load_idx %arg9[%shift_right_logical3A_208] : memref<1256xi32, #tpu.memory_space<vmem>>[vector<16xi32>], vector<16xi32>,
      %and3A = arith.constant 7 : i32
      %and3A_209 = vector.broadcast %and3A : i32 to vector<16xi32>
      %and3A_210 = arith.andi %get3A_203, %and3A_209 : vector<16xi32>
      %shift_left3A = arith.constant 2 : i32
      %shift_left3A_211 = vector.broadcast %shift_left3A : i32 to vector<16xi32>
      %shift_left3A_212 = arith.shli %and3A_210, %shift_left3A_211 : vector<16xi32>
      %add3A_213 = arith.constant 1 : i32
      %add3A_214 = vector.broadcast %add3A_213 : i32 to vector<16xi32>
      %add3A_215 = arith.addi %shift_left3A_212, %add3A_214 : vector<16xi32>
      %shift_right_logical3A_216 = arith.shrui %gather3A, %add3A_215 : vector<16xi32>
      %and3A_217 = arith.constant 1 : i32
      %and3A_218 = vector.broadcast %and3A_217 : i32 to vector<16xi32>
      %and3A_219 = arith.andi %shift_right_logical3A_216, %and3A_218 : vector<16xi32>
      %ne3A = arith.constant 0 : i32
      %ne3A_220 = vector.broadcast %ne3A : i32 to vector<16xi32>
      %ne3A_221 = arith.cmpi ne, %and3A_219, %ne3A_220 : vector<16xi32>
      %select_n3A = arith.select %ne3A_221, %broadcast_in_dim3A_40, %get3A_206 : vector<16xi1>, vector<16xi32>
      %swap3A = arith.index_cast %scan3A_198 : i32 to index
      %swap3A_222 = arith.constant 0 : index
      %swap3A_223 = tpu.vector_load %arg8[%swap3A, %swap3A_222] {strides = array<i32>} : memref<157x64xi32, #tpu.memory_space<vmem>>, vector<16xi32>,
      tpu.vector_store %arg8[%swap3A, %swap3A_222], %select_n3A {strides = array<i32>} : memref<157x64xi32, #tpu.memory_space<vmem>>, vector<16xi32>,
      %add3A_224 = arith.constant 16 : i32
      %add3A_225 = arith.addi %mul3A_200, %add3A_224 : i32
      %get3A_226 = arith.index_cast %add3A_225 : i32 to index
      %get3A_227 = tpu.vector_load %arg7[%get3A_226] {strides = array<i32>} : memref<10048xi32, #tpu.memory_space<vmem>>, vector<16xi32>,
      %get3A_228 = arith.index_cast %scan3A_198 : i32 to index
      %get3A_229 = arith.constant 16 : index
      %get3A_230 = tpu.vector_load %arg8[%get3A_228, %get3A_229] {strides = array<i32>} : memref<157x64xi32, #tpu.memory_space<vmem>>, vector<16xi32>,
      %shift_right_logical3A_231 = arith.constant 3 : i32
      %shift_right_logical3A_232 = vector.broadcast %shift_right_logical3A_231 : i32 to vector<16xi32>
      %shift_right_logical3A_233 = arith.shrui %get3A_227, %shift_right_logical3A_232 : vector<16xi32>
      %gather3A_234 = tpu.vector_load_idx %arg9[%shift_right_logical3A_233] : memref<1256xi32, #tpu.memory_space<vmem>>[vector<16xi32>], vector<16xi32>,
      %and3A_235 = arith.constant 7 : i32
      %and3A_236 = vector.broadcast %and3A_235 : i32 to vector<16xi32>
      %and3A_237 = arith.andi %get3A_227, %and3A_236 : vector<16xi32>
      %shift_left3A_238 = arith.constant 2 : i32
      %shift_left3A_239 = vector.broadcast %shift_left3A_238 : i32 to vector<16xi32>
      %shift_left3A_240 = arith.shli %and3A_237, %shift_left3A_239 : vector<16xi32>
      %add3A_241 = arith.constant 1 : i32
      %add3A_242 = vector.broadcast %add3A_241 : i32 to vector<16xi32>
      %add3A_243 = arith.addi %shift_left3A_240, %add3A_242 : vector<16xi32>
      %shift_right_logical3A_244 = arith.shrui %gather3A_234, %add3A_243 : vector<16xi32>
      %and3A_245 = arith.constant 1 : i32
      %and3A_246 = vector.broadcast %and3A_245 : i32 to vector<16xi32>
      %and3A_247 = arith.andi %shift_right_logical3A_244, %and3A_246 : vector<16xi32>
      %ne3A_248 = arith.constant 0 : i32
      %ne3A_249 = vector.broadcast %ne3A_248 : i32 to vector<16xi32>
      %ne3A_250 = arith.cmpi ne, %and3A_247, %ne3A_249 : vector<16xi32>
      %select_n3A_251 = arith.select %ne3A_250, %broadcast_in_dim3A_40, %get3A_230 : vector<16xi1>, vector<16xi32>
      %swap3A_252 = arith.index_cast %scan3A_198 : i32 to index
      %swap3A_253 = arith.constant 16 : index
      %swap3A_254 = tpu.vector_load %arg8[%swap3A_252, %swap3A_253] {strides = array<i32>} : memref<157x64xi32, #tpu.memory_space<vmem>>, vector<16xi32>,
      tpu.vector_store %arg8[%swap3A_252, %swap3A_253], %select_n3A_251 {strides = array<i32>} : memref<157x64xi32, #tpu.memory_space<vmem>>, vector<16xi32>,
      %add3A_255 = arith.constant 32 : i32
      %add3A_256 = arith.addi %mul3A_200, %add3A_255 : i32
      %get3A_257 = arith.index_cast %add3A_256 : i32 to index
      %get3A_258 = tpu.vector_load %arg7[%get3A_257] {strides = array<i32>} : memref<10048xi32, #tpu.memory_space<vmem>>, vector<16xi32>,
      %get3A_259 = arith.index_cast %scan3A_198 : i32 to index
      %get3A_260 = arith.constant 32 : index
      %get3A_261 = tpu.vector_load %arg8[%get3A_259, %get3A_260] {strides = array<i32>} : memref<157x64xi32, #tpu.memory_space<vmem>>, vector<16xi32>,
      %shift_right_logical3A_262 = arith.constant 3 : i32
      %shift_right_logical3A_263 = vector.broadcast %shift_right_logical3A_262 : i32 to vector<16xi32>
      %shift_right_logical3A_264 = arith.shrui %get3A_258, %shift_right_logical3A_263 : vector<16xi32>
      %gather3A_265 = tpu.vector_load_idx %arg9[%shift_right_logical3A_264] : memref<1256xi32, #tpu.memory_space<vmem>>[vector<16xi32>], vector<16xi32>,
      %and3A_266 = arith.constant 7 : i32
      %and3A_267 = vector.broadcast %and3A_266 : i32 to vector<16xi32>
      %and3A_268 = arith.andi %get3A_258, %and3A_267 : vector<16xi32>
      %shift_left3A_269 = arith.constant 2 : i32
      %shift_left3A_270 = vector.broadcast %shift_left3A_269 : i32 to vector<16xi32>
      %shift_left3A_271 = arith.shli %and3A_268, %shift_left3A_270 : vector<16xi32>
      %add3A_272 = arith.constant 1 : i32
      %add3A_273 = vector.broadcast %add3A_272 : i32 to vector<16xi32>
      %add3A_274 = arith.addi %shift_left3A_271, %add3A_273 : vector<16xi32>
      %shift_right_logical3A_275 = arith.shrui %gather3A_265, %add3A_274 : vector<16xi32>
      %and3A_276 = arith.constant 1 : i32
      %and3A_277 = vector.broadcast %and3A_276 : i32 to vector<16xi32>
      %and3A_278 = arith.andi %shift_right_logical3A_275, %and3A_277 : vector<16xi32>
      %ne3A_279 = arith.constant 0 : i32
      %ne3A_280 = vector.broadcast %ne3A_279 : i32 to vector<16xi32>
      %ne3A_281 = arith.cmpi ne, %and3A_278, %ne3A_280 : vector<16xi32>
      %select_n3A_282 = arith.select %ne3A_281, %broadcast_in_dim3A_40, %get3A_261 : vector<16xi1>, vector<16xi32>
      %swap3A_283 = arith.index_cast %scan3A_198 : i32 to index
      %swap3A_284 = arith.constant 32 : index
      %swap3A_285 = tpu.vector_load %arg8[%swap3A_283, %swap3A_284] {strides = array<i32>} : memref<157x64xi32, #tpu.memory_space<vmem>>, vector<16xi32>,
      tpu.vector_store %arg8[%swap3A_283, %swap3A_284], %select_n3A_282 {strides = array<i32>} : memref<157x64xi32, #tpu.memory_space<vmem>>, vector<16xi32>,
      %add3A_286 = arith.constant 48 : i32
      %add3A_287 = arith.addi %mul3A_200, %add3A_286 : i32
      %get3A_288 = arith.index_cast %add3A_287 : i32 to index
      %get3A_289 = tpu.vector_load %arg7[%get3A_288] {strides = array<i32>} : memref<10048xi32, #tpu.memory_space<vmem>>, vector<16xi32>,
      %get3A_290 = arith.index_cast %scan3A_198 : i32 to index
      %get3A_291 = arith.constant 48 : index
      %get3A_292 = tpu.vector_load %arg8[%get3A_290, %get3A_291] {strides = array<i32>} : memref<157x64xi32, #tpu.memory_space<vmem>>, vector<16xi32>,
      %shift_right_logical3A_293 = arith.constant 3 : i32
      %shift_right_logical3A_294 = vector.broadcast %shift_right_logical3A_293 : i32 to vector<16xi32>
      %shift_right_logical3A_295 = arith.shrui %get3A_289, %shift_right_logical3A_294 : vector<16xi32>
      %gather3A_296 = tpu.vector_load_idx %arg9[%shift_right_logical3A_295] : memref<1256xi32, #tpu.memory_space<vmem>>[vector<16xi32>], vector<16xi32>,
      %and3A_297 = arith.constant 7 : i32
      %and3A_298 = vector.broadcast %and3A_297 : i32 to vector<16xi32>
      %and3A_299 = arith.andi %get3A_289, %and3A_298 : vector<16xi32>
      %shift_left3A_300 = arith.constant 2 : i32
      %shift_left3A_301 = vector.broadcast %shift_left3A_300 : i32 to vector<16xi32>
      %shift_left3A_302 = arith.shli %and3A_299, %shift_left3A_301 : vector<16xi32>
      %add3A_303 = arith.constant 1 : i32
      %add3A_304 = vector.broadcast %add3A_303 : i32 to vector<16xi32>
      %add3A_305 = arith.addi %shift_left3A_302, %add3A_304 : vector<16xi32>
      %shift_right_logical3A_306 = arith.shrui %gather3A_296, %add3A_305 : vector<16xi32>
      %and3A_307 = arith.constant 1 : i32
      %and3A_308 = vector.broadcast %and3A_307 : i32 to vector<16xi32>
      %and3A_309 = arith.andi %shift_right_logical3A_306, %and3A_308 : vector<16xi32>
      %ne3A_310 = arith.constant 0 : i32
      %ne3A_311 = vector.broadcast %ne3A_310 : i32 to vector<16xi32>
      %ne3A_312 = arith.cmpi ne, %and3A_309, %ne3A_311 : vector<16xi32>
      %select_n3A_313 = arith.select %ne3A_312, %broadcast_in_dim3A_40, %get3A_292 : vector<16xi1>, vector<16xi32>
      %swap3A_314 = arith.index_cast %scan3A_198 : i32 to index
      %swap3A_315 = arith.constant 48 : index
      %swap3A_316 = tpu.vector_load %arg8[%swap3A_314, %swap3A_315] {strides = array<i32>} : memref<157x64xi32, #tpu.memory_space<vmem>>, vector<16xi32>,
      tpu.vector_store %arg8[%swap3A_314, %swap3A_315], %select_n3A_313 {strides = array<i32>} : memref<157x64xi32, #tpu.memory_space<vmem>>, vector<16xi32>,
    }
    %scan3A_82 = arith.constant 157 : i32
    %barrier3A_83 = arith.constant 0 : index
    tpu.barrier barrier_id(%barrier3A_83)
    %dma_start3A_84 = arith.constant 0 : i32
    %dma_start3A_85 = arith.constant 0 : i32
    %dma_start3A_86 = arith.constant 0 : i32
    %dma_start3A_87 = tpu.memref_slice %arg10[%dma_start3A_84, %dma_start3A_85, %dma_start3A_86] : memref<2x64x128xf32, #tpu.memory_space<vmem>> -> memref<1x64x128xf32, #tpu.memory_space<vmem>>
    %dma_start3A_88 = tpu.memref_squeeze %dma_start3A_87 : memref<1x64x128xf32, #tpu.memory_space<vmem>> -> memref<64x128xf32, #tpu.memory_space<vmem>>
    %dma_start3A_89 = arith.constant 0 : i32
    %dma_start3A_90 = tpu.memref_slice %arg7[%dma_start3A_89] : memref<10048xi32, #tpu.memory_space<vmem>> -> memref<64xi32, #tpu.memory_space<vmem>>
    %dma_start3A_91 = arith.constant 0 : i32
    %dma_start3A_92 = arith.constant 0 : i32
    %dma_start3A_93 = tpu.memref_slice %arg2[%dma_start3A_91, %dma_start3A_92] : memref<10000x128xf32, #tpu.memory_space<hbm>> -> memref<10000x128xf32, #tpu.memory_space<hbm>>
    tpu.enqueue_indirect_dma source(%dma_start3A_93 : memref<10000x128xf32, #tpu.memory_space<hbm>>) target(%dma_start3A_88 : memref<64x128xf32, #tpu.memory_space<vmem>>) offsets(%dma_start3A_90 : memref<64xi32, #tpu.memory_space<vmem>>) semaphore(%arg11 : memref<!tpu.dma_semaphore, #tpu.memory_space<semaphore_mem>>)
    %scan3A_94 = arith.constant 0 : i32
    %scan3A_95 = arith.constant 78 : i32
    %scan3A_96 = arith.addi %scan3A_94, %scan3A_95 : i32
    %scan3A_97 = arith.constant 1 : i32
    scf.for %scan3A_198 = %scan3A_94 to %scan3A_96 step %scan3A_97  : i32 {
      %mul3A_199 = arith.constant 2 : i32
      %mul3A_200 = arith.muli %scan3A_198, %mul3A_199 : i32
      %add3A_201 = arith.constant 1 : i32
      %add3A_202 = arith.addi %mul3A_200, %add3A_201 : i32
      %mul3A_203 = arith.constant 64 : i32
      %mul3A_204 = arith.muli %add3A_202, %mul3A_203 : i32
      %dma_start3A_205 = arith.constant 1 : i32
      %dma_start3A_206 = arith.constant 0 : i32
      %dma_start3A_207 = arith.constant 0 : i32
      %dma_start3A_208 = tpu.memref_slice %arg10[%dma_start3A_205, %dma_start3A_206, %dma_start3A_207] : memref<2x64x128xf32, #tpu.memory_space<vmem>> -> memref<1x64x128xf32, #tpu.memory_space<vmem>>
      %dma_start3A_209 = tpu.memref_squeeze %dma_start3A_208 : memref<1x64x128xf32, #tpu.memory_space<vmem>> -> memref<64x128xf32, #tpu.memory_space<vmem>>
      %dma_start3A_210 = tpu.memref_slice %arg7[%mul3A_204] : memref<10048xi32, #tpu.memory_space<vmem>> -> memref<64xi32, #tpu.memory_space<vmem>>
      %dma_start3A_211 = arith.constant 0 : i32
      %dma_start3A_212 = arith.constant 0 : i32
      %dma_start3A_213 = tpu.memref_slice %arg2[%dma_start3A_211, %dma_start3A_212] : memref<10000x128xf32, #tpu.memory_space<hbm>> -> memref<10000x128xf32, #tpu.memory_space<hbm>>
      tpu.enqueue_indirect_dma source(%dma_start3A_213 : memref<10000x128xf32, #tpu.memory_space<hbm>>) target(%dma_start3A_209 : memref<64x128xf32, #tpu.memory_space<vmem>>) offsets(%dma_start3A_210 : memref<64xi32, #tpu.memory_space<vmem>>) semaphore(%arg12 : memref<!tpu.dma_semaphore, #tpu.memory_space<semaphore_mem>>)
      %dma_wait3A_214 = arith.constant 0 : i32
      %dma_wait3A_215 = arith.constant 0 : i32
      %dma_wait3A_216 = arith.constant 0 : i32
      %dma_wait3A_217 = tpu.memref_slice %arg10[%dma_wait3A_214, %dma_wait3A_215, %dma_wait3A_216] : memref<2x64x128xf32, #tpu.memory_space<vmem>> -> memref<1x64x128xf32, #tpu.memory_space<vmem>>
      %dma_wait3A_218 = tpu.memref_squeeze %dma_wait3A_217 : memref<1x64x128xf32, #tpu.memory_space<vmem>> -> memref<64x128xf32, #tpu.memory_space<vmem>>
      %dma_wait3A_219 = arith.constant 0 : i32
      %dma_wait3A_220 = arith.constant 0 : i32
      %dma_wait3A_221 = tpu.memref_slice %arg2[%dma_wait3A_219, %dma_wait3A_220] : memref<10000x128xf32, #tpu.memory_space<hbm>> -> memref<64x128xf32, #tpu.memory_space<hbm>>
      %dma_wait3A_222 = arith.constant 0 : i32
      %dma_wait3A_223 = arith.constant 0 : i32
      %dma_wait3A_224 = tpu.memref_slice %arg10[%dma_wait3A_214, %dma_wait3A_222, %dma_wait3A_223] : memref<2x64x128xf32, #tpu.memory_space<vmem>> -> memref<1x64x128xf32, #tpu.memory_space<vmem>>
      %dma_wait3A_225 = tpu.memref_squeeze %dma_wait3A_224 : memref<1x64x128xf32, #tpu.memory_space<vmem>> -> memref<64x128xf32, #tpu.memory_space<vmem>>
      %dma_wait3A_226 = arith.constant 0 : i32
      %dma_wait3A_227 = arith.constant 0 : i32
      %dma_wait3A_228 = tpu.memref_slice %arg2[%dma_wait3A_226, %dma_wait3A_227] : memref<10000x128xf32, #tpu.memory_space<hbm>> -> memref<64x128xf32, #tpu.memory_space<hbm>>
      tpu.wait_dma2 semaphore(%arg11 : memref<!tpu.dma_semaphore, #tpu.memory_space<semaphore_mem>>) src(%dma_wait3A_228 : memref<64x128xf32, #tpu.memory_space<hbm>>) dst(%dma_wait3A_225 : memref<64x128xf32, #tpu.memory_space<vmem>>)
      %run_scoped3A_229 = arith.constant 0 : i32
      "tpu.region"() ({
        %run_scoped3A_261 = tpu.sem_alloc : memref<!tpu.dma_semaphore, #tpu.memory_space<semaphore_mem>>
        %dma_start3A_262 = arith.constant 0 : i32
        %dma_start3A_263 = arith.constant 0 : i32
        %dma_start3A_264 = tpu.memref_slice %arg10[%run_scoped3A_229, %dma_start3A_262, %dma_start3A_263] : memref<2x64x128xf32, #tpu.memory_space<vmem>> -> memref<1x64x128xf32, #tpu.memory_space<vmem>>
        %dma_start3A_265 = tpu.memref_squeeze %dma_start3A_264 : memref<1x64x128xf32, #tpu.memory_space<vmem>> -> memref<64x128xf32, #tpu.memory_space<vmem>>
        %dma_start3A_266 = arith.constant 0 : i32
        %dma_start3A_267 = tpu.memref_slice %arg8[%mul3A_200, %dma_start3A_266] : memref<157x64xi32, #tpu.memory_space<vmem>> -> memref<1x64xi32, #tpu.memory_space<vmem>>
        %dma_start3A_268 = tpu.memref_squeeze %dma_start3A_267 : memref<1x64xi32, #tpu.memory_space<vmem>> -> memref<64xi32, #tpu.memory_space<vmem>>
        %dma_start3A_269 = arith.constant 0 : i32
        %dma_start3A_270 = arith.constant 0 : i32
        %dma_start3A_271 = tpu.memref_slice %arg13[%dma_start3A_269, %dma_start3A_270] : memref<10112x128xf32, #tpu.memory_space<vmem_shared>> -> memref<10112x128xf32, #tpu.memory_space<vmem_shared>>
        tpu.enqueue_indirect_dma source(%dma_start3A_265 : memref<64x128xf32, #tpu.memory_space<vmem>>) target(%dma_start3A_271 : memref<10112x128xf32, #tpu.memory_space<vmem_shared>>) offsets(%dma_start3A_268 : memref<64xi32, #tpu.memory_space<vmem>>) semaphore(%run_scoped3A_261 : memref<!tpu.dma_semaphore, #tpu.memory_space<semaphore_mem>>) {add = true}
        %dma_wait3A_272 = arith.constant 0 : i32
        %dma_wait3A_273 = arith.constant 0 : i32
        %dma_wait3A_274 = tpu.memref_slice %arg10[%run_scoped3A_229, %dma_wait3A_272, %dma_wait3A_273] : memref<2x64x128xf32, #tpu.memory_space<vmem>> -> memref<1x64x128xf32, #tpu.memory_space<vmem>>
        %dma_wait3A_275 = tpu.memref_squeeze %dma_wait3A_274 : memref<1x64x128xf32, #tpu.memory_space<vmem>> -> memref<64x128xf32, #tpu.memory_space<vmem>>
        %dma_wait3A_276 = arith.constant 0 : i32
        %dma_wait3A_277 = tpu.memref_slice %arg8[%mul3A_200, %dma_wait3A_276] : memref<157x64xi32, #tpu.memory_space<vmem>> -> memref<1x64xi32, #tpu.memory_space<vmem>>
        %dma_wait3A_278 = tpu.memref_squeeze %dma_wait3A_277 : memref<1x64xi32, #tpu.memory_space<vmem>> -> memref<64xi32, #tpu.memory_space<vmem>>
        %dma_wait3A_279 = arith.constant 0 : i32
        %dma_wait3A_280 = arith.constant 0 : i32
        %dma_wait3A_281 = tpu.memref_slice %arg13[%dma_wait3A_279, %dma_wait3A_280] : memref<10112x128xf32, #tpu.memory_space<vmem_shared>> -> memref<10112x128xf32, #tpu.memory_space<vmem_shared>>
        tpu.wait_indirect_dma semaphore(%run_scoped3A_261 : memref<!tpu.dma_semaphore, #tpu.memory_space<semaphore_mem>>) src(%dma_wait3A_275 : memref<64x128xf32, #tpu.memory_space<vmem>>) dst(%dma_wait3A_281 : memref<10112x128xf32, #tpu.memory_space<vmem_shared>>)
        tpu.yield
      }) : () -> ()
      %add3A_230 = arith.constant 2 : i32
      %add3A_231 = arith.addi %mul3A_200, %add3A_230 : i32
      %mul3A_232 = arith.constant 64 : i32
      %mul3A_233 = arith.muli %add3A_231, %mul3A_232 : i32
      %dma_start3A_234 = arith.constant 0 : i32
      %dma_start3A_235 = arith.constant 0 : i32
      %dma_start3A_236 = arith.constant 0 : i32
      %dma_start3A_237 = tpu.memref_slice %arg10[%dma_start3A_234, %dma_start3A_235, %dma_start3A_236] : memref<2x64x128xf32, #tpu.memory_space<vmem>> -> memref<1x64x128xf32, #tpu.memory_space<vmem>>
      %dma_start3A_238 = tpu.memref_squeeze %dma_start3A_237 : memref<1x64x128xf32, #tpu.memory_space<vmem>> -> memref<64x128xf32, #tpu.memory_space<vmem>>
      %dma_start3A_239 = tpu.memref_slice %arg7[%mul3A_233] : memref<10048xi32, #tpu.memory_space<vmem>> -> memref<64xi32, #tpu.memory_space<vmem>>
      %dma_start3A_240 = arith.constant 0 : i32
      %dma_start3A_241 = arith.constant 0 : i32
      %dma_start3A_242 = tpu.memref_slice %arg2[%dma_start3A_240, %dma_start3A_241] : memref<10000x128xf32, #tpu.memory_space<hbm>> -> memref<10000x128xf32, #tpu.memory_space<hbm>>
      tpu.enqueue_indirect_dma source(%dma_start3A_242 : memref<10000x128xf32, #tpu.memory_space<hbm>>) target(%dma_start3A_238 : memref<64x128xf32, #tpu.memory_space<vmem>>) offsets(%dma_start3A_239 : memref<64xi32, #tpu.memory_space<vmem>>) semaphore(%arg11 : memref<!tpu.dma_semaphore, #tpu.memory_space<semaphore_mem>>)
      %dma_wait3A_243 = arith.constant 1 : i32
      %dma_wait3A_244 = arith.constant 0 : i32
      %dma_wait3A_245 = arith.constant 0 : i32
      %dma_wait3A_246 = tpu.memref_slice %arg10[%dma_wait3A_243, %dma_wait3A_244, %dma_wait3A_245] : memref<2x64x128xf32, #tpu.memory_space<vmem>> -> memref<1x64x128xf32, #tpu.memory_space<vmem>>
      %dma_wait3A_247 = tpu.memref_squeeze %dma_wait3A_246 : memref<1x64x128xf32, #tpu.memory_space<vmem>> -> memref<64x128xf32, #tpu.memory_space<vmem>>
      %dma_wait3A_248 = arith.constant 0 : i32
      %dma_wait3A_249 = arith.constant 0 : i32
      %dma_wait3A_250 = tpu.memref_slice %arg2[%dma_wait3A_248, %dma_wait3A_249] : memref<10000x128xf32, #tpu.memory_space<hbm>> -> memref<64x128xf32, #tpu.memory_space<hbm>>
      %dma_wait3A_251 = arith.constant 0 : i32
      %dma_wait3A_252 = arith.constant 0 : i32
      %dma_wait3A_253 = tpu.memref_slice %arg10[%dma_wait3A_243, %dma_wait3A_251, %dma_wait3A_252] : memref<2x64x128xf32, #tpu.memory_space<vmem>> -> memref<1x64x128xf32, #tpu.memory_space<vmem>>
      %dma_wait3A_254 = tpu.memref_squeeze %dma_wait3A_253 : memref<1x64x128xf32, #tpu.memory_space<vmem>> -> memref<64x128xf32, #tpu.memory_space<vmem>>
      %dma_wait3A_255 = arith.constant 0 : i32
      %dma_wait3A_256 = arith.constant 0 : i32
      %dma_wait3A_257 = tpu.memref_slice %arg2[%dma_wait3A_255, %dma_wait3A_256] : memref<10000x128xf32, #tpu.memory_space<hbm>> -> memref<64x128xf32, #tpu.memory_space<hbm>>
      tpu.wait_dma2 semaphore(%arg12 : memref<!tpu.dma_semaphore, #tpu.memory_space<semaphore_mem>>) src(%dma_wait3A_257 : memref<64x128xf32, #tpu.memory_space<hbm>>) dst(%dma_wait3A_254 : memref<64x128xf32, #tpu.memory_space<vmem>>)
      %add3A_258 = arith.constant 1 : i32
      %add3A_259 = arith.addi %mul3A_200, %add3A_258 : i32
      %run_scoped3A_260 = arith.constant 1 : i32
      "tpu.region"() ({
        %run_scoped3A_261 = tpu.sem_alloc : memref<!tpu.dma_semaphore, #tpu.memory_space<semaphore_mem>>
        %dma_start3A_262 = arith.constant 0 : i32
        %dma_start3A_263 = arith.constant 0 : i32
        %dma_start3A_264 = tpu.memref_slice %arg10[%run_scoped3A_260, %dma_start3A_262, %dma_start3A_263] : memref<2x64x128xf32, #tpu.memory_space<vmem>> -> memref<1x64x128xf32, #tpu.memory_space<vmem>>
        %dma_start3A_265 = tpu.memref_squeeze %dma_start3A_264 : memref<1x64x128xf32, #tpu.memory_space<vmem>> -> memref<64x128xf32, #tpu.memory_space<vmem>>
        %dma_start3A_266 = arith.constant 0 : i32
        %dma_start3A_267 = tpu.memref_slice %arg8[%add3A_259, %dma_start3A_266] : memref<157x64xi32, #tpu.memory_space<vmem>> -> memref<1x64xi32, #tpu.memory_space<vmem>>
        %dma_start3A_268 = tpu.memref_squeeze %dma_start3A_267 : memref<1x64xi32, #tpu.memory_space<vmem>> -> memref<64xi32, #tpu.memory_space<vmem>>
        %dma_start3A_269 = arith.constant 0 : i32
        %dma_start3A_270 = arith.constant 0 : i32
        %dma_start3A_271 = tpu.memref_slice %arg13[%dma_start3A_269, %dma_start3A_270] : memref<10112x128xf32, #tpu.memory_space<vmem_shared>> -> memref<10112x128xf32, #tpu.memory_space<vmem_shared>>
        tpu.enqueue_indirect_dma source(%dma_start3A_265 : memref<64x128xf32, #tpu.memory_space<vmem>>) target(%dma_start3A_271 : memref<10112x128xf32, #tpu.memory_space<vmem_shared>>) offsets(%dma_start3A_268 : memref<64xi32, #tpu.memory_space<vmem>>) semaphore(%run_scoped3A_261 : memref<!tpu.dma_semaphore, #tpu.memory_space<semaphore_mem>>) {add = true}
        %dma_wait3A_272 = arith.constant 0 : i32
        %dma_wait3A_273 = arith.constant 0 : i32
        %dma_wait3A_274 = tpu.memref_slice %arg10[%run_scoped3A_260, %dma_wait3A_272, %dma_wait3A_273] : memref<2x64x128xf32, #tpu.memory_space<vmem>> -> memref<1x64x128xf32, #tpu.memory_space<vmem>>
        %dma_wait3A_275 = tpu.memref_squeeze %dma_wait3A_274 : memref<1x64x128xf32, #tpu.memory_space<vmem>> -> memref<64x128xf32, #tpu.memory_space<vmem>>
        %dma_wait3A_276 = arith.constant 0 : i32
        %dma_wait3A_277 = tpu.memref_slice %arg8[%add3A_259, %dma_wait3A_276] : memref<157x64xi32, #tpu.memory_space<vmem>> -> memref<1x64xi32, #tpu.memory_space<vmem>>
        %dma_wait3A_278 = tpu.memref_squeeze %dma_wait3A_277 : memref<1x64xi32, #tpu.memory_space<vmem>> -> memref<64xi32, #tpu.memory_space<vmem>>
        %dma_wait3A_279 = arith.constant 0 : i32
        %dma_wait3A_280 = arith.constant 0 : i32
        %dma_wait3A_281 = tpu.memref_slice %arg13[%dma_wait3A_279, %dma_wait3A_280] : memref<10112x128xf32, #tpu.memory_space<vmem_shared>> -> memref<10112x128xf32, #tpu.memory_space<vmem_shared>>
        tpu.wait_indirect_dma semaphore(%run_scoped3A_261 : memref<!tpu.dma_semaphore, #tpu.memory_space<semaphore_mem>>) src(%dma_wait3A_275 : memref<64x128xf32, #tpu.memory_space<vmem>>) dst(%dma_wait3A_281 : memref<10112x128xf32, #tpu.memory_space<vmem_shared>>)
        tpu.yield
      }) : () -> ()
    }
    %scan3A_98 = arith.constant 78 : i32
    %dma_wait3A_99 = arith.constant 0 : i32
    %dma_wait3A_100 = arith.constant 0 : i32
    %dma_wait3A_101 = arith.constant 0 : i32
    %dma_wait3A_102 = tpu.memref_slice %arg10[%dma_wait3A_99, %dma_wait3A_100, %dma_wait3A_101] : memref<2x64x128xf32, #tpu.memory_space<vmem>> -> memref<1x64x128xf32, #tpu.memory_space<vmem>>
    %dma_wait3A_103 = tpu.memref_squeeze %dma_wait3A_102 : memref<1x64x128xf32, #tpu.memory_space<vmem>> -> memref<64x128xf32, #tpu.memory_space<vmem>>
    %dma_wait3A_104 = arith.constant 0 : i32
    %dma_wait3A_105 = arith.constant 0 : i32
    %dma_wait3A_106 = tpu.memref_slice %arg2[%dma_wait3A_104, %dma_wait3A_105] : memref<10000x128xf32, #tpu.memory_space<hbm>> -> memref<64x128xf32, #tpu.memory_space<hbm>>
    %dma_wait3A_107 = arith.constant 0 : i32
    %dma_wait3A_108 = arith.constant 0 : i32
    %dma_wait3A_109 = tpu.memref_slice %arg10[%dma_wait3A_99, %dma_wait3A_107, %dma_wait3A_108] : memref<2x64x128xf32, #tpu.memory_space<vmem>> -> memref<1x64x128xf32, #tpu.memory_space<vmem>>
    %dma_wait3A_110 = tpu.memref_squeeze %dma_wait3A_109 : memref<1x64x128xf32, #tpu.memory_space<vmem>> -> memref<64x128xf32, #tpu.memory_space<vmem>>
    %dma_wait3A_111 = arith.constant 0 : i32
    %dma_wait3A_112 = arith.constant 0 : i32
    %dma_wait3A_113 = tpu.memref_slice %arg2[%dma_wait3A_111, %dma_wait3A_112] : memref<10000x128xf32, #tpu.memory_space<hbm>> -> memref<64x128xf32, #tpu.memory_space<hbm>>
    tpu.wait_dma2 semaphore(%arg11 : memref<!tpu.dma_semaphore, #tpu.memory_space<semaphore_mem>>) src(%dma_wait3A_113 : memref<64x128xf32, #tpu.memory_space<hbm>>) dst(%dma_wait3A_110 : memref<64x128xf32, #tpu.memory_space<vmem>>)
    %run_scoped3A_114 = arith.constant 0 : i32
    %run_scoped3A_115 = arith.constant 156 : i32
    "tpu.region"() ({
      %run_scoped3A_198 = tpu.sem_alloc : memref<!tpu.dma_semaphore, #tpu.memory_space<semaphore_mem>>
      %dma_start3A_199 = arith.constant 0 : i32
      %dma_start3A_200 = arith.constant 0 : i32
      %dma_start3A_201 = tpu.memref_slice %arg10[%run_scoped3A_114, %dma_start3A_199, %dma_start3A_200] : memref<2x64x128xf32, #tpu.memory_space<vmem>> -> memref<1x64x128xf32, #tpu.memory_space<vmem>>
      %dma_start3A_202 = tpu.memref_squeeze %dma_start3A_201 : memref<1x64x128xf32, #tpu.memory_space<vmem>> -> memref<64x128xf32, #tpu.memory_space<vmem>>
      %dma_start3A_203 = arith.constant 0 : i32
      %dma_start3A_204 = tpu.memref_slice %arg8[%run_scoped3A_115, %dma_start3A_203] : memref<157x64xi32, #tpu.memory_space<vmem>> -> memref<1x64xi32, #tpu.memory_space<vmem>>
      %dma_start3A_205 = tpu.memref_squeeze %dma_start3A_204 : memref<1x64xi32, #tpu.memory_space<vmem>> -> memref<64xi32, #tpu.memory_space<vmem>>
      %dma_start3A_206 = arith.constant 0 : i32
      %dma_start3A_207 = arith.constant 0 : i32
      %dma_start3A_208 = tpu.memref_slice %arg13[%dma_start3A_206, %dma_start3A_207] : memref<10112x128xf32, #tpu.memory_space<vmem_shared>> -> memref<10112x128xf32, #tpu.memory_space<vmem_shared>>
      tpu.enqueue_indirect_dma source(%dma_start3A_202 : memref<64x128xf32, #tpu.memory_space<vmem>>) target(%dma_start3A_208 : memref<10112x128xf32, #tpu.memory_space<vmem_shared>>) offsets(%dma_start3A_205 : memref<64xi32, #tpu.memory_space<vmem>>) semaphore(%run_scoped3A_198 : memref<!tpu.dma_semaphore, #tpu.memory_space<semaphore_mem>>) {add = true}
      %dma_wait3A_209 = arith.constant 0 : i32
      %dma_wait3A_210 = arith.constant 0 : i32
      %dma_wait3A_211 = tpu.memref_slice %arg10[%run_scoped3A_114, %dma_wait3A_209, %dma_wait3A_210] : memref<2x64x128xf32, #tpu.memory_space<vmem>> -> memref<1x64x128xf32, #tpu.memory_space<vmem>>
      %dma_wait3A_212 = tpu.memref_squeeze %dma_wait3A_211 : memref<1x64x128xf32, #tpu.memory_space<vmem>> -> memref<64x128xf32, #tpu.memory_space<vmem>>
      %dma_wait3A_213 = arith.constant 0 : i32
      %dma_wait3A_214 = tpu.memref_slice %arg8[%run_scoped3A_115, %dma_wait3A_213] : memref<157x64xi32, #tpu.memory_space<vmem>> -> memref<1x64xi32, #tpu.memory_space<vmem>>
      %dma_wait3A_215 = tpu.memref_squeeze %dma_wait3A_214 : memref<1x64xi32, #tpu.memory_space<vmem>> -> memref<64xi32, #tpu.memory_space<vmem>>
      %dma_wait3A_216 = arith.constant 0 : i32
      %dma_wait3A_217 = arith.constant 0 : i32
      %dma_wait3A_218 = tpu.memref_slice %arg13[%dma_wait3A_216, %dma_wait3A_217] : memref<10112x128xf32, #tpu.memory_space<vmem_shared>> -> memref<10112x128xf32, #tpu.memory_space<vmem_shared>>
      tpu.wait_indirect_dma semaphore(%run_scoped3A_198 : memref<!tpu.dma_semaphore, #tpu.memory_space<semaphore_mem>>) src(%dma_wait3A_212 : memref<64x128xf32, #tpu.memory_space<vmem>>) dst(%dma_wait3A_218 : memref<10112x128xf32, #tpu.memory_space<vmem_shared>>)
      tpu.yield
    }) : () -> ()
    %barrier3A_116 = arith.constant 0 : index
    tpu.barrier barrier_id(%barrier3A_116)
    %run_scoped3A_117 = arith.constant 1 : i32
    "tpu.region"() ({
      %run_scoped3A_198 = tpu.sem_alloc : memref<!tpu.dma_semaphore, #tpu.memory_space<semaphore_mem>>
      %dma_start3A_199 = arith.constant 0 : i32
      %dma_start3A_200 = tpu.memref_slice %arg6[%run_scoped3A_117, %arg0, %mul3A_2, %dma_start3A_199] : memref<4x2x10112x128xf32, #tpu.memory_space<hbm>> -> memref<1x1x632x128xf32, #tpu.memory_space<hbm>>
      %dma_start3A_201 = tpu.memref_squeeze %dma_start3A_200 : memref<1x1x632x128xf32, #tpu.memory_space<hbm>> -> memref<632x128xf32, #tpu.memory_space<hbm>>
      %dma_start3A_202 = arith.constant 0 : i32
      %dma_start3A_203 = tpu.memref_slice %arg13[%mul3A_2, %dma_start3A_202] : memref<10112x128xf32, #tpu.memory_space<vmem_shared>> -> memref<632x128xf32, #tpu.memory_space<vmem_shared>>
      tpu.enqueue_dma source(%dma_start3A_203 : memref<632x128xf32, #tpu.memory_space<vmem_shared>>) target(%dma_start3A_201 : memref<632x128xf32, #tpu.memory_space<hbm>>) target_semaphore(%run_scoped3A_198 : memref<!tpu.dma_semaphore, #tpu.memory_space<semaphore_mem>>)
      %dma_wait3A_204 = arith.constant 0 : i32
      %dma_wait3A_205 = tpu.memref_slice %arg6[%run_scoped3A_117, %arg0, %mul3A_2, %dma_wait3A_204] : memref<4x2x10112x128xf32, #tpu.memory_space<hbm>> -> memref<1x1x632x128xf32, #tpu.memory_space<hbm>>
      %dma_wait3A_206 = tpu.memref_squeeze %dma_wait3A_205 : memref<1x1x632x128xf32, #tpu.memory_space<hbm>> -> memref<632x128xf32, #tpu.memory_space<hbm>>
      %dma_wait3A_207 = arith.constant 0 : i32
      %dma_wait3A_208 = tpu.memref_slice %arg13[%mul3A_2, %dma_wait3A_207] : memref<10112x128xf32, #tpu.memory_space<vmem_shared>> -> memref<632x128xf32, #tpu.memory_space<vmem_shared>>
      tpu.wait_dma2 semaphore(%run_scoped3A_198 : memref<!tpu.dma_semaphore, #tpu.memory_space<semaphore_mem>>) src(%dma_wait3A_208 : memref<632x128xf32, #tpu.memory_space<vmem_shared>>) dst(%dma_wait3A_206 : memref<632x128xf32, #tpu.memory_space<hbm>>)
      tpu.yield
    }) : () -> ()
    "tpu.region"() ({
      %run_scoped3A_198 = tpu.sem_alloc : memref<!tpu.dma_semaphore, #tpu.memory_space<semaphore_mem>>
      %dma_start3A_199 = arith.constant 0 : i32
      %dma_start3A_200 = arith.constant 0 : i32
      %dma_start3A_201 = tpu.memref_slice %arg4[%add3A, %dma_start3A_199, %dma_start3A_200] : memref<32x157x64xi32, #tpu.memory_space<hbm>> -> memref<1x157x64xi32, #tpu.memory_space<hbm>>
      %dma_start3A_202 = tpu.memref_squeeze %dma_start3A_201 : memref<1x157x64xi32, #tpu.memory_space<hbm>> -> memref<157x64xi32, #tpu.memory_space<hbm>>
      %dma_start3A_203 = arith.constant 0 : i32
      %dma_start3A_204 = arith.constant 0 : i32
      %dma_start3A_205 = tpu.memref_slice %arg4[%add3A, %dma_start3A_203, %dma_start3A_204] : memref<32x157x64xi32, #tpu.memory_space<hbm>> -> memref<1x157x64xi32, #tpu.memory_space<hbm>>
      %dma_start3A_206 = tpu.memref_squeeze %dma_start3A_205 : memref<1x157x64xi32, #tpu.memory_space<hbm>> -> memref<157x64xi32, #tpu.memory_space<hbm>>
      tpu.enqueue_dma source(%dma_start3A_206 : memref<157x64xi32, #tpu.memory_space<hbm>>) target(%arg8 : memref<157x64xi32, #tpu.memory_space<vmem>>) target_semaphore(%run_scoped3A_198 : memref<!tpu.dma_semaphore, #tpu.memory_space<semaphore_mem>>)
      %dma_wait3A_207 = arith.constant 0 : i32
      %dma_wait3A_208 = arith.constant 0 : i32
      %dma_wait3A_209 = tpu.memref_slice %arg4[%add3A, %dma_wait3A_207, %dma_wait3A_208] : memref<32x157x64xi32, #tpu.memory_space<hbm>> -> memref<1x157x64xi32, #tpu.memory_space<hbm>>
      %dma_wait3A_210 = tpu.memref_squeeze %dma_wait3A_209 : memref<1x157x64xi32, #tpu.memory_space<hbm>> -> memref<157x64xi32, #tpu.memory_space<hbm>>
      %dma_wait3A_211 = arith.constant 0 : i32
      %dma_wait3A_212 = arith.constant 0 : i32
      %dma_wait3A_213 = tpu.memref_slice %arg4[%add3A, %dma_wait3A_211, %dma_wait3A_212] : memref<32x157x64xi32, #tpu.memory_space<hbm>> -> memref<1x157x64xi32, #tpu.memory_space<hbm>>
      %dma_wait3A_214 = tpu.memref_squeeze %dma_wait3A_213 : memref<1x157x64xi32, #tpu.memory_space<hbm>> -> memref<157x64xi32, #tpu.memory_space<hbm>>
      tpu.wait_dma2 semaphore(%run_scoped3A_198 : memref<!tpu.dma_semaphore, #tpu.memory_space<semaphore_mem>>) src(%dma_wait3A_214 : memref<157x64xi32, #tpu.memory_space<hbm>>) dst(%arg8 : memref<157x64xi32, #tpu.memory_space<vmem>>)
      tpu.yield
    }) : () -> ()
    %scan3A_118 = arith.constant 0 : i32
    %scan3A_119 = arith.constant 157 : i32
    %scan3A_120 = arith.addi %scan3A_118, %scan3A_119 : i32
    %scan3A_121 = arith.constant 1 : i32
    scf.for %scan3A_198 = %scan3A_118 to %scan3A_120 step %scan3A_121  : i32 {
      %mul3A_199 = arith.constant 64 : i32
      %mul3A_200 = arith.muli %scan3A_198, %mul3A_199 : i32
      %add3A_201 = arith.constant 0 : i32
      %add3A_202 = arith.addi %mul3A_200, %add3A_201 : i32
      %get3A = arith.index_cast %add3A_202 : i32 to index
      %get3A_203 = tpu.vector_load %arg7[%get3A] {strides = array<i32>} : memref<10048xi32, #tpu.memory_space<vmem>>, vector<16xi32>,
      %get3A_204 = arith.index_cast %scan3A_198 : i32 to index
      %get3A_205 = arith.constant 0 : index
      %get3A_206 = tpu.vector_load %arg8[%get3A_204, %get3A_205] {strides = array<i32>} : memref<157x64xi32, #tpu.memory_space<vmem>>, vector<16xi32>,
      %shift_right_logical3A = arith.constant 3 : i32
      %shift_right_logical3A_207 = vector.broadcast %shift_right_logical3A : i32 to vector<16xi32>
      %shift_right_logical3A_208 = arith.shrui %get3A_203, %shift_right_logical3A_207 : vector<16xi32>
      %gather3A = tpu.vector_load_idx %arg9[%shift_right_logical3A_208] : memref<1256xi32, #tpu.memory_space<vmem>>[vector<16xi32>], vector<16xi32>,
      %and3A = arith.constant 7 : i32
      %and3A_209 = vector.broadcast %and3A : i32 to vector<16xi32>
      %and3A_210 = arith.andi %get3A_203, %and3A_209 : vector<16xi32>
      %shift_left3A = arith.constant 2 : i32
      %shift_left3A_211 = vector.broadcast %shift_left3A : i32 to vector<16xi32>
      %shift_left3A_212 = arith.shli %and3A_210, %shift_left3A_211 : vector<16xi32>
      %add3A_213 = arith.constant 2 : i32
      %add3A_214 = vector.broadcast %add3A_213 : i32 to vector<16xi32>
      %add3A_215 = arith.addi %shift_left3A_212, %add3A_214 : vector<16xi32>
      %shift_right_logical3A_216 = arith.shrui %gather3A, %add3A_215 : vector<16xi32>
      %and3A_217 = arith.constant 1 : i32
      %and3A_218 = vector.broadcast %and3A_217 : i32 to vector<16xi32>
      %and3A_219 = arith.andi %shift_right_logical3A_216, %and3A_218 : vector<16xi32>
      %ne3A = arith.constant 0 : i32
      %ne3A_220 = vector.broadcast %ne3A : i32 to vector<16xi32>
      %ne3A_221 = arith.cmpi ne, %and3A_219, %ne3A_220 : vector<16xi32>
      %select_n3A = arith.select %ne3A_221, %broadcast_in_dim3A_40, %get3A_206 : vector<16xi1>, vector<16xi32>
      %swap3A = arith.index_cast %scan3A_198 : i32 to index
      %swap3A_222 = arith.constant 0 : index
      %swap3A_223 = tpu.vector_load %arg8[%swap3A, %swap3A_222] {strides = array<i32>} : memref<157x64xi32, #tpu.memory_space<vmem>>, vector<16xi32>,
      tpu.vector_store %arg8[%swap3A, %swap3A_222], %select_n3A {strides = array<i32>} : memref<157x64xi32, #tpu.memory_space<vmem>>, vector<16xi32>,
      %add3A_224 = arith.constant 16 : i32
      %add3A_225 = arith.addi %mul3A_200, %add3A_224 : i32
      %get3A_226 = arith.index_cast %add3A_225 : i32 to index
      %get3A_227 = tpu.vector_load %arg7[%get3A_226] {strides = array<i32>} : memref<10048xi32, #tpu.memory_space<vmem>>, vector<16xi32>,
      %get3A_228 = arith.index_cast %scan3A_198 : i32 to index
      %get3A_229 = arith.constant 16 : index
      %get3A_230 = tpu.vector_load %arg8[%get3A_228, %get3A_229] {strides = array<i32>} : memref<157x64xi32, #tpu.memory_space<vmem>>, vector<16xi32>,
      %shift_right_logical3A_231 = arith.constant 3 : i32
      %shift_right_logical3A_232 = vector.broadcast %shift_right_logical3A_231 : i32 to vector<16xi32>
      %shift_right_logical3A_233 = arith.shrui %get3A_227, %shift_right_logical3A_232 : vector<16xi32>
      %gather3A_234 = tpu.vector_load_idx %arg9[%shift_right_logical3A_233] : memref<1256xi32, #tpu.memory_space<vmem>>[vector<16xi32>], vector<16xi32>,
      %and3A_235 = arith.constant 7 : i32
      %and3A_236 = vector.broadcast %and3A_235 : i32 to vector<16xi32>
      %and3A_237 = arith.andi %get3A_227, %and3A_236 : vector<16xi32>
      %shift_left3A_238 = arith.constant 2 : i32
      %shift_left3A_239 = vector.broadcast %shift_left3A_238 : i32 to vector<16xi32>
      %shift_left3A_240 = arith.shli %and3A_237, %shift_left3A_239 : vector<16xi32>
      %add3A_241 = arith.constant 2 : i32
      %add3A_242 = vector.broadcast %add3A_241 : i32 to vector<16xi32>
      %add3A_243 = arith.addi %shift_left3A_240, %add3A_242 : vector<16xi32>
      %shift_right_logical3A_244 = arith.shrui %gather3A_234, %add3A_243 : vector<16xi32>
      %and3A_245 = arith.constant 1 : i32
      %and3A_246 = vector.broadcast %and3A_245 : i32 to vector<16xi32>
      %and3A_247 = arith.andi %shift_right_logical3A_244, %and3A_246 : vector<16xi32>
      %ne3A_248 = arith.constant 0 : i32
      %ne3A_249 = vector.broadcast %ne3A_248 : i32 to vector<16xi32>
      %ne3A_250 = arith.cmpi ne, %and3A_247, %ne3A_249 : vector<16xi32>
      %select_n3A_251 = arith.select %ne3A_250, %broadcast_in_dim3A_40, %get3A_230 : vector<16xi1>, vector<16xi32>
      %swap3A_252 = arith.index_cast %scan3A_198 : i32 to index
      %swap3A_253 = arith.constant 16 : index
      %swap3A_254 = tpu.vector_load %arg8[%swap3A_252, %swap3A_253] {strides = array<i32>} : memref<157x64xi32, #tpu.memory_space<vmem>>, vector<16xi32>,
      tpu.vector_store %arg8[%swap3A_252, %swap3A_253], %select_n3A_251 {strides = array<i32>} : memref<157x64xi32, #tpu.memory_space<vmem>>, vector<16xi32>,
      %add3A_255 = arith.constant 32 : i32
      %add3A_256 = arith.addi %mul3A_200, %add3A_255 : i32
      %get3A_257 = arith.index_cast %add3A_256 : i32 to index
      %get3A_258 = tpu.vector_load %arg7[%get3A_257] {strides = array<i32>} : memref<10048xi32, #tpu.memory_space<vmem>>, vector<16xi32>,
      %get3A_259 = arith.index_cast %scan3A_198 : i32 to index
      %get3A_260 = arith.constant 32 : index
      %get3A_261 = tpu.vector_load %arg8[%get3A_259, %get3A_260] {strides = array<i32>} : memref<157x64xi32, #tpu.memory_space<vmem>>, vector<16xi32>,
      %shift_right_logical3A_262 = arith.constant 3 : i32
      %shift_right_logical3A_263 = vector.broadcast %shift_right_logical3A_262 : i32 to vector<16xi32>
      %shift_right_logical3A_264 = arith.shrui %get3A_258, %shift_right_logical3A_263 : vector<16xi32>
      %gather3A_265 = tpu.vector_load_idx %arg9[%shift_right_logical3A_264] : memref<1256xi32, #tpu.memory_space<vmem>>[vector<16xi32>], vector<16xi32>,
      %and3A_266 = arith.constant 7 : i32
      %and3A_267 = vector.broadcast %and3A_266 : i32 to vector<16xi32>
      %and3A_268 = arith.andi %get3A_258, %and3A_267 : vector<16xi32>
      %shift_left3A_269 = arith.constant 2 : i32
      %shift_left3A_270 = vector.broadcast %shift_left3A_269 : i32 to vector<16xi32>
      %shift_left3A_271 = arith.shli %and3A_268, %shift_left3A_270 : vector<16xi32>
      %add3A_272 = arith.constant 2 : i32
      %add3A_273 = vector.broadcast %add3A_272 : i32 to vector<16xi32>
      %add3A_274 = arith.addi %shift_left3A_271, %add3A_273 : vector<16xi32>
      %shift_right_logical3A_275 = arith.shrui %gather3A_265, %add3A_274 : vector<16xi32>
      %and3A_276 = arith.constant 1 : i32
      %and3A_277 = vector.broadcast %and3A_276 : i32 to vector<16xi32>
      %and3A_278 = arith.andi %shift_right_logical3A_275, %and3A_277 : vector<16xi32>
      %ne3A_279 = arith.constant 0 : i32
      %ne3A_280 = vector.broadcast %ne3A_279 : i32 to vector<16xi32>
      %ne3A_281 = arith.cmpi ne, %and3A_278, %ne3A_280 : vector<16xi32>
      %select_n3A_282 = arith.select %ne3A_281, %broadcast_in_dim3A_40, %get3A_261 : vector<16xi1>, vector<16xi32>
      %swap3A_283 = arith.index_cast %scan3A_198 : i32 to index
      %swap3A_284 = arith.constant 32 : index
      %swap3A_285 = tpu.vector_load %arg8[%swap3A_283, %swap3A_284] {strides = array<i32>} : memref<157x64xi32, #tpu.memory_space<vmem>>, vector<16xi32>,
      tpu.vector_store %arg8[%swap3A_283, %swap3A_284], %select_n3A_282 {strides = array<i32>} : memref<157x64xi32, #tpu.memory_space<vmem>>, vector<16xi32>,
      %add3A_286 = arith.constant 48 : i32
      %add3A_287 = arith.addi %mul3A_200, %add3A_286 : i32
      %get3A_288 = arith.index_cast %add3A_287 : i32 to index
      %get3A_289 = tpu.vector_load %arg7[%get3A_288] {strides = array<i32>} : memref<10048xi32, #tpu.memory_space<vmem>>, vector<16xi32>,
      %get3A_290 = arith.index_cast %scan3A_198 : i32 to index
      %get3A_291 = arith.constant 48 : index
      %get3A_292 = tpu.vector_load %arg8[%get3A_290, %get3A_291] {strides = array<i32>} : memref<157x64xi32, #tpu.memory_space<vmem>>, vector<16xi32>,
      %shift_right_logical3A_293 = arith.constant 3 : i32
      %shift_right_logical3A_294 = vector.broadcast %shift_right_logical3A_293 : i32 to vector<16xi32>
      %shift_right_logical3A_295 = arith.shrui %get3A_289, %shift_right_logical3A_294 : vector<16xi32>
      %gather3A_296 = tpu.vector_load_idx %arg9[%shift_right_logical3A_295] : memref<1256xi32, #tpu.memory_space<vmem>>[vector<16xi32>], vector<16xi32>,
      %and3A_297 = arith.constant 7 : i32
      %and3A_298 = vector.broadcast %and3A_297 : i32 to vector<16xi32>
      %and3A_299 = arith.andi %get3A_289, %and3A_298 : vector<16xi32>
      %shift_left3A_300 = arith.constant 2 : i32
      %shift_left3A_301 = vector.broadcast %shift_left3A_300 : i32 to vector<16xi32>
      %shift_left3A_302 = arith.shli %and3A_299, %shift_left3A_301 : vector<16xi32>
      %add3A_303 = arith.constant 2 : i32
      %add3A_304 = vector.broadcast %add3A_303 : i32 to vector<16xi32>
      %add3A_305 = arith.addi %shift_left3A_302, %add3A_304 : vector<16xi32>
      %shift_right_logical3A_306 = arith.shrui %gather3A_296, %add3A_305 : vector<16xi32>
      %and3A_307 = arith.constant 1 : i32
      %and3A_308 = vector.broadcast %and3A_307 : i32 to vector<16xi32>
      %and3A_309 = arith.andi %shift_right_logical3A_306, %and3A_308 : vector<16xi32>
      %ne3A_310 = arith.constant 0 : i32
      %ne3A_311 = vector.broadcast %ne3A_310 : i32 to vector<16xi32>
      %ne3A_312 = arith.cmpi ne, %and3A_309, %ne3A_311 : vector<16xi32>
      %select_n3A_313 = arith.select %ne3A_312, %broadcast_in_dim3A_40, %get3A_292 : vector<16xi1>, vector<16xi32>
      %swap3A_314 = arith.index_cast %scan3A_198 : i32 to index
      %swap3A_315 = arith.constant 48 : index
      %swap3A_316 = tpu.vector_load %arg8[%swap3A_314, %swap3A_315] {strides = array<i32>} : memref<157x64xi32, #tpu.memory_space<vmem>>, vector<16xi32>,
      tpu.vector_store %arg8[%swap3A_314, %swap3A_315], %select_n3A_313 {strides = array<i32>} : memref<157x64xi32, #tpu.memory_space<vmem>>, vector<16xi32>,
    }
    %scan3A_122 = arith.constant 157 : i32
    %barrier3A_123 = arith.constant 0 : index
    tpu.barrier barrier_id(%barrier3A_123)
    %dma_start3A_124 = arith.constant 0 : i32
    %dma_start3A_125 = arith.constant 0 : i32
    %dma_start3A_126 = arith.constant 0 : i32
    %dma_start3A_127 = tpu.memref_slice %arg10[%dma_start3A_124, %dma_start3A_125, %dma_start3A_126] : memref<2x64x128xf32, #tpu.memory_space<vmem>> -> memref<1x64x128xf32, #tpu.memory_space<vmem>>
    %dma_start3A_128 = tpu.memref_squeeze %dma_start3A_127 : memref<1x64x128xf32, #tpu.memory_space<vmem>> -> memref<64x128xf32, #tpu.memory_space<vmem>>
    %dma_start3A_129 = arith.constant 0 : i32
    %dma_start3A_130 = tpu.memref_slice %arg7[%dma_start3A_129] : memref<10048xi32, #tpu.memory_space<vmem>> -> memref<64xi32, #tpu.memory_space<vmem>>
    %dma_start3A_131 = arith.constant 0 : i32
    %dma_start3A_132 = arith.constant 0 : i32
    %dma_start3A_133 = tpu.memref_slice %arg2[%dma_start3A_131, %dma_start3A_132] : memref<10000x128xf32, #tpu.memory_space<hbm>> -> memref<10000x128xf32, #tpu.memory_space<hbm>>
    tpu.enqueue_indirect_dma source(%dma_start3A_133 : memref<10000x128xf32, #tpu.memory_space<hbm>>) target(%dma_start3A_128 : memref<64x128xf32, #tpu.memory_space<vmem>>) offsets(%dma_start3A_130 : memref<64xi32, #tpu.memory_space<vmem>>) semaphore(%arg11 : memref<!tpu.dma_semaphore, #tpu.memory_space<semaphore_mem>>)
    %scan3A_134 = arith.constant 0 : i32
    %scan3A_135 = arith.constant 78 : i32
    %scan3A_136 = arith.addi %scan3A_134, %scan3A_135 : i32
    %scan3A_137 = arith.constant 1 : i32
    scf.for %scan3A_198 = %scan3A_134 to %scan3A_136 step %scan3A_137  : i32 {
      %mul3A_199 = arith.constant 2 : i32
      %mul3A_200 = arith.muli %scan3A_198, %mul3A_199 : i32
      %add3A_201 = arith.constant 1 : i32
      %add3A_202 = arith.addi %mul3A_200, %add3A_201 : i32
      %mul3A_203 = arith.constant 64 : i32
      %mul3A_204 = arith.muli %add3A_202, %mul3A_203 : i32
      %dma_start3A_205 = arith.constant 1 : i32
      %dma_start3A_206 = arith.constant 0 : i32
      %dma_start3A_207 = arith.constant 0 : i32
      %dma_start3A_208 = tpu.memref_slice %arg10[%dma_start3A_205, %dma_start3A_206, %dma_start3A_207] : memref<2x64x128xf32, #tpu.memory_space<vmem>> -> memref<1x64x128xf32, #tpu.memory_space<vmem>>
      %dma_start3A_209 = tpu.memref_squeeze %dma_start3A_208 : memref<1x64x128xf32, #tpu.memory_space<vmem>> -> memref<64x128xf32, #tpu.memory_space<vmem>>
      %dma_start3A_210 = tpu.memref_slice %arg7[%mul3A_204] : memref<10048xi32, #tpu.memory_space<vmem>> -> memref<64xi32, #tpu.memory_space<vmem>>
      %dma_start3A_211 = arith.constant 0 : i32
      %dma_start3A_212 = arith.constant 0 : i32
      %dma_start3A_213 = tpu.memref_slice %arg2[%dma_start3A_211, %dma_start3A_212] : memref<10000x128xf32, #tpu.memory_space<hbm>> -> memref<10000x128xf32, #tpu.memory_space<hbm>>
      tpu.enqueue_indirect_dma source(%dma_start3A_213 : memref<10000x128xf32, #tpu.memory_space<hbm>>) target(%dma_start3A_209 : memref<64x128xf32, #tpu.memory_space<vmem>>) offsets(%dma_start3A_210 : memref<64xi32, #tpu.memory_space<vmem>>) semaphore(%arg12 : memref<!tpu.dma_semaphore, #tpu.memory_space<semaphore_mem>>)
      %dma_wait3A_214 = arith.constant 0 : i32
      %dma_wait3A_215 = arith.constant 0 : i32
      %dma_wait3A_216 = arith.constant 0 : i32
      %dma_wait3A_217 = tpu.memref_slice %arg10[%dma_wait3A_214, %dma_wait3A_215, %dma_wait3A_216] : memref<2x64x128xf32, #tpu.memory_space<vmem>> -> memref<1x64x128xf32, #tpu.memory_space<vmem>>
      %dma_wait3A_218 = tpu.memref_squeeze %dma_wait3A_217 : memref<1x64x128xf32, #tpu.memory_space<vmem>> -> memref<64x128xf32, #tpu.memory_space<vmem>>
      %dma_wait3A_219 = arith.constant 0 : i32
      %dma_wait3A_220 = arith.constant 0 : i32
      %dma_wait3A_221 = tpu.memref_slice %arg2[%dma_wait3A_219, %dma_wait3A_220] : memref<10000x128xf32, #tpu.memory_space<hbm>> -> memref<64x128xf32, #tpu.memory_space<hbm>>
      %dma_wait3A_222 = arith.constant 0 : i32
      %dma_wait3A_223 = arith.constant 0 : i32
      %dma_wait3A_224 = tpu.memref_slice %arg10[%dma_wait3A_214, %dma_wait3A_222, %dma_wait3A_223] : memref<2x64x128xf32, #tpu.memory_space<vmem>> -> memref<1x64x128xf32, #tpu.memory_space<vmem>>
      %dma_wait3A_225 = tpu.memref_squeeze %dma_wait3A_224 : memref<1x64x128xf32, #tpu.memory_space<vmem>> -> memref<64x128xf32, #tpu.memory_space<vmem>>
      %dma_wait3A_226 = arith.constant 0 : i32
      %dma_wait3A_227 = arith.constant 0 : i32
      %dma_wait3A_228 = tpu.memref_slice %arg2[%dma_wait3A_226, %dma_wait3A_227] : memref<10000x128xf32, #tpu.memory_space<hbm>> -> memref<64x128xf32, #tpu.memory_space<hbm>>
      tpu.wait_dma2 semaphore(%arg11 : memref<!tpu.dma_semaphore, #tpu.memory_space<semaphore_mem>>) src(%dma_wait3A_228 : memref<64x128xf32, #tpu.memory_space<hbm>>) dst(%dma_wait3A_225 : memref<64x128xf32, #tpu.memory_space<vmem>>)
      %run_scoped3A_229 = arith.constant 0 : i32
      "tpu.region"() ({
        %run_scoped3A_261 = tpu.sem_alloc : memref<!tpu.dma_semaphore, #tpu.memory_space<semaphore_mem>>
        %dma_start3A_262 = arith.constant 0 : i32
        %dma_start3A_263 = arith.constant 0 : i32
        %dma_start3A_264 = tpu.memref_slice %arg10[%run_scoped3A_229, %dma_start3A_262, %dma_start3A_263] : memref<2x64x128xf32, #tpu.memory_space<vmem>> -> memref<1x64x128xf32, #tpu.memory_space<vmem>>
        %dma_start3A_265 = tpu.memref_squeeze %dma_start3A_264 : memref<1x64x128xf32, #tpu.memory_space<vmem>> -> memref<64x128xf32, #tpu.memory_space<vmem>>
        %dma_start3A_266 = arith.constant 0 : i32
        %dma_start3A_267 = tpu.memref_slice %arg8[%mul3A_200, %dma_start3A_266] : memref<157x64xi32, #tpu.memory_space<vmem>> -> memref<1x64xi32, #tpu.memory_space<vmem>>
        %dma_start3A_268 = tpu.memref_squeeze %dma_start3A_267 : memref<1x64xi32, #tpu.memory_space<vmem>> -> memref<64xi32, #tpu.memory_space<vmem>>
        %dma_start3A_269 = arith.constant 0 : i32
        %dma_start3A_270 = arith.constant 0 : i32
        %dma_start3A_271 = tpu.memref_slice %arg13[%dma_start3A_269, %dma_start3A_270] : memref<10112x128xf32, #tpu.memory_space<vmem_shared>> -> memref<10112x128xf32, #tpu.memory_space<vmem_shared>>
        tpu.enqueue_indirect_dma source(%dma_start3A_265 : memref<64x128xf32, #tpu.memory_space<vmem>>) target(%dma_start3A_271 : memref<10112x128xf32, #tpu.memory_space<vmem_shared>>) offsets(%dma_start3A_268 : memref<64xi32, #tpu.memory_space<vmem>>) semaphore(%run_scoped3A_261 : memref<!tpu.dma_semaphore, #tpu.memory_space<semaphore_mem>>) {add = true}
        %dma_wait3A_272 = arith.constant 0 : i32
        %dma_wait3A_273 = arith.constant 0 : i32
        %dma_wait3A_274 = tpu.memref_slice %arg10[%run_scoped3A_229, %dma_wait3A_272, %dma_wait3A_273] : memref<2x64x128xf32, #tpu.memory_space<vmem>> -> memref<1x64x128xf32, #tpu.memory_space<vmem>>
        %dma_wait3A_275 = tpu.memref_squeeze %dma_wait3A_274 : memref<1x64x128xf32, #tpu.memory_space<vmem>> -> memref<64x128xf32, #tpu.memory_space<vmem>>
        %dma_wait3A_276 = arith.constant 0 : i32
        %dma_wait3A_277 = tpu.memref_slice %arg8[%mul3A_200, %dma_wait3A_276] : memref<157x64xi32, #tpu.memory_space<vmem>> -> memref<1x64xi32, #tpu.memory_space<vmem>>
        %dma_wait3A_278 = tpu.memref_squeeze %dma_wait3A_277 : memref<1x64xi32, #tpu.memory_space<vmem>> -> memref<64xi32, #tpu.memory_space<vmem>>
        %dma_wait3A_279 = arith.constant 0 : i32
        %dma_wait3A_280 = arith.constant 0 : i32
        %dma_wait3A_281 = tpu.memref_slice %arg13[%dma_wait3A_279, %dma_wait3A_280] : memref<10112x128xf32, #tpu.memory_space<vmem_shared>> -> memref<10112x128xf32, #tpu.memory_space<vmem_shared>>
        tpu.wait_indirect_dma semaphore(%run_scoped3A_261 : memref<!tpu.dma_semaphore, #tpu.memory_space<semaphore_mem>>) src(%dma_wait3A_275 : memref<64x128xf32, #tpu.memory_space<vmem>>) dst(%dma_wait3A_281 : memref<10112x128xf32, #tpu.memory_space<vmem_shared>>)
        tpu.yield
      }) : () -> ()
      %add3A_230 = arith.constant 2 : i32
      %add3A_231 = arith.addi %mul3A_200, %add3A_230 : i32
      %mul3A_232 = arith.constant 64 : i32
      %mul3A_233 = arith.muli %add3A_231, %mul3A_232 : i32
      %dma_start3A_234 = arith.constant 0 : i32
      %dma_start3A_235 = arith.constant 0 : i32
      %dma_start3A_236 = arith.constant 0 : i32
      %dma_start3A_237 = tpu.memref_slice %arg10[%dma_start3A_234, %dma_start3A_235, %dma_start3A_236] : memref<2x64x128xf32, #tpu.memory_space<vmem>> -> memref<1x64x128xf32, #tpu.memory_space<vmem>>
      %dma_start3A_238 = tpu.memref_squeeze %dma_start3A_237 : memref<1x64x128xf32, #tpu.memory_space<vmem>> -> memref<64x128xf32, #tpu.memory_space<vmem>>
      %dma_start3A_239 = tpu.memref_slice %arg7[%mul3A_233] : memref<10048xi32, #tpu.memory_space<vmem>> -> memref<64xi32, #tpu.memory_space<vmem>>
      %dma_start3A_240 = arith.constant 0 : i32
      %dma_start3A_241 = arith.constant 0 : i32
      %dma_start3A_242 = tpu.memref_slice %arg2[%dma_start3A_240, %dma_start3A_241] : memref<10000x128xf32, #tpu.memory_space<hbm>> -> memref<10000x128xf32, #tpu.memory_space<hbm>>
      tpu.enqueue_indirect_dma source(%dma_start3A_242 : memref<10000x128xf32, #tpu.memory_space<hbm>>) target(%dma_start3A_238 : memref<64x128xf32, #tpu.memory_space<vmem>>) offsets(%dma_start3A_239 : memref<64xi32, #tpu.memory_space<vmem>>) semaphore(%arg11 : memref<!tpu.dma_semaphore, #tpu.memory_space<semaphore_mem>>)
      %dma_wait3A_243 = arith.constant 1 : i32
      %dma_wait3A_244 = arith.constant 0 : i32
      %dma_wait3A_245 = arith.constant 0 : i32
      %dma_wait3A_246 = tpu.memref_slice %arg10[%dma_wait3A_243, %dma_wait3A_244, %dma_wait3A_245] : memref<2x64x128xf32, #tpu.memory_space<vmem>> -> memref<1x64x128xf32, #tpu.memory_space<vmem>>
      %dma_wait3A_247 = tpu.memref_squeeze %dma_wait3A_246 : memref<1x64x128xf32, #tpu.memory_space<vmem>> -> memref<64x128xf32, #tpu.memory_space<vmem>>
      %dma_wait3A_248 = arith.constant 0 : i32
      %dma_wait3A_249 = arith.constant 0 : i32
      %dma_wait3A_250 = tpu.memref_slice %arg2[%dma_wait3A_248, %dma_wait3A_249] : memref<10000x128xf32, #tpu.memory_space<hbm>> -> memref<64x128xf32, #tpu.memory_space<hbm>>
      %dma_wait3A_251 = arith.constant 0 : i32
      %dma_wait3A_252 = arith.constant 0 : i32
      %dma_wait3A_253 = tpu.memref_slice %arg10[%dma_wait3A_243, %dma_wait3A_251, %dma_wait3A_252] : memref<2x64x128xf32, #tpu.memory_space<vmem>> -> memref<1x64x128xf32, #tpu.memory_space<vmem>>
      %dma_wait3A_254 = tpu.memref_squeeze %dma_wait3A_253 : memref<1x64x128xf32, #tpu.memory_space<vmem>> -> memref<64x128xf32, #tpu.memory_space<vmem>>
      %dma_wait3A_255 = arith.constant 0 : i32
      %dma_wait3A_256 = arith.constant 0 : i32
      %dma_wait3A_257 = tpu.memref_slice %arg2[%dma_wait3A_255, %dma_wait3A_256] : memref<10000x128xf32, #tpu.memory_space<hbm>> -> memref<64x128xf32, #tpu.memory_space<hbm>>
      tpu.wait_dma2 semaphore(%arg12 : memref<!tpu.dma_semaphore, #tpu.memory_space<semaphore_mem>>) src(%dma_wait3A_257 : memref<64x128xf32, #tpu.memory_space<hbm>>) dst(%dma_wait3A_254 : memref<64x128xf32, #tpu.memory_space<vmem>>)
      %add3A_258 = arith.constant 1 : i32
      %add3A_259 = arith.addi %mul3A_200, %add3A_258 : i32
      %run_scoped3A_260 = arith.constant 1 : i32
      "tpu.region"() ({
        %run_scoped3A_261 = tpu.sem_alloc : memref<!tpu.dma_semaphore, #tpu.memory_space<semaphore_mem>>
        %dma_start3A_262 = arith.constant 0 : i32
        %dma_start3A_263 = arith.constant 0 : i32
        %dma_start3A_264 = tpu.memref_slice %arg10[%run_scoped3A_260, %dma_start3A_262, %dma_start3A_263] : memref<2x64x128xf32, #tpu.memory_space<vmem>> -> memref<1x64x128xf32, #tpu.memory_space<vmem>>
        %dma_start3A_265 = tpu.memref_squeeze %dma_start3A_264 : memref<1x64x128xf32, #tpu.memory_space<vmem>> -> memref<64x128xf32, #tpu.memory_space<vmem>>
        %dma_start3A_266 = arith.constant 0 : i32
        %dma_start3A_267 = tpu.memref_slice %arg8[%add3A_259, %dma_start3A_266] : memref<157x64xi32, #tpu.memory_space<vmem>> -> memref<1x64xi32, #tpu.memory_space<vmem>>
        %dma_start3A_268 = tpu.memref_squeeze %dma_start3A_267 : memref<1x64xi32, #tpu.memory_space<vmem>> -> memref<64xi32, #tpu.memory_space<vmem>>
        %dma_start3A_269 = arith.constant 0 : i32
        %dma_start3A_270 = arith.constant 0 : i32
        %dma_start3A_271 = tpu.memref_slice %arg13[%dma_start3A_269, %dma_start3A_270] : memref<10112x128xf32, #tpu.memory_space<vmem_shared>> -> memref<10112x128xf32, #tpu.memory_space<vmem_shared>>
        tpu.enqueue_indirect_dma source(%dma_start3A_265 : memref<64x128xf32, #tpu.memory_space<vmem>>) target(%dma_start3A_271 : memref<10112x128xf32, #tpu.memory_space<vmem_shared>>) offsets(%dma_start3A_268 : memref<64xi32, #tpu.memory_space<vmem>>) semaphore(%run_scoped3A_261 : memref<!tpu.dma_semaphore, #tpu.memory_space<semaphore_mem>>) {add = true}
        %dma_wait3A_272 = arith.constant 0 : i32
        %dma_wait3A_273 = arith.constant 0 : i32
        %dma_wait3A_274 = tpu.memref_slice %arg10[%run_scoped3A_260, %dma_wait3A_272, %dma_wait3A_273] : memref<2x64x128xf32, #tpu.memory_space<vmem>> -> memref<1x64x128xf32, #tpu.memory_space<vmem>>
        %dma_wait3A_275 = tpu.memref_squeeze %dma_wait3A_274 : memref<1x64x128xf32, #tpu.memory_space<vmem>> -> memref<64x128xf32, #tpu.memory_space<vmem>>
        %dma_wait3A_276 = arith.constant 0 : i32
        %dma_wait3A_277 = tpu.memref_slice %arg8[%add3A_259, %dma_wait3A_276] : memref<157x64xi32, #tpu.memory_space<vmem>> -> memref<1x64xi32, #tpu.memory_space<vmem>>
        %dma_wait3A_278 = tpu.memref_squeeze %dma_wait3A_277 : memref<1x64xi32, #tpu.memory_space<vmem>> -> memref<64xi32, #tpu.memory_space<vmem>>
        %dma_wait3A_279 = arith.constant 0 : i32
        %dma_wait3A_280 = arith.constant 0 : i32
        %dma_wait3A_281 = tpu.memref_slice %arg13[%dma_wait3A_279, %dma_wait3A_280] : memref<10112x128xf32, #tpu.memory_space<vmem_shared>> -> memref<10112x128xf32, #tpu.memory_space<vmem_shared>>
        tpu.wait_indirect_dma semaphore(%run_scoped3A_261 : memref<!tpu.dma_semaphore, #tpu.memory_space<semaphore_mem>>) src(%dma_wait3A_275 : memref<64x128xf32, #tpu.memory_space<vmem>>) dst(%dma_wait3A_281 : memref<10112x128xf32, #tpu.memory_space<vmem_shared>>)
        tpu.yield
      }) : () -> ()
    }
    %scan3A_138 = arith.constant 78 : i32
    %dma_wait3A_139 = arith.constant 0 : i32
    %dma_wait3A_140 = arith.constant 0 : i32
    %dma_wait3A_141 = arith.constant 0 : i32
    %dma_wait3A_142 = tpu.memref_slice %arg10[%dma_wait3A_139, %dma_wait3A_140, %dma_wait3A_141] : memref<2x64x128xf32, #tpu.memory_space<vmem>> -> memref<1x64x128xf32, #tpu.memory_space<vmem>>
    %dma_wait3A_143 = tpu.memref_squeeze %dma_wait3A_142 : memref<1x64x128xf32, #tpu.memory_space<vmem>> -> memref<64x128xf32, #tpu.memory_space<vmem>>
    %dma_wait3A_144 = arith.constant 0 : i32
    %dma_wait3A_145 = arith.constant 0 : i32
    %dma_wait3A_146 = tpu.memref_slice %arg2[%dma_wait3A_144, %dma_wait3A_145] : memref<10000x128xf32, #tpu.memory_space<hbm>> -> memref<64x128xf32, #tpu.memory_space<hbm>>
    %dma_wait3A_147 = arith.constant 0 : i32
    %dma_wait3A_148 = arith.constant 0 : i32
    %dma_wait3A_149 = tpu.memref_slice %arg10[%dma_wait3A_139, %dma_wait3A_147, %dma_wait3A_148] : memref<2x64x128xf32, #tpu.memory_space<vmem>> -> memref<1x64x128xf32, #tpu.memory_space<vmem>>
    %dma_wait3A_150 = tpu.memref_squeeze %dma_wait3A_149 : memref<1x64x128xf32, #tpu.memory_space<vmem>> -> memref<64x128xf32, #tpu.memory_space<vmem>>
    %dma_wait3A_151 = arith.constant 0 : i32
    %dma_wait3A_152 = arith.constant 0 : i32
    %dma_wait3A_153 = tpu.memref_slice %arg2[%dma_wait3A_151, %dma_wait3A_152] : memref<10000x128xf32, #tpu.memory_space<hbm>> -> memref<64x128xf32, #tpu.memory_space<hbm>>
    tpu.wait_dma2 semaphore(%arg11 : memref<!tpu.dma_semaphore, #tpu.memory_space<semaphore_mem>>) src(%dma_wait3A_153 : memref<64x128xf32, #tpu.memory_space<hbm>>) dst(%dma_wait3A_150 : memref<64x128xf32, #tpu.memory_space<vmem>>)
    %run_scoped3A_154 = arith.constant 0 : i32
    %run_scoped3A_155 = arith.constant 156 : i32
    "tpu.region"() ({
      %run_scoped3A_198 = tpu.sem_alloc : memref<!tpu.dma_semaphore, #tpu.memory_space<semaphore_mem>>
      %dma_start3A_199 = arith.constant 0 : i32
      %dma_start3A_200 = arith.constant 0 : i32
      %dma_start3A_201 = tpu.memref_slice %arg10[%run_scoped3A_154, %dma_start3A_199, %dma_start3A_200] : memref<2x64x128xf32, #tpu.memory_space<vmem>> -> memref<1x64x128xf32, #tpu.memory_space<vmem>>
      %dma_start3A_202 = tpu.memref_squeeze %dma_start3A_201 : memref<1x64x128xf32, #tpu.memory_space<vmem>> -> memref<64x128xf32, #tpu.memory_space<vmem>>
      %dma_start3A_203 = arith.constant 0 : i32
      %dma_start3A_204 = tpu.memref_slice %arg8[%run_scoped3A_155, %dma_start3A_203] : memref<157x64xi32, #tpu.memory_space<vmem>> -> memref<1x64xi32, #tpu.memory_space<vmem>>
      %dma_start3A_205 = tpu.memref_squeeze %dma_start3A_204 : memref<1x64xi32, #tpu.memory_space<vmem>> -> memref<64xi32, #tpu.memory_space<vmem>>
      %dma_start3A_206 = arith.constant 0 : i32
      %dma_start3A_207 = arith.constant 0 : i32
      %dma_start3A_208 = tpu.memref_slice %arg13[%dma_start3A_206, %dma_start3A_207] : memref<10112x128xf32, #tpu.memory_space<vmem_shared>> -> memref<10112x128xf32, #tpu.memory_space<vmem_shared>>
      tpu.enqueue_indirect_dma source(%dma_start3A_202 : memref<64x128xf32, #tpu.memory_space<vmem>>) target(%dma_start3A_208 : memref<10112x128xf32, #tpu.memory_space<vmem_shared>>) offsets(%dma_start3A_205 : memref<64xi32, #tpu.memory_space<vmem>>) semaphore(%run_scoped3A_198 : memref<!tpu.dma_semaphore, #tpu.memory_space<semaphore_mem>>) {add = true}
      %dma_wait3A_209 = arith.constant 0 : i32
      %dma_wait3A_210 = arith.constant 0 : i32
      %dma_wait3A_211 = tpu.memref_slice %arg10[%run_scoped3A_154, %dma_wait3A_209, %dma_wait3A_210] : memref<2x64x128xf32, #tpu.memory_space<vmem>> -> memref<1x64x128xf32, #tpu.memory_space<vmem>>
      %dma_wait3A_212 = tpu.memref_squeeze %dma_wait3A_211 : memref<1x64x128xf32, #tpu.memory_space<vmem>> -> memref<64x128xf32, #tpu.memory_space<vmem>>
      %dma_wait3A_213 = arith.constant 0 : i32
      %dma_wait3A_214 = tpu.memref_slice %arg8[%run_scoped3A_155, %dma_wait3A_213] : memref<157x64xi32, #tpu.memory_space<vmem>> -> memref<1x64xi32, #tpu.memory_space<vmem>>
      %dma_wait3A_215 = tpu.memref_squeeze %dma_wait3A_214 : memref<1x64xi32, #tpu.memory_space<vmem>> -> memref<64xi32, #tpu.memory_space<vmem>>
      %dma_wait3A_216 = arith.constant 0 : i32
      %dma_wait3A_217 = arith.constant 0 : i32
      %dma_wait3A_218 = tpu.memref_slice %arg13[%dma_wait3A_216, %dma_wait3A_217] : memref<10112x128xf32, #tpu.memory_space<vmem_shared>> -> memref<10112x128xf32, #tpu.memory_space<vmem_shared>>
      tpu.wait_indirect_dma semaphore(%run_scoped3A_198 : memref<!tpu.dma_semaphore, #tpu.memory_space<semaphore_mem>>) src(%dma_wait3A_212 : memref<64x128xf32, #tpu.memory_space<vmem>>) dst(%dma_wait3A_218 : memref<10112x128xf32, #tpu.memory_space<vmem_shared>>)
      tpu.yield
    }) : () -> ()
    %barrier3A_156 = arith.constant 0 : index
    tpu.barrier barrier_id(%barrier3A_156)
    %run_scoped3A_157 = arith.constant 2 : i32
    "tpu.region"() ({
      %run_scoped3A_198 = tpu.sem_alloc : memref<!tpu.dma_semaphore, #tpu.memory_space<semaphore_mem>>
      %dma_start3A_199 = arith.constant 0 : i32
      %dma_start3A_200 = tpu.memref_slice %arg6[%run_scoped3A_157, %arg0, %mul3A_2, %dma_start3A_199] : memref<4x2x10112x128xf32, #tpu.memory_space<hbm>> -> memref<1x1x632x128xf32, #tpu.memory_space<hbm>>
      %dma_start3A_201 = tpu.memref_squeeze %dma_start3A_200 : memref<1x1x632x128xf32, #tpu.memory_space<hbm>> -> memref<632x128xf32, #tpu.memory_space<hbm>>
      %dma_start3A_202 = arith.constant 0 : i32
      %dma_start3A_203 = tpu.memref_slice %arg13[%mul3A_2, %dma_start3A_202] : memref<10112x128xf32, #tpu.memory_space<vmem_shared>> -> memref<632x128xf32, #tpu.memory_space<vmem_shared>>
      tpu.enqueue_dma source(%dma_start3A_203 : memref<632x128xf32, #tpu.memory_space<vmem_shared>>) target(%dma_start3A_201 : memref<632x128xf32, #tpu.memory_space<hbm>>) target_semaphore(%run_scoped3A_198 : memref<!tpu.dma_semaphore, #tpu.memory_space<semaphore_mem>>)
      %dma_wait3A_204 = arith.constant 0 : i32
      %dma_wait3A_205 = tpu.memref_slice %arg6[%run_scoped3A_157, %arg0, %mul3A_2, %dma_wait3A_204] : memref<4x2x10112x128xf32, #tpu.memory_space<hbm>> -> memref<1x1x632x128xf32, #tpu.memory_space<hbm>>
      %dma_wait3A_206 = tpu.memref_squeeze %dma_wait3A_205 : memref<1x1x632x128xf32, #tpu.memory_space<hbm>> -> memref<632x128xf32, #tpu.memory_space<hbm>>
      %dma_wait3A_207 = arith.constant 0 : i32
      %dma_wait3A_208 = tpu.memref_slice %arg13[%mul3A_2, %dma_wait3A_207] : memref<10112x128xf32, #tpu.memory_space<vmem_shared>> -> memref<632x128xf32, #tpu.memory_space<vmem_shared>>
      tpu.wait_dma2 semaphore(%run_scoped3A_198 : memref<!tpu.dma_semaphore, #tpu.memory_space<semaphore_mem>>) src(%dma_wait3A_208 : memref<632x128xf32, #tpu.memory_space<vmem_shared>>) dst(%dma_wait3A_206 : memref<632x128xf32, #tpu.memory_space<hbm>>)
      tpu.yield
    }) : () -> ()
    "tpu.region"() ({
      %run_scoped3A_198 = tpu.sem_alloc : memref<!tpu.dma_semaphore, #tpu.memory_space<semaphore_mem>>
      %dma_start3A_199 = arith.constant 0 : i32
      %dma_start3A_200 = arith.constant 0 : i32
      %dma_start3A_201 = tpu.memref_slice %arg4[%add3A, %dma_start3A_199, %dma_start3A_200] : memref<32x157x64xi32, #tpu.memory_space<hbm>> -> memref<1x157x64xi32, #tpu.memory_space<hbm>>
      %dma_start3A_202 = tpu.memref_squeeze %dma_start3A_201 : memref<1x157x64xi32, #tpu.memory_space<hbm>> -> memref<157x64xi32, #tpu.memory_space<hbm>>
      %dma_start3A_203 = arith.constant 0 : i32
      %dma_start3A_204 = arith.constant 0 : i32
      %dma_start3A_205 = tpu.memref_slice %arg4[%add3A, %dma_start3A_203, %dma_start3A_204] : memref<32x157x64xi32, #tpu.memory_space<hbm>> -> memref<1x157x64xi32, #tpu.memory_space<hbm>>
      %dma_start3A_206 = tpu.memref_squeeze %dma_start3A_205 : memref<1x157x64xi32, #tpu.memory_space<hbm>> -> memref<157x64xi32, #tpu.memory_space<hbm>>
      tpu.enqueue_dma source(%dma_start3A_206 : memref<157x64xi32, #tpu.memory_space<hbm>>) target(%arg8 : memref<157x64xi32, #tpu.memory_space<vmem>>) target_semaphore(%run_scoped3A_198 : memref<!tpu.dma_semaphore, #tpu.memory_space<semaphore_mem>>)
      %dma_wait3A_207 = arith.constant 0 : i32
      %dma_wait3A_208 = arith.constant 0 : i32
      %dma_wait3A_209 = tpu.memref_slice %arg4[%add3A, %dma_wait3A_207, %dma_wait3A_208] : memref<32x157x64xi32, #tpu.memory_space<hbm>> -> memref<1x157x64xi32, #tpu.memory_space<hbm>>
      %dma_wait3A_210 = tpu.memref_squeeze %dma_wait3A_209 : memref<1x157x64xi32, #tpu.memory_space<hbm>> -> memref<157x64xi32, #tpu.memory_space<hbm>>
      %dma_wait3A_211 = arith.constant 0 : i32
      %dma_wait3A_212 = arith.constant 0 : i32
      %dma_wait3A_213 = tpu.memref_slice %arg4[%add3A, %dma_wait3A_211, %dma_wait3A_212] : memref<32x157x64xi32, #tpu.memory_space<hbm>> -> memref<1x157x64xi32, #tpu.memory_space<hbm>>
      %dma_wait3A_214 = tpu.memref_squeeze %dma_wait3A_213 : memref<1x157x64xi32, #tpu.memory_space<hbm>> -> memref<157x64xi32, #tpu.memory_space<hbm>>
      tpu.wait_dma2 semaphore(%run_scoped3A_198 : memref<!tpu.dma_semaphore, #tpu.memory_space<semaphore_mem>>) src(%dma_wait3A_214 : memref<157x64xi32, #tpu.memory_space<hbm>>) dst(%arg8 : memref<157x64xi32, #tpu.memory_space<vmem>>)
      tpu.yield
    }) : () -> ()
    %scan3A_158 = arith.constant 0 : i32
    %scan3A_159 = arith.constant 157 : i32
    %scan3A_160 = arith.addi %scan3A_158, %scan3A_159 : i32
    %scan3A_161 = arith.constant 1 : i32
    scf.for %scan3A_198 = %scan3A_158 to %scan3A_160 step %scan3A_161  : i32 {
      %mul3A_199 = arith.constant 64 : i32
      %mul3A_200 = arith.muli %scan3A_198, %mul3A_199 : i32
      %add3A_201 = arith.constant 0 : i32
      %add3A_202 = arith.addi %mul3A_200, %add3A_201 : i32
      %get3A = arith.index_cast %add3A_202 : i32 to index
      %get3A_203 = tpu.vector_load %arg7[%get3A] {strides = array<i32>} : memref<10048xi32, #tpu.memory_space<vmem>>, vector<16xi32>,
      %get3A_204 = arith.index_cast %scan3A_198 : i32 to index
      %get3A_205 = arith.constant 0 : index
      %get3A_206 = tpu.vector_load %arg8[%get3A_204, %get3A_205] {strides = array<i32>} : memref<157x64xi32, #tpu.memory_space<vmem>>, vector<16xi32>,
      %shift_right_logical3A = arith.constant 3 : i32
      %shift_right_logical3A_207 = vector.broadcast %shift_right_logical3A : i32 to vector<16xi32>
      %shift_right_logical3A_208 = arith.shrui %get3A_203, %shift_right_logical3A_207 : vector<16xi32>
      %gather3A = tpu.vector_load_idx %arg9[%shift_right_logical3A_208] : memref<1256xi32, #tpu.memory_space<vmem>>[vector<16xi32>], vector<16xi32>,
      %and3A = arith.constant 7 : i32
      %and3A_209 = vector.broadcast %and3A : i32 to vector<16xi32>
      %and3A_210 = arith.andi %get3A_203, %and3A_209 : vector<16xi32>
      %shift_left3A = arith.constant 2 : i32
      %shift_left3A_211 = vector.broadcast %shift_left3A : i32 to vector<16xi32>
      %shift_left3A_212 = arith.shli %and3A_210, %shift_left3A_211 : vector<16xi32>
      %add3A_213 = arith.constant 3 : i32
      %add3A_214 = vector.broadcast %add3A_213 : i32 to vector<16xi32>
      %add3A_215 = arith.addi %shift_left3A_212, %add3A_214 : vector<16xi32>
      %shift_right_logical3A_216 = arith.shrui %gather3A, %add3A_215 : vector<16xi32>
      %and3A_217 = arith.constant 1 : i32
      %and3A_218 = vector.broadcast %and3A_217 : i32 to vector<16xi32>
      %and3A_219 = arith.andi %shift_right_logical3A_216, %and3A_218 : vector<16xi32>
      %ne3A = arith.constant 0 : i32
      %ne3A_220 = vector.broadcast %ne3A : i32 to vector<16xi32>
      %ne3A_221 = arith.cmpi ne, %and3A_219, %ne3A_220 : vector<16xi32>
      %select_n3A = arith.select %ne3A_221, %broadcast_in_dim3A_40, %get3A_206 : vector<16xi1>, vector<16xi32>
      %swap3A = arith.index_cast %scan3A_198 : i32 to index
      %swap3A_222 = arith.constant 0 : index
      %swap3A_223 = tpu.vector_load %arg8[%swap3A, %swap3A_222] {strides = array<i32>} : memref<157x64xi32, #tpu.memory_space<vmem>>, vector<16xi32>,
      tpu.vector_store %arg8[%swap3A, %swap3A_222], %select_n3A {strides = array<i32>} : memref<157x64xi32, #tpu.memory_space<vmem>>, vector<16xi32>,
      %add3A_224 = arith.constant 16 : i32
      %add3A_225 = arith.addi %mul3A_200, %add3A_224 : i32
      %get3A_226 = arith.index_cast %add3A_225 : i32 to index
      %get3A_227 = tpu.vector_load %arg7[%get3A_226] {strides = array<i32>} : memref<10048xi32, #tpu.memory_space<vmem>>, vector<16xi32>,
      %get3A_228 = arith.index_cast %scan3A_198 : i32 to index
      %get3A_229 = arith.constant 16 : index
      %get3A_230 = tpu.vector_load %arg8[%get3A_228, %get3A_229] {strides = array<i32>} : memref<157x64xi32, #tpu.memory_space<vmem>>, vector<16xi32>,
      %shift_right_logical3A_231 = arith.constant 3 : i32
      %shift_right_logical3A_232 = vector.broadcast %shift_right_logical3A_231 : i32 to vector<16xi32>
      %shift_right_logical3A_233 = arith.shrui %get3A_227, %shift_right_logical3A_232 : vector<16xi32>
      %gather3A_234 = tpu.vector_load_idx %arg9[%shift_right_logical3A_233] : memref<1256xi32, #tpu.memory_space<vmem>>[vector<16xi32>], vector<16xi32>,
      %and3A_235 = arith.constant 7 : i32
      %and3A_236 = vector.broadcast %and3A_235 : i32 to vector<16xi32>
      %and3A_237 = arith.andi %get3A_227, %and3A_236 : vector<16xi32>
      %shift_left3A_238 = arith.constant 2 : i32
      %shift_left3A_239 = vector.broadcast %shift_left3A_238 : i32 to vector<16xi32>
      %shift_left3A_240 = arith.shli %and3A_237, %shift_left3A_239 : vector<16xi32>
      %add3A_241 = arith.constant 3 : i32
      %add3A_242 = vector.broadcast %add3A_241 : i32 to vector<16xi32>
      %add3A_243 = arith.addi %shift_left3A_240, %add3A_242 : vector<16xi32>
      %shift_right_logical3A_244 = arith.shrui %gather3A_234, %add3A_243 : vector<16xi32>
      %and3A_245 = arith.constant 1 : i32
      %and3A_246 = vector.broadcast %and3A_245 : i32 to vector<16xi32>
      %and3A_247 = arith.andi %shift_right_logical3A_244, %and3A_246 : vector<16xi32>
      %ne3A_248 = arith.constant 0 : i32
      %ne3A_249 = vector.broadcast %ne3A_248 : i32 to vector<16xi32>
      %ne3A_250 = arith.cmpi ne, %and3A_247, %ne3A_249 : vector<16xi32>
      %select_n3A_251 = arith.select %ne3A_250, %broadcast_in_dim3A_40, %get3A_230 : vector<16xi1>, vector<16xi32>
      %swap3A_252 = arith.index_cast %scan3A_198 : i32 to index
      %swap3A_253 = arith.constant 16 : index
      %swap3A_254 = tpu.vector_load %arg8[%swap3A_252, %swap3A_253] {strides = array<i32>} : memref<157x64xi32, #tpu.memory_space<vmem>>, vector<16xi32>,
      tpu.vector_store %arg8[%swap3A_252, %swap3A_253], %select_n3A_251 {strides = array<i32>} : memref<157x64xi32, #tpu.memory_space<vmem>>, vector<16xi32>,
      %add3A_255 = arith.constant 32 : i32
      %add3A_256 = arith.addi %mul3A_200, %add3A_255 : i32
      %get3A_257 = arith.index_cast %add3A_256 : i32 to index
      %get3A_258 = tpu.vector_load %arg7[%get3A_257] {strides = array<i32>} : memref<10048xi32, #tpu.memory_space<vmem>>, vector<16xi32>,
      %get3A_259 = arith.index_cast %scan3A_198 : i32 to index
      %get3A_260 = arith.constant 32 : index
      %get3A_261 = tpu.vector_load %arg8[%get3A_259, %get3A_260] {strides = array<i32>} : memref<157x64xi32, #tpu.memory_space<vmem>>, vector<16xi32>,
      %shift_right_logical3A_262 = arith.constant 3 : i32
      %shift_right_logical3A_263 = vector.broadcast %shift_right_logical3A_262 : i32 to vector<16xi32>
      %shift_right_logical3A_264 = arith.shrui %get3A_258, %shift_right_logical3A_263 : vector<16xi32>
      %gather3A_265 = tpu.vector_load_idx %arg9[%shift_right_logical3A_264] : memref<1256xi32, #tpu.memory_space<vmem>>[vector<16xi32>], vector<16xi32>,
      %and3A_266 = arith.constant 7 : i32
      %and3A_267 = vector.broadcast %and3A_266 : i32 to vector<16xi32>
      %and3A_268 = arith.andi %get3A_258, %and3A_267 : vector<16xi32>
      %shift_left3A_269 = arith.constant 2 : i32
      %shift_left3A_270 = vector.broadcast %shift_left3A_269 : i32 to vector<16xi32>
      %shift_left3A_271 = arith.shli %and3A_268, %shift_left3A_270 : vector<16xi32>
      %add3A_272 = arith.constant 3 : i32
      %add3A_273 = vector.broadcast %add3A_272 : i32 to vector<16xi32>
      %add3A_274 = arith.addi %shift_left3A_271, %add3A_273 : vector<16xi32>
      %shift_right_logical3A_275 = arith.shrui %gather3A_265, %add3A_274 : vector<16xi32>
      %and3A_276 = arith.constant 1 : i32
      %and3A_277 = vector.broadcast %and3A_276 : i32 to vector<16xi32>
      %and3A_278 = arith.andi %shift_right_logical3A_275, %and3A_277 : vector<16xi32>
      %ne3A_279 = arith.constant 0 : i32
      %ne3A_280 = vector.broadcast %ne3A_279 : i32 to vector<16xi32>
      %ne3A_281 = arith.cmpi ne, %and3A_278, %ne3A_280 : vector<16xi32>
      %select_n3A_282 = arith.select %ne3A_281, %broadcast_in_dim3A_40, %get3A_261 : vector<16xi1>, vector<16xi32>
      %swap3A_283 = arith.index_cast %scan3A_198 : i32 to index
      %swap3A_284 = arith.constant 32 : index
      %swap3A_285 = tpu.vector_load %arg8[%swap3A_283, %swap3A_284] {strides = array<i32>} : memref<157x64xi32, #tpu.memory_space<vmem>>, vector<16xi32>,
      tpu.vector_store %arg8[%swap3A_283, %swap3A_284], %select_n3A_282 {strides = array<i32>} : memref<157x64xi32, #tpu.memory_space<vmem>>, vector<16xi32>,
      %add3A_286 = arith.constant 48 : i32
      %add3A_287 = arith.addi %mul3A_200, %add3A_286 : i32
      %get3A_288 = arith.index_cast %add3A_287 : i32 to index
      %get3A_289 = tpu.vector_load %arg7[%get3A_288] {strides = array<i32>} : memref<10048xi32, #tpu.memory_space<vmem>>, vector<16xi32>,
      %get3A_290 = arith.index_cast %scan3A_198 : i32 to index
      %get3A_291 = arith.constant 48 : index
      %get3A_292 = tpu.vector_load %arg8[%get3A_290, %get3A_291] {strides = array<i32>} : memref<157x64xi32, #tpu.memory_space<vmem>>, vector<16xi32>,
      %shift_right_logical3A_293 = arith.constant 3 : i32
      %shift_right_logical3A_294 = vector.broadcast %shift_right_logical3A_293 : i32 to vector<16xi32>
      %shift_right_logical3A_295 = arith.shrui %get3A_289, %shift_right_logical3A_294 : vector<16xi32>
      %gather3A_296 = tpu.vector_load_idx %arg9[%shift_right_logical3A_295] : memref<1256xi32, #tpu.memory_space<vmem>>[vector<16xi32>], vector<16xi32>,
      %and3A_297 = arith.constant 7 : i32
      %and3A_298 = vector.broadcast %and3A_297 : i32 to vector<16xi32>
      %and3A_299 = arith.andi %get3A_289, %and3A_298 : vector<16xi32>
      %shift_left3A_300 = arith.constant 2 : i32
      %shift_left3A_301 = vector.broadcast %shift_left3A_300 : i32 to vector<16xi32>
      %shift_left3A_302 = arith.shli %and3A_299, %shift_left3A_301 : vector<16xi32>
      %add3A_303 = arith.constant 3 : i32
      %add3A_304 = vector.broadcast %add3A_303 : i32 to vector<16xi32>
      %add3A_305 = arith.addi %shift_left3A_302, %add3A_304 : vector<16xi32>
      %shift_right_logical3A_306 = arith.shrui %gather3A_296, %add3A_305 : vector<16xi32>
      %and3A_307 = arith.constant 1 : i32
      %and3A_308 = vector.broadcast %and3A_307 : i32 to vector<16xi32>
      %and3A_309 = arith.andi %shift_right_logical3A_306, %and3A_308 : vector<16xi32>
      %ne3A_310 = arith.constant 0 : i32
      %ne3A_311 = vector.broadcast %ne3A_310 : i32 to vector<16xi32>
      %ne3A_312 = arith.cmpi ne, %and3A_309, %ne3A_311 : vector<16xi32>
      %select_n3A_313 = arith.select %ne3A_312, %broadcast_in_dim3A_40, %get3A_292 : vector<16xi1>, vector<16xi32>
      %swap3A_314 = arith.index_cast %scan3A_198 : i32 to index
      %swap3A_315 = arith.constant 48 : index
      %swap3A_316 = tpu.vector_load %arg8[%swap3A_314, %swap3A_315] {strides = array<i32>} : memref<157x64xi32, #tpu.memory_space<vmem>>, vector<16xi32>,
      tpu.vector_store %arg8[%swap3A_314, %swap3A_315], %select_n3A_313 {strides = array<i32>} : memref<157x64xi32, #tpu.memory_space<vmem>>, vector<16xi32>,
    }
    %scan3A_162 = arith.constant 157 : i32
    %barrier3A_163 = arith.constant 0 : index
    tpu.barrier barrier_id(%barrier3A_163)
    %dma_start3A_164 = arith.constant 0 : i32
    %dma_start3A_165 = arith.constant 0 : i32
    %dma_start3A_166 = arith.constant 0 : i32
    %dma_start3A_167 = tpu.memref_slice %arg10[%dma_start3A_164, %dma_start3A_165, %dma_start3A_166] : memref<2x64x128xf32, #tpu.memory_space<vmem>> -> memref<1x64x128xf32, #tpu.memory_space<vmem>>
    %dma_start3A_168 = tpu.memref_squeeze %dma_start3A_167 : memref<1x64x128xf32, #tpu.memory_space<vmem>> -> memref<64x128xf32, #tpu.memory_space<vmem>>
    %dma_start3A_169 = arith.constant 0 : i32
    %dma_start3A_170 = tpu.memref_slice %arg7[%dma_start3A_169] : memref<10048xi32, #tpu.memory_space<vmem>> -> memref<64xi32, #tpu.memory_space<vmem>>
    %dma_start3A_171 = arith.constant 0 : i32
    %dma_start3A_172 = arith.constant 0 : i32
    %dma_start3A_173 = tpu.memref_slice %arg2[%dma_start3A_171, %dma_start3A_172] : memref<10000x128xf32, #tpu.memory_space<hbm>> -> memref<10000x128xf32, #tpu.memory_space<hbm>>
    tpu.enqueue_indirect_dma source(%dma_start3A_173 : memref<10000x128xf32, #tpu.memory_space<hbm>>) target(%dma_start3A_168 : memref<64x128xf32, #tpu.memory_space<vmem>>) offsets(%dma_start3A_170 : memref<64xi32, #tpu.memory_space<vmem>>) semaphore(%arg11 : memref<!tpu.dma_semaphore, #tpu.memory_space<semaphore_mem>>)
    %scan3A_174 = arith.constant 0 : i32
    %scan3A_175 = arith.constant 78 : i32
    %scan3A_176 = arith.addi %scan3A_174, %scan3A_175 : i32
    %scan3A_177 = arith.constant 1 : i32
    scf.for %scan3A_198 = %scan3A_174 to %scan3A_176 step %scan3A_177  : i32 {
      %mul3A_199 = arith.constant 2 : i32
      %mul3A_200 = arith.muli %scan3A_198, %mul3A_199 : i32
      %add3A_201 = arith.constant 1 : i32
      %add3A_202 = arith.addi %mul3A_200, %add3A_201 : i32
      %mul3A_203 = arith.constant 64 : i32
      %mul3A_204 = arith.muli %add3A_202, %mul3A_203 : i32
      %dma_start3A_205 = arith.constant 1 : i32
      %dma_start3A_206 = arith.constant 0 : i32
      %dma_start3A_207 = arith.constant 0 : i32
      %dma_start3A_208 = tpu.memref_slice %arg10[%dma_start3A_205, %dma_start3A_206, %dma_start3A_207] : memref<2x64x128xf32, #tpu.memory_space<vmem>> -> memref<1x64x128xf32, #tpu.memory_space<vmem>>
      %dma_start3A_209 = tpu.memref_squeeze %dma_start3A_208 : memref<1x64x128xf32, #tpu.memory_space<vmem>> -> memref<64x128xf32, #tpu.memory_space<vmem>>
      %dma_start3A_210 = tpu.memref_slice %arg7[%mul3A_204] : memref<10048xi32, #tpu.memory_space<vmem>> -> memref<64xi32, #tpu.memory_space<vmem>>
      %dma_start3A_211 = arith.constant 0 : i32
      %dma_start3A_212 = arith.constant 0 : i32
      %dma_start3A_213 = tpu.memref_slice %arg2[%dma_start3A_211, %dma_start3A_212] : memref<10000x128xf32, #tpu.memory_space<hbm>> -> memref<10000x128xf32, #tpu.memory_space<hbm>>
      tpu.enqueue_indirect_dma source(%dma_start3A_213 : memref<10000x128xf32, #tpu.memory_space<hbm>>) target(%dma_start3A_209 : memref<64x128xf32, #tpu.memory_space<vmem>>) offsets(%dma_start3A_210 : memref<64xi32, #tpu.memory_space<vmem>>) semaphore(%arg12 : memref<!tpu.dma_semaphore, #tpu.memory_space<semaphore_mem>>)
      %dma_wait3A_214 = arith.constant 0 : i32
      %dma_wait3A_215 = arith.constant 0 : i32
      %dma_wait3A_216 = arith.constant 0 : i32
      %dma_wait3A_217 = tpu.memref_slice %arg10[%dma_wait3A_214, %dma_wait3A_215, %dma_wait3A_216] : memref<2x64x128xf32, #tpu.memory_space<vmem>> -> memref<1x64x128xf32, #tpu.memory_space<vmem>>
      %dma_wait3A_218 = tpu.memref_squeeze %dma_wait3A_217 : memref<1x64x128xf32, #tpu.memory_space<vmem>> -> memref<64x128xf32, #tpu.memory_space<vmem>>
      %dma_wait3A_219 = arith.constant 0 : i32
      %dma_wait3A_220 = arith.constant 0 : i32
      %dma_wait3A_221 = tpu.memref_slice %arg2[%dma_wait3A_219, %dma_wait3A_220] : memref<10000x128xf32, #tpu.memory_space<hbm>> -> memref<64x128xf32, #tpu.memory_space<hbm>>
      %dma_wait3A_222 = arith.constant 0 : i32
      %dma_wait3A_223 = arith.constant 0 : i32
      %dma_wait3A_224 = tpu.memref_slice %arg10[%dma_wait3A_214, %dma_wait3A_222, %dma_wait3A_223] : memref<2x64x128xf32, #tpu.memory_space<vmem>> -> memref<1x64x128xf32, #tpu.memory_space<vmem>>
      %dma_wait3A_225 = tpu.memref_squeeze %dma_wait3A_224 : memref<1x64x128xf32, #tpu.memory_space<vmem>> -> memref<64x128xf32, #tpu.memory_space<vmem>>
      %dma_wait3A_226 = arith.constant 0 : i32
      %dma_wait3A_227 = arith.constant 0 : i32
      %dma_wait3A_228 = tpu.memref_slice %arg2[%dma_wait3A_226, %dma_wait3A_227] : memref<10000x128xf32, #tpu.memory_space<hbm>> -> memref<64x128xf32, #tpu.memory_space<hbm>>
      tpu.wait_dma2 semaphore(%arg11 : memref<!tpu.dma_semaphore, #tpu.memory_space<semaphore_mem>>) src(%dma_wait3A_228 : memref<64x128xf32, #tpu.memory_space<hbm>>) dst(%dma_wait3A_225 : memref<64x128xf32, #tpu.memory_space<vmem>>)
      %run_scoped3A_229 = arith.constant 0 : i32
      "tpu.region"() ({
        %run_scoped3A_261 = tpu.sem_alloc : memref<!tpu.dma_semaphore, #tpu.memory_space<semaphore_mem>>
        %dma_start3A_262 = arith.constant 0 : i32
        %dma_start3A_263 = arith.constant 0 : i32
        %dma_start3A_264 = tpu.memref_slice %arg10[%run_scoped3A_229, %dma_start3A_262, %dma_start3A_263] : memref<2x64x128xf32, #tpu.memory_space<vmem>> -> memref<1x64x128xf32, #tpu.memory_space<vmem>>
        %dma_start3A_265 = tpu.memref_squeeze %dma_start3A_264 : memref<1x64x128xf32, #tpu.memory_space<vmem>> -> memref<64x128xf32, #tpu.memory_space<vmem>>
        %dma_start3A_266 = arith.constant 0 : i32
        %dma_start3A_267 = tpu.memref_slice %arg8[%mul3A_200, %dma_start3A_266] : memref<157x64xi32, #tpu.memory_space<vmem>> -> memref<1x64xi32, #tpu.memory_space<vmem>>
        %dma_start3A_268 = tpu.memref_squeeze %dma_start3A_267 : memref<1x64xi32, #tpu.memory_space<vmem>> -> memref<64xi32, #tpu.memory_space<vmem>>
        %dma_start3A_269 = arith.constant 0 : i32
        %dma_start3A_270 = arith.constant 0 : i32
        %dma_start3A_271 = tpu.memref_slice %arg13[%dma_start3A_269, %dma_start3A_270] : memref<10112x128xf32, #tpu.memory_space<vmem_shared>> -> memref<10112x128xf32, #tpu.memory_space<vmem_shared>>
        tpu.enqueue_indirect_dma source(%dma_start3A_265 : memref<64x128xf32, #tpu.memory_space<vmem>>) target(%dma_start3A_271 : memref<10112x128xf32, #tpu.memory_space<vmem_shared>>) offsets(%dma_start3A_268 : memref<64xi32, #tpu.memory_space<vmem>>) semaphore(%run_scoped3A_261 : memref<!tpu.dma_semaphore, #tpu.memory_space<semaphore_mem>>) {add = true}
        %dma_wait3A_272 = arith.constant 0 : i32
        %dma_wait3A_273 = arith.constant 0 : i32
        %dma_wait3A_274 = tpu.memref_slice %arg10[%run_scoped3A_229, %dma_wait3A_272, %dma_wait3A_273] : memref<2x64x128xf32, #tpu.memory_space<vmem>> -> memref<1x64x128xf32, #tpu.memory_space<vmem>>
        %dma_wait3A_275 = tpu.memref_squeeze %dma_wait3A_274 : memref<1x64x128xf32, #tpu.memory_space<vmem>> -> memref<64x128xf32, #tpu.memory_space<vmem>>
        %dma_wait3A_276 = arith.constant 0 : i32
        %dma_wait3A_277 = tpu.memref_slice %arg8[%mul3A_200, %dma_wait3A_276] : memref<157x64xi32, #tpu.memory_space<vmem>> -> memref<1x64xi32, #tpu.memory_space<vmem>>
        %dma_wait3A_278 = tpu.memref_squeeze %dma_wait3A_277 : memref<1x64xi32, #tpu.memory_space<vmem>> -> memref<64xi32, #tpu.memory_space<vmem>>
        %dma_wait3A_279 = arith.constant 0 : i32
        %dma_wait3A_280 = arith.constant 0 : i32
        %dma_wait3A_281 = tpu.memref_slice %arg13[%dma_wait3A_279, %dma_wait3A_280] : memref<10112x128xf32, #tpu.memory_space<vmem_shared>> -> memref<10112x128xf32, #tpu.memory_space<vmem_shared>>
        tpu.wait_indirect_dma semaphore(%run_scoped3A_261 : memref<!tpu.dma_semaphore, #tpu.memory_space<semaphore_mem>>) src(%dma_wait3A_275 : memref<64x128xf32, #tpu.memory_space<vmem>>) dst(%dma_wait3A_281 : memref<10112x128xf32, #tpu.memory_space<vmem_shared>>)
        tpu.yield
      }) : () -> ()
      %add3A_230 = arith.constant 2 : i32
      %add3A_231 = arith.addi %mul3A_200, %add3A_230 : i32
      %mul3A_232 = arith.constant 64 : i32
      %mul3A_233 = arith.muli %add3A_231, %mul3A_232 : i32
      %dma_start3A_234 = arith.constant 0 : i32
      %dma_start3A_235 = arith.constant 0 : i32
      %dma_start3A_236 = arith.constant 0 : i32
      %dma_start3A_237 = tpu.memref_slice %arg10[%dma_start3A_234, %dma_start3A_235, %dma_start3A_236] : memref<2x64x128xf32, #tpu.memory_space<vmem>> -> memref<1x64x128xf32, #tpu.memory_space<vmem>>
      %dma_start3A_238 = tpu.memref_squeeze %dma_start3A_237 : memref<1x64x128xf32, #tpu.memory_space<vmem>> -> memref<64x128xf32, #tpu.memory_space<vmem>>
      %dma_start3A_239 = tpu.memref_slice %arg7[%mul3A_233] : memref<10048xi32, #tpu.memory_space<vmem>> -> memref<64xi32, #tpu.memory_space<vmem>>
      %dma_start3A_240 = arith.constant 0 : i32
      %dma_start3A_241 = arith.constant 0 : i32
      %dma_start3A_242 = tpu.memref_slice %arg2[%dma_start3A_240, %dma_start3A_241] : memref<10000x128xf32, #tpu.memory_space<hbm>> -> memref<10000x128xf32, #tpu.memory_space<hbm>>
      tpu.enqueue_indirect_dma source(%dma_start3A_242 : memref<10000x128xf32, #tpu.memory_space<hbm>>) target(%dma_start3A_238 : memref<64x128xf32, #tpu.memory_space<vmem>>) offsets(%dma_start3A_239 : memref<64xi32, #tpu.memory_space<vmem>>) semaphore(%arg11 : memref<!tpu.dma_semaphore, #tpu.memory_space<semaphore_mem>>)
      %dma_wait3A_243 = arith.constant 1 : i32
      %dma_wait3A_244 = arith.constant 0 : i32
      %dma_wait3A_245 = arith.constant 0 : i32
      %dma_wait3A_246 = tpu.memref_slice %arg10[%dma_wait3A_243, %dma_wait3A_244, %dma_wait3A_245] : memref<2x64x128xf32, #tpu.memory_space<vmem>> -> memref<1x64x128xf32, #tpu.memory_space<vmem>>
      %dma_wait3A_247 = tpu.memref_squeeze %dma_wait3A_246 : memref<1x64x128xf32, #tpu.memory_space<vmem>> -> memref<64x128xf32, #tpu.memory_space<vmem>>
      %dma_wait3A_248 = arith.constant 0 : i32
      %dma_wait3A_249 = arith.constant 0 : i32
      %dma_wait3A_250 = tpu.memref_slice %arg2[%dma_wait3A_248, %dma_wait3A_249] : memref<10000x128xf32, #tpu.memory_space<hbm>> -> memref<64x128xf32, #tpu.memory_space<hbm>>
      %dma_wait3A_251 = arith.constant 0 : i32
      %dma_wait3A_252 = arith.constant 0 : i32
      %dma_wait3A_253 = tpu.memref_slice %arg10[%dma_wait3A_243, %dma_wait3A_251, %dma_wait3A_252] : memref<2x64x128xf32, #tpu.memory_space<vmem>> -> memref<1x64x128xf32, #tpu.memory_space<vmem>>
      %dma_wait3A_254 = tpu.memref_squeeze %dma_wait3A_253 : memref<1x64x128xf32, #tpu.memory_space<vmem>> -> memref<64x128xf32, #tpu.memory_space<vmem>>
      %dma_wait3A_255 = arith.constant 0 : i32
      %dma_wait3A_256 = arith.constant 0 : i32
      %dma_wait3A_257 = tpu.memref_slice %arg2[%dma_wait3A_255, %dma_wait3A_256] : memref<10000x128xf32, #tpu.memory_space<hbm>> -> memref<64x128xf32, #tpu.memory_space<hbm>>
      tpu.wait_dma2 semaphore(%arg12 : memref<!tpu.dma_semaphore, #tpu.memory_space<semaphore_mem>>) src(%dma_wait3A_257 : memref<64x128xf32, #tpu.memory_space<hbm>>) dst(%dma_wait3A_254 : memref<64x128xf32, #tpu.memory_space<vmem>>)
      %add3A_258 = arith.constant 1 : i32
      %add3A_259 = arith.addi %mul3A_200, %add3A_258 : i32
      %run_scoped3A_260 = arith.constant 1 : i32
      "tpu.region"() ({
        %run_scoped3A_261 = tpu.sem_alloc : memref<!tpu.dma_semaphore, #tpu.memory_space<semaphore_mem>>
        %dma_start3A_262 = arith.constant 0 : i32
        %dma_start3A_263 = arith.constant 0 : i32
        %dma_start3A_264 = tpu.memref_slice %arg10[%run_scoped3A_260, %dma_start3A_262, %dma_start3A_263] : memref<2x64x128xf32, #tpu.memory_space<vmem>> -> memref<1x64x128xf32, #tpu.memory_space<vmem>>
        %dma_start3A_265 = tpu.memref_squeeze %dma_start3A_264 : memref<1x64x128xf32, #tpu.memory_space<vmem>> -> memref<64x128xf32, #tpu.memory_space<vmem>>
        %dma_start3A_266 = arith.constant 0 : i32
        %dma_start3A_267 = tpu.memref_slice %arg8[%add3A_259, %dma_start3A_266] : memref<157x64xi32, #tpu.memory_space<vmem>> -> memref<1x64xi32, #tpu.memory_space<vmem>>
        %dma_start3A_268 = tpu.memref_squeeze %dma_start3A_267 : memref<1x64xi32, #tpu.memory_space<vmem>> -> memref<64xi32, #tpu.memory_space<vmem>>
        %dma_start3A_269 = arith.constant 0 : i32
        %dma_start3A_270 = arith.constant 0 : i32
        %dma_start3A_271 = tpu.memref_slice %arg13[%dma_start3A_269, %dma_start3A_270] : memref<10112x128xf32, #tpu.memory_space<vmem_shared>> -> memref<10112x128xf32, #tpu.memory_space<vmem_shared>>
        tpu.enqueue_indirect_dma source(%dma_start3A_265 : memref<64x128xf32, #tpu.memory_space<vmem>>) target(%dma_start3A_271 : memref<10112x128xf32, #tpu.memory_space<vmem_shared>>) offsets(%dma_start3A_268 : memref<64xi32, #tpu.memory_space<vmem>>) semaphore(%run_scoped3A_261 : memref<!tpu.dma_semaphore, #tpu.memory_space<semaphore_mem>>) {add = true}
        %dma_wait3A_272 = arith.constant 0 : i32
        %dma_wait3A_273 = arith.constant 0 : i32
        %dma_wait3A_274 = tpu.memref_slice %arg10[%run_scoped3A_260, %dma_wait3A_272, %dma_wait3A_273] : memref<2x64x128xf32, #tpu.memory_space<vmem>> -> memref<1x64x128xf32, #tpu.memory_space<vmem>>
        %dma_wait3A_275 = tpu.memref_squeeze %dma_wait3A_274 : memref<1x64x128xf32, #tpu.memory_space<vmem>> -> memref<64x128xf32, #tpu.memory_space<vmem>>
        %dma_wait3A_276 = arith.constant 0 : i32
        %dma_wait3A_277 = tpu.memref_slice %arg8[%add3A_259, %dma_wait3A_276] : memref<157x64xi32, #tpu.memory_space<vmem>> -> memref<1x64xi32, #tpu.memory_space<vmem>>
        %dma_wait3A_278 = tpu.memref_squeeze %dma_wait3A_277 : memref<1x64xi32, #tpu.memory_space<vmem>> -> memref<64xi32, #tpu.memory_space<vmem>>
        %dma_wait3A_279 = arith.constant 0 : i32
        %dma_wait3A_280 = arith.constant 0 : i32
        %dma_wait3A_281 = tpu.memref_slice %arg13[%dma_wait3A_279, %dma_wait3A_280] : memref<10112x128xf32, #tpu.memory_space<vmem_shared>> -> memref<10112x128xf32, #tpu.memory_space<vmem_shared>>
        tpu.wait_indirect_dma semaphore(%run_scoped3A_261 : memref<!tpu.dma_semaphore, #tpu.memory_space<semaphore_mem>>) src(%dma_wait3A_275 : memref<64x128xf32, #tpu.memory_space<vmem>>) dst(%dma_wait3A_281 : memref<10112x128xf32, #tpu.memory_space<vmem_shared>>)
        tpu.yield
      }) : () -> ()
    }
    %scan3A_178 = arith.constant 78 : i32
    %dma_wait3A_179 = arith.constant 0 : i32
    %dma_wait3A_180 = arith.constant 0 : i32
    %dma_wait3A_181 = arith.constant 0 : i32
    %dma_wait3A_182 = tpu.memref_slice %arg10[%dma_wait3A_179, %dma_wait3A_180, %dma_wait3A_181] : memref<2x64x128xf32, #tpu.memory_space<vmem>> -> memref<1x64x128xf32, #tpu.memory_space<vmem>>
    %dma_wait3A_183 = tpu.memref_squeeze %dma_wait3A_182 : memref<1x64x128xf32, #tpu.memory_space<vmem>> -> memref<64x128xf32, #tpu.memory_space<vmem>>
    %dma_wait3A_184 = arith.constant 0 : i32
    %dma_wait3A_185 = arith.constant 0 : i32
    %dma_wait3A_186 = tpu.memref_slice %arg2[%dma_wait3A_184, %dma_wait3A_185] : memref<10000x128xf32, #tpu.memory_space<hbm>> -> memref<64x128xf32, #tpu.memory_space<hbm>>
    %dma_wait3A_187 = arith.constant 0 : i32
    %dma_wait3A_188 = arith.constant 0 : i32
    %dma_wait3A_189 = tpu.memref_slice %arg10[%dma_wait3A_179, %dma_wait3A_187, %dma_wait3A_188] : memref<2x64x128xf32, #tpu.memory_space<vmem>> -> memref<1x64x128xf32, #tpu.memory_space<vmem>>
    %dma_wait3A_190 = tpu.memref_squeeze %dma_wait3A_189 : memref<1x64x128xf32, #tpu.memory_space<vmem>> -> memref<64x128xf32, #tpu.memory_space<vmem>>
    %dma_wait3A_191 = arith.constant 0 : i32
    %dma_wait3A_192 = arith.constant 0 : i32
    %dma_wait3A_193 = tpu.memref_slice %arg2[%dma_wait3A_191, %dma_wait3A_192] : memref<10000x128xf32, #tpu.memory_space<hbm>> -> memref<64x128xf32, #tpu.memory_space<hbm>>
    tpu.wait_dma2 semaphore(%arg11 : memref<!tpu.dma_semaphore, #tpu.memory_space<semaphore_mem>>) src(%dma_wait3A_193 : memref<64x128xf32, #tpu.memory_space<hbm>>) dst(%dma_wait3A_190 : memref<64x128xf32, #tpu.memory_space<vmem>>)
    %run_scoped3A_194 = arith.constant 0 : i32
    %run_scoped3A_195 = arith.constant 156 : i32
    "tpu.region"() ({
      %run_scoped3A_198 = tpu.sem_alloc : memref<!tpu.dma_semaphore, #tpu.memory_space<semaphore_mem>>
      %dma_start3A_199 = arith.constant 0 : i32
      %dma_start3A_200 = arith.constant 0 : i32
      %dma_start3A_201 = tpu.memref_slice %arg10[%run_scoped3A_194, %dma_start3A_199, %dma_start3A_200] : memref<2x64x128xf32, #tpu.memory_space<vmem>> -> memref<1x64x128xf32, #tpu.memory_space<vmem>>
      %dma_start3A_202 = tpu.memref_squeeze %dma_start3A_201 : memref<1x64x128xf32, #tpu.memory_space<vmem>> -> memref<64x128xf32, #tpu.memory_space<vmem>>
      %dma_start3A_203 = arith.constant 0 : i32
      %dma_start3A_204 = tpu.memref_slice %arg8[%run_scoped3A_195, %dma_start3A_203] : memref<157x64xi32, #tpu.memory_space<vmem>> -> memref<1x64xi32, #tpu.memory_space<vmem>>
      %dma_start3A_205 = tpu.memref_squeeze %dma_start3A_204 : memref<1x64xi32, #tpu.memory_space<vmem>> -> memref<64xi32, #tpu.memory_space<vmem>>
      %dma_start3A_206 = arith.constant 0 : i32
      %dma_start3A_207 = arith.constant 0 : i32
      %dma_start3A_208 = tpu.memref_slice %arg13[%dma_start3A_206, %dma_start3A_207] : memref<10112x128xf32, #tpu.memory_space<vmem_shared>> -> memref<10112x128xf32, #tpu.memory_space<vmem_shared>>
      tpu.enqueue_indirect_dma source(%dma_start3A_202 : memref<64x128xf32, #tpu.memory_space<vmem>>) target(%dma_start3A_208 : memref<10112x128xf32, #tpu.memory_space<vmem_shared>>) offsets(%dma_start3A_205 : memref<64xi32, #tpu.memory_space<vmem>>) semaphore(%run_scoped3A_198 : memref<!tpu.dma_semaphore, #tpu.memory_space<semaphore_mem>>) {add = true}
      %dma_wait3A_209 = arith.constant 0 : i32
      %dma_wait3A_210 = arith.constant 0 : i32
      %dma_wait3A_211 = tpu.memref_slice %arg10[%run_scoped3A_194, %dma_wait3A_209, %dma_wait3A_210] : memref<2x64x128xf32, #tpu.memory_space<vmem>> -> memref<1x64x128xf32, #tpu.memory_space<vmem>>
      %dma_wait3A_212 = tpu.memref_squeeze %dma_wait3A_211 : memref<1x64x128xf32, #tpu.memory_space<vmem>> -> memref<64x128xf32, #tpu.memory_space<vmem>>
      %dma_wait3A_213 = arith.constant 0 : i32
      %dma_wait3A_214 = tpu.memref_slice %arg8[%run_scoped3A_195, %dma_wait3A_213] : memref<157x64xi32, #tpu.memory_space<vmem>> -> memref<1x64xi32, #tpu.memory_space<vmem>>
      %dma_wait3A_215 = tpu.memref_squeeze %dma_wait3A_214 : memref<1x64xi32, #tpu.memory_space<vmem>> -> memref<64xi32, #tpu.memory_space<vmem>>
      %dma_wait3A_216 = arith.constant 0 : i32
      %dma_wait3A_217 = arith.constant 0 : i32
      %dma_wait3A_218 = tpu.memref_slice %arg13[%dma_wait3A_216, %dma_wait3A_217] : memref<10112x128xf32, #tpu.memory_space<vmem_shared>> -> memref<10112x128xf32, #tpu.memory_space<vmem_shared>>
      tpu.wait_indirect_dma semaphore(%run_scoped3A_198 : memref<!tpu.dma_semaphore, #tpu.memory_space<semaphore_mem>>) src(%dma_wait3A_212 : memref<64x128xf32, #tpu.memory_space<vmem>>) dst(%dma_wait3A_218 : memref<10112x128xf32, #tpu.memory_space<vmem_shared>>)
      tpu.yield
    }) : () -> ()
    %barrier3A_196 = arith.constant 0 : index
    tpu.barrier barrier_id(%barrier3A_196)
    %run_scoped3A_197 = arith.constant 3 : i32
    "tpu.region"() ({
      %run_scoped3A_198 = tpu.sem_alloc : memref<!tpu.dma_semaphore, #tpu.memory_space<semaphore_mem>>
      %dma_start3A_199 = arith.constant 0 : i32
      %dma_start3A_200 = tpu.memref_slice %arg6[%run_scoped3A_197, %arg0, %mul3A_2, %dma_start3A_199] : memref<4x2x10112x128xf32, #tpu.memory_space<hbm>> -> memref<1x1x632x128xf32, #tpu.memory_space<hbm>>
      %dma_start3A_201 = tpu.memref_squeeze %dma_start3A_200 : memref<1x1x632x128xf32, #tpu.memory_space<hbm>> -> memref<632x128xf32, #tpu.memory_space<hbm>>
      %dma_start3A_202 = arith.constant 0 : i32
      %dma_start3A_203 = tpu.memref_slice %arg13[%mul3A_2, %dma_start3A_202] : memref<10112x128xf32, #tpu.memory_space<vmem_shared>> -> memref<632x128xf32, #tpu.memory_space<vmem_shared>>
      tpu.enqueue_dma source(%dma_start3A_203 : memref<632x128xf32, #tpu.memory_space<vmem_shared>>) target(%dma_start3A_201 : memref<632x128xf32, #tpu.memory_space<hbm>>) target_semaphore(%run_scoped3A_198 : memref<!tpu.dma_semaphore, #tpu.memory_space<semaphore_mem>>)
      %dma_wait3A_204 = arith.constant 0 : i32
      %dma_wait3A_205 = tpu.memref_slice %arg6[%run_scoped3A_197, %arg0, %mul3A_2, %dma_wait3A_204] : memref<4x2x10112x128xf32, #tpu.memory_space<hbm>> -> memref<1x1x632x128xf32, #tpu.memory_space<hbm>>
      %dma_wait3A_206 = tpu.memref_squeeze %dma_wait3A_205 : memref<1x1x632x128xf32, #tpu.memory_space<hbm>> -> memref<632x128xf32, #tpu.memory_space<hbm>>
      %dma_wait3A_207 = arith.constant 0 : i32
      %dma_wait3A_208 = tpu.memref_slice %arg13[%mul3A_2, %dma_wait3A_207] : memref<10112x128xf32, #tpu.memory_space<vmem_shared>> -> memref<632x128xf32, #tpu.memory_space<vmem_shared>>
      tpu.wait_dma2 semaphore(%run_scoped3A_198 : memref<!tpu.dma_semaphore, #tpu.memory_space<semaphore_mem>>) src(%dma_wait3A_208 : memref<632x128xf32, #tpu.memory_space<vmem_shared>>) dst(%dma_wait3A_206 : memref<632x128xf32, #tpu.memory_space<hbm>>)
      tpu.yield
    }) : () -> ()
    return
  }
}

#map = affine_map<(d0, d1) -> (0, 0)>
#map1 = affine_map<(d0, d1) -> (0)>
#map2 = affine_map<(d0, d1) -> (0, 0, 0)>
#map3 = affine_map<(d0, d1) -> (0, 0, 0, 0)>
module attributes {stable_mosaic.version = 14 : i64} {
  func.func @_sc_body(%arg0: i32, %arg1: i32, %arg2: memref<10000x128xf32, #tpu.memory_space<hbm>>, %arg3: memref<321536xi32, #tpu.memory_space<hbm>>, %arg4: memref<32x157x64xi32, #tpu.memory_space<hbm>>, %arg5: memref<1256xi32, #tpu.memory_space<hbm>>, %arg6: memref<4x2x10112x128xf32, #tpu.memory_space<hbm>>, %arg7: memref<10048xi32, #tpu.memory_space<vmem>>, %arg8: memref<157x64xi32, #tpu.memory_space<vmem>>, %arg9: memref<1256xi32, #tpu.memory_space<vmem>>, %arg10: memref<2x64x128xf32, #tpu.memory_space<vmem>>, %arg11: memref<!tpu.dma_semaphore, #tpu.memory_space<semaphore_mem>>, %arg12: memref<!tpu.dma_semaphore, #tpu.memory_space<semaphore_mem>>, %arg13: memref<10112x128xf32, #tpu.memory_space<vmem_shared>>) attributes {dimension_semantics = [#tpu.dimension_semantics<core_parallel>, #tpu.dimension_semantics<subcore_parallel>], iteration_bounds = array<i64: 2, 16>, scalar_prefetch = 0 : i64, scratch_operands = 7 : i64, tpu.core_type = #tpu.core_type<sc_vector_subcore>, window_params = [{transform_indices = #map}, {transform_indices = #map1}, {transform_indices = #map2}, {transform_indices = #map1}, {transform_indices = #map3}]} {
    %mul3A = arith.constant 16 : i32
    %mul3A_0 = arith.muli %arg0, %mul3A : i32
    %add3A = arith.addi %mul3A_0, %arg1 : i32
    %mul3A_1 = arith.constant 632 : i32
    %mul3A_2 = arith.muli %arg1, %mul3A_1 : i32
    %mul3A_3 = arith.constant 10048 : i32
    %mul3A_4 = arith.muli %add3A, %mul3A_3 : i32
    "tpu.region"() ({
      %run_scoped3A_198 = tpu.sem_alloc : memref<!tpu.dma_semaphore, #tpu.memory_space<semaphore_mem>>
      %dma_start3A_199 = tpu.memref_slice %arg3[%mul3A_4] : memref<321536xi32, #tpu.memory_space<hbm>> -> memref<10048xi32, #tpu.memory_space<hbm>>
      %dma_start3A_200 = tpu.memref_slice %arg3[%mul3A_4] : memref<321536xi32, #tpu.memory_space<hbm>> -> memref<10048xi32, #tpu.memory_space<hbm>>
      tpu.enqueue_dma source(%dma_start3A_200 : memref<10048xi32, #tpu.memory_space<hbm>>) target(%arg7 : memref<10048xi32, #tpu.memory_space<vmem>>) target_semaphore(%run_scoped3A_198 : memref<!tpu.dma_semaphore, #tpu.memory_space<semaphore_mem>>)
      %dma_wait3A_201 = tpu.memref_slice %arg3[%mul3A_4] : memref<321536xi32, #tpu.memory_space<hbm>> -> memref<10048xi32, #tpu.memory_space<hbm>>
      %dma_wait3A_202 = tpu.memref_slice %arg3[%mul3A_4] : memref<321536xi32, #tpu.memory_space<hbm>> -> memref<10048xi32, #tpu.memory_space<hbm>>
      tpu.wait_dma2 semaphore(%run_scoped3A_198 : memref<!tpu.dma_semaphore, #tpu.memory_space<semaphore_mem>>) src(%dma_wait3A_202 : memref<10048xi32, #tpu.memory_space<hbm>>) dst(%arg7 : memref<10048xi32, #tpu.memory_space<vmem>>)
      tpu.yield
    }) : () -> ()
    "tpu.region"() ({
      %run_scoped3A_198 = tpu.sem_alloc : memref<!tpu.dma_semaphore, #tpu.memory_space<semaphore_mem>>
      tpu.enqueue_dma source(%arg5 : memref<1256xi32, #tpu.memory_space<hbm>>) target(%arg9 : memref<1256xi32, #tpu.memory_space<vmem>>) target_semaphore(%run_scoped3A_198 : memref<!tpu.dma_semaphore, #tpu.memory_space<semaphore_mem>>)
      tpu.wait_dma2 semaphore(%run_scoped3A_198 : memref<!tpu.dma_semaphore, #tpu.memory_space<semaphore_mem>>) src(%arg5 : memref<1256xi32, #tpu.memory_space<hbm>>) dst(%arg9 : memref<1256xi32, #tpu.memory_space<vmem>>)
      tpu.yield
    }) : () -> ()
    %broadcast_in_dim3A = arith.constant 0.000000e+00 : f32
    %broadcast_in_dim3A_5 = vector.broadcast %broadcast_in_dim3A : f32 to vector<16xf32>
    %scan3A = arith.constant 0 : i32
    %scan3A_6 = arith.constant 64 : i32
    %scan3A_7 = arith.addi %scan3A, %scan3A_6 : i32
    %scan3A_8 = arith.constant 1 : i32
    scf.for %scan3A_198 = %scan3A to %scan3A_7 step %scan3A_8  : i32 {
      %swap3A = arith.constant 0 : i32
      %swap3A_199 = arith.index_cast %swap3A : i32 to index
      %swap3A_200 = arith.index_cast %scan3A_198 : i32 to index
      %swap3A_201 = arith.constant 0 : index
      %swap3A_202 = tpu.vector_load %arg10[%swap3A_199, %swap3A_200, %swap3A_201] {strides = array<i32>} : memref<2x64x128xf32, #tpu.memory_space<vmem>>, vector<16xf32>,
      tpu.vector_store %arg10[%swap3A_199, %swap3A_200, %swap3A_201], %broadcast_in_dim3A_5 {strides = array<i32>} : memref<2x64x128xf32, #tpu.memory_space<vmem>>, vector<16xf32>,
      %swap3A_203 = arith.constant 0 : i32
      %swap3A_204 = arith.index_cast %swap3A_203 : i32 to index
      %swap3A_205 = arith.index_cast %scan3A_198 : i32 to index
      %swap3A_206 = arith.constant 16 : index
      %swap3A_207 = tpu.vector_load %arg10[%swap3A_204, %swap3A_205, %swap3A_206] {strides = array<i32>} : memref<2x64x128xf32, #tpu.memory_space<vmem>>, vector<16xf32>,
      tpu.vector_store %arg10[%swap3A_204, %swap3A_205, %swap3A_206], %broadcast_in_dim3A_5 {strides = array<i32>} : memref<2x64x128xf32, #tpu.memory_space<vmem>>, vector<16xf32>,
      %swap3A_208 = arith.constant 0 : i32
      %swap3A_209 = arith.index_cast %swap3A_208 : i32 to index
      %swap3A_210 = arith.index_cast %scan3A_198 : i32 to index
      %swap3A_211 = arith.constant 32 : index
      %swap3A_212 = tpu.vector_load %arg10[%swap3A_209, %swap3A_210, %swap3A_211] {strides = array<i32>} : memref<2x64x128xf32, #tpu.memory_space<vmem>>, vector<16xf32>,
      tpu.vector_store %arg10[%swap3A_209, %swap3A_210, %swap3A_211], %broadcast_in_dim3A_5 {strides = array<i32>} : memref<2x64x128xf32, #tpu.memory_space<vmem>>, vector<16xf32>,
      %swap3A_213 = arith.constant 0 : i32
      %swap3A_214 = arith.index_cast %swap3A_213 : i32 to index
      %swap3A_215 = arith.index_cast %scan3A_198 : i32 to index
      %swap3A_216 = arith.constant 48 : index
      %swap3A_217 = tpu.vector_load %arg10[%swap3A_214, %swap3A_215, %swap3A_216] {strides = array<i32>} : memref<2x64x128xf32, #tpu.memory_space<vmem>>, vector<16xf32>,
      tpu.vector_store %arg10[%swap3A_214, %swap3A_215, %swap3A_216], %broadcast_in_dim3A_5 {strides = array<i32>} : memref<2x64x128xf32, #tpu.memory_space<vmem>>, vector<16xf32>,
      %swap3A_218 = arith.constant 0 : i32
      %swap3A_219 = arith.index_cast %swap3A_218 : i32 to index
      %swap3A_220 = arith.index_cast %scan3A_198 : i32 to index
      %swap3A_221 = arith.constant 64 : index
      %swap3A_222 = tpu.vector_load %arg10[%swap3A_219, %swap3A_220, %swap3A_221] {strides = array<i32>} : memref<2x64x128xf32, #tpu.memory_space<vmem>>, vector<16xf32>,
      tpu.vector_store %arg10[%swap3A_219, %swap3A_220, %swap3A_221], %broadcast_in_dim3A_5 {strides = array<i32>} : memref<2x64x128xf32, #tpu.memory_space<vmem>>, vector<16xf32>,
      %swap3A_223 = arith.constant 0 : i32
      %swap3A_224 = arith.index_cast %swap3A_223 : i32 to index
      %swap3A_225 = arith.index_cast %scan3A_198 : i32 to index
      %swap3A_226 = arith.constant 80 : index
      %swap3A_227 = tpu.vector_load %arg10[%swap3A_224, %swap3A_225, %swap3A_226] {strides = array<i32>} : memref<2x64x128xf32, #tpu.memory_space<vmem>>, vector<16xf32>,
      tpu.vector_store %arg10[%swap3A_224, %swap3A_225, %swap3A_226], %broadcast_in_dim3A_5 {strides = array<i32>} : memref<2x64x128xf32, #tpu.memory_space<vmem>>, vector<16xf32>,
      %swap3A_228 = arith.constant 0 : i32
      %swap3A_229 = arith.index_cast %swap3A_228 : i32 to index
      %swap3A_230 = arith.index_cast %scan3A_198 : i32 to index
      %swap3A_231 = arith.constant 96 : index
      %swap3A_232 = tpu.vector_load %arg10[%swap3A_229, %swap3A_230, %swap3A_231] {strides = array<i32>} : memref<2x64x128xf32, #tpu.memory_space<vmem>>, vector<16xf32>,
      tpu.vector_store %arg10[%swap3A_229, %swap3A_230, %swap3A_231], %broadcast_in_dim3A_5 {strides = array<i32>} : memref<2x64x128xf32, #tpu.memory_space<vmem>>, vector<16xf32>,
      %swap3A_233 = arith.constant 0 : i32
      %swap3A_234 = arith.index_cast %swap3A_233 : i32 to index
      %swap3A_235 = arith.index_cast %scan3A_198 : i32 to index
      %swap3A_236 = arith.constant 112 : index
      %swap3A_237 = tpu.vector_load %arg10[%swap3A_234, %swap3A_235, %swap3A_236] {strides = array<i32>} : memref<2x64x128xf32, #tpu.memory_space<vmem>>, vector<16xf32>,
      tpu.vector_store %arg10[%swap3A_234, %swap3A_235, %swap3A_236], %broadcast_in_dim3A_5 {strides = array<i32>} : memref<2x64x128xf32, #tpu.memory_space<vmem>>, vector<16xf32>,
    }
    %scan3A_9 = arith.constant 64 : i32
    %add3A_10 = arith.constant 0 : i32
    %add3A_11 = arith.addi %mul3A_2, %add3A_10 : i32
    %run_scoped3A = arith.constant 0 : i32
    "tpu.region"() ({
      %run_scoped3A_198 = tpu.sem_alloc : memref<!tpu.dma_semaphore, #tpu.memory_space<semaphore_mem>>
      %dma_start3A_199 = arith.constant 0 : i32
      %dma_start3A_200 = arith.constant 0 : i32
      %dma_start3A_201 = tpu.memref_slice %arg10[%run_scoped3A, %dma_start3A_199, %dma_start3A_200] : memref<2x64x128xf32, #tpu.memory_space<vmem>> -> memref<1x64x128xf32, #tpu.memory_space<vmem>>
      %dma_start3A_202 = tpu.memref_squeeze %dma_start3A_201 : memref<1x64x128xf32, #tpu.memory_space<vmem>> -> memref<64x128xf32, #tpu.memory_space<vmem>>
      %dma_start3A_203 = arith.constant 0 : i32
      %dma_start3A_204 = tpu.memref_slice %arg13[%add3A_11, %dma_start3A_203] : memref<10112x128xf32, #tpu.memory_space<vmem_shared>> -> memref<64x128xf32, #tpu.memory_space<vmem_shared>>
      %dma_start3A_205 = arith.constant 0 : i32
      %dma_start3A_206 = tpu.memref_slice %arg13[%add3A_11, %dma_start3A_205] : memref<10112x128xf32, #tpu.memory_space<vmem_shared>> -> memref<64x128xf32, #tpu.memory_space<vmem_shared>>
      %dma_start3A_207 = arith.constant 0 : i32
      %dma_start3A_208 = arith.constant 0 : i32
      %dma_start3A_209 = tpu.memref_slice %arg10[%run_scoped3A, %dma_start3A_207, %dma_start3A_208] : memref<2x64x128xf32, #tpu.memory_space<vmem>> -> memref<1x64x128xf32, #tpu.memory_space<vmem>>
      %dma_start3A_210 = tpu.memref_squeeze %dma_start3A_209 : memref<1x64x128xf32, #tpu.memory_space<vmem>> -> memref<64x128xf32, #tpu.memory_space<vmem>>
      tpu.enqueue_dma source(%dma_start3A_210 : memref<64x128xf32, #tpu.memory_space<vmem>>) target(%dma_start3A_206 : memref<64x128xf32, #tpu.memory_space<vmem_shared>>) target_semaphore(%run_scoped3A_198 : memref<!tpu.dma_semaphore, #tpu.memory_space<semaphore_mem>>)
      %dma_wait3A_211 = arith.constant 0 : i32
      %dma_wait3A_212 = arith.constant 0 : i32
      %dma_wait3A_213 = tpu.memref_slice %arg10[%run_scoped3A, %dma_wait3A_211, %dma_wait3A_212] : memref<2x64x128xf32, #tpu.memory_space<vmem>> -> memref<1x64x128xf32, #tpu.memory_space<vmem>>
      %dma_wait3A_214 = tpu.memref_squeeze %dma_wait3A_213 : memref<1x64x128xf32, #tpu.memory_space<vmem>> -> memref<64x128xf32, #tpu.memory_space<vmem>>
      %dma_wait3A_215 = arith.constant 0 : i32
      %dma_wait3A_216 = tpu.memref_slice %arg13[%add3A_11, %dma_wait3A_215] : memref<10112x128xf32, #tpu.memory_space<vmem_shared>> -> memref<64x128xf32, #tpu.memory_space<vmem_shared>>
      %dma_wait3A_217 = arith.constant 0 : i32
      %dma_wait3A_218 = tpu.memref_slice %arg13[%add3A_11, %dma_wait3A_217] : memref<10112x128xf32, #tpu.memory_space<vmem_shared>> -> memref<64x128xf32, #tpu.memory_space<vmem_shared>>
      %dma_wait3A_219 = arith.constant 0 : i32
      %dma_wait3A_220 = arith.constant 0 : i32
      %dma_wait3A_221 = tpu.memref_slice %arg10[%run_scoped3A, %dma_wait3A_219, %dma_wait3A_220] : memref<2x64x128xf32, #tpu.memory_space<vmem>> -> memref<1x64x128xf32, #tpu.memory_space<vmem>>
      %dma_wait3A_222 = tpu.memref_squeeze %dma_wait3A_221 : memref<1x64x128xf32, #tpu.memory_space<vmem>> -> memref<64x128xf32, #tpu.memory_space<vmem>>
      tpu.wait_dma2 semaphore(%run_scoped3A_198 : memref<!tpu.dma_semaphore, #tpu.memory_space<semaphore_mem>>) src(%dma_wait3A_222 : memref<64x128xf32, #tpu.memory_space<vmem>>) dst(%dma_wait3A_218 : memref<64x128xf32, #tpu.memory_space<vmem_shared>>)
      tpu.yield
    }) : () -> ()
    %add3A_12 = arith.constant 64 : i32
    %add3A_13 = arith.addi %mul3A_2, %add3A_12 : i32
    %run_scoped3A_14 = arith.constant 0 : i32
    "tpu.region"() ({
      %run_scoped3A_198 = tpu.sem_alloc : memref<!tpu.dma_semaphore, #tpu.memory_space<semaphore_mem>>
      %dma_start3A_199 = arith.constant 0 : i32
      %dma_start3A_200 = arith.constant 0 : i32
      %dma_start3A_201 = tpu.memref_slice %arg10[%run_scoped3A_14, %dma_start3A_199, %dma_start3A_200] : memref<2x64x128xf32, #tpu.memory_space<vmem>> -> memref<1x64x128xf32, #tpu.memory_space<vmem>>
      %dma_start3A_202 = tpu.memref_squeeze %dma_start3A_201 : memref<1x64x128xf32, #tpu.memory_space<vmem>> -> memref<64x128xf32, #tpu.memory_space<vmem>>
      %dma_start3A_203 = arith.constant 0 : i32
      %dma_start3A_204 = tpu.memref_slice %arg13[%add3A_13, %dma_start3A_203] : memref<10112x128xf32, #tpu.memory_space<vmem_shared>> -> memref<64x128xf32, #tpu.memory_space<vmem_shared>>
      %dma_start3A_205 = arith.constant 0 : i32
      %dma_start3A_206 = tpu.memref_slice %arg13[%add3A_13, %dma_start3A_205] : memref<10112x128xf32, #tpu.memory_space<vmem_shared>> -> memref<64x128xf32, #tpu.memory_space<vmem_shared>>
      %dma_start3A_207 = arith.constant 0 : i32
      %dma_start3A_208 = arith.constant 0 : i32
      %dma_start3A_209 = tpu.memref_slice %arg10[%run_scoped3A_14, %dma_start3A_207, %dma_start3A_208] : memref<2x64x128xf32, #tpu.memory_space<vmem>> -> memref<1x64x128xf32, #tpu.memory_space<vmem>>
      %dma_start3A_210 = tpu.memref_squeeze %dma_start3A_209 : memref<1x64x128xf32, #tpu.memory_space<vmem>> -> memref<64x128xf32, #tpu.memory_space<vmem>>
      tpu.enqueue_dma source(%dma_start3A_210 : memref<64x128xf32, #tpu.memory_space<vmem>>) target(%dma_start3A_206 : memref<64x128xf32, #tpu.memory_space<vmem_shared>>) target_semaphore(%run_scoped3A_198 : memref<!tpu.dma_semaphore, #tpu.memory_space<semaphore_mem>>)
      %dma_wait3A_211 = arith.constant 0 : i32
      %dma_wait3A_212 = arith.constant 0 : i32
      %dma_wait3A_213 = tpu.memref_slice %arg10[%run_scoped3A_14, %dma_wait3A_211, %dma_wait3A_212] : memref<2x64x128xf32, #tpu.memory_space<vmem>> -> memref<1x64x128xf32, #tpu.memory_space<vmem>>
      %dma_wait3A_214 = tpu.memref_squeeze %dma_wait3A_213 : memref<1x64x128xf32, #tpu.memory_space<vmem>> -> memref<64x128xf32, #tpu.memory_space<vmem>>
      %dma_wait3A_215 = arith.constant 0 : i32
      %dma_wait3A_216 = tpu.memref_slice %arg13[%add3A_13, %dma_wait3A_215] : memref<10112x128xf32, #tpu.memory_space<vmem_shared>> -> memref<64x128xf32, #tpu.memory_space<vmem_shared>>
      %dma_wait3A_217 = arith.constant 0 : i32
      %dma_wait3A_218 = tpu.memref_slice %arg13[%add3A_13, %dma_wait3A_217] : memref<10112x128xf32, #tpu.memory_space<vmem_shared>> -> memref<64x128xf32, #tpu.memory_space<vmem_shared>>
      %dma_wait3A_219 = arith.constant 0 : i32
      %dma_wait3A_220 = arith.constant 0 : i32
      %dma_wait3A_221 = tpu.memref_slice %arg10[%run_scoped3A_14, %dma_wait3A_219, %dma_wait3A_220] : memref<2x64x128xf32, #tpu.memory_space<vmem>> -> memref<1x64x128xf32, #tpu.memory_space<vmem>>
      %dma_wait3A_222 = tpu.memref_squeeze %dma_wait3A_221 : memref<1x64x128xf32, #tpu.memory_space<vmem>> -> memref<64x128xf32, #tpu.memory_space<vmem>>
      tpu.wait_dma2 semaphore(%run_scoped3A_198 : memref<!tpu.dma_semaphore, #tpu.memory_space<semaphore_mem>>) src(%dma_wait3A_222 : memref<64x128xf32, #tpu.memory_space<vmem>>) dst(%dma_wait3A_218 : memref<64x128xf32, #tpu.memory_space<vmem_shared>>)
      tpu.yield
    }) : () -> ()
    %add3A_15 = arith.constant 128 : i32
    %add3A_16 = arith.addi %mul3A_2, %add3A_15 : i32
    %run_scoped3A_17 = arith.constant 0 : i32
    "tpu.region"() ({
      %run_scoped3A_198 = tpu.sem_alloc : memref<!tpu.dma_semaphore, #tpu.memory_space<semaphore_mem>>
      %dma_start3A_199 = arith.constant 0 : i32
      %dma_start3A_200 = arith.constant 0 : i32
      %dma_start3A_201 = tpu.memref_slice %arg10[%run_scoped3A_17, %dma_start3A_199, %dma_start3A_200] : memref<2x64x128xf32, #tpu.memory_space<vmem>> -> memref<1x64x128xf32, #tpu.memory_space<vmem>>
      %dma_start3A_202 = tpu.memref_squeeze %dma_start3A_201 : memref<1x64x128xf32, #tpu.memory_space<vmem>> -> memref<64x128xf32, #tpu.memory_space<vmem>>
      %dma_start3A_203 = arith.constant 0 : i32
      %dma_start3A_204 = tpu.memref_slice %arg13[%add3A_16, %dma_start3A_203] : memref<10112x128xf32, #tpu.memory_space<vmem_shared>> -> memref<64x128xf32, #tpu.memory_space<vmem_shared>>
      %dma_start3A_205 = arith.constant 0 : i32
      %dma_start3A_206 = tpu.memref_slice %arg13[%add3A_16, %dma_start3A_205] : memref<10112x128xf32, #tpu.memory_space<vmem_shared>> -> memref<64x128xf32, #tpu.memory_space<vmem_shared>>
      %dma_start3A_207 = arith.constant 0 : i32
      %dma_start3A_208 = arith.constant 0 : i32
      %dma_start3A_209 = tpu.memref_slice %arg10[%run_scoped3A_17, %dma_start3A_207, %dma_start3A_208] : memref<2x64x128xf32, #tpu.memory_space<vmem>> -> memref<1x64x128xf32, #tpu.memory_space<vmem>>
      %dma_start3A_210 = tpu.memref_squeeze %dma_start3A_209 : memref<1x64x128xf32, #tpu.memory_space<vmem>> -> memref<64x128xf32, #tpu.memory_space<vmem>>
      tpu.enqueue_dma source(%dma_start3A_210 : memref<64x128xf32, #tpu.memory_space<vmem>>) target(%dma_start3A_206 : memref<64x128xf32, #tpu.memory_space<vmem_shared>>) target_semaphore(%run_scoped3A_198 : memref<!tpu.dma_semaphore, #tpu.memory_space<semaphore_mem>>)
      %dma_wait3A_211 = arith.constant 0 : i32
      %dma_wait3A_212 = arith.constant 0 : i32
      %dma_wait3A_213 = tpu.memref_slice %arg10[%run_scoped3A_17, %dma_wait3A_211, %dma_wait3A_212] : memref<2x64x128xf32, #tpu.memory_space<vmem>> -> memref<1x64x128xf32, #tpu.memory_space<vmem>>
      %dma_wait3A_214 = tpu.memref_squeeze %dma_wait3A_213 : memref<1x64x128xf32, #tpu.memory_space<vmem>> -> memref<64x128xf32, #tpu.memory_space<vmem>>
      %dma_wait3A_215 = arith.constant 0 : i32
      %dma_wait3A_216 = tpu.memref_slice %arg13[%add3A_16, %dma_wait3A_215] : memref<10112x128xf32, #tpu.memory_space<vmem_shared>> -> memref<64x128xf32, #tpu.memory_space<vmem_shared>>
      %dma_wait3A_217 = arith.constant 0 : i32
      %dma_wait3A_218 = tpu.memref_slice %arg13[%add3A_16, %dma_wait3A_217] : memref<10112x128xf32, #tpu.memory_space<vmem_shared>> -> memref<64x128xf32, #tpu.memory_space<vmem_shared>>
      %dma_wait3A_219 = arith.constant 0 : i32
      %dma_wait3A_220 = arith.constant 0 : i32
      %dma_wait3A_221 = tpu.memref_slice %arg10[%run_scoped3A_17, %dma_wait3A_219, %dma_wait3A_220] : memref<2x64x128xf32, #tpu.memory_space<vmem>> -> memref<1x64x128xf32, #tpu.memory_space<vmem>>
      %dma_wait3A_222 = tpu.memref_squeeze %dma_wait3A_221 : memref<1x64x128xf32, #tpu.memory_space<vmem>> -> memref<64x128xf32, #tpu.memory_space<vmem>>
      tpu.wait_dma2 semaphore(%run_scoped3A_198 : memref<!tpu.dma_semaphore, #tpu.memory_space<semaphore_mem>>) src(%dma_wait3A_222 : memref<64x128xf32, #tpu.memory_space<vmem>>) dst(%dma_wait3A_218 : memref<64x128xf32, #tpu.memory_space<vmem_shared>>)
      tpu.yield
    }) : () -> ()
    %add3A_18 = arith.constant 192 : i32
    %add3A_19 = arith.addi %mul3A_2, %add3A_18 : i32
    %run_scoped3A_20 = arith.constant 0 : i32
    "tpu.region"() ({
      %run_scoped3A_198 = tpu.sem_alloc : memref<!tpu.dma_semaphore, #tpu.memory_space<semaphore_mem>>
      %dma_start3A_199 = arith.constant 0 : i32
      %dma_start3A_200 = arith.constant 0 : i32
      %dma_start3A_201 = tpu.memref_slice %arg10[%run_scoped3A_20, %dma_start3A_199, %dma_start3A_200] : memref<2x64x128xf32, #tpu.memory_space<vmem>> -> memref<1x64x128xf32, #tpu.memory_space<vmem>>
      %dma_start3A_202 = tpu.memref_squeeze %dma_start3A_201 : memref<1x64x128xf32, #tpu.memory_space<vmem>> -> memref<64x128xf32, #tpu.memory_space<vmem>>
      %dma_start3A_203 = arith.constant 0 : i32
      %dma_start3A_204 = tpu.memref_slice %arg13[%add3A_19, %dma_start3A_203] : memref<10112x128xf32, #tpu.memory_space<vmem_shared>> -> memref<64x128xf32, #tpu.memory_space<vmem_shared>>
      %dma_start3A_205 = arith.constant 0 : i32
      %dma_start3A_206 = tpu.memref_slice %arg13[%add3A_19, %dma_start3A_205] : memref<10112x128xf32, #tpu.memory_space<vmem_shared>> -> memref<64x128xf32, #tpu.memory_space<vmem_shared>>
      %dma_start3A_207 = arith.constant 0 : i32
      %dma_start3A_208 = arith.constant 0 : i32
      %dma_start3A_209 = tpu.memref_slice %arg10[%run_scoped3A_20, %dma_start3A_207, %dma_start3A_208] : memref<2x64x128xf32, #tpu.memory_space<vmem>> -> memref<1x64x128xf32, #tpu.memory_space<vmem>>
      %dma_start3A_210 = tpu.memref_squeeze %dma_start3A_209 : memref<1x64x128xf32, #tpu.memory_space<vmem>> -> memref<64x128xf32, #tpu.memory_space<vmem>>
      tpu.enqueue_dma source(%dma_start3A_210 : memref<64x128xf32, #tpu.memory_space<vmem>>) target(%dma_start3A_206 : memref<64x128xf32, #tpu.memory_space<vmem_shared>>) target_semaphore(%run_scoped3A_198 : memref<!tpu.dma_semaphore, #tpu.memory_space<semaphore_mem>>)
      %dma_wait3A_211 = arith.constant 0 : i32
      %dma_wait3A_212 = arith.constant 0 : i32
      %dma_wait3A_213 = tpu.memref_slice %arg10[%run_scoped3A_20, %dma_wait3A_211, %dma_wait3A_212] : memref<2x64x128xf32, #tpu.memory_space<vmem>> -> memref<1x64x128xf32, #tpu.memory_space<vmem>>
      %dma_wait3A_214 = tpu.memref_squeeze %dma_wait3A_213 : memref<1x64x128xf32, #tpu.memory_space<vmem>> -> memref<64x128xf32, #tpu.memory_space<vmem>>
      %dma_wait3A_215 = arith.constant 0 : i32
      %dma_wait3A_216 = tpu.memref_slice %arg13[%add3A_19, %dma_wait3A_215] : memref<10112x128xf32, #tpu.memory_space<vmem_shared>> -> memref<64x128xf32, #tpu.memory_space<vmem_shared>>
      %dma_wait3A_217 = arith.constant 0 : i32
      %dma_wait3A_218 = tpu.memref_slice %arg13[%add3A_19, %dma_wait3A_217] : memref<10112x128xf32, #tpu.memory_space<vmem_shared>> -> memref<64x128xf32, #tpu.memory_space<vmem_shared>>
      %dma_wait3A_219 = arith.constant 0 : i32
      %dma_wait3A_220 = arith.constant 0 : i32
      %dma_wait3A_221 = tpu.memref_slice %arg10[%run_scoped3A_20, %dma_wait3A_219, %dma_wait3A_220] : memref<2x64x128xf32, #tpu.memory_space<vmem>> -> memref<1x64x128xf32, #tpu.memory_space<vmem>>
      %dma_wait3A_222 = tpu.memref_squeeze %dma_wait3A_221 : memref<1x64x128xf32, #tpu.memory_space<vmem>> -> memref<64x128xf32, #tpu.memory_space<vmem>>
      tpu.wait_dma2 semaphore(%run_scoped3A_198 : memref<!tpu.dma_semaphore, #tpu.memory_space<semaphore_mem>>) src(%dma_wait3A_222 : memref<64x128xf32, #tpu.memory_space<vmem>>) dst(%dma_wait3A_218 : memref<64x128xf32, #tpu.memory_space<vmem_shared>>)
      tpu.yield
    }) : () -> ()
    %add3A_21 = arith.constant 256 : i32
    %add3A_22 = arith.addi %mul3A_2, %add3A_21 : i32
    %run_scoped3A_23 = arith.constant 0 : i32
    "tpu.region"() ({
      %run_scoped3A_198 = tpu.sem_alloc : memref<!tpu.dma_semaphore, #tpu.memory_space<semaphore_mem>>
      %dma_start3A_199 = arith.constant 0 : i32
      %dma_start3A_200 = arith.constant 0 : i32
      %dma_start3A_201 = tpu.memref_slice %arg10[%run_scoped3A_23, %dma_start3A_199, %dma_start3A_200] : memref<2x64x128xf32, #tpu.memory_space<vmem>> -> memref<1x64x128xf32, #tpu.memory_space<vmem>>
      %dma_start3A_202 = tpu.memref_squeeze %dma_start3A_201 : memref<1x64x128xf32, #tpu.memory_space<vmem>> -> memref<64x128xf32, #tpu.memory_space<vmem>>
      %dma_start3A_203 = arith.constant 0 : i32
      %dma_start3A_204 = tpu.memref_slice %arg13[%add3A_22, %dma_start3A_203] : memref<10112x128xf32, #tpu.memory_space<vmem_shared>> -> memref<64x128xf32, #tpu.memory_space<vmem_shared>>
      %dma_start3A_205 = arith.constant 0 : i32
      %dma_start3A_206 = tpu.memref_slice %arg13[%add3A_22, %dma_start3A_205] : memref<10112x128xf32, #tpu.memory_space<vmem_shared>> -> memref<64x128xf32, #tpu.memory_space<vmem_shared>>
      %dma_start3A_207 = arith.constant 0 : i32
      %dma_start3A_208 = arith.constant 0 : i32
      %dma_start3A_209 = tpu.memref_slice %arg10[%run_scoped3A_23, %dma_start3A_207, %dma_start3A_208] : memref<2x64x128xf32, #tpu.memory_space<vmem>> -> memref<1x64x128xf32, #tpu.memory_space<vmem>>
      %dma_start3A_210 = tpu.memref_squeeze %dma_start3A_209 : memref<1x64x128xf32, #tpu.memory_space<vmem>> -> memref<64x128xf32, #tpu.memory_space<vmem>>
      tpu.enqueue_dma source(%dma_start3A_210 : memref<64x128xf32, #tpu.memory_space<vmem>>) target(%dma_start3A_206 : memref<64x128xf32, #tpu.memory_space<vmem_shared>>) target_semaphore(%run_scoped3A_198 : memref<!tpu.dma_semaphore, #tpu.memory_space<semaphore_mem>>)
      %dma_wait3A_211 = arith.constant 0 : i32
      %dma_wait3A_212 = arith.constant 0 : i32
      %dma_wait3A_213 = tpu.memref_slice %arg10[%run_scoped3A_23, %dma_wait3A_211, %dma_wait3A_212] : memref<2x64x128xf32, #tpu.memory_space<vmem>> -> memref<1x64x128xf32, #tpu.memory_space<vmem>>
      %dma_wait3A_214 = tpu.memref_squeeze %dma_wait3A_213 : memref<1x64x128xf32, #tpu.memory_space<vmem>> -> memref<64x128xf32, #tpu.memory_space<vmem>>
      %dma_wait3A_215 = arith.constant 0 : i32
      %dma_wait3A_216 = tpu.memref_slice %arg13[%add3A_22, %dma_wait3A_215] : memref<10112x128xf32, #tpu.memory_space<vmem_shared>> -> memref<64x128xf32, #tpu.memory_space<vmem_shared>>
      %dma_wait3A_217 = arith.constant 0 : i32
      %dma_wait3A_218 = tpu.memref_slice %arg13[%add3A_22, %dma_wait3A_217] : memref<10112x128xf32, #tpu.memory_space<vmem_shared>> -> memref<64x128xf32, #tpu.memory_space<vmem_shared>>
      %dma_wait3A_219 = arith.constant 0 : i32
      %dma_wait3A_220 = arith.constant 0 : i32
      %dma_wait3A_221 = tpu.memref_slice %arg10[%run_scoped3A_23, %dma_wait3A_219, %dma_wait3A_220] : memref<2x64x128xf32, #tpu.memory_space<vmem>> -> memref<1x64x128xf32, #tpu.memory_space<vmem>>
      %dma_wait3A_222 = tpu.memref_squeeze %dma_wait3A_221 : memref<1x64x128xf32, #tpu.memory_space<vmem>> -> memref<64x128xf32, #tpu.memory_space<vmem>>
      tpu.wait_dma2 semaphore(%run_scoped3A_198 : memref<!tpu.dma_semaphore, #tpu.memory_space<semaphore_mem>>) src(%dma_wait3A_222 : memref<64x128xf32, #tpu.memory_space<vmem>>) dst(%dma_wait3A_218 : memref<64x128xf32, #tpu.memory_space<vmem_shared>>)
      tpu.yield
    }) : () -> ()
    %add3A_24 = arith.constant 320 : i32
    %add3A_25 = arith.addi %mul3A_2, %add3A_24 : i32
    %run_scoped3A_26 = arith.constant 0 : i32
    "tpu.region"() ({
      %run_scoped3A_198 = tpu.sem_alloc : memref<!tpu.dma_semaphore, #tpu.memory_space<semaphore_mem>>
      %dma_start3A_199 = arith.constant 0 : i32
      %dma_start3A_200 = arith.constant 0 : i32
      %dma_start3A_201 = tpu.memref_slice %arg10[%run_scoped3A_26, %dma_start3A_199, %dma_start3A_200] : memref<2x64x128xf32, #tpu.memory_space<vmem>> -> memref<1x64x128xf32, #tpu.memory_space<vmem>>
      %dma_start3A_202 = tpu.memref_squeeze %dma_start3A_201 : memref<1x64x128xf32, #tpu.memory_space<vmem>> -> memref<64x128xf32, #tpu.memory_space<vmem>>
      %dma_start3A_203 = arith.constant 0 : i32
      %dma_start3A_204 = tpu.memref_slice %arg13[%add3A_25, %dma_start3A_203] : memref<10112x128xf32, #tpu.memory_space<vmem_shared>> -> memref<64x128xf32, #tpu.memory_space<vmem_shared>>
      %dma_start3A_205 = arith.constant 0 : i32
      %dma_start3A_206 = tpu.memref_slice %arg13[%add3A_25, %dma_start3A_205] : memref<10112x128xf32, #tpu.memory_space<vmem_shared>> -> memref<64x128xf32, #tpu.memory_space<vmem_shared>>
      %dma_start3A_207 = arith.constant 0 : i32
      %dma_start3A_208 = arith.constant 0 : i32
      %dma_start3A_209 = tpu.memref_slice %arg10[%run_scoped3A_26, %dma_start3A_207, %dma_start3A_208] : memref<2x64x128xf32, #tpu.memory_space<vmem>> -> memref<1x64x128xf32, #tpu.memory_space<vmem>>
      %dma_start3A_210 = tpu.memref_squeeze %dma_start3A_209 : memref<1x64x128xf32, #tpu.memory_space<vmem>> -> memref<64x128xf32, #tpu.memory_space<vmem>>
      tpu.enqueue_dma source(%dma_start3A_210 : memref<64x128xf32, #tpu.memory_space<vmem>>) target(%dma_start3A_206 : memref<64x128xf32, #tpu.memory_space<vmem_shared>>) target_semaphore(%run_scoped3A_198 : memref<!tpu.dma_semaphore, #tpu.memory_space<semaphore_mem>>)
      %dma_wait3A_211 = arith.constant 0 : i32
      %dma_wait3A_212 = arith.constant 0 : i32
      %dma_wait3A_213 = tpu.memref_slice %arg10[%run_scoped3A_26, %dma_wait3A_211, %dma_wait3A_212] : memref<2x64x128xf32, #tpu.memory_space<vmem>> -> memref<1x64x128xf32, #tpu.memory_space<vmem>>
      %dma_wait3A_214 = tpu.memref_squeeze %dma_wait3A_213 : memref<1x64x128xf32, #tpu.memory_space<vmem>> -> memref<64x128xf32, #tpu.memory_space<vmem>>
      %dma_wait3A_215 = arith.constant 0 : i32
      %dma_wait3A_216 = tpu.memref_slice %arg13[%add3A_25, %dma_wait3A_215] : memref<10112x128xf32, #tpu.memory_space<vmem_shared>> -> memref<64x128xf32, #tpu.memory_space<vmem_shared>>
      %dma_wait3A_217 = arith.constant 0 : i32
      %dma_wait3A_218 = tpu.memref_slice %arg13[%add3A_25, %dma_wait3A_217] : memref<10112x128xf32, #tpu.memory_space<vmem_shared>> -> memref<64x128xf32, #tpu.memory_space<vmem_shared>>
      %dma_wait3A_219 = arith.constant 0 : i32
      %dma_wait3A_220 = arith.constant 0 : i32
      %dma_wait3A_221 = tpu.memref_slice %arg10[%run_scoped3A_26, %dma_wait3A_219, %dma_wait3A_220] : memref<2x64x128xf32, #tpu.memory_space<vmem>> -> memref<1x64x128xf32, #tpu.memory_space<vmem>>
      %dma_wait3A_222 = tpu.memref_squeeze %dma_wait3A_221 : memref<1x64x128xf32, #tpu.memory_space<vmem>> -> memref<64x128xf32, #tpu.memory_space<vmem>>
      tpu.wait_dma2 semaphore(%run_scoped3A_198 : memref<!tpu.dma_semaphore, #tpu.memory_space<semaphore_mem>>) src(%dma_wait3A_222 : memref<64x128xf32, #tpu.memory_space<vmem>>) dst(%dma_wait3A_218 : memref<64x128xf32, #tpu.memory_space<vmem_shared>>)
      tpu.yield
    }) : () -> ()
    %add3A_27 = arith.constant 384 : i32
    %add3A_28 = arith.addi %mul3A_2, %add3A_27 : i32
    %run_scoped3A_29 = arith.constant 0 : i32
    "tpu.region"() ({
      %run_scoped3A_198 = tpu.sem_alloc : memref<!tpu.dma_semaphore, #tpu.memory_space<semaphore_mem>>
      %dma_start3A_199 = arith.constant 0 : i32
      %dma_start3A_200 = arith.constant 0 : i32
      %dma_start3A_201 = tpu.memref_slice %arg10[%run_scoped3A_29, %dma_start3A_199, %dma_start3A_200] : memref<2x64x128xf32, #tpu.memory_space<vmem>> -> memref<1x64x128xf32, #tpu.memory_space<vmem>>
      %dma_start3A_202 = tpu.memref_squeeze %dma_start3A_201 : memref<1x64x128xf32, #tpu.memory_space<vmem>> -> memref<64x128xf32, #tpu.memory_space<vmem>>
      %dma_start3A_203 = arith.constant 0 : i32
      %dma_start3A_204 = tpu.memref_slice %arg13[%add3A_28, %dma_start3A_203] : memref<10112x128xf32, #tpu.memory_space<vmem_shared>> -> memref<64x128xf32, #tpu.memory_space<vmem_shared>>
      %dma_start3A_205 = arith.constant 0 : i32
      %dma_start3A_206 = tpu.memref_slice %arg13[%add3A_28, %dma_start3A_205] : memref<10112x128xf32, #tpu.memory_space<vmem_shared>> -> memref<64x128xf32, #tpu.memory_space<vmem_shared>>
      %dma_start3A_207 = arith.constant 0 : i32
      %dma_start3A_208 = arith.constant 0 : i32
      %dma_start3A_209 = tpu.memref_slice %arg10[%run_scoped3A_29, %dma_start3A_207, %dma_start3A_208] : memref<2x64x128xf32, #tpu.memory_space<vmem>> -> memref<1x64x128xf32, #tpu.memory_space<vmem>>
      %dma_start3A_210 = tpu.memref_squeeze %dma_start3A_209 : memref<1x64x128xf32, #tpu.memory_space<vmem>> -> memref<64x128xf32, #tpu.memory_space<vmem>>
      tpu.enqueue_dma source(%dma_start3A_210 : memref<64x128xf32, #tpu.memory_space<vmem>>) target(%dma_start3A_206 : memref<64x128xf32, #tpu.memory_space<vmem_shared>>) target_semaphore(%run_scoped3A_198 : memref<!tpu.dma_semaphore, #tpu.memory_space<semaphore_mem>>)
      %dma_wait3A_211 = arith.constant 0 : i32
      %dma_wait3A_212 = arith.constant 0 : i32
      %dma_wait3A_213 = tpu.memref_slice %arg10[%run_scoped3A_29, %dma_wait3A_211, %dma_wait3A_212] : memref<2x64x128xf32, #tpu.memory_space<vmem>> -> memref<1x64x128xf32, #tpu.memory_space<vmem>>
      %dma_wait3A_214 = tpu.memref_squeeze %dma_wait3A_213 : memref<1x64x128xf32, #tpu.memory_space<vmem>> -> memref<64x128xf32, #tpu.memory_space<vmem>>
      %dma_wait3A_215 = arith.constant 0 : i32
      %dma_wait3A_216 = tpu.memref_slice %arg13[%add3A_28, %dma_wait3A_215] : memref<10112x128xf32, #tpu.memory_space<vmem_shared>> -> memref<64x128xf32, #tpu.memory_space<vmem_shared>>
      %dma_wait3A_217 = arith.constant 0 : i32
      %dma_wait3A_218 = tpu.memref_slice %arg13[%add3A_28, %dma_wait3A_217] : memref<10112x128xf32, #tpu.memory_space<vmem_shared>> -> memref<64x128xf32, #tpu.memory_space<vmem_shared>>
      %dma_wait3A_219 = arith.constant 0 : i32
      %dma_wait3A_220 = arith.constant 0 : i32
      %dma_wait3A_221 = tpu.memref_slice %arg10[%run_scoped3A_29, %dma_wait3A_219, %dma_wait3A_220] : memref<2x64x128xf32, #tpu.memory_space<vmem>> -> memref<1x64x128xf32, #tpu.memory_space<vmem>>
      %dma_wait3A_222 = tpu.memref_squeeze %dma_wait3A_221 : memref<1x64x128xf32, #tpu.memory_space<vmem>> -> memref<64x128xf32, #tpu.memory_space<vmem>>
      tpu.wait_dma2 semaphore(%run_scoped3A_198 : memref<!tpu.dma_semaphore, #tpu.memory_space<semaphore_mem>>) src(%dma_wait3A_222 : memref<64x128xf32, #tpu.memory_space<vmem>>) dst(%dma_wait3A_218 : memref<64x128xf32, #tpu.memory_space<vmem_shared>>)
      tpu.yield
    }) : () -> ()
    %add3A_30 = arith.constant 448 : i32
    %add3A_31 = arith.addi %mul3A_2, %add3A_30 : i32
    %run_scoped3A_32 = arith.constant 0 : i32
    "tpu.region"() ({
      %run_scoped3A_198 = tpu.sem_alloc : memref<!tpu.dma_semaphore, #tpu.memory_space<semaphore_mem>>
      %dma_start3A_199 = arith.constant 0 : i32
      %dma_start3A_200 = arith.constant 0 : i32
      %dma_start3A_201 = tpu.memref_slice %arg10[%run_scoped3A_32, %dma_start3A_199, %dma_start3A_200] : memref<2x64x128xf32, #tpu.memory_space<vmem>> -> memref<1x64x128xf32, #tpu.memory_space<vmem>>
      %dma_start3A_202 = tpu.memref_squeeze %dma_start3A_201 : memref<1x64x128xf32, #tpu.memory_space<vmem>> -> memref<64x128xf32, #tpu.memory_space<vmem>>
      %dma_start3A_203 = arith.constant 0 : i32
      %dma_start3A_204 = tpu.memref_slice %arg13[%add3A_31, %dma_start3A_203] : memref<10112x128xf32, #tpu.memory_space<vmem_shared>> -> memref<64x128xf32, #tpu.memory_space<vmem_shared>>
      %dma_start3A_205 = arith.constant 0 : i32
      %dma_start3A_206 = tpu.memref_slice %arg13[%add3A_31, %dma_start3A_205] : memref<10112x128xf32, #tpu.memory_space<vmem_shared>> -> memref<64x128xf32, #tpu.memory_space<vmem_shared>>
      %dma_start3A_207 = arith.constant 0 : i32
      %dma_start3A_208 = arith.constant 0 : i32
      %dma_start3A_209 = tpu.memref_slice %arg10[%run_scoped3A_32, %dma_start3A_207, %dma_start3A_208] : memref<2x64x128xf32, #tpu.memory_space<vmem>> -> memref<1x64x128xf32, #tpu.memory_space<vmem>>
      %dma_start3A_210 = tpu.memref_squeeze %dma_start3A_209 : memref<1x64x128xf32, #tpu.memory_space<vmem>> -> memref<64x128xf32, #tpu.memory_space<vmem>>
      tpu.enqueue_dma source(%dma_start3A_210 : memref<64x128xf32, #tpu.memory_space<vmem>>) target(%dma_start3A_206 : memref<64x128xf32, #tpu.memory_space<vmem_shared>>) target_semaphore(%run_scoped3A_198 : memref<!tpu.dma_semaphore, #tpu.memory_space<semaphore_mem>>)
      %dma_wait3A_211 = arith.constant 0 : i32
      %dma_wait3A_212 = arith.constant 0 : i32
      %dma_wait3A_213 = tpu.memref_slice %arg10[%run_scoped3A_32, %dma_wait3A_211, %dma_wait3A_212] : memref<2x64x128xf32, #tpu.memory_space<vmem>> -> memref<1x64x128xf32, #tpu.memory_space<vmem>>
      %dma_wait3A_214 = tpu.memref_squeeze %dma_wait3A_213 : memref<1x64x128xf32, #tpu.memory_space<vmem>> -> memref<64x128xf32, #tpu.memory_space<vmem>>
      %dma_wait3A_215 = arith.constant 0 : i32
      %dma_wait3A_216 = tpu.memref_slice %arg13[%add3A_31, %dma_wait3A_215] : memref<10112x128xf32, #tpu.memory_space<vmem_shared>> -> memref<64x128xf32, #tpu.memory_space<vmem_shared>>
      %dma_wait3A_217 = arith.constant 0 : i32
      %dma_wait3A_218 = tpu.memref_slice %arg13[%add3A_31, %dma_wait3A_217] : memref<10112x128xf32, #tpu.memory_space<vmem_shared>> -> memref<64x128xf32, #tpu.memory_space<vmem_shared>>
      %dma_wait3A_219 = arith.constant 0 : i32
      %dma_wait3A_220 = arith.constant 0 : i32
      %dma_wait3A_221 = tpu.memref_slice %arg10[%run_scoped3A_32, %dma_wait3A_219, %dma_wait3A_220] : memref<2x64x128xf32, #tpu.memory_space<vmem>> -> memref<1x64x128xf32, #tpu.memory_space<vmem>>
      %dma_wait3A_222 = tpu.memref_squeeze %dma_wait3A_221 : memref<1x64x128xf32, #tpu.memory_space<vmem>> -> memref<64x128xf32, #tpu.memory_space<vmem>>
      tpu.wait_dma2 semaphore(%run_scoped3A_198 : memref<!tpu.dma_semaphore, #tpu.memory_space<semaphore_mem>>) src(%dma_wait3A_222 : memref<64x128xf32, #tpu.memory_space<vmem>>) dst(%dma_wait3A_218 : memref<64x128xf32, #tpu.memory_space<vmem_shared>>)
      tpu.yield
    }) : () -> ()
    %add3A_33 = arith.constant 512 : i32
    %add3A_34 = arith.addi %mul3A_2, %add3A_33 : i32
    %run_scoped3A_35 = arith.constant 0 : i32
    "tpu.region"() ({
      %run_scoped3A_198 = tpu.sem_alloc : memref<!tpu.dma_semaphore, #tpu.memory_space<semaphore_mem>>
      %dma_start3A_199 = arith.constant 0 : i32
      %dma_start3A_200 = arith.constant 0 : i32
      %dma_start3A_201 = tpu.memref_slice %arg10[%run_scoped3A_35, %dma_start3A_199, %dma_start3A_200] : memref<2x64x128xf32, #tpu.memory_space<vmem>> -> memref<1x64x128xf32, #tpu.memory_space<vmem>>
      %dma_start3A_202 = tpu.memref_squeeze %dma_start3A_201 : memref<1x64x128xf32, #tpu.memory_space<vmem>> -> memref<64x128xf32, #tpu.memory_space<vmem>>
      %dma_start3A_203 = arith.constant 0 : i32
      %dma_start3A_204 = tpu.memref_slice %arg13[%add3A_34, %dma_start3A_203] : memref<10112x128xf32, #tpu.memory_space<vmem_shared>> -> memref<64x128xf32, #tpu.memory_space<vmem_shared>>
      %dma_start3A_205 = arith.constant 0 : i32
      %dma_start3A_206 = tpu.memref_slice %arg13[%add3A_34, %dma_start3A_205] : memref<10112x128xf32, #tpu.memory_space<vmem_shared>> -> memref<64x128xf32, #tpu.memory_space<vmem_shared>>
      %dma_start3A_207 = arith.constant 0 : i32
      %dma_start3A_208 = arith.constant 0 : i32
      %dma_start3A_209 = tpu.memref_slice %arg10[%run_scoped3A_35, %dma_start3A_207, %dma_start3A_208] : memref<2x64x128xf32, #tpu.memory_space<vmem>> -> memref<1x64x128xf32, #tpu.memory_space<vmem>>
      %dma_start3A_210 = tpu.memref_squeeze %dma_start3A_209 : memref<1x64x128xf32, #tpu.memory_space<vmem>> -> memref<64x128xf32, #tpu.memory_space<vmem>>
      tpu.enqueue_dma source(%dma_start3A_210 : memref<64x128xf32, #tpu.memory_space<vmem>>) target(%dma_start3A_206 : memref<64x128xf32, #tpu.memory_space<vmem_shared>>) target_semaphore(%run_scoped3A_198 : memref<!tpu.dma_semaphore, #tpu.memory_space<semaphore_mem>>)
      %dma_wait3A_211 = arith.constant 0 : i32
      %dma_wait3A_212 = arith.constant 0 : i32
      %dma_wait3A_213 = tpu.memref_slice %arg10[%run_scoped3A_35, %dma_wait3A_211, %dma_wait3A_212] : memref<2x64x128xf32, #tpu.memory_space<vmem>> -> memref<1x64x128xf32, #tpu.memory_space<vmem>>
      %dma_wait3A_214 = tpu.memref_squeeze %dma_wait3A_213 : memref<1x64x128xf32, #tpu.memory_space<vmem>> -> memref<64x128xf32, #tpu.memory_space<vmem>>
      %dma_wait3A_215 = arith.constant 0 : i32
      %dma_wait3A_216 = tpu.memref_slice %arg13[%add3A_34, %dma_wait3A_215] : memref<10112x128xf32, #tpu.memory_space<vmem_shared>> -> memref<64x128xf32, #tpu.memory_space<vmem_shared>>
      %dma_wait3A_217 = arith.constant 0 : i32
      %dma_wait3A_218 = tpu.memref_slice %arg13[%add3A_34, %dma_wait3A_217] : memref<10112x128xf32, #tpu.memory_space<vmem_shared>> -> memref<64x128xf32, #tpu.memory_space<vmem_shared>>
      %dma_wait3A_219 = arith.constant 0 : i32
      %dma_wait3A_220 = arith.constant 0 : i32
      %dma_wait3A_221 = tpu.memref_slice %arg10[%run_scoped3A_35, %dma_wait3A_219, %dma_wait3A_220] : memref<2x64x128xf32, #tpu.memory_space<vmem>> -> memref<1x64x128xf32, #tpu.memory_space<vmem>>
      %dma_wait3A_222 = tpu.memref_squeeze %dma_wait3A_221 : memref<1x64x128xf32, #tpu.memory_space<vmem>> -> memref<64x128xf32, #tpu.memory_space<vmem>>
      tpu.wait_dma2 semaphore(%run_scoped3A_198 : memref<!tpu.dma_semaphore, #tpu.memory_space<semaphore_mem>>) src(%dma_wait3A_222 : memref<64x128xf32, #tpu.memory_space<vmem>>) dst(%dma_wait3A_218 : memref<64x128xf32, #tpu.memory_space<vmem_shared>>)
      tpu.yield
    }) : () -> ()
    %add3A_36 = arith.constant 576 : i32
    %add3A_37 = arith.addi %mul3A_2, %add3A_36 : i32
    %run_scoped3A_38 = arith.constant 0 : i32
    "tpu.region"() ({
      %run_scoped3A_198 = tpu.sem_alloc : memref<!tpu.dma_semaphore, #tpu.memory_space<semaphore_mem>>
      %dma_start3A_199 = arith.constant 0 : i32
      %dma_start3A_200 = arith.constant 0 : i32
      %dma_start3A_201 = tpu.memref_slice %arg10[%run_scoped3A_38, %dma_start3A_199, %dma_start3A_200] : memref<2x64x128xf32, #tpu.memory_space<vmem>> -> memref<1x56x128xf32, #tpu.memory_space<vmem>>
      %dma_start3A_202 = tpu.memref_squeeze %dma_start3A_201 : memref<1x56x128xf32, #tpu.memory_space<vmem>> -> memref<56x128xf32, #tpu.memory_space<vmem>>
      %dma_start3A_203 = arith.constant 0 : i32
      %dma_start3A_204 = tpu.memref_slice %arg13[%add3A_37, %dma_start3A_203] : memref<10112x128xf32, #tpu.memory_space<vmem_shared>> -> memref<56x128xf32, #tpu.memory_space<vmem_shared>>
      %dma_start3A_205 = arith.constant 0 : i32
      %dma_start3A_206 = tpu.memref_slice %arg13[%add3A_37, %dma_start3A_205] : memref<10112x128xf32, #tpu.memory_space<vmem_shared>> -> memref<56x128xf32, #tpu.memory_space<vmem_shared>>
      %dma_start3A_207 = arith.constant 0 : i32
      %dma_start3A_208 = arith.constant 0 : i32
      %dma_start3A_209 = tpu.memref_slice %arg10[%run_scoped3A_38, %dma_start3A_207, %dma_start3A_208] : memref<2x64x128xf32, #tpu.memory_space<vmem>> -> memref<1x56x128xf32, #tpu.memory_space<vmem>>
      %dma_start3A_210 = tpu.memref_squeeze %dma_start3A_209 : memref<1x56x128xf32, #tpu.memory_space<vmem>> -> memref<56x128xf32, #tpu.memory_space<vmem>>
      tpu.enqueue_dma source(%dma_start3A_210 : memref<56x128xf32, #tpu.memory_space<vmem>>) target(%dma_start3A_206 : memref<56x128xf32, #tpu.memory_space<vmem_shared>>) target_semaphore(%run_scoped3A_198 : memref<!tpu.dma_semaphore, #tpu.memory_space<semaphore_mem>>)
      %dma_wait3A_211 = arith.constant 0 : i32
      %dma_wait3A_212 = arith.constant 0 : i32
      %dma_wait3A_213 = tpu.memref_slice %arg10[%run_scoped3A_38, %dma_wait3A_211, %dma_wait3A_212] : memref<2x64x128xf32, #tpu.memory_space<vmem>> -> memref<1x56x128xf32, #tpu.memory_space<vmem>>
      %dma_wait3A_214 = tpu.memref_squeeze %dma_wait3A_213 : memref<1x56x128xf32, #tpu.memory_space<vmem>> -> memref<56x128xf32, #tpu.memory_space<vmem>>
      %dma_wait3A_215 = arith.constant 0 : i32
      %dma_wait3A_216 = tpu.memref_slice %arg13[%add3A_37, %dma_wait3A_215] : memref<10112x128xf32, #tpu.memory_space<vmem_shared>> -> memref<56x128xf32, #tpu.memory_space<vmem_shared>>
      %dma_wait3A_217 = arith.constant 0 : i32
      %dma_wait3A_218 = tpu.memref_slice %arg13[%add3A_37, %dma_wait3A_217] : memref<10112x128xf32, #tpu.memory_space<vmem_shared>> -> memref<56x128xf32, #tpu.memory_space<vmem_shared>>
      %dma_wait3A_219 = arith.constant 0 : i32
      %dma_wait3A_220 = arith.constant 0 : i32
      %dma_wait3A_221 = tpu.memref_slice %arg10[%run_scoped3A_38, %dma_wait3A_219, %dma_wait3A_220] : memref<2x64x128xf32, #tpu.memory_space<vmem>> -> memref<1x56x128xf32, #tpu.memory_space<vmem>>
      %dma_wait3A_222 = tpu.memref_squeeze %dma_wait3A_221 : memref<1x56x128xf32, #tpu.memory_space<vmem>> -> memref<56x128xf32, #tpu.memory_space<vmem>>
      tpu.wait_dma2 semaphore(%run_scoped3A_198 : memref<!tpu.dma_semaphore, #tpu.memory_space<semaphore_mem>>) src(%dma_wait3A_222 : memref<56x128xf32, #tpu.memory_space<vmem>>) dst(%dma_wait3A_218 : memref<56x128xf32, #tpu.memory_space<vmem_shared>>)
      tpu.yield
    }) : () -> ()
    %broadcast_in_dim3A_39 = arith.constant 10000 : i32
    %broadcast_in_dim3A_40 = vector.broadcast %broadcast_in_dim3A_39 : i32 to vector<16xi32>
    "tpu.region"() ({
      %run_scoped3A_198 = tpu.sem_alloc : memref<!tpu.dma_semaphore, #tpu.memory_space<semaphore_mem>>
      %dma_start3A_199 = arith.constant 0 : i32
      %dma_start3A_200 = arith.constant 0 : i32
      %dma_start3A_201 = tpu.memref_slice %arg4[%add3A, %dma_start3A_199, %dma_start3A_200] : memref<32x157x64xi32, #tpu.memory_space<hbm>> -> memref<1x157x64xi32, #tpu.memory_space<hbm>>
      %dma_start3A_202 = tpu.memref_squeeze %dma_start3A_201 : memref<1x157x64xi32, #tpu.memory_space<hbm>> -> memref<157x64xi32, #tpu.memory_space<hbm>>
      %dma_start3A_203 = arith.constant 0 : i32
      %dma_start3A_204 = arith.constant 0 : i32
      %dma_start3A_205 = tpu.memref_slice %arg4[%add3A, %dma_start3A_203, %dma_start3A_204] : memref<32x157x64xi32, #tpu.memory_space<hbm>> -> memref<1x157x64xi32, #tpu.memory_space<hbm>>
      %dma_start3A_206 = tpu.memref_squeeze %dma_start3A_205 : memref<1x157x64xi32, #tpu.memory_space<hbm>> -> memref<157x64xi32, #tpu.memory_space<hbm>>
      tpu.enqueue_dma source(%dma_start3A_206 : memref<157x64xi32, #tpu.memory_space<hbm>>) target(%arg8 : memref<157x64xi32, #tpu.memory_space<vmem>>) target_semaphore(%run_scoped3A_198 : memref<!tpu.dma_semaphore, #tpu.memory_space<semaphore_mem>>)
      %dma_wait3A_207 = arith.constant 0 : i32
      %dma_wait3A_208 = arith.constant 0 : i32
      %dma_wait3A_209 = tpu.memref_slice %arg4[%add3A, %dma_wait3A_207, %dma_wait3A_208] : memref<32x157x64xi32, #tpu.memory_space<hbm>> -> memref<1x157x64xi32, #tpu.memory_space<hbm>>
      %dma_wait3A_210 = tpu.memref_squeeze %dma_wait3A_209 : memref<1x157x64xi32, #tpu.memory_space<hbm>> -> memref<157x64xi32, #tpu.memory_space<hbm>>
      %dma_wait3A_211 = arith.constant 0 : i32
      %dma_wait3A_212 = arith.constant 0 : i32
      %dma_wait3A_213 = tpu.memref_slice %arg4[%add3A, %dma_wait3A_211, %dma_wait3A_212] : memref<32x157x64xi32, #tpu.memory_space<hbm>> -> memref<1x157x64xi32, #tpu.memory_space<hbm>>
      %dma_wait3A_214 = tpu.memref_squeeze %dma_wait3A_213 : memref<1x157x64xi32, #tpu.memory_space<hbm>> -> memref<157x64xi32, #tpu.memory_space<hbm>>
      tpu.wait_dma2 semaphore(%run_scoped3A_198 : memref<!tpu.dma_semaphore, #tpu.memory_space<semaphore_mem>>) src(%dma_wait3A_214 : memref<157x64xi32, #tpu.memory_space<hbm>>) dst(%arg8 : memref<157x64xi32, #tpu.memory_space<vmem>>)
      tpu.yield
    }) : () -> ()
    %scan3A_41 = arith.constant 0 : i32
    %scan3A_42 = arith.constant 157 : i32
    %scan3A_43 = arith.addi %scan3A_41, %scan3A_42 : i32
    %scan3A_44 = arith.constant 1 : i32
    scf.for %scan3A_198 = %scan3A_41 to %scan3A_43 step %scan3A_44  : i32 {
      %mul3A_199 = arith.constant 64 : i32
      %mul3A_200 = arith.muli %scan3A_198, %mul3A_199 : i32
      %add3A_201 = arith.constant 0 : i32
      %add3A_202 = arith.addi %mul3A_200, %add3A_201 : i32
      %get3A = arith.index_cast %add3A_202 : i32 to index
      %get3A_203 = tpu.vector_load %arg7[%get3A] {strides = array<i32>} : memref<10048xi32, #tpu.memory_space<vmem>>, vector<16xi32>,
      %get3A_204 = arith.index_cast %scan3A_198 : i32 to index
      %get3A_205 = arith.constant 0 : index
      %get3A_206 = tpu.vector_load %arg8[%get3A_204, %get3A_205] {strides = array<i32>} : memref<157x64xi32, #tpu.memory_space<vmem>>, vector<16xi32>,
      %shift_right_logical3A = arith.constant 3 : i32
      %shift_right_logical3A_207 = vector.broadcast %shift_right_logical3A : i32 to vector<16xi32>
      %shift_right_logical3A_208 = arith.shrui %get3A_203, %shift_right_logical3A_207 : vector<16xi32>
      %gather3A = tpu.vector_load_idx %arg9[%shift_right_logical3A_208] : memref<1256xi32, #tpu.memory_space<vmem>>[vector<16xi32>], vector<16xi32>,
      %and3A = arith.constant 7 : i32
      %and3A_209 = vector.broadcast %and3A : i32 to vector<16xi32>
      %and3A_210 = arith.andi %get3A_203, %and3A_209 : vector<16xi32>
      %shift_left3A = arith.constant 2 : i32
      %shift_left3A_211 = vector.broadcast %shift_left3A : i32 to vector<16xi32>
      %shift_left3A_212 = arith.shli %and3A_210, %shift_left3A_211 : vector<16xi32>
      %add3A_213 = arith.constant 0 : i32
      %add3A_214 = vector.broadcast %add3A_213 : i32 to vector<16xi32>
      %add3A_215 = arith.addi %shift_left3A_212, %add3A_214 : vector<16xi32>
      %shift_right_logical3A_216 = arith.shrui %gather3A, %add3A_215 : vector<16xi32>
      %and3A_217 = arith.constant 1 : i32
      %and3A_218 = vector.broadcast %and3A_217 : i32 to vector<16xi32>
      %and3A_219 = arith.andi %shift_right_logical3A_216, %and3A_218 : vector<16xi32>
      %ne3A = arith.constant 0 : i32
      %ne3A_220 = vector.broadcast %ne3A : i32 to vector<16xi32>
      %ne3A_221 = arith.cmpi ne, %and3A_219, %ne3A_220 : vector<16xi32>
      %select_n3A = arith.select %ne3A_221, %broadcast_in_dim3A_40, %get3A_206 : vector<16xi1>, vector<16xi32>
      %swap3A = arith.index_cast %scan3A_198 : i32 to index
      %swap3A_222 = arith.constant 0 : index
      %swap3A_223 = tpu.vector_load %arg8[%swap3A, %swap3A_222] {strides = array<i32>} : memref<157x64xi32, #tpu.memory_space<vmem>>, vector<16xi32>,
      tpu.vector_store %arg8[%swap3A, %swap3A_222], %select_n3A {strides = array<i32>} : memref<157x64xi32, #tpu.memory_space<vmem>>, vector<16xi32>,
      %add3A_224 = arith.constant 16 : i32
      %add3A_225 = arith.addi %mul3A_200, %add3A_224 : i32
      %get3A_226 = arith.index_cast %add3A_225 : i32 to index
      %get3A_227 = tpu.vector_load %arg7[%get3A_226] {strides = array<i32>} : memref<10048xi32, #tpu.memory_space<vmem>>, vector<16xi32>,
      %get3A_228 = arith.index_cast %scan3A_198 : i32 to index
      %get3A_229 = arith.constant 16 : index
      %get3A_230 = tpu.vector_load %arg8[%get3A_228, %get3A_229] {strides = array<i32>} : memref<157x64xi32, #tpu.memory_space<vmem>>, vector<16xi32>,
      %shift_right_logical3A_231 = arith.constant 3 : i32
      %shift_right_logical3A_232 = vector.broadcast %shift_right_logical3A_231 : i32 to vector<16xi32>
      %shift_right_logical3A_233 = arith.shrui %get3A_227, %shift_right_logical3A_232 : vector<16xi32>
      %gather3A_234 = tpu.vector_load_idx %arg9[%shift_right_logical3A_233] : memref<1256xi32, #tpu.memory_space<vmem>>[vector<16xi32>], vector<16xi32>,
      %and3A_235 = arith.constant 7 : i32
      %and3A_236 = vector.broadcast %and3A_235 : i32 to vector<16xi32>
      %and3A_237 = arith.andi %get3A_227, %and3A_236 : vector<16xi32>
      %shift_left3A_238 = arith.constant 2 : i32
      %shift_left3A_239 = vector.broadcast %shift_left3A_238 : i32 to vector<16xi32>
      %shift_left3A_240 = arith.shli %and3A_237, %shift_left3A_239 : vector<16xi32>
      %add3A_241 = arith.constant 0 : i32
      %add3A_242 = vector.broadcast %add3A_241 : i32 to vector<16xi32>
      %add3A_243 = arith.addi %shift_left3A_240, %add3A_242 : vector<16xi32>
      %shift_right_logical3A_244 = arith.shrui %gather3A_234, %add3A_243 : vector<16xi32>
      %and3A_245 = arith.constant 1 : i32
      %and3A_246 = vector.broadcast %and3A_245 : i32 to vector<16xi32>
      %and3A_247 = arith.andi %shift_right_logical3A_244, %and3A_246 : vector<16xi32>
      %ne3A_248 = arith.constant 0 : i32
      %ne3A_249 = vector.broadcast %ne3A_248 : i32 to vector<16xi32>
      %ne3A_250 = arith.cmpi ne, %and3A_247, %ne3A_249 : vector<16xi32>
      %select_n3A_251 = arith.select %ne3A_250, %broadcast_in_dim3A_40, %get3A_230 : vector<16xi1>, vector<16xi32>
      %swap3A_252 = arith.index_cast %scan3A_198 : i32 to index
      %swap3A_253 = arith.constant 16 : index
      %swap3A_254 = tpu.vector_load %arg8[%swap3A_252, %swap3A_253] {strides = array<i32>} : memref<157x64xi32, #tpu.memory_space<vmem>>, vector<16xi32>,
      tpu.vector_store %arg8[%swap3A_252, %swap3A_253], %select_n3A_251 {strides = array<i32>} : memref<157x64xi32, #tpu.memory_space<vmem>>, vector<16xi32>,
      %add3A_255 = arith.constant 32 : i32
      %add3A_256 = arith.addi %mul3A_200, %add3A_255 : i32
      %get3A_257 = arith.index_cast %add3A_256 : i32 to index
      %get3A_258 = tpu.vector_load %arg7[%get3A_257] {strides = array<i32>} : memref<10048xi32, #tpu.memory_space<vmem>>, vector<16xi32>,
      %get3A_259 = arith.index_cast %scan3A_198 : i32 to index
      %get3A_260 = arith.constant 32 : index
      %get3A_261 = tpu.vector_load %arg8[%get3A_259, %get3A_260] {strides = array<i32>} : memref<157x64xi32, #tpu.memory_space<vmem>>, vector<16xi32>,
      %shift_right_logical3A_262 = arith.constant 3 : i32
      %shift_right_logical3A_263 = vector.broadcast %shift_right_logical3A_262 : i32 to vector<16xi32>
      %shift_right_logical3A_264 = arith.shrui %get3A_258, %shift_right_logical3A_263 : vector<16xi32>
      %gather3A_265 = tpu.vector_load_idx %arg9[%shift_right_logical3A_264] : memref<1256xi32, #tpu.memory_space<vmem>>[vector<16xi32>], vector<16xi32>,
      %and3A_266 = arith.constant 7 : i32
      %and3A_267 = vector.broadcast %and3A_266 : i32 to vector<16xi32>
      %and3A_268 = arith.andi %get3A_258, %and3A_267 : vector<16xi32>
      %shift_left3A_269 = arith.constant 2 : i32
      %shift_left3A_270 = vector.broadcast %shift_left3A_269 : i32 to vector<16xi32>
      %shift_left3A_271 = arith.shli %and3A_268, %shift_left3A_270 : vector<16xi32>
      %add3A_272 = arith.constant 0 : i32
      %add3A_273 = vector.broadcast %add3A_272 : i32 to vector<16xi32>
      %add3A_274 = arith.addi %shift_left3A_271, %add3A_273 : vector<16xi32>
      %shift_right_logical3A_275 = arith.shrui %gather3A_265, %add3A_274 : vector<16xi32>
      %and3A_276 = arith.constant 1 : i32
      %and3A_277 = vector.broadcast %and3A_276 : i32 to vector<16xi32>
      %and3A_278 = arith.andi %shift_right_logical3A_275, %and3A_277 : vector<16xi32>
      %ne3A_279 = arith.constant 0 : i32
      %ne3A_280 = vector.broadcast %ne3A_279 : i32 to vector<16xi32>
      %ne3A_281 = arith.cmpi ne, %and3A_278, %ne3A_280 : vector<16xi32>
      %select_n3A_282 = arith.select %ne3A_281, %broadcast_in_dim3A_40, %get3A_261 : vector<16xi1>, vector<16xi32>
      %swap3A_283 = arith.index_cast %scan3A_198 : i32 to index
      %swap3A_284 = arith.constant 32 : index
      %swap3A_285 = tpu.vector_load %arg8[%swap3A_283, %swap3A_284] {strides = array<i32>} : memref<157x64xi32, #tpu.memory_space<vmem>>, vector<16xi32>,
      tpu.vector_store %arg8[%swap3A_283, %swap3A_284], %select_n3A_282 {strides = array<i32>} : memref<157x64xi32, #tpu.memory_space<vmem>>, vector<16xi32>,
      %add3A_286 = arith.constant 48 : i32
      %add3A_287 = arith.addi %mul3A_200, %add3A_286 : i32
      %get3A_288 = arith.index_cast %add3A_287 : i32 to index
      %get3A_289 = tpu.vector_load %arg7[%get3A_288] {strides = array<i32>} : memref<10048xi32, #tpu.memory_space<vmem>>, vector<16xi32>,
      %get3A_290 = arith.index_cast %scan3A_198 : i32 to index
      %get3A_291 = arith.constant 48 : index
      %get3A_292 = tpu.vector_load %arg8[%get3A_290, %get3A_291] {strides = array<i32>} : memref<157x64xi32, #tpu.memory_space<vmem>>, vector<16xi32>,
      %shift_right_logical3A_293 = arith.constant 3 : i32
      %shift_right_logical3A_294 = vector.broadcast %shift_right_logical3A_293 : i32 to vector<16xi32>
      %shift_right_logical3A_295 = arith.shrui %get3A_289, %shift_right_logical3A_294 : vector<16xi32>
      %gather3A_296 = tpu.vector_load_idx %arg9[%shift_right_logical3A_295] : memref<1256xi32, #tpu.memory_space<vmem>>[vector<16xi32>], vector<16xi32>,
      %and3A_297 = arith.constant 7 : i32
      %and3A_298 = vector.broadcast %and3A_297 : i32 to vector<16xi32>
      %and3A_299 = arith.andi %get3A_289, %and3A_298 : vector<16xi32>
      %shift_left3A_300 = arith.constant 2 : i32
      %shift_left3A_301 = vector.broadcast %shift_left3A_300 : i32 to vector<16xi32>
      %shift_left3A_302 = arith.shli %and3A_299, %shift_left3A_301 : vector<16xi32>
      %add3A_303 = arith.constant 0 : i32
      %add3A_304 = vector.broadcast %add3A_303 : i32 to vector<16xi32>
      %add3A_305 = arith.addi %shift_left3A_302, %add3A_304 : vector<16xi32>
      %shift_right_logical3A_306 = arith.shrui %gather3A_296, %add3A_305 : vector<16xi32>
      %and3A_307 = arith.constant 1 : i32
      %and3A_308 = vector.broadcast %and3A_307 : i32 to vector<16xi32>
      %and3A_309 = arith.andi %shift_right_logical3A_306, %and3A_308 : vector<16xi32>
      %ne3A_310 = arith.constant 0 : i32
      %ne3A_311 = vector.broadcast %ne3A_310 : i32 to vector<16xi32>
      %ne3A_312 = arith.cmpi ne, %and3A_309, %ne3A_311 : vector<16xi32>
      %select_n3A_313 = arith.select %ne3A_312, %broadcast_in_dim3A_40, %get3A_292 : vector<16xi1>, vector<16xi32>
      %swap3A_314 = arith.index_cast %scan3A_198 : i32 to index
      %swap3A_315 = arith.constant 48 : index
      %swap3A_316 = tpu.vector_load %arg8[%swap3A_314, %swap3A_315] {strides = array<i32>} : memref<157x64xi32, #tpu.memory_space<vmem>>, vector<16xi32>,
      tpu.vector_store %arg8[%swap3A_314, %swap3A_315], %select_n3A_313 {strides = array<i32>} : memref<157x64xi32, #tpu.memory_space<vmem>>, vector<16xi32>,
    }
    %scan3A_45 = arith.constant 157 : i32
    %barrier3A = arith.constant 0 : index
    tpu.barrier barrier_id(%barrier3A)
    %dma_start3A = arith.constant 0 : i32
    %dma_start3A_46 = arith.constant 0 : i32
    %dma_start3A_47 = arith.constant 0 : i32
    %dma_start3A_48 = tpu.memref_slice %arg10[%dma_start3A, %dma_start3A_46, %dma_start3A_47] : memref<2x64x128xf32, #tpu.memory_space<vmem>> -> memref<1x64x128xf32, #tpu.memory_space<vmem>>
    %dma_start3A_49 = tpu.memref_squeeze %dma_start3A_48 : memref<1x64x128xf32, #tpu.memory_space<vmem>> -> memref<64x128xf32, #tpu.memory_space<vmem>>
    %dma_start3A_50 = arith.constant 0 : i32
    %dma_start3A_51 = tpu.memref_slice %arg7[%dma_start3A_50] : memref<10048xi32, #tpu.memory_space<vmem>> -> memref<64xi32, #tpu.memory_space<vmem>>
    %dma_start3A_52 = arith.constant 0 : i32
    %dma_start3A_53 = arith.constant 0 : i32
    %dma_start3A_54 = tpu.memref_slice %arg2[%dma_start3A_52, %dma_start3A_53] : memref<10000x128xf32, #tpu.memory_space<hbm>> -> memref<10000x128xf32, #tpu.memory_space<hbm>>
    tpu.enqueue_indirect_dma source(%dma_start3A_54 : memref<10000x128xf32, #tpu.memory_space<hbm>>) target(%dma_start3A_49 : memref<64x128xf32, #tpu.memory_space<vmem>>) offsets(%dma_start3A_51 : memref<64xi32, #tpu.memory_space<vmem>>) semaphore(%arg11 : memref<!tpu.dma_semaphore, #tpu.memory_space<semaphore_mem>>)
    %scan3A_55 = arith.constant 0 : i32
    %scan3A_56 = arith.constant 78 : i32
    %scan3A_57 = arith.addi %scan3A_55, %scan3A_56 : i32
    %scan3A_58 = arith.constant 1 : i32
    scf.for %scan3A_198 = %scan3A_55 to %scan3A_57 step %scan3A_58  : i32 {
      %mul3A_199 = arith.constant 2 : i32
      %mul3A_200 = arith.muli %scan3A_198, %mul3A_199 : i32
      %add3A_201 = arith.constant 1 : i32
      %add3A_202 = arith.addi %mul3A_200, %add3A_201 : i32
      %mul3A_203 = arith.constant 64 : i32
      %mul3A_204 = arith.muli %add3A_202, %mul3A_203 : i32
      %dma_start3A_205 = arith.constant 1 : i32
      %dma_start3A_206 = arith.constant 0 : i32
      %dma_start3A_207 = arith.constant 0 : i32
      %dma_start3A_208 = tpu.memref_slice %arg10[%dma_start3A_205, %dma_start3A_206, %dma_start3A_207] : memref<2x64x128xf32, #tpu.memory_space<vmem>> -> memref<1x64x128xf32, #tpu.memory_space<vmem>>
      %dma_start3A_209 = tpu.memref_squeeze %dma_start3A_208 : memref<1x64x128xf32, #tpu.memory_space<vmem>> -> memref<64x128xf32, #tpu.memory_space<vmem>>
      %dma_start3A_210 = tpu.memref_slice %arg7[%mul3A_204] : memref<10048xi32, #tpu.memory_space<vmem>> -> memref<64xi32, #tpu.memory_space<vmem>>
      %dma_start3A_211 = arith.constant 0 : i32
      %dma_start3A_212 = arith.constant 0 : i32
      %dma_start3A_213 = tpu.memref_slice %arg2[%dma_start3A_211, %dma_start3A_212] : memref<10000x128xf32, #tpu.memory_space<hbm>> -> memref<10000x128xf32, #tpu.memory_space<hbm>>
      tpu.enqueue_indirect_dma source(%dma_start3A_213 : memref<10000x128xf32, #tpu.memory_space<hbm>>) target(%dma_start3A_209 : memref<64x128xf32, #tpu.memory_space<vmem>>) offsets(%dma_start3A_210 : memref<64xi32, #tpu.memory_space<vmem>>) semaphore(%arg12 : memref<!tpu.dma_semaphore, #tpu.memory_space<semaphore_mem>>)
      %dma_wait3A_214 = arith.constant 0 : i32
      %dma_wait3A_215 = arith.constant 0 : i32
      %dma_wait3A_216 = arith.constant 0 : i32
      %dma_wait3A_217 = tpu.memref_slice %arg10[%dma_wait3A_214, %dma_wait3A_215, %dma_wait3A_216] : memref<2x64x128xf32, #tpu.memory_space<vmem>> -> memref<1x64x128xf32, #tpu.memory_space<vmem>>
      %dma_wait3A_218 = tpu.memref_squeeze %dma_wait3A_217 : memref<1x64x128xf32, #tpu.memory_space<vmem>> -> memref<64x128xf32, #tpu.memory_space<vmem>>
      %dma_wait3A_219 = arith.constant 0 : i32
      %dma_wait3A_220 = arith.constant 0 : i32
      %dma_wait3A_221 = tpu.memref_slice %arg2[%dma_wait3A_219, %dma_wait3A_220] : memref<10000x128xf32, #tpu.memory_space<hbm>> -> memref<64x128xf32, #tpu.memory_space<hbm>>
      %dma_wait3A_222 = arith.constant 0 : i32
      %dma_wait3A_223 = arith.constant 0 : i32
      %dma_wait3A_224 = tpu.memref_slice %arg10[%dma_wait3A_214, %dma_wait3A_222, %dma_wait3A_223] : memref<2x64x128xf32, #tpu.memory_space<vmem>> -> memref<1x64x128xf32, #tpu.memory_space<vmem>>
      %dma_wait3A_225 = tpu.memref_squeeze %dma_wait3A_224 : memref<1x64x128xf32, #tpu.memory_space<vmem>> -> memref<64x128xf32, #tpu.memory_space<vmem>>
      %dma_wait3A_226 = arith.constant 0 : i32
      %dma_wait3A_227 = arith.constant 0 : i32
      %dma_wait3A_228 = tpu.memref_slice %arg2[%dma_wait3A_226, %dma_wait3A_227] : memref<10000x128xf32, #tpu.memory_space<hbm>> -> memref<64x128xf32, #tpu.memory_space<hbm>>
      tpu.wait_dma2 semaphore(%arg11 : memref<!tpu.dma_semaphore, #tpu.memory_space<semaphore_mem>>) src(%dma_wait3A_228 : memref<64x128xf32, #tpu.memory_space<hbm>>) dst(%dma_wait3A_225 : memref<64x128xf32, #tpu.memory_space<vmem>>)
      %run_scoped3A_229 = arith.constant 0 : i32
      "tpu.region"() ({
        %run_scoped3A_261 = tpu.sem_alloc : memref<!tpu.dma_semaphore, #tpu.memory_space<semaphore_mem>>
        %dma_start3A_262 = arith.constant 0 : i32
        %dma_start3A_263 = arith.constant 0 : i32
        %dma_start3A_264 = tpu.memref_slice %arg10[%run_scoped3A_229, %dma_start3A_262, %dma_start3A_263] : memref<2x64x128xf32, #tpu.memory_space<vmem>> -> memref<1x64x128xf32, #tpu.memory_space<vmem>>
        %dma_start3A_265 = tpu.memref_squeeze %dma_start3A_264 : memref<1x64x128xf32, #tpu.memory_space<vmem>> -> memref<64x128xf32, #tpu.memory_space<vmem>>
        %dma_start3A_266 = arith.constant 0 : i32
        %dma_start3A_267 = tpu.memref_slice %arg8[%mul3A_200, %dma_start3A_266] : memref<157x64xi32, #tpu.memory_space<vmem>> -> memref<1x64xi32, #tpu.memory_space<vmem>>
        %dma_start3A_268 = tpu.memref_squeeze %dma_start3A_267 : memref<1x64xi32, #tpu.memory_space<vmem>> -> memref<64xi32, #tpu.memory_space<vmem>>
        %dma_start3A_269 = arith.constant 0 : i32
        %dma_start3A_270 = arith.constant 0 : i32
        %dma_start3A_271 = tpu.memref_slice %arg13[%dma_start3A_269, %dma_start3A_270] : memref<10112x128xf32, #tpu.memory_space<vmem_shared>> -> memref<10112x128xf32, #tpu.memory_space<vmem_shared>>
        tpu.enqueue_indirect_dma source(%dma_start3A_265 : memref<64x128xf32, #tpu.memory_space<vmem>>) target(%dma_start3A_271 : memref<10112x128xf32, #tpu.memory_space<vmem_shared>>) offsets(%dma_start3A_268 : memref<64xi32, #tpu.memory_space<vmem>>) semaphore(%run_scoped3A_261 : memref<!tpu.dma_semaphore, #tpu.memory_space<semaphore_mem>>) {add = true}
        %dma_wait3A_272 = arith.constant 0 : i32
        %dma_wait3A_273 = arith.constant 0 : i32
        %dma_wait3A_274 = tpu.memref_slice %arg10[%run_scoped3A_229, %dma_wait3A_272, %dma_wait3A_273] : memref<2x64x128xf32, #tpu.memory_space<vmem>> -> memref<1x64x128xf32, #tpu.memory_space<vmem>>
        %dma_wait3A_275 = tpu.memref_squeeze %dma_wait3A_274 : memref<1x64x128xf32, #tpu.memory_space<vmem>> -> memref<64x128xf32, #tpu.memory_space<vmem>>
        %dma_wait3A_276 = arith.constant 0 : i32
        %dma_wait3A_277 = tpu.memref_slice %arg8[%mul3A_200, %dma_wait3A_276] : memref<157x64xi32, #tpu.memory_space<vmem>> -> memref<1x64xi32, #tpu.memory_space<vmem>>
        %dma_wait3A_278 = tpu.memref_squeeze %dma_wait3A_277 : memref<1x64xi32, #tpu.memory_space<vmem>> -> memref<64xi32, #tpu.memory_space<vmem>>
        %dma_wait3A_279 = arith.constant 0 : i32
        %dma_wait3A_280 = arith.constant 0 : i32
        %dma_wait3A_281 = tpu.memref_slice %arg13[%dma_wait3A_279, %dma_wait3A_280] : memref<10112x128xf32, #tpu.memory_space<vmem_shared>> -> memref<10112x128xf32, #tpu.memory_space<vmem_shared>>
        tpu.wait_indirect_dma semaphore(%run_scoped3A_261 : memref<!tpu.dma_semaphore, #tpu.memory_space<semaphore_mem>>) src(%dma_wait3A_275 : memref<64x128xf32, #tpu.memory_space<vmem>>) dst(%dma_wait3A_281 : memref<10112x128xf32, #tpu.memory_space<vmem_shared>>)
        tpu.yield
      }) : () -> ()
      %add3A_230 = arith.constant 2 : i32
      %add3A_231 = arith.addi %mul3A_200, %add3A_230 : i32
      %mul3A_232 = arith.constant 64 : i32
      %mul3A_233 = arith.muli %add3A_231, %mul3A_232 : i32
      %dma_start3A_234 = arith.constant 0 : i32
      %dma_start3A_235 = arith.constant 0 : i32
      %dma_start3A_236 = arith.constant 0 : i32
      %dma_start3A_237 = tpu.memref_slice %arg10[%dma_start3A_234, %dma_start3A_235, %dma_start3A_236] : memref<2x64x128xf32, #tpu.memory_space<vmem>> -> memref<1x64x128xf32, #tpu.memory_space<vmem>>
      %dma_start3A_238 = tpu.memref_squeeze %dma_start3A_237 : memref<1x64x128xf32, #tpu.memory_space<vmem>> -> memref<64x128xf32, #tpu.memory_space<vmem>>
      %dma_start3A_239 = tpu.memref_slice %arg7[%mul3A_233] : memref<10048xi32, #tpu.memory_space<vmem>> -> memref<64xi32, #tpu.memory_space<vmem>>
      %dma_start3A_240 = arith.constant 0 : i32
      %dma_start3A_241 = arith.constant 0 : i32
      %dma_start3A_242 = tpu.memref_slice %arg2[%dma_start3A_240, %dma_start3A_241] : memref<10000x128xf32, #tpu.memory_space<hbm>> -> memref<10000x128xf32, #tpu.memory_space<hbm>>
      tpu.enqueue_indirect_dma source(%dma_start3A_242 : memref<10000x128xf32, #tpu.memory_space<hbm>>) target(%dma_start3A_238 : memref<64x128xf32, #tpu.memory_space<vmem>>) offsets(%dma_start3A_239 : memref<64xi32, #tpu.memory_space<vmem>>) semaphore(%arg11 : memref<!tpu.dma_semaphore, #tpu.memory_space<semaphore_mem>>)
      %dma_wait3A_243 = arith.constant 1 : i32
      %dma_wait3A_244 = arith.constant 0 : i32
      %dma_wait3A_245 = arith.constant 0 : i32
      %dma_wait3A_246 = tpu.memref_slice %arg10[%dma_wait3A_243, %dma_wait3A_244, %dma_wait3A_245] : memref<2x64x128xf32, #tpu.memory_space<vmem>> -> memref<1x64x128xf32, #tpu.memory_space<vmem>>
      %dma_wait3A_247 = tpu.memref_squeeze %dma_wait3A_246 : memref<1x64x128xf32, #tpu.memory_space<vmem>> -> memref<64x128xf32, #tpu.memory_space<vmem>>
      %dma_wait3A_248 = arith.constant 0 : i32
      %dma_wait3A_249 = arith.constant 0 : i32
      %dma_wait3A_250 = tpu.memref_slice %arg2[%dma_wait3A_248, %dma_wait3A_249] : memref<10000x128xf32, #tpu.memory_space<hbm>> -> memref<64x128xf32, #tpu.memory_space<hbm>>
      %dma_wait3A_251 = arith.constant 0 : i32
      %dma_wait3A_252 = arith.constant 0 : i32
      %dma_wait3A_253 = tpu.memref_slice %arg10[%dma_wait3A_243, %dma_wait3A_251, %dma_wait3A_252] : memref<2x64x128xf32, #tpu.memory_space<vmem>> -> memref<1x64x128xf32, #tpu.memory_space<vmem>>
      %dma_wait3A_254 = tpu.memref_squeeze %dma_wait3A_253 : memref<1x64x128xf32, #tpu.memory_space<vmem>> -> memref<64x128xf32, #tpu.memory_space<vmem>>
      %dma_wait3A_255 = arith.constant 0 : i32
      %dma_wait3A_256 = arith.constant 0 : i32
      %dma_wait3A_257 = tpu.memref_slice %arg2[%dma_wait3A_255, %dma_wait3A_256] : memref<10000x128xf32, #tpu.memory_space<hbm>> -> memref<64x128xf32, #tpu.memory_space<hbm>>
      tpu.wait_dma2 semaphore(%arg12 : memref<!tpu.dma_semaphore, #tpu.memory_space<semaphore_mem>>) src(%dma_wait3A_257 : memref<64x128xf32, #tpu.memory_space<hbm>>) dst(%dma_wait3A_254 : memref<64x128xf32, #tpu.memory_space<vmem>>)
      %add3A_258 = arith.constant 1 : i32
      %add3A_259 = arith.addi %mul3A_200, %add3A_258 : i32
      %run_scoped3A_260 = arith.constant 1 : i32
      "tpu.region"() ({
        %run_scoped3A_261 = tpu.sem_alloc : memref<!tpu.dma_semaphore, #tpu.memory_space<semaphore_mem>>
        %dma_start3A_262 = arith.constant 0 : i32
        %dma_start3A_263 = arith.constant 0 : i32
        %dma_start3A_264 = tpu.memref_slice %arg10[%run_scoped3A_260, %dma_start3A_262, %dma_start3A_263] : memref<2x64x128xf32, #tpu.memory_space<vmem>> -> memref<1x64x128xf32, #tpu.memory_space<vmem>>
        %dma_start3A_265 = tpu.memref_squeeze %dma_start3A_264 : memref<1x64x128xf32, #tpu.memory_space<vmem>> -> memref<64x128xf32, #tpu.memory_space<vmem>>
        %dma_start3A_266 = arith.constant 0 : i32
        %dma_start3A_267 = tpu.memref_slice %arg8[%add3A_259, %dma_start3A_266] : memref<157x64xi32, #tpu.memory_space<vmem>> -> memref<1x64xi32, #tpu.memory_space<vmem>>
        %dma_start3A_268 = tpu.memref_squeeze %dma_start3A_267 : memref<1x64xi32, #tpu.memory_space<vmem>> -> memref<64xi32, #tpu.memory_space<vmem>>
        %dma_start3A_269 = arith.constant 0 : i32
        %dma_start3A_270 = arith.constant 0 : i32
        %dma_start3A_271 = tpu.memref_slice %arg13[%dma_start3A_269, %dma_start3A_270] : memref<10112x128xf32, #tpu.memory_space<vmem_shared>> -> memref<10112x128xf32, #tpu.memory_space<vmem_shared>>
        tpu.enqueue_indirect_dma source(%dma_start3A_265 : memref<64x128xf32, #tpu.memory_space<vmem>>) target(%dma_start3A_271 : memref<10112x128xf32, #tpu.memory_space<vmem_shared>>) offsets(%dma_start3A_268 : memref<64xi32, #tpu.memory_space<vmem>>) semaphore(%run_scoped3A_261 : memref<!tpu.dma_semaphore, #tpu.memory_space<semaphore_mem>>) {add = true}
        %dma_wait3A_272 = arith.constant 0 : i32
        %dma_wait3A_273 = arith.constant 0 : i32
        %dma_wait3A_274 = tpu.memref_slice %arg10[%run_scoped3A_260, %dma_wait3A_272, %dma_wait3A_273] : memref<2x64x128xf32, #tpu.memory_space<vmem>> -> memref<1x64x128xf32, #tpu.memory_space<vmem>>
        %dma_wait3A_275 = tpu.memref_squeeze %dma_wait3A_274 : memref<1x64x128xf32, #tpu.memory_space<vmem>> -> memref<64x128xf32, #tpu.memory_space<vmem>>
        %dma_wait3A_276 = arith.constant 0 : i32
        %dma_wait3A_277 = tpu.memref_slice %arg8[%add3A_259, %dma_wait3A_276] : memref<157x64xi32, #tpu.memory_space<vmem>> -> memref<1x64xi32, #tpu.memory_space<vmem>>
        %dma_wait3A_278 = tpu.memref_squeeze %dma_wait3A_277 : memref<1x64xi32, #tpu.memory_space<vmem>> -> memref<64xi32, #tpu.memory_space<vmem>>
        %dma_wait3A_279 = arith.constant 0 : i32
        %dma_wait3A_280 = arith.constant 0 : i32
        %dma_wait3A_281 = tpu.memref_slice %arg13[%dma_wait3A_279, %dma_wait3A_280] : memref<10112x128xf32, #tpu.memory_space<vmem_shared>> -> memref<10112x128xf32, #tpu.memory_space<vmem_shared>>
        tpu.wait_indirect_dma semaphore(%run_scoped3A_261 : memref<!tpu.dma_semaphore, #tpu.memory_space<semaphore_mem>>) src(%dma_wait3A_275 : memref<64x128xf32, #tpu.memory_space<vmem>>) dst(%dma_wait3A_281 : memref<10112x128xf32, #tpu.memory_space<vmem_shared>>)
        tpu.yield
      }) : () -> ()
    }
    %scan3A_59 = arith.constant 78 : i32
    %dma_wait3A = arith.constant 0 : i32
    %dma_wait3A_60 = arith.constant 0 : i32
    %dma_wait3A_61 = arith.constant 0 : i32
    %dma_wait3A_62 = tpu.memref_slice %arg10[%dma_wait3A, %dma_wait3A_60, %dma_wait3A_61] : memref<2x64x128xf32, #tpu.memory_space<vmem>> -> memref<1x64x128xf32, #tpu.memory_space<vmem>>
    %dma_wait3A_63 = tpu.memref_squeeze %dma_wait3A_62 : memref<1x64x128xf32, #tpu.memory_space<vmem>> -> memref<64x128xf32, #tpu.memory_space<vmem>>
    %dma_wait3A_64 = arith.constant 0 : i32
    %dma_wait3A_65 = arith.constant 0 : i32
    %dma_wait3A_66 = tpu.memref_slice %arg2[%dma_wait3A_64, %dma_wait3A_65] : memref<10000x128xf32, #tpu.memory_space<hbm>> -> memref<64x128xf32, #tpu.memory_space<hbm>>
    %dma_wait3A_67 = arith.constant 0 : i32
    %dma_wait3A_68 = arith.constant 0 : i32
    %dma_wait3A_69 = tpu.memref_slice %arg10[%dma_wait3A, %dma_wait3A_67, %dma_wait3A_68] : memref<2x64x128xf32, #tpu.memory_space<vmem>> -> memref<1x64x128xf32, #tpu.memory_space<vmem>>
    %dma_wait3A_70 = tpu.memref_squeeze %dma_wait3A_69 : memref<1x64x128xf32, #tpu.memory_space<vmem>> -> memref<64x128xf32, #tpu.memory_space<vmem>>
    %dma_wait3A_71 = arith.constant 0 : i32
    %dma_wait3A_72 = arith.constant 0 : i32
    %dma_wait3A_73 = tpu.memref_slice %arg2[%dma_wait3A_71, %dma_wait3A_72] : memref<10000x128xf32, #tpu.memory_space<hbm>> -> memref<64x128xf32, #tpu.memory_space<hbm>>
    tpu.wait_dma2 semaphore(%arg11 : memref<!tpu.dma_semaphore, #tpu.memory_space<semaphore_mem>>) src(%dma_wait3A_73 : memref<64x128xf32, #tpu.memory_space<hbm>>) dst(%dma_wait3A_70 : memref<64x128xf32, #tpu.memory_space<vmem>>)
    %run_scoped3A_74 = arith.constant 0 : i32
    %run_scoped3A_75 = arith.constant 156 : i32
    "tpu.region"() ({
      %run_scoped3A_198 = tpu.sem_alloc : memref<!tpu.dma_semaphore, #tpu.memory_space<semaphore_mem>>
      %dma_start3A_199 = arith.constant 0 : i32
      %dma_start3A_200 = arith.constant 0 : i32
      %dma_start3A_201 = tpu.memref_slice %arg10[%run_scoped3A_74, %dma_start3A_199, %dma_start3A_200] : memref<2x64x128xf32, #tpu.memory_space<vmem>> -> memref<1x64x128xf32, #tpu.memory_space<vmem>>
      %dma_start3A_202 = tpu.memref_squeeze %dma_start3A_201 : memref<1x64x128xf32, #tpu.memory_space<vmem>> -> memref<64x128xf32, #tpu.memory_space<vmem>>
      %dma_start3A_203 = arith.constant 0 : i32
      %dma_start3A_204 = tpu.memref_slice %arg8[%run_scoped3A_75, %dma_start3A_203] : memref<157x64xi32, #tpu.memory_space<vmem>> -> memref<1x64xi32, #tpu.memory_space<vmem>>
      %dma_start3A_205 = tpu.memref_squeeze %dma_start3A_204 : memref<1x64xi32, #tpu.memory_space<vmem>> -> memref<64xi32, #tpu.memory_space<vmem>>
      %dma_start3A_206 = arith.constant 0 : i32
      %dma_start3A_207 = arith.constant 0 : i32
      %dma_start3A_208 = tpu.memref_slice %arg13[%dma_start3A_206, %dma_start3A_207] : memref<10112x128xf32, #tpu.memory_space<vmem_shared>> -> memref<10112x128xf32, #tpu.memory_space<vmem_shared>>
      tpu.enqueue_indirect_dma source(%dma_start3A_202 : memref<64x128xf32, #tpu.memory_space<vmem>>) target(%dma_start3A_208 : memref<10112x128xf32, #tpu.memory_space<vmem_shared>>) offsets(%dma_start3A_205 : memref<64xi32, #tpu.memory_space<vmem>>) semaphore(%run_scoped3A_198 : memref<!tpu.dma_semaphore, #tpu.memory_space<semaphore_mem>>) {add = true}
      %dma_wait3A_209 = arith.constant 0 : i32
      %dma_wait3A_210 = arith.constant 0 : i32
      %dma_wait3A_211 = tpu.memref_slice %arg10[%run_scoped3A_74, %dma_wait3A_209, %dma_wait3A_210] : memref<2x64x128xf32, #tpu.memory_space<vmem>> -> memref<1x64x128xf32, #tpu.memory_space<vmem>>
      %dma_wait3A_212 = tpu.memref_squeeze %dma_wait3A_211 : memref<1x64x128xf32, #tpu.memory_space<vmem>> -> memref<64x128xf32, #tpu.memory_space<vmem>>
      %dma_wait3A_213 = arith.constant 0 : i32
      %dma_wait3A_214 = tpu.memref_slice %arg8[%run_scoped3A_75, %dma_wait3A_213] : memref<157x64xi32, #tpu.memory_space<vmem>> -> memref<1x64xi32, #tpu.memory_space<vmem>>
      %dma_wait3A_215 = tpu.memref_squeeze %dma_wait3A_214 : memref<1x64xi32, #tpu.memory_space<vmem>> -> memref<64xi32, #tpu.memory_space<vmem>>
      %dma_wait3A_216 = arith.constant 0 : i32
      %dma_wait3A_217 = arith.constant 0 : i32
      %dma_wait3A_218 = tpu.memref_slice %arg13[%dma_wait3A_216, %dma_wait3A_217] : memref<10112x128xf32, #tpu.memory_space<vmem_shared>> -> memref<10112x128xf32, #tpu.memory_space<vmem_shared>>
      tpu.wait_indirect_dma semaphore(%run_scoped3A_198 : memref<!tpu.dma_semaphore, #tpu.memory_space<semaphore_mem>>) src(%dma_wait3A_212 : memref<64x128xf32, #tpu.memory_space<vmem>>) dst(%dma_wait3A_218 : memref<10112x128xf32, #tpu.memory_space<vmem_shared>>)
      tpu.yield
    }) : () -> ()
    %barrier3A_76 = arith.constant 0 : index
    tpu.barrier barrier_id(%barrier3A_76)
    %run_scoped3A_77 = arith.constant 0 : i32
    "tpu.region"() ({
      %run_scoped3A_198 = tpu.sem_alloc : memref<!tpu.dma_semaphore, #tpu.memory_space<semaphore_mem>>
      %dma_start3A_199 = arith.constant 0 : i32
      %dma_start3A_200 = tpu.memref_slice %arg6[%run_scoped3A_77, %arg0, %mul3A_2, %dma_start3A_199] : memref<4x2x10112x128xf32, #tpu.memory_space<hbm>> -> memref<1x1x632x128xf32, #tpu.memory_space<hbm>>
      %dma_start3A_201 = tpu.memref_squeeze %dma_start3A_200 : memref<1x1x632x128xf32, #tpu.memory_space<hbm>> -> memref<632x128xf32, #tpu.memory_space<hbm>>
      %dma_start3A_202 = arith.constant 0 : i32
      %dma_start3A_203 = tpu.memref_slice %arg13[%mul3A_2, %dma_start3A_202] : memref<10112x128xf32, #tpu.memory_space<vmem_shared>> -> memref<632x128xf32, #tpu.memory_space<vmem_shared>>
      tpu.enqueue_dma source(%dma_start3A_203 : memref<632x128xf32, #tpu.memory_space<vmem_shared>>) target(%dma_start3A_201 : memref<632x128xf32, #tpu.memory_space<hbm>>) target_semaphore(%run_scoped3A_198 : memref<!tpu.dma_semaphore, #tpu.memory_space<semaphore_mem>>)
      %dma_wait3A_204 = arith.constant 0 : i32
      %dma_wait3A_205 = tpu.memref_slice %arg6[%run_scoped3A_77, %arg0, %mul3A_2, %dma_wait3A_204] : memref<4x2x10112x128xf32, #tpu.memory_space<hbm>> -> memref<1x1x632x128xf32, #tpu.memory_space<hbm>>
      %dma_wait3A_206 = tpu.memref_squeeze %dma_wait3A_205 : memref<1x1x632x128xf32, #tpu.memory_space<hbm>> -> memref<632x128xf32, #tpu.memory_space<hbm>>
      %dma_wait3A_207 = arith.constant 0 : i32
      %dma_wait3A_208 = tpu.memref_slice %arg13[%mul3A_2, %dma_wait3A_207] : memref<10112x128xf32, #tpu.memory_space<vmem_shared>> -> memref<632x128xf32, #tpu.memory_space<vmem_shared>>
      tpu.wait_dma2 semaphore(%run_scoped3A_198 : memref<!tpu.dma_semaphore, #tpu.memory_space<semaphore_mem>>) src(%dma_wait3A_208 : memref<632x128xf32, #tpu.memory_space<vmem_shared>>) dst(%dma_wait3A_206 : memref<632x128xf32, #tpu.memory_space<hbm>>)
      tpu.yield
    }) : () -> ()
    "tpu.region"() ({
      %run_scoped3A_198 = tpu.sem_alloc : memref<!tpu.dma_semaphore, #tpu.memory_space<semaphore_mem>>
      %dma_start3A_199 = arith.constant 0 : i32
      %dma_start3A_200 = arith.constant 0 : i32
      %dma_start3A_201 = tpu.memref_slice %arg4[%add3A, %dma_start3A_199, %dma_start3A_200] : memref<32x157x64xi32, #tpu.memory_space<hbm>> -> memref<1x157x64xi32, #tpu.memory_space<hbm>>
      %dma_start3A_202 = tpu.memref_squeeze %dma_start3A_201 : memref<1x157x64xi32, #tpu.memory_space<hbm>> -> memref<157x64xi32, #tpu.memory_space<hbm>>
      %dma_start3A_203 = arith.constant 0 : i32
      %dma_start3A_204 = arith.constant 0 : i32
      %dma_start3A_205 = tpu.memref_slice %arg4[%add3A, %dma_start3A_203, %dma_start3A_204] : memref<32x157x64xi32, #tpu.memory_space<hbm>> -> memref<1x157x64xi32, #tpu.memory_space<hbm>>
      %dma_start3A_206 = tpu.memref_squeeze %dma_start3A_205 : memref<1x157x64xi32, #tpu.memory_space<hbm>> -> memref<157x64xi32, #tpu.memory_space<hbm>>
      tpu.enqueue_dma source(%dma_start3A_206 : memref<157x64xi32, #tpu.memory_space<hbm>>) target(%arg8 : memref<157x64xi32, #tpu.memory_space<vmem>>) target_semaphore(%run_scoped3A_198 : memref<!tpu.dma_semaphore, #tpu.memory_space<semaphore_mem>>)
      %dma_wait3A_207 = arith.constant 0 : i32
      %dma_wait3A_208 = arith.constant 0 : i32
      %dma_wait3A_209 = tpu.memref_slice %arg4[%add3A, %dma_wait3A_207, %dma_wait3A_208] : memref<32x157x64xi32, #tpu.memory_space<hbm>> -> memref<1x157x64xi32, #tpu.memory_space<hbm>>
      %dma_wait3A_210 = tpu.memref_squeeze %dma_wait3A_209 : memref<1x157x64xi32, #tpu.memory_space<hbm>> -> memref<157x64xi32, #tpu.memory_space<hbm>>
      %dma_wait3A_211 = arith.constant 0 : i32
      %dma_wait3A_212 = arith.constant 0 : i32
      %dma_wait3A_213 = tpu.memref_slice %arg4[%add3A, %dma_wait3A_211, %dma_wait3A_212] : memref<32x157x64xi32, #tpu.memory_space<hbm>> -> memref<1x157x64xi32, #tpu.memory_space<hbm>>
      %dma_wait3A_214 = tpu.memref_squeeze %dma_wait3A_213 : memref<1x157x64xi32, #tpu.memory_space<hbm>> -> memref<157x64xi32, #tpu.memory_space<hbm>>
      tpu.wait_dma2 semaphore(%run_scoped3A_198 : memref<!tpu.dma_semaphore, #tpu.memory_space<semaphore_mem>>) src(%dma_wait3A_214 : memref<157x64xi32, #tpu.memory_space<hbm>>) dst(%arg8 : memref<157x64xi32, #tpu.memory_space<vmem>>)
      tpu.yield
    }) : () -> ()
    %scan3A_78 = arith.constant 0 : i32
    %scan3A_79 = arith.constant 157 : i32
    %scan3A_80 = arith.addi %scan3A_78, %scan3A_79 : i32
    %scan3A_81 = arith.constant 1 : i32
    scf.for %scan3A_198 = %scan3A_78 to %scan3A_80 step %scan3A_81  : i32 {
      %mul3A_199 = arith.constant 64 : i32
      %mul3A_200 = arith.muli %scan3A_198, %mul3A_199 : i32
      %add3A_201 = arith.constant 0 : i32
      %add3A_202 = arith.addi %mul3A_200, %add3A_201 : i32
      %get3A = arith.index_cast %add3A_202 : i32 to index
      %get3A_203 = tpu.vector_load %arg7[%get3A] {strides = array<i32>} : memref<10048xi32, #tpu.memory_space<vmem>>, vector<16xi32>,
      %get3A_204 = arith.index_cast %scan3A_198 : i32 to index
      %get3A_205 = arith.constant 0 : index
      %get3A_206 = tpu.vector_load %arg8[%get3A_204, %get3A_205] {strides = array<i32>} : memref<157x64xi32, #tpu.memory_space<vmem>>, vector<16xi32>,
      %shift_right_logical3A = arith.constant 3 : i32
      %shift_right_logical3A_207 = vector.broadcast %shift_right_logical3A : i32 to vector<16xi32>
      %shift_right_logical3A_208 = arith.shrui %get3A_203, %shift_right_logical3A_207 : vector<16xi32>
      %gather3A = tpu.vector_load_idx %arg9[%shift_right_logical3A_208] : memref<1256xi32, #tpu.memory_space<vmem>>[vector<16xi32>], vector<16xi32>,
      %and3A = arith.constant 7 : i32
      %and3A_209 = vector.broadcast %and3A : i32 to vector<16xi32>
      %and3A_210 = arith.andi %get3A_203, %and3A_209 : vector<16xi32>
      %shift_left3A = arith.constant 2 : i32
      %shift_left3A_211 = vector.broadcast %shift_left3A : i32 to vector<16xi32>
      %shift_left3A_212 = arith.shli %and3A_210, %shift_left3A_211 : vector<16xi32>
      %add3A_213 = arith.constant 1 : i32
      %add3A_214 = vector.broadcast %add3A_213 : i32 to vector<16xi32>
      %add3A_215 = arith.addi %shift_left3A_212, %add3A_214 : vector<16xi32>
      %shift_right_logical3A_216 = arith.shrui %gather3A, %add3A_215 : vector<16xi32>
      %and3A_217 = arith.constant 1 : i32
      %and3A_218 = vector.broadcast %and3A_217 : i32 to vector<16xi32>
      %and3A_219 = arith.andi %shift_right_logical3A_216, %and3A_218 : vector<16xi32>
      %ne3A = arith.constant 0 : i32
      %ne3A_220 = vector.broadcast %ne3A : i32 to vector<16xi32>
      %ne3A_221 = arith.cmpi ne, %and3A_219, %ne3A_220 : vector<16xi32>
      %select_n3A = arith.select %ne3A_221, %broadcast_in_dim3A_40, %get3A_206 : vector<16xi1>, vector<16xi32>
      %swap3A = arith.index_cast %scan3A_198 : i32 to index
      %swap3A_222 = arith.constant 0 : index
      %swap3A_223 = tpu.vector_load %arg8[%swap3A, %swap3A_222] {strides = array<i32>} : memref<157x64xi32, #tpu.memory_space<vmem>>, vector<16xi32>,
      tpu.vector_store %arg8[%swap3A, %swap3A_222], %select_n3A {strides = array<i32>} : memref<157x64xi32, #tpu.memory_space<vmem>>, vector<16xi32>,
      %add3A_224 = arith.constant 16 : i32
      %add3A_225 = arith.addi %mul3A_200, %add3A_224 : i32
      %get3A_226 = arith.index_cast %add3A_225 : i32 to index
      %get3A_227 = tpu.vector_load %arg7[%get3A_226] {strides = array<i32>} : memref<10048xi32, #tpu.memory_space<vmem>>, vector<16xi32>,
      %get3A_228 = arith.index_cast %scan3A_198 : i32 to index
      %get3A_229 = arith.constant 16 : index
      %get3A_230 = tpu.vector_load %arg8[%get3A_228, %get3A_229] {strides = array<i32>} : memref<157x64xi32, #tpu.memory_space<vmem>>, vector<16xi32>,
      %shift_right_logical3A_231 = arith.constant 3 : i32
      %shift_right_logical3A_232 = vector.broadcast %shift_right_logical3A_231 : i32 to vector<16xi32>
      %shift_right_logical3A_233 = arith.shrui %get3A_227, %shift_right_logical3A_232 : vector<16xi32>
      %gather3A_234 = tpu.vector_load_idx %arg9[%shift_right_logical3A_233] : memref<1256xi32, #tpu.memory_space<vmem>>[vector<16xi32>], vector<16xi32>,
      %and3A_235 = arith.constant 7 : i32
      %and3A_236 = vector.broadcast %and3A_235 : i32 to vector<16xi32>
      %and3A_237 = arith.andi %get3A_227, %and3A_236 : vector<16xi32>
      %shift_left3A_238 = arith.constant 2 : i32
      %shift_left3A_239 = vector.broadcast %shift_left3A_238 : i32 to vector<16xi32>
      %shift_left3A_240 = arith.shli %and3A_237, %shift_left3A_239 : vector<16xi32>
      %add3A_241 = arith.constant 1 : i32
      %add3A_242 = vector.broadcast %add3A_241 : i32 to vector<16xi32>
      %add3A_243 = arith.addi %shift_left3A_240, %add3A_242 : vector<16xi32>
      %shift_right_logical3A_244 = arith.shrui %gather3A_234, %add3A_243 : vector<16xi32>
      %and3A_245 = arith.constant 1 : i32
      %and3A_246 = vector.broadcast %and3A_245 : i32 to vector<16xi32>
      %and3A_247 = arith.andi %shift_right_logical3A_244, %and3A_246 : vector<16xi32>
      %ne3A_248 = arith.constant 0 : i32
      %ne3A_249 = vector.broadcast %ne3A_248 : i32 to vector<16xi32>
      %ne3A_250 = arith.cmpi ne, %and3A_247, %ne3A_249 : vector<16xi32>
      %select_n3A_251 = arith.select %ne3A_250, %broadcast_in_dim3A_40, %get3A_230 : vector<16xi1>, vector<16xi32>
      %swap3A_252 = arith.index_cast %scan3A_198 : i32 to index
      %swap3A_253 = arith.constant 16 : index
      %swap3A_254 = tpu.vector_load %arg8[%swap3A_252, %swap3A_253] {strides = array<i32>} : memref<157x64xi32, #tpu.memory_space<vmem>>, vector<16xi32>,
      tpu.vector_store %arg8[%swap3A_252, %swap3A_253], %select_n3A_251 {strides = array<i32>} : memref<157x64xi32, #tpu.memory_space<vmem>>, vector<16xi32>,
      %add3A_255 = arith.constant 32 : i32
      %add3A_256 = arith.addi %mul3A_200, %add3A_255 : i32
      %get3A_257 = arith.index_cast %add3A_256 : i32 to index
      %get3A_258 = tpu.vector_load %arg7[%get3A_257] {strides = array<i32>} : memref<10048xi32, #tpu.memory_space<vmem>>, vector<16xi32>,
      %get3A_259 = arith.index_cast %scan3A_198 : i32 to index
      %get3A_260 = arith.constant 32 : index
      %get3A_261 = tpu.vector_load %arg8[%get3A_259, %get3A_260] {strides = array<i32>} : memref<157x64xi32, #tpu.memory_space<vmem>>, vector<16xi32>,
      %shift_right_logical3A_262 = arith.constant 3 : i32
      %shift_right_logical3A_263 = vector.broadcast %shift_right_logical3A_262 : i32 to vector<16xi32>
      %shift_right_logical3A_264 = arith.shrui %get3A_258, %shift_right_logical3A_263 : vector<16xi32>
      %gather3A_265 = tpu.vector_load_idx %arg9[%shift_right_logical3A_264] : memref<1256xi32, #tpu.memory_space<vmem>>[vector<16xi32>], vector<16xi32>,
      %and3A_266 = arith.constant 7 : i32
      %and3A_267 = vector.broadcast %and3A_266 : i32 to vector<16xi32>
      %and3A_268 = arith.andi %get3A_258, %and3A_267 : vector<16xi32>
      %shift_left3A_269 = arith.constant 2 : i32
      %shift_left3A_270 = vector.broadcast %shift_left3A_269 : i32 to vector<16xi32>
      %shift_left3A_271 = arith.shli %and3A_268, %shift_left3A_270 : vector<16xi32>
      %add3A_272 = arith.constant 1 : i32
      %add3A_273 = vector.broadcast %add3A_272 : i32 to vector<16xi32>
      %add3A_274 = arith.addi %shift_left3A_271, %add3A_273 : vector<16xi32>
      %shift_right_logical3A_275 = arith.shrui %gather3A_265, %add3A_274 : vector<16xi32>
      %and3A_276 = arith.constant 1 : i32
      %and3A_277 = vector.broadcast %and3A_276 : i32 to vector<16xi32>
      %and3A_278 = arith.andi %shift_right_logical3A_275, %and3A_277 : vector<16xi32>
      %ne3A_279 = arith.constant 0 : i32
      %ne3A_280 = vector.broadcast %ne3A_279 : i32 to vector<16xi32>
      %ne3A_281 = arith.cmpi ne, %and3A_278, %ne3A_280 : vector<16xi32>
      %select_n3A_282 = arith.select %ne3A_281, %broadcast_in_dim3A_40, %get3A_261 : vector<16xi1>, vector<16xi32>
      %swap3A_283 = arith.index_cast %scan3A_198 : i32 to index
      %swap3A_284 = arith.constant 32 : index
      %swap3A_285 = tpu.vector_load %arg8[%swap3A_283, %swap3A_284] {strides = array<i32>} : memref<157x64xi32, #tpu.memory_space<vmem>>, vector<16xi32>,
      tpu.vector_store %arg8[%swap3A_283, %swap3A_284], %select_n3A_282 {strides = array<i32>} : memref<157x64xi32, #tpu.memory_space<vmem>>, vector<16xi32>,
      %add3A_286 = arith.constant 48 : i32
      %add3A_287 = arith.addi %mul3A_200, %add3A_286 : i32
      %get3A_288 = arith.index_cast %add3A_287 : i32 to index
      %get3A_289 = tpu.vector_load %arg7[%get3A_288] {strides = array<i32>} : memref<10048xi32, #tpu.memory_space<vmem>>, vector<16xi32>,
      %get3A_290 = arith.index_cast %scan3A_198 : i32 to index
      %get3A_291 = arith.constant 48 : index
      %get3A_292 = tpu.vector_load %arg8[%get3A_290, %get3A_291] {strides = array<i32>} : memref<157x64xi32, #tpu.memory_space<vmem>>, vector<16xi32>,
      %shift_right_logical3A_293 = arith.constant 3 : i32
      %shift_right_logical3A_294 = vector.broadcast %shift_right_logical3A_293 : i32 to vector<16xi32>
      %shift_right_logical3A_295 = arith.shrui %get3A_289, %shift_right_logical3A_294 : vector<16xi32>
      %gather3A_296 = tpu.vector_load_idx %arg9[%shift_right_logical3A_295] : memref<1256xi32, #tpu.memory_space<vmem>>[vector<16xi32>], vector<16xi32>,
      %and3A_297 = arith.constant 7 : i32
      %and3A_298 = vector.broadcast %and3A_297 : i32 to vector<16xi32>
      %and3A_299 = arith.andi %get3A_289, %and3A_298 : vector<16xi32>
      %shift_left3A_300 = arith.constant 2 : i32
      %shift_left3A_301 = vector.broadcast %shift_left3A_300 : i32 to vector<16xi32>
      %shift_left3A_302 = arith.shli %and3A_299, %shift_left3A_301 : vector<16xi32>
      %add3A_303 = arith.constant 1 : i32
      %add3A_304 = vector.broadcast %add3A_303 : i32 to vector<16xi32>
      %add3A_305 = arith.addi %shift_left3A_302, %add3A_304 : vector<16xi32>
      %shift_right_logical3A_306 = arith.shrui %gather3A_296, %add3A_305 : vector<16xi32>
      %and3A_307 = arith.constant 1 : i32
      %and3A_308 = vector.broadcast %and3A_307 : i32 to vector<16xi32>
      %and3A_309 = arith.andi %shift_right_logical3A_306, %and3A_308 : vector<16xi32>
      %ne3A_310 = arith.constant 0 : i32
      %ne3A_311 = vector.broadcast %ne3A_310 : i32 to vector<16xi32>
      %ne3A_312 = arith.cmpi ne, %and3A_309, %ne3A_311 : vector<16xi32>
      %select_n3A_313 = arith.select %ne3A_312, %broadcast_in_dim3A_40, %get3A_292 : vector<16xi1>, vector<16xi32>
      %swap3A_314 = arith.index_cast %scan3A_198 : i32 to index
      %swap3A_315 = arith.constant 48 : index
      %swap3A_316 = tpu.vector_load %arg8[%swap3A_314, %swap3A_315] {strides = array<i32>} : memref<157x64xi32, #tpu.memory_space<vmem>>, vector<16xi32>,
      tpu.vector_store %arg8[%swap3A_314, %swap3A_315], %select_n3A_313 {strides = array<i32>} : memref<157x64xi32, #tpu.memory_space<vmem>>, vector<16xi32>,
    }
    %scan3A_82 = arith.constant 157 : i32
    %barrier3A_83 = arith.constant 0 : index
    tpu.barrier barrier_id(%barrier3A_83)
    %dma_start3A_84 = arith.constant 0 : i32
    %dma_start3A_85 = arith.constant 0 : i32
    %dma_start3A_86 = arith.constant 0 : i32
    %dma_start3A_87 = tpu.memref_slice %arg10[%dma_start3A_84, %dma_start3A_85, %dma_start3A_86] : memref<2x64x128xf32, #tpu.memory_space<vmem>> -> memref<1x64x128xf32, #tpu.memory_space<vmem>>
    %dma_start3A_88 = tpu.memref_squeeze %dma_start3A_87 : memref<1x64x128xf32, #tpu.memory_space<vmem>> -> memref<64x128xf32, #tpu.memory_space<vmem>>
    %dma_start3A_89 = arith.constant 0 : i32
    %dma_start3A_90 = tpu.memref_slice %arg7[%dma_start3A_89] : memref<10048xi32, #tpu.memory_space<vmem>> -> memref<64xi32, #tpu.memory_space<vmem>>
    %dma_start3A_91 = arith.constant 0 : i32
    %dma_start3A_92 = arith.constant 0 : i32
    %dma_start3A_93 = tpu.memref_slice %arg2[%dma_start3A_91, %dma_start3A_92] : memref<10000x128xf32, #tpu.memory_space<hbm>> -> memref<10000x128xf32, #tpu.memory_space<hbm>>
    tpu.enqueue_indirect_dma source(%dma_start3A_93 : memref<10000x128xf32, #tpu.memory_space<hbm>>) target(%dma_start3A_88 : memref<64x128xf32, #tpu.memory_space<vmem>>) offsets(%dma_start3A_90 : memref<64xi32, #tpu.memory_space<vmem>>) semaphore(%arg11 : memref<!tpu.dma_semaphore, #tpu.memory_space<semaphore_mem>>)
    %scan3A_94 = arith.constant 0 : i32
    %scan3A_95 = arith.constant 78 : i32
    %scan3A_96 = arith.addi %scan3A_94, %scan3A_95 : i32
    %scan3A_97 = arith.constant 1 : i32
    scf.for %scan3A_198 = %scan3A_94 to %scan3A_96 step %scan3A_97  : i32 {
      %mul3A_199 = arith.constant 2 : i32
      %mul3A_200 = arith.muli %scan3A_198, %mul3A_199 : i32
      %add3A_201 = arith.constant 1 : i32
      %add3A_202 = arith.addi %mul3A_200, %add3A_201 : i32
      %mul3A_203 = arith.constant 64 : i32
      %mul3A_204 = arith.muli %add3A_202, %mul3A_203 : i32
      %dma_start3A_205 = arith.constant 1 : i32
      %dma_start3A_206 = arith.constant 0 : i32
      %dma_start3A_207 = arith.constant 0 : i32
      %dma_start3A_208 = tpu.memref_slice %arg10[%dma_start3A_205, %dma_start3A_206, %dma_start3A_207] : memref<2x64x128xf32, #tpu.memory_space<vmem>> -> memref<1x64x128xf32, #tpu.memory_space<vmem>>
      %dma_start3A_209 = tpu.memref_squeeze %dma_start3A_208 : memref<1x64x128xf32, #tpu.memory_space<vmem>> -> memref<64x128xf32, #tpu.memory_space<vmem>>
      %dma_start3A_210 = tpu.memref_slice %arg7[%mul3A_204] : memref<10048xi32, #tpu.memory_space<vmem>> -> memref<64xi32, #tpu.memory_space<vmem>>
      %dma_start3A_211 = arith.constant 0 : i32
      %dma_start3A_212 = arith.constant 0 : i32
      %dma_start3A_213 = tpu.memref_slice %arg2[%dma_start3A_211, %dma_start3A_212] : memref<10000x128xf32, #tpu.memory_space<hbm>> -> memref<10000x128xf32, #tpu.memory_space<hbm>>
      tpu.enqueue_indirect_dma source(%dma_start3A_213 : memref<10000x128xf32, #tpu.memory_space<hbm>>) target(%dma_start3A_209 : memref<64x128xf32, #tpu.memory_space<vmem>>) offsets(%dma_start3A_210 : memref<64xi32, #tpu.memory_space<vmem>>) semaphore(%arg12 : memref<!tpu.dma_semaphore, #tpu.memory_space<semaphore_mem>>)
      %dma_wait3A_214 = arith.constant 0 : i32
      %dma_wait3A_215 = arith.constant 0 : i32
      %dma_wait3A_216 = arith.constant 0 : i32
      %dma_wait3A_217 = tpu.memref_slice %arg10[%dma_wait3A_214, %dma_wait3A_215, %dma_wait3A_216] : memref<2x64x128xf32, #tpu.memory_space<vmem>> -> memref<1x64x128xf32, #tpu.memory_space<vmem>>
      %dma_wait3A_218 = tpu.memref_squeeze %dma_wait3A_217 : memref<1x64x128xf32, #tpu.memory_space<vmem>> -> memref<64x128xf32, #tpu.memory_space<vmem>>
      %dma_wait3A_219 = arith.constant 0 : i32
      %dma_wait3A_220 = arith.constant 0 : i32
      %dma_wait3A_221 = tpu.memref_slice %arg2[%dma_wait3A_219, %dma_wait3A_220] : memref<10000x128xf32, #tpu.memory_space<hbm>> -> memref<64x128xf32, #tpu.memory_space<hbm>>
      %dma_wait3A_222 = arith.constant 0 : i32
      %dma_wait3A_223 = arith.constant 0 : i32
      %dma_wait3A_224 = tpu.memref_slice %arg10[%dma_wait3A_214, %dma_wait3A_222, %dma_wait3A_223] : memref<2x64x128xf32, #tpu.memory_space<vmem>> -> memref<1x64x128xf32, #tpu.memory_space<vmem>>
      %dma_wait3A_225 = tpu.memref_squeeze %dma_wait3A_224 : memref<1x64x128xf32, #tpu.memory_space<vmem>> -> memref<64x128xf32, #tpu.memory_space<vmem>>
      %dma_wait3A_226 = arith.constant 0 : i32
      %dma_wait3A_227 = arith.constant 0 : i32
      %dma_wait3A_228 = tpu.memref_slice %arg2[%dma_wait3A_226, %dma_wait3A_227] : memref<10000x128xf32, #tpu.memory_space<hbm>> -> memref<64x128xf32, #tpu.memory_space<hbm>>
      tpu.wait_dma2 semaphore(%arg11 : memref<!tpu.dma_semaphore, #tpu.memory_space<semaphore_mem>>) src(%dma_wait3A_228 : memref<64x128xf32, #tpu.memory_space<hbm>>) dst(%dma_wait3A_225 : memref<64x128xf32, #tpu.memory_space<vmem>>)
      %run_scoped3A_229 = arith.constant 0 : i32
      "tpu.region"() ({
        %run_scoped3A_261 = tpu.sem_alloc : memref<!tpu.dma_semaphore, #tpu.memory_space<semaphore_mem>>
        %dma_start3A_262 = arith.constant 0 : i32
        %dma_start3A_263 = arith.constant 0 : i32
        %dma_start3A_264 = tpu.memref_slice %arg10[%run_scoped3A_229, %dma_start3A_262, %dma_start3A_263] : memref<2x64x128xf32, #tpu.memory_space<vmem>> -> memref<1x64x128xf32, #tpu.memory_space<vmem>>
        %dma_start3A_265 = tpu.memref_squeeze %dma_start3A_264 : memref<1x64x128xf32, #tpu.memory_space<vmem>> -> memref<64x128xf32, #tpu.memory_space<vmem>>
        %dma_start3A_266 = arith.constant 0 : i32
        %dma_start3A_267 = tpu.memref_slice %arg8[%mul3A_200, %dma_start3A_266] : memref<157x64xi32, #tpu.memory_space<vmem>> -> memref<1x64xi32, #tpu.memory_space<vmem>>
        %dma_start3A_268 = tpu.memref_squeeze %dma_start3A_267 : memref<1x64xi32, #tpu.memory_space<vmem>> -> memref<64xi32, #tpu.memory_space<vmem>>
        %dma_start3A_269 = arith.constant 0 : i32
        %dma_start3A_270 = arith.constant 0 : i32
        %dma_start3A_271 = tpu.memref_slice %arg13[%dma_start3A_269, %dma_start3A_270] : memref<10112x128xf32, #tpu.memory_space<vmem_shared>> -> memref<10112x128xf32, #tpu.memory_space<vmem_shared>>
        tpu.enqueue_indirect_dma source(%dma_start3A_265 : memref<64x128xf32, #tpu.memory_space<vmem>>) target(%dma_start3A_271 : memref<10112x128xf32, #tpu.memory_space<vmem_shared>>) offsets(%dma_start3A_268 : memref<64xi32, #tpu.memory_space<vmem>>) semaphore(%run_scoped3A_261 : memref<!tpu.dma_semaphore, #tpu.memory_space<semaphore_mem>>) {add = true}
        %dma_wait3A_272 = arith.constant 0 : i32
        %dma_wait3A_273 = arith.constant 0 : i32
        %dma_wait3A_274 = tpu.memref_slice %arg10[%run_scoped3A_229, %dma_wait3A_272, %dma_wait3A_273] : memref<2x64x128xf32, #tpu.memory_space<vmem>> -> memref<1x64x128xf32, #tpu.memory_space<vmem>>
        %dma_wait3A_275 = tpu.memref_squeeze %dma_wait3A_274 : memref<1x64x128xf32, #tpu.memory_space<vmem>> -> memref<64x128xf32, #tpu.memory_space<vmem>>
        %dma_wait3A_276 = arith.constant 0 : i32
        %dma_wait3A_277 = tpu.memref_slice %arg8[%mul3A_200, %dma_wait3A_276] : memref<157x64xi32, #tpu.memory_space<vmem>> -> memref<1x64xi32, #tpu.memory_space<vmem>>
        %dma_wait3A_278 = tpu.memref_squeeze %dma_wait3A_277 : memref<1x64xi32, #tpu.memory_space<vmem>> -> memref<64xi32, #tpu.memory_space<vmem>>
        %dma_wait3A_279 = arith.constant 0 : i32
        %dma_wait3A_280 = arith.constant 0 : i32
        %dma_wait3A_281 = tpu.memref_slice %arg13[%dma_wait3A_279, %dma_wait3A_280] : memref<10112x128xf32, #tpu.memory_space<vmem_shared>> -> memref<10112x128xf32, #tpu.memory_space<vmem_shared>>
        tpu.wait_indirect_dma semaphore(%run_scoped3A_261 : memref<!tpu.dma_semaphore, #tpu.memory_space<semaphore_mem>>) src(%dma_wait3A_275 : memref<64x128xf32, #tpu.memory_space<vmem>>) dst(%dma_wait3A_281 : memref<10112x128xf32, #tpu.memory_space<vmem_shared>>)
        tpu.yield
      }) : () -> ()
      %add3A_230 = arith.constant 2 : i32
      %add3A_231 = arith.addi %mul3A_200, %add3A_230 : i32
      %mul3A_232 = arith.constant 64 : i32
      %mul3A_233 = arith.muli %add3A_231, %mul3A_232 : i32
      %dma_start3A_234 = arith.constant 0 : i32
      %dma_start3A_235 = arith.constant 0 : i32
      %dma_start3A_236 = arith.constant 0 : i32
      %dma_start3A_237 = tpu.memref_slice %arg10[%dma_start3A_234, %dma_start3A_235, %dma_start3A_236] : memref<2x64x128xf32, #tpu.memory_space<vmem>> -> memref<1x64x128xf32, #tpu.memory_space<vmem>>
      %dma_start3A_238 = tpu.memref_squeeze %dma_start3A_237 : memref<1x64x128xf32, #tpu.memory_space<vmem>> -> memref<64x128xf32, #tpu.memory_space<vmem>>
      %dma_start3A_239 = tpu.memref_slice %arg7[%mul3A_233] : memref<10048xi32, #tpu.memory_space<vmem>> -> memref<64xi32, #tpu.memory_space<vmem>>
      %dma_start3A_240 = arith.constant 0 : i32
      %dma_start3A_241 = arith.constant 0 : i32
      %dma_start3A_242 = tpu.memref_slice %arg2[%dma_start3A_240, %dma_start3A_241] : memref<10000x128xf32, #tpu.memory_space<hbm>> -> memref<10000x128xf32, #tpu.memory_space<hbm>>
      tpu.enqueue_indirect_dma source(%dma_start3A_242 : memref<10000x128xf32, #tpu.memory_space<hbm>>) target(%dma_start3A_238 : memref<64x128xf32, #tpu.memory_space<vmem>>) offsets(%dma_start3A_239 : memref<64xi32, #tpu.memory_space<vmem>>) semaphore(%arg11 : memref<!tpu.dma_semaphore, #tpu.memory_space<semaphore_mem>>)
      %dma_wait3A_243 = arith.constant 1 : i32
      %dma_wait3A_244 = arith.constant 0 : i32
      %dma_wait3A_245 = arith.constant 0 : i32
      %dma_wait3A_246 = tpu.memref_slice %arg10[%dma_wait3A_243, %dma_wait3A_244, %dma_wait3A_245] : memref<2x64x128xf32, #tpu.memory_space<vmem>> -> memref<1x64x128xf32, #tpu.memory_space<vmem>>
      %dma_wait3A_247 = tpu.memref_squeeze %dma_wait3A_246 : memref<1x64x128xf32, #tpu.memory_space<vmem>> -> memref<64x128xf32, #tpu.memory_space<vmem>>
      %dma_wait3A_248 = arith.constant 0 : i32
      %dma_wait3A_249 = arith.constant 0 : i32
      %dma_wait3A_250 = tpu.memref_slice %arg2[%dma_wait3A_248, %dma_wait3A_249] : memref<10000x128xf32, #tpu.memory_space<hbm>> -> memref<64x128xf32, #tpu.memory_space<hbm>>
      %dma_wait3A_251 = arith.constant 0 : i32
      %dma_wait3A_252 = arith.constant 0 : i32
      %dma_wait3A_253 = tpu.memref_slice %arg10[%dma_wait3A_243, %dma_wait3A_251, %dma_wait3A_252] : memref<2x64x128xf32, #tpu.memory_space<vmem>> -> memref<1x64x128xf32, #tpu.memory_space<vmem>>
      %dma_wait3A_254 = tpu.memref_squeeze %dma_wait3A_253 : memref<1x64x128xf32, #tpu.memory_space<vmem>> -> memref<64x128xf32, #tpu.memory_space<vmem>>
      %dma_wait3A_255 = arith.constant 0 : i32
      %dma_wait3A_256 = arith.constant 0 : i32
      %dma_wait3A_257 = tpu.memref_slice %arg2[%dma_wait3A_255, %dma_wait3A_256] : memref<10000x128xf32, #tpu.memory_space<hbm>> -> memref<64x128xf32, #tpu.memory_space<hbm>>
      tpu.wait_dma2 semaphore(%arg12 : memref<!tpu.dma_semaphore, #tpu.memory_space<semaphore_mem>>) src(%dma_wait3A_257 : memref<64x128xf32, #tpu.memory_space<hbm>>) dst(%dma_wait3A_254 : memref<64x128xf32, #tpu.memory_space<vmem>>)
      %add3A_258 = arith.constant 1 : i32
      %add3A_259 = arith.addi %mul3A_200, %add3A_258 : i32
      %run_scoped3A_260 = arith.constant 1 : i32
      "tpu.region"() ({
        %run_scoped3A_261 = tpu.sem_alloc : memref<!tpu.dma_semaphore, #tpu.memory_space<semaphore_mem>>
        %dma_start3A_262 = arith.constant 0 : i32
        %dma_start3A_263 = arith.constant 0 : i32
        %dma_start3A_264 = tpu.memref_slice %arg10[%run_scoped3A_260, %dma_start3A_262, %dma_start3A_263] : memref<2x64x128xf32, #tpu.memory_space<vmem>> -> memref<1x64x128xf32, #tpu.memory_space<vmem>>
        %dma_start3A_265 = tpu.memref_squeeze %dma_start3A_264 : memref<1x64x128xf32, #tpu.memory_space<vmem>> -> memref<64x128xf32, #tpu.memory_space<vmem>>
        %dma_start3A_266 = arith.constant 0 : i32
        %dma_start3A_267 = tpu.memref_slice %arg8[%add3A_259, %dma_start3A_266] : memref<157x64xi32, #tpu.memory_space<vmem>> -> memref<1x64xi32, #tpu.memory_space<vmem>>
        %dma_start3A_268 = tpu.memref_squeeze %dma_start3A_267 : memref<1x64xi32, #tpu.memory_space<vmem>> -> memref<64xi32, #tpu.memory_space<vmem>>
        %dma_start3A_269 = arith.constant 0 : i32
        %dma_start3A_270 = arith.constant 0 : i32
        %dma_start3A_271 = tpu.memref_slice %arg13[%dma_start3A_269, %dma_start3A_270] : memref<10112x128xf32, #tpu.memory_space<vmem_shared>> -> memref<10112x128xf32, #tpu.memory_space<vmem_shared>>
        tpu.enqueue_indirect_dma source(%dma_start3A_265 : memref<64x128xf32, #tpu.memory_space<vmem>>) target(%dma_start3A_271 : memref<10112x128xf32, #tpu.memory_space<vmem_shared>>) offsets(%dma_start3A_268 : memref<64xi32, #tpu.memory_space<vmem>>) semaphore(%run_scoped3A_261 : memref<!tpu.dma_semaphore, #tpu.memory_space<semaphore_mem>>) {add = true}
        %dma_wait3A_272 = arith.constant 0 : i32
        %dma_wait3A_273 = arith.constant 0 : i32
        %dma_wait3A_274 = tpu.memref_slice %arg10[%run_scoped3A_260, %dma_wait3A_272, %dma_wait3A_273] : memref<2x64x128xf32, #tpu.memory_space<vmem>> -> memref<1x64x128xf32, #tpu.memory_space<vmem>>
        %dma_wait3A_275 = tpu.memref_squeeze %dma_wait3A_274 : memref<1x64x128xf32, #tpu.memory_space<vmem>> -> memref<64x128xf32, #tpu.memory_space<vmem>>
        %dma_wait3A_276 = arith.constant 0 : i32
        %dma_wait3A_277 = tpu.memref_slice %arg8[%add3A_259, %dma_wait3A_276] : memref<157x64xi32, #tpu.memory_space<vmem>> -> memref<1x64xi32, #tpu.memory_space<vmem>>
        %dma_wait3A_278 = tpu.memref_squeeze %dma_wait3A_277 : memref<1x64xi32, #tpu.memory_space<vmem>> -> memref<64xi32, #tpu.memory_space<vmem>>
        %dma_wait3A_279 = arith.constant 0 : i32
        %dma_wait3A_280 = arith.constant 0 : i32
        %dma_wait3A_281 = tpu.memref_slice %arg13[%dma_wait3A_279, %dma_wait3A_280] : memref<10112x128xf32, #tpu.memory_space<vmem_shared>> -> memref<10112x128xf32, #tpu.memory_space<vmem_shared>>
        tpu.wait_indirect_dma semaphore(%run_scoped3A_261 : memref<!tpu.dma_semaphore, #tpu.memory_space<semaphore_mem>>) src(%dma_wait3A_275 : memref<64x128xf32, #tpu.memory_space<vmem>>) dst(%dma_wait3A_281 : memref<10112x128xf32, #tpu.memory_space<vmem_shared>>)
        tpu.yield
      }) : () -> ()
    }
    %scan3A_98 = arith.constant 78 : i32
    %dma_wait3A_99 = arith.constant 0 : i32
    %dma_wait3A_100 = arith.constant 0 : i32
    %dma_wait3A_101 = arith.constant 0 : i32
    %dma_wait3A_102 = tpu.memref_slice %arg10[%dma_wait3A_99, %dma_wait3A_100, %dma_wait3A_101] : memref<2x64x128xf32, #tpu.memory_space<vmem>> -> memref<1x64x128xf32, #tpu.memory_space<vmem>>
    %dma_wait3A_103 = tpu.memref_squeeze %dma_wait3A_102 : memref<1x64x128xf32, #tpu.memory_space<vmem>> -> memref<64x128xf32, #tpu.memory_space<vmem>>
    %dma_wait3A_104 = arith.constant 0 : i32
    %dma_wait3A_105 = arith.constant 0 : i32
    %dma_wait3A_106 = tpu.memref_slice %arg2[%dma_wait3A_104, %dma_wait3A_105] : memref<10000x128xf32, #tpu.memory_space<hbm>> -> memref<64x128xf32, #tpu.memory_space<hbm>>
    %dma_wait3A_107 = arith.constant 0 : i32
    %dma_wait3A_108 = arith.constant 0 : i32
    %dma_wait3A_109 = tpu.memref_slice %arg10[%dma_wait3A_99, %dma_wait3A_107, %dma_wait3A_108] : memref<2x64x128xf32, #tpu.memory_space<vmem>> -> memref<1x64x128xf32, #tpu.memory_space<vmem>>
    %dma_wait3A_110 = tpu.memref_squeeze %dma_wait3A_109 : memref<1x64x128xf32, #tpu.memory_space<vmem>> -> memref<64x128xf32, #tpu.memory_space<vmem>>
    %dma_wait3A_111 = arith.constant 0 : i32
    %dma_wait3A_112 = arith.constant 0 : i32
    %dma_wait3A_113 = tpu.memref_slice %arg2[%dma_wait3A_111, %dma_wait3A_112] : memref<10000x128xf32, #tpu.memory_space<hbm>> -> memref<64x128xf32, #tpu.memory_space<hbm>>
    tpu.wait_dma2 semaphore(%arg11 : memref<!tpu.dma_semaphore, #tpu.memory_space<semaphore_mem>>) src(%dma_wait3A_113 : memref<64x128xf32, #tpu.memory_space<hbm>>) dst(%dma_wait3A_110 : memref<64x128xf32, #tpu.memory_space<vmem>>)
    %run_scoped3A_114 = arith.constant 0 : i32
    %run_scoped3A_115 = arith.constant 156 : i32
    "tpu.region"() ({
      %run_scoped3A_198 = tpu.sem_alloc : memref<!tpu.dma_semaphore, #tpu.memory_space<semaphore_mem>>
      %dma_start3A_199 = arith.constant 0 : i32
      %dma_start3A_200 = arith.constant 0 : i32
      %dma_start3A_201 = tpu.memref_slice %arg10[%run_scoped3A_114, %dma_start3A_199, %dma_start3A_200] : memref<2x64x128xf32, #tpu.memory_space<vmem>> -> memref<1x64x128xf32, #tpu.memory_space<vmem>>
      %dma_start3A_202 = tpu.memref_squeeze %dma_start3A_201 : memref<1x64x128xf32, #tpu.memory_space<vmem>> -> memref<64x128xf32, #tpu.memory_space<vmem>>
      %dma_start3A_203 = arith.constant 0 : i32
      %dma_start3A_204 = tpu.memref_slice %arg8[%run_scoped3A_115, %dma_start3A_203] : memref<157x64xi32, #tpu.memory_space<vmem>> -> memref<1x64xi32, #tpu.memory_space<vmem>>
      %dma_start3A_205 = tpu.memref_squeeze %dma_start3A_204 : memref<1x64xi32, #tpu.memory_space<vmem>> -> memref<64xi32, #tpu.memory_space<vmem>>
      %dma_start3A_206 = arith.constant 0 : i32
      %dma_start3A_207 = arith.constant 0 : i32
      %dma_start3A_208 = tpu.memref_slice %arg13[%dma_start3A_206, %dma_start3A_207] : memref<10112x128xf32, #tpu.memory_space<vmem_shared>> -> memref<10112x128xf32, #tpu.memory_space<vmem_shared>>
      tpu.enqueue_indirect_dma source(%dma_start3A_202 : memref<64x128xf32, #tpu.memory_space<vmem>>) target(%dma_start3A_208 : memref<10112x128xf32, #tpu.memory_space<vmem_shared>>) offsets(%dma_start3A_205 : memref<64xi32, #tpu.memory_space<vmem>>) semaphore(%run_scoped3A_198 : memref<!tpu.dma_semaphore, #tpu.memory_space<semaphore_mem>>) {add = true}
      %dma_wait3A_209 = arith.constant 0 : i32
      %dma_wait3A_210 = arith.constant 0 : i32
      %dma_wait3A_211 = tpu.memref_slice %arg10[%run_scoped3A_114, %dma_wait3A_209, %dma_wait3A_210] : memref<2x64x128xf32, #tpu.memory_space<vmem>> -> memref<1x64x128xf32, #tpu.memory_space<vmem>>
      %dma_wait3A_212 = tpu.memref_squeeze %dma_wait3A_211 : memref<1x64x128xf32, #tpu.memory_space<vmem>> -> memref<64x128xf32, #tpu.memory_space<vmem>>
      %dma_wait3A_213 = arith.constant 0 : i32
      %dma_wait3A_214 = tpu.memref_slice %arg8[%run_scoped3A_115, %dma_wait3A_213] : memref<157x64xi32, #tpu.memory_space<vmem>> -> memref<1x64xi32, #tpu.memory_space<vmem>>
      %dma_wait3A_215 = tpu.memref_squeeze %dma_wait3A_214 : memref<1x64xi32, #tpu.memory_space<vmem>> -> memref<64xi32, #tpu.memory_space<vmem>>
      %dma_wait3A_216 = arith.constant 0 : i32
      %dma_wait3A_217 = arith.constant 0 : i32
      %dma_wait3A_218 = tpu.memref_slice %arg13[%dma_wait3A_216, %dma_wait3A_217] : memref<10112x128xf32, #tpu.memory_space<vmem_shared>> -> memref<10112x128xf32, #tpu.memory_space<vmem_shared>>
      tpu.wait_indirect_dma semaphore(%run_scoped3A_198 : memref<!tpu.dma_semaphore, #tpu.memory_space<semaphore_mem>>) src(%dma_wait3A_212 : memref<64x128xf32, #tpu.memory_space<vmem>>) dst(%dma_wait3A_218 : memref<10112x128xf32, #tpu.memory_space<vmem_shared>>)
      tpu.yield
    }) : () -> ()
    %barrier3A_116 = arith.constant 0 : index
    tpu.barrier barrier_id(%barrier3A_116)
    %run_scoped3A_117 = arith.constant 1 : i32
    "tpu.region"() ({
      %run_scoped3A_198 = tpu.sem_alloc : memref<!tpu.dma_semaphore, #tpu.memory_space<semaphore_mem>>
      %dma_start3A_199 = arith.constant 0 : i32
      %dma_start3A_200 = tpu.memref_slice %arg6[%run_scoped3A_117, %arg0, %mul3A_2, %dma_start3A_199] : memref<4x2x10112x128xf32, #tpu.memory_space<hbm>> -> memref<1x1x632x128xf32, #tpu.memory_space<hbm>>
      %dma_start3A_201 = tpu.memref_squeeze %dma_start3A_200 : memref<1x1x632x128xf32, #tpu.memory_space<hbm>> -> memref<632x128xf32, #tpu.memory_space<hbm>>
      %dma_start3A_202 = arith.constant 0 : i32
      %dma_start3A_203 = tpu.memref_slice %arg13[%mul3A_2, %dma_start3A_202] : memref<10112x128xf32, #tpu.memory_space<vmem_shared>> -> memref<632x128xf32, #tpu.memory_space<vmem_shared>>
      tpu.enqueue_dma source(%dma_start3A_203 : memref<632x128xf32, #tpu.memory_space<vmem_shared>>) target(%dma_start3A_201 : memref<632x128xf32, #tpu.memory_space<hbm>>) target_semaphore(%run_scoped3A_198 : memref<!tpu.dma_semaphore, #tpu.memory_space<semaphore_mem>>)
      %dma_wait3A_204 = arith.constant 0 : i32
      %dma_wait3A_205 = tpu.memref_slice %arg6[%run_scoped3A_117, %arg0, %mul3A_2, %dma_wait3A_204] : memref<4x2x10112x128xf32, #tpu.memory_space<hbm>> -> memref<1x1x632x128xf32, #tpu.memory_space<hbm>>
      %dma_wait3A_206 = tpu.memref_squeeze %dma_wait3A_205 : memref<1x1x632x128xf32, #tpu.memory_space<hbm>> -> memref<632x128xf32, #tpu.memory_space<hbm>>
      %dma_wait3A_207 = arith.constant 0 : i32
      %dma_wait3A_208 = tpu.memref_slice %arg13[%mul3A_2, %dma_wait3A_207] : memref<10112x128xf32, #tpu.memory_space<vmem_shared>> -> memref<632x128xf32, #tpu.memory_space<vmem_shared>>
      tpu.wait_dma2 semaphore(%run_scoped3A_198 : memref<!tpu.dma_semaphore, #tpu.memory_space<semaphore_mem>>) src(%dma_wait3A_208 : memref<632x128xf32, #tpu.memory_space<vmem_shared>>) dst(%dma_wait3A_206 : memref<632x128xf32, #tpu.memory_space<hbm>>)
      tpu.yield
    }) : () -> ()
    "tpu.region"() ({
      %run_scoped3A_198 = tpu.sem_alloc : memref<!tpu.dma_semaphore, #tpu.memory_space<semaphore_mem>>
      %dma_start3A_199 = arith.constant 0 : i32
      %dma_start3A_200 = arith.constant 0 : i32
      %dma_start3A_201 = tpu.memref_slice %arg4[%add3A, %dma_start3A_199, %dma_start3A_200] : memref<32x157x64xi32, #tpu.memory_space<hbm>> -> memref<1x157x64xi32, #tpu.memory_space<hbm>>
      %dma_start3A_202 = tpu.memref_squeeze %dma_start3A_201 : memref<1x157x64xi32, #tpu.memory_space<hbm>> -> memref<157x64xi32, #tpu.memory_space<hbm>>
      %dma_start3A_203 = arith.constant 0 : i32
      %dma_start3A_204 = arith.constant 0 : i32
      %dma_start3A_205 = tpu.memref_slice %arg4[%add3A, %dma_start3A_203, %dma_start3A_204] : memref<32x157x64xi32, #tpu.memory_space<hbm>> -> memref<1x157x64xi32, #tpu.memory_space<hbm>>
      %dma_start3A_206 = tpu.memref_squeeze %dma_start3A_205 : memref<1x157x64xi32, #tpu.memory_space<hbm>> -> memref<157x64xi32, #tpu.memory_space<hbm>>
      tpu.enqueue_dma source(%dma_start3A_206 : memref<157x64xi32, #tpu.memory_space<hbm>>) target(%arg8 : memref<157x64xi32, #tpu.memory_space<vmem>>) target_semaphore(%run_scoped3A_198 : memref<!tpu.dma_semaphore, #tpu.memory_space<semaphore_mem>>)
      %dma_wait3A_207 = arith.constant 0 : i32
      %dma_wait3A_208 = arith.constant 0 : i32
      %dma_wait3A_209 = tpu.memref_slice %arg4[%add3A, %dma_wait3A_207, %dma_wait3A_208] : memref<32x157x64xi32, #tpu.memory_space<hbm>> -> memref<1x157x64xi32, #tpu.memory_space<hbm>>
      %dma_wait3A_210 = tpu.memref_squeeze %dma_wait3A_209 : memref<1x157x64xi32, #tpu.memory_space<hbm>> -> memref<157x64xi32, #tpu.memory_space<hbm>>
      %dma_wait3A_211 = arith.constant 0 : i32
      %dma_wait3A_212 = arith.constant 0 : i32
      %dma_wait3A_213 = tpu.memref_slice %arg4[%add3A, %dma_wait3A_211, %dma_wait3A_212] : memref<32x157x64xi32, #tpu.memory_space<hbm>> -> memref<1x157x64xi32, #tpu.memory_space<hbm>>
      %dma_wait3A_214 = tpu.memref_squeeze %dma_wait3A_213 : memref<1x157x64xi32, #tpu.memory_space<hbm>> -> memref<157x64xi32, #tpu.memory_space<hbm>>
      tpu.wait_dma2 semaphore(%run_scoped3A_198 : memref<!tpu.dma_semaphore, #tpu.memory_space<semaphore_mem>>) src(%dma_wait3A_214 : memref<157x64xi32, #tpu.memory_space<hbm>>) dst(%arg8 : memref<157x64xi32, #tpu.memory_space<vmem>>)
      tpu.yield
    }) : () -> ()
    %scan3A_118 = arith.constant 0 : i32
    %scan3A_119 = arith.constant 157 : i32
    %scan3A_120 = arith.addi %scan3A_118, %scan3A_119 : i32
    %scan3A_121 = arith.constant 1 : i32
    scf.for %scan3A_198 = %scan3A_118 to %scan3A_120 step %scan3A_121  : i32 {
      %mul3A_199 = arith.constant 64 : i32
      %mul3A_200 = arith.muli %scan3A_198, %mul3A_199 : i32
      %add3A_201 = arith.constant 0 : i32
      %add3A_202 = arith.addi %mul3A_200, %add3A_201 : i32
      %get3A = arith.index_cast %add3A_202 : i32 to index
      %get3A_203 = tpu.vector_load %arg7[%get3A] {strides = array<i32>} : memref<10048xi32, #tpu.memory_space<vmem>>, vector<16xi32>,
      %get3A_204 = arith.index_cast %scan3A_198 : i32 to index
      %get3A_205 = arith.constant 0 : index
      %get3A_206 = tpu.vector_load %arg8[%get3A_204, %get3A_205] {strides = array<i32>} : memref<157x64xi32, #tpu.memory_space<vmem>>, vector<16xi32>,
      %shift_right_logical3A = arith.constant 3 : i32
      %shift_right_logical3A_207 = vector.broadcast %shift_right_logical3A : i32 to vector<16xi32>
      %shift_right_logical3A_208 = arith.shrui %get3A_203, %shift_right_logical3A_207 : vector<16xi32>
      %gather3A = tpu.vector_load_idx %arg9[%shift_right_logical3A_208] : memref<1256xi32, #tpu.memory_space<vmem>>[vector<16xi32>], vector<16xi32>,
      %and3A = arith.constant 7 : i32
      %and3A_209 = vector.broadcast %and3A : i32 to vector<16xi32>
      %and3A_210 = arith.andi %get3A_203, %and3A_209 : vector<16xi32>
      %shift_left3A = arith.constant 2 : i32
      %shift_left3A_211 = vector.broadcast %shift_left3A : i32 to vector<16xi32>
      %shift_left3A_212 = arith.shli %and3A_210, %shift_left3A_211 : vector<16xi32>
      %add3A_213 = arith.constant 2 : i32
      %add3A_214 = vector.broadcast %add3A_213 : i32 to vector<16xi32>
      %add3A_215 = arith.addi %shift_left3A_212, %add3A_214 : vector<16xi32>
      %shift_right_logical3A_216 = arith.shrui %gather3A, %add3A_215 : vector<16xi32>
      %and3A_217 = arith.constant 1 : i32
      %and3A_218 = vector.broadcast %and3A_217 : i32 to vector<16xi32>
      %and3A_219 = arith.andi %shift_right_logical3A_216, %and3A_218 : vector<16xi32>
      %ne3A = arith.constant 0 : i32
      %ne3A_220 = vector.broadcast %ne3A : i32 to vector<16xi32>
      %ne3A_221 = arith.cmpi ne, %and3A_219, %ne3A_220 : vector<16xi32>
      %select_n3A = arith.select %ne3A_221, %broadcast_in_dim3A_40, %get3A_206 : vector<16xi1>, vector<16xi32>
      %swap3A = arith.index_cast %scan3A_198 : i32 to index
      %swap3A_222 = arith.constant 0 : index
      %swap3A_223 = tpu.vector_load %arg8[%swap3A, %swap3A_222] {strides = array<i32>} : memref<157x64xi32, #tpu.memory_space<vmem>>, vector<16xi32>,
      tpu.vector_store %arg8[%swap3A, %swap3A_222], %select_n3A {strides = array<i32>} : memref<157x64xi32, #tpu.memory_space<vmem>>, vector<16xi32>,
      %add3A_224 = arith.constant 16 : i32
      %add3A_225 = arith.addi %mul3A_200, %add3A_224 : i32
      %get3A_226 = arith.index_cast %add3A_225 : i32 to index
      %get3A_227 = tpu.vector_load %arg7[%get3A_226] {strides = array<i32>} : memref<10048xi32, #tpu.memory_space<vmem>>, vector<16xi32>,
      %get3A_228 = arith.index_cast %scan3A_198 : i32 to index
      %get3A_229 = arith.constant 16 : index
      %get3A_230 = tpu.vector_load %arg8[%get3A_228, %get3A_229] {strides = array<i32>} : memref<157x64xi32, #tpu.memory_space<vmem>>, vector<16xi32>,
      %shift_right_logical3A_231 = arith.constant 3 : i32
      %shift_right_logical3A_232 = vector.broadcast %shift_right_logical3A_231 : i32 to vector<16xi32>
      %shift_right_logical3A_233 = arith.shrui %get3A_227, %shift_right_logical3A_232 : vector<16xi32>
      %gather3A_234 = tpu.vector_load_idx %arg9[%shift_right_logical3A_233] : memref<1256xi32, #tpu.memory_space<vmem>>[vector<16xi32>], vector<16xi32>,
      %and3A_235 = arith.constant 7 : i32
      %and3A_236 = vector.broadcast %and3A_235 : i32 to vector<16xi32>
      %and3A_237 = arith.andi %get3A_227, %and3A_236 : vector<16xi32>
      %shift_left3A_238 = arith.constant 2 : i32
      %shift_left3A_239 = vector.broadcast %shift_left3A_238 : i32 to vector<16xi32>
      %shift_left3A_240 = arith.shli %and3A_237, %shift_left3A_239 : vector<16xi32>
      %add3A_241 = arith.constant 2 : i32
      %add3A_242 = vector.broadcast %add3A_241 : i32 to vector<16xi32>
      %add3A_243 = arith.addi %shift_left3A_240, %add3A_242 : vector<16xi32>
      %shift_right_logical3A_244 = arith.shrui %gather3A_234, %add3A_243 : vector<16xi32>
      %and3A_245 = arith.constant 1 : i32
      %and3A_246 = vector.broadcast %and3A_245 : i32 to vector<16xi32>
      %and3A_247 = arith.andi %shift_right_logical3A_244, %and3A_246 : vector<16xi32>
      %ne3A_248 = arith.constant 0 : i32
      %ne3A_249 = vector.broadcast %ne3A_248 : i32 to vector<16xi32>
      %ne3A_250 = arith.cmpi ne, %and3A_247, %ne3A_249 : vector<16xi32>
      %select_n3A_251 = arith.select %ne3A_250, %broadcast_in_dim3A_40, %get3A_230 : vector<16xi1>, vector<16xi32>
      %swap3A_252 = arith.index_cast %scan3A_198 : i32 to index
      %swap3A_253 = arith.constant 16 : index
      %swap3A_254 = tpu.vector_load %arg8[%swap3A_252, %swap3A_253] {strides = array<i32>} : memref<157x64xi32, #tpu.memory_space<vmem>>, vector<16xi32>,
      tpu.vector_store %arg8[%swap3A_252, %swap3A_253], %select_n3A_251 {strides = array<i32>} : memref<157x64xi32, #tpu.memory_space<vmem>>, vector<16xi32>,
      %add3A_255 = arith.constant 32 : i32
      %add3A_256 = arith.addi %mul3A_200, %add3A_255 : i32
      %get3A_257 = arith.index_cast %add3A_256 : i32 to index
      %get3A_258 = tpu.vector_load %arg7[%get3A_257] {strides = array<i32>} : memref<10048xi32, #tpu.memory_space<vmem>>, vector<16xi32>,
      %get3A_259 = arith.index_cast %scan3A_198 : i32 to index
      %get3A_260 = arith.constant 32 : index
      %get3A_261 = tpu.vector_load %arg8[%get3A_259, %get3A_260] {strides = array<i32>} : memref<157x64xi32, #tpu.memory_space<vmem>>, vector<16xi32>,
      %shift_right_logical3A_262 = arith.constant 3 : i32
      %shift_right_logical3A_263 = vector.broadcast %shift_right_logical3A_262 : i32 to vector<16xi32>
      %shift_right_logical3A_264 = arith.shrui %get3A_258, %shift_right_logical3A_263 : vector<16xi32>
      %gather3A_265 = tpu.vector_load_idx %arg9[%shift_right_logical3A_264] : memref<1256xi32, #tpu.memory_space<vmem>>[vector<16xi32>], vector<16xi32>,
      %and3A_266 = arith.constant 7 : i32
      %and3A_267 = vector.broadcast %and3A_266 : i32 to vector<16xi32>
      %and3A_268 = arith.andi %get3A_258, %and3A_267 : vector<16xi32>
      %shift_left3A_269 = arith.constant 2 : i32
      %shift_left3A_270 = vector.broadcast %shift_left3A_269 : i32 to vector<16xi32>
      %shift_left3A_271 = arith.shli %and3A_268, %shift_left3A_270 : vector<16xi32>
      %add3A_272 = arith.constant 2 : i32
      %add3A_273 = vector.broadcast %add3A_272 : i32 to vector<16xi32>
      %add3A_274 = arith.addi %shift_left3A_271, %add3A_273 : vector<16xi32>
      %shift_right_logical3A_275 = arith.shrui %gather3A_265, %add3A_274 : vector<16xi32>
      %and3A_276 = arith.constant 1 : i32
      %and3A_277 = vector.broadcast %and3A_276 : i32 to vector<16xi32>
      %and3A_278 = arith.andi %shift_right_logical3A_275, %and3A_277 : vector<16xi32>
      %ne3A_279 = arith.constant 0 : i32
      %ne3A_280 = vector.broadcast %ne3A_279 : i32 to vector<16xi32>
      %ne3A_281 = arith.cmpi ne, %and3A_278, %ne3A_280 : vector<16xi32>
      %select_n3A_282 = arith.select %ne3A_281, %broadcast_in_dim3A_40, %get3A_261 : vector<16xi1>, vector<16xi32>
      %swap3A_283 = arith.index_cast %scan3A_198 : i32 to index
      %swap3A_284 = arith.constant 32 : index
      %swap3A_285 = tpu.vector_load %arg8[%swap3A_283, %swap3A_284] {strides = array<i32>} : memref<157x64xi32, #tpu.memory_space<vmem>>, vector<16xi32>,
      tpu.vector_store %arg8[%swap3A_283, %swap3A_284], %select_n3A_282 {strides = array<i32>} : memref<157x64xi32, #tpu.memory_space<vmem>>, vector<16xi32>,
      %add3A_286 = arith.constant 48 : i32
      %add3A_287 = arith.addi %mul3A_200, %add3A_286 : i32
      %get3A_288 = arith.index_cast %add3A_287 : i32 to index
      %get3A_289 = tpu.vector_load %arg7[%get3A_288] {strides = array<i32>} : memref<10048xi32, #tpu.memory_space<vmem>>, vector<16xi32>,
      %get3A_290 = arith.index_cast %scan3A_198 : i32 to index
      %get3A_291 = arith.constant 48 : index
      %get3A_292 = tpu.vector_load %arg8[%get3A_290, %get3A_291] {strides = array<i32>} : memref<157x64xi32, #tpu.memory_space<vmem>>, vector<16xi32>,
      %shift_right_logical3A_293 = arith.constant 3 : i32
      %shift_right_logical3A_294 = vector.broadcast %shift_right_logical3A_293 : i32 to vector<16xi32>
      %shift_right_logical3A_295 = arith.shrui %get3A_289, %shift_right_logical3A_294 : vector<16xi32>
      %gather3A_296 = tpu.vector_load_idx %arg9[%shift_right_logical3A_295] : memref<1256xi32, #tpu.memory_space<vmem>>[vector<16xi32>], vector<16xi32>,
      %and3A_297 = arith.constant 7 : i32
      %and3A_298 = vector.broadcast %and3A_297 : i32 to vector<16xi32>
      %and3A_299 = arith.andi %get3A_289, %and3A_298 : vector<16xi32>
      %shift_left3A_300 = arith.constant 2 : i32
      %shift_left3A_301 = vector.broadcast %shift_left3A_300 : i32 to vector<16xi32>
      %shift_left3A_302 = arith.shli %and3A_299, %shift_left3A_301 : vector<16xi32>
      %add3A_303 = arith.constant 2 : i32
      %add3A_304 = vector.broadcast %add3A_303 : i32 to vector<16xi32>
      %add3A_305 = arith.addi %shift_left3A_302, %add3A_304 : vector<16xi32>
      %shift_right_logical3A_306 = arith.shrui %gather3A_296, %add3A_305 : vector<16xi32>
      %and3A_307 = arith.constant 1 : i32
      %and3A_308 = vector.broadcast %and3A_307 : i32 to vector<16xi32>
      %and3A_309 = arith.andi %shift_right_logical3A_306, %and3A_308 : vector<16xi32>
      %ne3A_310 = arith.constant 0 : i32
      %ne3A_311 = vector.broadcast %ne3A_310 : i32 to vector<16xi32>
      %ne3A_312 = arith.cmpi ne, %and3A_309, %ne3A_311 : vector<16xi32>
      %select_n3A_313 = arith.select %ne3A_312, %broadcast_in_dim3A_40, %get3A_292 : vector<16xi1>, vector<16xi32>
      %swap3A_314 = arith.index_cast %scan3A_198 : i32 to index
      %swap3A_315 = arith.constant 48 : index
      %swap3A_316 = tpu.vector_load %arg8[%swap3A_314, %swap3A_315] {strides = array<i32>} : memref<157x64xi32, #tpu.memory_space<vmem>>, vector<16xi32>,
      tpu.vector_store %arg8[%swap3A_314, %swap3A_315], %select_n3A_313 {strides = array<i32>} : memref<157x64xi32, #tpu.memory_space<vmem>>, vector<16xi32>,
    }
    %scan3A_122 = arith.constant 157 : i32
    %barrier3A_123 = arith.constant 0 : index
    tpu.barrier barrier_id(%barrier3A_123)
    %dma_start3A_124 = arith.constant 0 : i32
    %dma_start3A_125 = arith.constant 0 : i32
    %dma_start3A_126 = arith.constant 0 : i32
    %dma_start3A_127 = tpu.memref_slice %arg10[%dma_start3A_124, %dma_start3A_125, %dma_start3A_126] : memref<2x64x128xf32, #tpu.memory_space<vmem>> -> memref<1x64x128xf32, #tpu.memory_space<vmem>>
    %dma_start3A_128 = tpu.memref_squeeze %dma_start3A_127 : memref<1x64x128xf32, #tpu.memory_space<vmem>> -> memref<64x128xf32, #tpu.memory_space<vmem>>
    %dma_start3A_129 = arith.constant 0 : i32
    %dma_start3A_130 = tpu.memref_slice %arg7[%dma_start3A_129] : memref<10048xi32, #tpu.memory_space<vmem>> -> memref<64xi32, #tpu.memory_space<vmem>>
    %dma_start3A_131 = arith.constant 0 : i32
    %dma_start3A_132 = arith.constant 0 : i32
    %dma_start3A_133 = tpu.memref_slice %arg2[%dma_start3A_131, %dma_start3A_132] : memref<10000x128xf32, #tpu.memory_space<hbm>> -> memref<10000x128xf32, #tpu.memory_space<hbm>>
    tpu.enqueue_indirect_dma source(%dma_start3A_133 : memref<10000x128xf32, #tpu.memory_space<hbm>>) target(%dma_start3A_128 : memref<64x128xf32, #tpu.memory_space<vmem>>) offsets(%dma_start3A_130 : memref<64xi32, #tpu.memory_space<vmem>>) semaphore(%arg11 : memref<!tpu.dma_semaphore, #tpu.memory_space<semaphore_mem>>)
    %scan3A_134 = arith.constant 0 : i32
    %scan3A_135 = arith.constant 78 : i32
    %scan3A_136 = arith.addi %scan3A_134, %scan3A_135 : i32
    %scan3A_137 = arith.constant 1 : i32
    scf.for %scan3A_198 = %scan3A_134 to %scan3A_136 step %scan3A_137  : i32 {
      %mul3A_199 = arith.constant 2 : i32
      %mul3A_200 = arith.muli %scan3A_198, %mul3A_199 : i32
      %add3A_201 = arith.constant 1 : i32
      %add3A_202 = arith.addi %mul3A_200, %add3A_201 : i32
      %mul3A_203 = arith.constant 64 : i32
      %mul3A_204 = arith.muli %add3A_202, %mul3A_203 : i32
      %dma_start3A_205 = arith.constant 1 : i32
      %dma_start3A_206 = arith.constant 0 : i32
      %dma_start3A_207 = arith.constant 0 : i32
      %dma_start3A_208 = tpu.memref_slice %arg10[%dma_start3A_205, %dma_start3A_206, %dma_start3A_207] : memref<2x64x128xf32, #tpu.memory_space<vmem>> -> memref<1x64x128xf32, #tpu.memory_space<vmem>>
      %dma_start3A_209 = tpu.memref_squeeze %dma_start3A_208 : memref<1x64x128xf32, #tpu.memory_space<vmem>> -> memref<64x128xf32, #tpu.memory_space<vmem>>
      %dma_start3A_210 = tpu.memref_slice %arg7[%mul3A_204] : memref<10048xi32, #tpu.memory_space<vmem>> -> memref<64xi32, #tpu.memory_space<vmem>>
      %dma_start3A_211 = arith.constant 0 : i32
      %dma_start3A_212 = arith.constant 0 : i32
      %dma_start3A_213 = tpu.memref_slice %arg2[%dma_start3A_211, %dma_start3A_212] : memref<10000x128xf32, #tpu.memory_space<hbm>> -> memref<10000x128xf32, #tpu.memory_space<hbm>>
      tpu.enqueue_indirect_dma source(%dma_start3A_213 : memref<10000x128xf32, #tpu.memory_space<hbm>>) target(%dma_start3A_209 : memref<64x128xf32, #tpu.memory_space<vmem>>) offsets(%dma_start3A_210 : memref<64xi32, #tpu.memory_space<vmem>>) semaphore(%arg12 : memref<!tpu.dma_semaphore, #tpu.memory_space<semaphore_mem>>)
      %dma_wait3A_214 = arith.constant 0 : i32
      %dma_wait3A_215 = arith.constant 0 : i32
      %dma_wait3A_216 = arith.constant 0 : i32
      %dma_wait3A_217 = tpu.memref_slice %arg10[%dma_wait3A_214, %dma_wait3A_215, %dma_wait3A_216] : memref<2x64x128xf32, #tpu.memory_space<vmem>> -> memref<1x64x128xf32, #tpu.memory_space<vmem>>
      %dma_wait3A_218 = tpu.memref_squeeze %dma_wait3A_217 : memref<1x64x128xf32, #tpu.memory_space<vmem>> -> memref<64x128xf32, #tpu.memory_space<vmem>>
      %dma_wait3A_219 = arith.constant 0 : i32
      %dma_wait3A_220 = arith.constant 0 : i32
      %dma_wait3A_221 = tpu.memref_slice %arg2[%dma_wait3A_219, %dma_wait3A_220] : memref<10000x128xf32, #tpu.memory_space<hbm>> -> memref<64x128xf32, #tpu.memory_space<hbm>>
      %dma_wait3A_222 = arith.constant 0 : i32
      %dma_wait3A_223 = arith.constant 0 : i32
      %dma_wait3A_224 = tpu.memref_slice %arg10[%dma_wait3A_214, %dma_wait3A_222, %dma_wait3A_223] : memref<2x64x128xf32, #tpu.memory_space<vmem>> -> memref<1x64x128xf32, #tpu.memory_space<vmem>>
      %dma_wait3A_225 = tpu.memref_squeeze %dma_wait3A_224 : memref<1x64x128xf32, #tpu.memory_space<vmem>> -> memref<64x128xf32, #tpu.memory_space<vmem>>
      %dma_wait3A_226 = arith.constant 0 : i32
      %dma_wait3A_227 = arith.constant 0 : i32
      %dma_wait3A_228 = tpu.memref_slice %arg2[%dma_wait3A_226, %dma_wait3A_227] : memref<10000x128xf32, #tpu.memory_space<hbm>> -> memref<64x128xf32, #tpu.memory_space<hbm>>
      tpu.wait_dma2 semaphore(%arg11 : memref<!tpu.dma_semaphore, #tpu.memory_space<semaphore_mem>>) src(%dma_wait3A_228 : memref<64x128xf32, #tpu.memory_space<hbm>>) dst(%dma_wait3A_225 : memref<64x128xf32, #tpu.memory_space<vmem>>)
      %run_scoped3A_229 = arith.constant 0 : i32
      "tpu.region"() ({
        %run_scoped3A_261 = tpu.sem_alloc : memref<!tpu.dma_semaphore, #tpu.memory_space<semaphore_mem>>
        %dma_start3A_262 = arith.constant 0 : i32
        %dma_start3A_263 = arith.constant 0 : i32
        %dma_start3A_264 = tpu.memref_slice %arg10[%run_scoped3A_229, %dma_start3A_262, %dma_start3A_263] : memref<2x64x128xf32, #tpu.memory_space<vmem>> -> memref<1x64x128xf32, #tpu.memory_space<vmem>>
        %dma_start3A_265 = tpu.memref_squeeze %dma_start3A_264 : memref<1x64x128xf32, #tpu.memory_space<vmem>> -> memref<64x128xf32, #tpu.memory_space<vmem>>
        %dma_start3A_266 = arith.constant 0 : i32
        %dma_start3A_267 = tpu.memref_slice %arg8[%mul3A_200, %dma_start3A_266] : memref<157x64xi32, #tpu.memory_space<vmem>> -> memref<1x64xi32, #tpu.memory_space<vmem>>
        %dma_start3A_268 = tpu.memref_squeeze %dma_start3A_267 : memref<1x64xi32, #tpu.memory_space<vmem>> -> memref<64xi32, #tpu.memory_space<vmem>>
        %dma_start3A_269 = arith.constant 0 : i32
        %dma_start3A_270 = arith.constant 0 : i32
        %dma_start3A_271 = tpu.memref_slice %arg13[%dma_start3A_269, %dma_start3A_270] : memref<10112x128xf32, #tpu.memory_space<vmem_shared>> -> memref<10112x128xf32, #tpu.memory_space<vmem_shared>>
        tpu.enqueue_indirect_dma source(%dma_start3A_265 : memref<64x128xf32, #tpu.memory_space<vmem>>) target(%dma_start3A_271 : memref<10112x128xf32, #tpu.memory_space<vmem_shared>>) offsets(%dma_start3A_268 : memref<64xi32, #tpu.memory_space<vmem>>) semaphore(%run_scoped3A_261 : memref<!tpu.dma_semaphore, #tpu.memory_space<semaphore_mem>>) {add = true}
        %dma_wait3A_272 = arith.constant 0 : i32
        %dma_wait3A_273 = arith.constant 0 : i32
        %dma_wait3A_274 = tpu.memref_slice %arg10[%run_scoped3A_229, %dma_wait3A_272, %dma_wait3A_273] : memref<2x64x128xf32, #tpu.memory_space<vmem>> -> memref<1x64x128xf32, #tpu.memory_space<vmem>>
        %dma_wait3A_275 = tpu.memref_squeeze %dma_wait3A_274 : memref<1x64x128xf32, #tpu.memory_space<vmem>> -> memref<64x128xf32, #tpu.memory_space<vmem>>
        %dma_wait3A_276 = arith.constant 0 : i32
        %dma_wait3A_277 = tpu.memref_slice %arg8[%mul3A_200, %dma_wait3A_276] : memref<157x64xi32, #tpu.memory_space<vmem>> -> memref<1x64xi32, #tpu.memory_space<vmem>>
        %dma_wait3A_278 = tpu.memref_squeeze %dma_wait3A_277 : memref<1x64xi32, #tpu.memory_space<vmem>> -> memref<64xi32, #tpu.memory_space<vmem>>
        %dma_wait3A_279 = arith.constant 0 : i32
        %dma_wait3A_280 = arith.constant 0 : i32
        %dma_wait3A_281 = tpu.memref_slice %arg13[%dma_wait3A_279, %dma_wait3A_280] : memref<10112x128xf32, #tpu.memory_space<vmem_shared>> -> memref<10112x128xf32, #tpu.memory_space<vmem_shared>>
        tpu.wait_indirect_dma semaphore(%run_scoped3A_261 : memref<!tpu.dma_semaphore, #tpu.memory_space<semaphore_mem>>) src(%dma_wait3A_275 : memref<64x128xf32, #tpu.memory_space<vmem>>) dst(%dma_wait3A_281 : memref<10112x128xf32, #tpu.memory_space<vmem_shared>>)
        tpu.yield
      }) : () -> ()
      %add3A_230 = arith.constant 2 : i32
      %add3A_231 = arith.addi %mul3A_200, %add3A_230 : i32
      %mul3A_232 = arith.constant 64 : i32
      %mul3A_233 = arith.muli %add3A_231, %mul3A_232 : i32
      %dma_start3A_234 = arith.constant 0 : i32
      %dma_start3A_235 = arith.constant 0 : i32
      %dma_start3A_236 = arith.constant 0 : i32
      %dma_start3A_237 = tpu.memref_slice %arg10[%dma_start3A_234, %dma_start3A_235, %dma_start3A_236] : memref<2x64x128xf32, #tpu.memory_space<vmem>> -> memref<1x64x128xf32, #tpu.memory_space<vmem>>
      %dma_start3A_238 = tpu.memref_squeeze %dma_start3A_237 : memref<1x64x128xf32, #tpu.memory_space<vmem>> -> memref<64x128xf32, #tpu.memory_space<vmem>>
      %dma_start3A_239 = tpu.memref_slice %arg7[%mul3A_233] : memref<10048xi32, #tpu.memory_space<vmem>> -> memref<64xi32, #tpu.memory_space<vmem>>
      %dma_start3A_240 = arith.constant 0 : i32
      %dma_start3A_241 = arith.constant 0 : i32
      %dma_start3A_242 = tpu.memref_slice %arg2[%dma_start3A_240, %dma_start3A_241] : memref<10000x128xf32, #tpu.memory_space<hbm>> -> memref<10000x128xf32, #tpu.memory_space<hbm>>
      tpu.enqueue_indirect_dma source(%dma_start3A_242 : memref<10000x128xf32, #tpu.memory_space<hbm>>) target(%dma_start3A_238 : memref<64x128xf32, #tpu.memory_space<vmem>>) offsets(%dma_start3A_239 : memref<64xi32, #tpu.memory_space<vmem>>) semaphore(%arg11 : memref<!tpu.dma_semaphore, #tpu.memory_space<semaphore_mem>>)
      %dma_wait3A_243 = arith.constant 1 : i32
      %dma_wait3A_244 = arith.constant 0 : i32
      %dma_wait3A_245 = arith.constant 0 : i32
      %dma_wait3A_246 = tpu.memref_slice %arg10[%dma_wait3A_243, %dma_wait3A_244, %dma_wait3A_245] : memref<2x64x128xf32, #tpu.memory_space<vmem>> -> memref<1x64x128xf32, #tpu.memory_space<vmem>>
      %dma_wait3A_247 = tpu.memref_squeeze %dma_wait3A_246 : memref<1x64x128xf32, #tpu.memory_space<vmem>> -> memref<64x128xf32, #tpu.memory_space<vmem>>
      %dma_wait3A_248 = arith.constant 0 : i32
      %dma_wait3A_249 = arith.constant 0 : i32
      %dma_wait3A_250 = tpu.memref_slice %arg2[%dma_wait3A_248, %dma_wait3A_249] : memref<10000x128xf32, #tpu.memory_space<hbm>> -> memref<64x128xf32, #tpu.memory_space<hbm>>
      %dma_wait3A_251 = arith.constant 0 : i32
      %dma_wait3A_252 = arith.constant 0 : i32
      %dma_wait3A_253 = tpu.memref_slice %arg10[%dma_wait3A_243, %dma_wait3A_251, %dma_wait3A_252] : memref<2x64x128xf32, #tpu.memory_space<vmem>> -> memref<1x64x128xf32, #tpu.memory_space<vmem>>
      %dma_wait3A_254 = tpu.memref_squeeze %dma_wait3A_253 : memref<1x64x128xf32, #tpu.memory_space<vmem>> -> memref<64x128xf32, #tpu.memory_space<vmem>>
      %dma_wait3A_255 = arith.constant 0 : i32
      %dma_wait3A_256 = arith.constant 0 : i32
      %dma_wait3A_257 = tpu.memref_slice %arg2[%dma_wait3A_255, %dma_wait3A_256] : memref<10000x128xf32, #tpu.memory_space<hbm>> -> memref<64x128xf32, #tpu.memory_space<hbm>>
      tpu.wait_dma2 semaphore(%arg12 : memref<!tpu.dma_semaphore, #tpu.memory_space<semaphore_mem>>) src(%dma_wait3A_257 : memref<64x128xf32, #tpu.memory_space<hbm>>) dst(%dma_wait3A_254 : memref<64x128xf32, #tpu.memory_space<vmem>>)
      %add3A_258 = arith.constant 1 : i32
      %add3A_259 = arith.addi %mul3A_200, %add3A_258 : i32
      %run_scoped3A_260 = arith.constant 1 : i32
      "tpu.region"() ({
        %run_scoped3A_261 = tpu.sem_alloc : memref<!tpu.dma_semaphore, #tpu.memory_space<semaphore_mem>>
        %dma_start3A_262 = arith.constant 0 : i32
        %dma_start3A_263 = arith.constant 0 : i32
        %dma_start3A_264 = tpu.memref_slice %arg10[%run_scoped3A_260, %dma_start3A_262, %dma_start3A_263] : memref<2x64x128xf32, #tpu.memory_space<vmem>> -> memref<1x64x128xf32, #tpu.memory_space<vmem>>
        %dma_start3A_265 = tpu.memref_squeeze %dma_start3A_264 : memref<1x64x128xf32, #tpu.memory_space<vmem>> -> memref<64x128xf32, #tpu.memory_space<vmem>>
        %dma_start3A_266 = arith.constant 0 : i32
        %dma_start3A_267 = tpu.memref_slice %arg8[%add3A_259, %dma_start3A_266] : memref<157x64xi32, #tpu.memory_space<vmem>> -> memref<1x64xi32, #tpu.memory_space<vmem>>
        %dma_start3A_268 = tpu.memref_squeeze %dma_start3A_267 : memref<1x64xi32, #tpu.memory_space<vmem>> -> memref<64xi32, #tpu.memory_space<vmem>>
        %dma_start3A_269 = arith.constant 0 : i32
        %dma_start3A_270 = arith.constant 0 : i32
        %dma_start3A_271 = tpu.memref_slice %arg13[%dma_start3A_269, %dma_start3A_270] : memref<10112x128xf32, #tpu.memory_space<vmem_shared>> -> memref<10112x128xf32, #tpu.memory_space<vmem_shared>>
        tpu.enqueue_indirect_dma source(%dma_start3A_265 : memref<64x128xf32, #tpu.memory_space<vmem>>) target(%dma_start3A_271 : memref<10112x128xf32, #tpu.memory_space<vmem_shared>>) offsets(%dma_start3A_268 : memref<64xi32, #tpu.memory_space<vmem>>) semaphore(%run_scoped3A_261 : memref<!tpu.dma_semaphore, #tpu.memory_space<semaphore_mem>>) {add = true}
        %dma_wait3A_272 = arith.constant 0 : i32
        %dma_wait3A_273 = arith.constant 0 : i32
        %dma_wait3A_274 = tpu.memref_slice %arg10[%run_scoped3A_260, %dma_wait3A_272, %dma_wait3A_273] : memref<2x64x128xf32, #tpu.memory_space<vmem>> -> memref<1x64x128xf32, #tpu.memory_space<vmem>>
        %dma_wait3A_275 = tpu.memref_squeeze %dma_wait3A_274 : memref<1x64x128xf32, #tpu.memory_space<vmem>> -> memref<64x128xf32, #tpu.memory_space<vmem>>
        %dma_wait3A_276 = arith.constant 0 : i32
        %dma_wait3A_277 = tpu.memref_slice %arg8[%add3A_259, %dma_wait3A_276] : memref<157x64xi32, #tpu.memory_space<vmem>> -> memref<1x64xi32, #tpu.memory_space<vmem>>
        %dma_wait3A_278 = tpu.memref_squeeze %dma_wait3A_277 : memref<1x64xi32, #tpu.memory_space<vmem>> -> memref<64xi32, #tpu.memory_space<vmem>>
        %dma_wait3A_279 = arith.constant 0 : i32
        %dma_wait3A_280 = arith.constant 0 : i32
        %dma_wait3A_281 = tpu.memref_slice %arg13[%dma_wait3A_279, %dma_wait3A_280] : memref<10112x128xf32, #tpu.memory_space<vmem_shared>> -> memref<10112x128xf32, #tpu.memory_space<vmem_shared>>
        tpu.wait_indirect_dma semaphore(%run_scoped3A_261 : memref<!tpu.dma_semaphore, #tpu.memory_space<semaphore_mem>>) src(%dma_wait3A_275 : memref<64x128xf32, #tpu.memory_space<vmem>>) dst(%dma_wait3A_281 : memref<10112x128xf32, #tpu.memory_space<vmem_shared>>)
        tpu.yield
      }) : () -> ()
    }
    %scan3A_138 = arith.constant 78 : i32
    %dma_wait3A_139 = arith.constant 0 : i32
    %dma_wait3A_140 = arith.constant 0 : i32
    %dma_wait3A_141 = arith.constant 0 : i32
    %dma_wait3A_142 = tpu.memref_slice %arg10[%dma_wait3A_139, %dma_wait3A_140, %dma_wait3A_141] : memref<2x64x128xf32, #tpu.memory_space<vmem>> -> memref<1x64x128xf32, #tpu.memory_space<vmem>>
    %dma_wait3A_143 = tpu.memref_squeeze %dma_wait3A_142 : memref<1x64x128xf32, #tpu.memory_space<vmem>> -> memref<64x128xf32, #tpu.memory_space<vmem>>
    %dma_wait3A_144 = arith.constant 0 : i32
    %dma_wait3A_145 = arith.constant 0 : i32
    %dma_wait3A_146 = tpu.memref_slice %arg2[%dma_wait3A_144, %dma_wait3A_145] : memref<10000x128xf32, #tpu.memory_space<hbm>> -> memref<64x128xf32, #tpu.memory_space<hbm>>
    %dma_wait3A_147 = arith.constant 0 : i32
    %dma_wait3A_148 = arith.constant 0 : i32
    %dma_wait3A_149 = tpu.memref_slice %arg10[%dma_wait3A_139, %dma_wait3A_147, %dma_wait3A_148] : memref<2x64x128xf32, #tpu.memory_space<vmem>> -> memref<1x64x128xf32, #tpu.memory_space<vmem>>
    %dma_wait3A_150 = tpu.memref_squeeze %dma_wait3A_149 : memref<1x64x128xf32, #tpu.memory_space<vmem>> -> memref<64x128xf32, #tpu.memory_space<vmem>>
    %dma_wait3A_151 = arith.constant 0 : i32
    %dma_wait3A_152 = arith.constant 0 : i32
    %dma_wait3A_153 = tpu.memref_slice %arg2[%dma_wait3A_151, %dma_wait3A_152] : memref<10000x128xf32, #tpu.memory_space<hbm>> -> memref<64x128xf32, #tpu.memory_space<hbm>>
    tpu.wait_dma2 semaphore(%arg11 : memref<!tpu.dma_semaphore, #tpu.memory_space<semaphore_mem>>) src(%dma_wait3A_153 : memref<64x128xf32, #tpu.memory_space<hbm>>) dst(%dma_wait3A_150 : memref<64x128xf32, #tpu.memory_space<vmem>>)
    %run_scoped3A_154 = arith.constant 0 : i32
    %run_scoped3A_155 = arith.constant 156 : i32
    "tpu.region"() ({
      %run_scoped3A_198 = tpu.sem_alloc : memref<!tpu.dma_semaphore, #tpu.memory_space<semaphore_mem>>
      %dma_start3A_199 = arith.constant 0 : i32
      %dma_start3A_200 = arith.constant 0 : i32
      %dma_start3A_201 = tpu.memref_slice %arg10[%run_scoped3A_154, %dma_start3A_199, %dma_start3A_200] : memref<2x64x128xf32, #tpu.memory_space<vmem>> -> memref<1x64x128xf32, #tpu.memory_space<vmem>>
      %dma_start3A_202 = tpu.memref_squeeze %dma_start3A_201 : memref<1x64x128xf32, #tpu.memory_space<vmem>> -> memref<64x128xf32, #tpu.memory_space<vmem>>
      %dma_start3A_203 = arith.constant 0 : i32
      %dma_start3A_204 = tpu.memref_slice %arg8[%run_scoped3A_155, %dma_start3A_203] : memref<157x64xi32, #tpu.memory_space<vmem>> -> memref<1x64xi32, #tpu.memory_space<vmem>>
      %dma_start3A_205 = tpu.memref_squeeze %dma_start3A_204 : memref<1x64xi32, #tpu.memory_space<vmem>> -> memref<64xi32, #tpu.memory_space<vmem>>
      %dma_start3A_206 = arith.constant 0 : i32
      %dma_start3A_207 = arith.constant 0 : i32
      %dma_start3A_208 = tpu.memref_slice %arg13[%dma_start3A_206, %dma_start3A_207] : memref<10112x128xf32, #tpu.memory_space<vmem_shared>> -> memref<10112x128xf32, #tpu.memory_space<vmem_shared>>
      tpu.enqueue_indirect_dma source(%dma_start3A_202 : memref<64x128xf32, #tpu.memory_space<vmem>>) target(%dma_start3A_208 : memref<10112x128xf32, #tpu.memory_space<vmem_shared>>) offsets(%dma_start3A_205 : memref<64xi32, #tpu.memory_space<vmem>>) semaphore(%run_scoped3A_198 : memref<!tpu.dma_semaphore, #tpu.memory_space<semaphore_mem>>) {add = true}
      %dma_wait3A_209 = arith.constant 0 : i32
      %dma_wait3A_210 = arith.constant 0 : i32
      %dma_wait3A_211 = tpu.memref_slice %arg10[%run_scoped3A_154, %dma_wait3A_209, %dma_wait3A_210] : memref<2x64x128xf32, #tpu.memory_space<vmem>> -> memref<1x64x128xf32, #tpu.memory_space<vmem>>
      %dma_wait3A_212 = tpu.memref_squeeze %dma_wait3A_211 : memref<1x64x128xf32, #tpu.memory_space<vmem>> -> memref<64x128xf32, #tpu.memory_space<vmem>>
      %dma_wait3A_213 = arith.constant 0 : i32
      %dma_wait3A_214 = tpu.memref_slice %arg8[%run_scoped3A_155, %dma_wait3A_213] : memref<157x64xi32, #tpu.memory_space<vmem>> -> memref<1x64xi32, #tpu.memory_space<vmem>>
      %dma_wait3A_215 = tpu.memref_squeeze %dma_wait3A_214 : memref<1x64xi32, #tpu.memory_space<vmem>> -> memref<64xi32, #tpu.memory_space<vmem>>
      %dma_wait3A_216 = arith.constant 0 : i32
      %dma_wait3A_217 = arith.constant 0 : i32
      %dma_wait3A_218 = tpu.memref_slice %arg13[%dma_wait3A_216, %dma_wait3A_217] : memref<10112x128xf32, #tpu.memory_space<vmem_shared>> -> memref<10112x128xf32, #tpu.memory_space<vmem_shared>>
      tpu.wait_indirect_dma semaphore(%run_scoped3A_198 : memref<!tpu.dma_semaphore, #tpu.memory_space<semaphore_mem>>) src(%dma_wait3A_212 : memref<64x128xf32, #tpu.memory_space<vmem>>) dst(%dma_wait3A_218 : memref<10112x128xf32, #tpu.memory_space<vmem_shared>>)
      tpu.yield
    }) : () -> ()
    %barrier3A_156 = arith.constant 0 : index
    tpu.barrier barrier_id(%barrier3A_156)
    %run_scoped3A_157 = arith.constant 2 : i32
    "tpu.region"() ({
      %run_scoped3A_198 = tpu.sem_alloc : memref<!tpu.dma_semaphore, #tpu.memory_space<semaphore_mem>>
      %dma_start3A_199 = arith.constant 0 : i32
      %dma_start3A_200 = tpu.memref_slice %arg6[%run_scoped3A_157, %arg0, %mul3A_2, %dma_start3A_199] : memref<4x2x10112x128xf32, #tpu.memory_space<hbm>> -> memref<1x1x632x128xf32, #tpu.memory_space<hbm>>
      %dma_start3A_201 = tpu.memref_squeeze %dma_start3A_200 : memref<1x1x632x128xf32, #tpu.memory_space<hbm>> -> memref<632x128xf32, #tpu.memory_space<hbm>>
      %dma_start3A_202 = arith.constant 0 : i32
      %dma_start3A_203 = tpu.memref_slice %arg13[%mul3A_2, %dma_start3A_202] : memref<10112x128xf32, #tpu.memory_space<vmem_shared>> -> memref<632x128xf32, #tpu.memory_space<vmem_shared>>
      tpu.enqueue_dma source(%dma_start3A_203 : memref<632x128xf32, #tpu.memory_space<vmem_shared>>) target(%dma_start3A_201 : memref<632x128xf32, #tpu.memory_space<hbm>>) target_semaphore(%run_scoped3A_198 : memref<!tpu.dma_semaphore, #tpu.memory_space<semaphore_mem>>)
      %dma_wait3A_204 = arith.constant 0 : i32
      %dma_wait3A_205 = tpu.memref_slice %arg6[%run_scoped3A_157, %arg0, %mul3A_2, %dma_wait3A_204] : memref<4x2x10112x128xf32, #tpu.memory_space<hbm>> -> memref<1x1x632x128xf32, #tpu.memory_space<hbm>>
      %dma_wait3A_206 = tpu.memref_squeeze %dma_wait3A_205 : memref<1x1x632x128xf32, #tpu.memory_space<hbm>> -> memref<632x128xf32, #tpu.memory_space<hbm>>
      %dma_wait3A_207 = arith.constant 0 : i32
      %dma_wait3A_208 = tpu.memref_slice %arg13[%mul3A_2, %dma_wait3A_207] : memref<10112x128xf32, #tpu.memory_space<vmem_shared>> -> memref<632x128xf32, #tpu.memory_space<vmem_shared>>
      tpu.wait_dma2 semaphore(%run_scoped3A_198 : memref<!tpu.dma_semaphore, #tpu.memory_space<semaphore_mem>>) src(%dma_wait3A_208 : memref<632x128xf32, #tpu.memory_space<vmem_shared>>) dst(%dma_wait3A_206 : memref<632x128xf32, #tpu.memory_space<hbm>>)
      tpu.yield
    }) : () -> ()
    "tpu.region"() ({
      %run_scoped3A_198 = tpu.sem_alloc : memref<!tpu.dma_semaphore, #tpu.memory_space<semaphore_mem>>
      %dma_start3A_199 = arith.constant 0 : i32
      %dma_start3A_200 = arith.constant 0 : i32
      %dma_start3A_201 = tpu.memref_slice %arg4[%add3A, %dma_start3A_199, %dma_start3A_200] : memref<32x157x64xi32, #tpu.memory_space<hbm>> -> memref<1x157x64xi32, #tpu.memory_space<hbm>>
      %dma_start3A_202 = tpu.memref_squeeze %dma_start3A_201 : memref<1x157x64xi32, #tpu.memory_space<hbm>> -> memref<157x64xi32, #tpu.memory_space<hbm>>
      %dma_start3A_203 = arith.constant 0 : i32
      %dma_start3A_204 = arith.constant 0 : i32
      %dma_start3A_205 = tpu.memref_slice %arg4[%add3A, %dma_start3A_203, %dma_start3A_204] : memref<32x157x64xi32, #tpu.memory_space<hbm>> -> memref<1x157x64xi32, #tpu.memory_space<hbm>>
      %dma_start3A_206 = tpu.memref_squeeze %dma_start3A_205 : memref<1x157x64xi32, #tpu.memory_space<hbm>> -> memref<157x64xi32, #tpu.memory_space<hbm>>
      tpu.enqueue_dma source(%dma_start3A_206 : memref<157x64xi32, #tpu.memory_space<hbm>>) target(%arg8 : memref<157x64xi32, #tpu.memory_space<vmem>>) target_semaphore(%run_scoped3A_198 : memref<!tpu.dma_semaphore, #tpu.memory_space<semaphore_mem>>)
      %dma_wait3A_207 = arith.constant 0 : i32
      %dma_wait3A_208 = arith.constant 0 : i32
      %dma_wait3A_209 = tpu.memref_slice %arg4[%add3A, %dma_wait3A_207, %dma_wait3A_208] : memref<32x157x64xi32, #tpu.memory_space<hbm>> -> memref<1x157x64xi32, #tpu.memory_space<hbm>>
      %dma_wait3A_210 = tpu.memref_squeeze %dma_wait3A_209 : memref<1x157x64xi32, #tpu.memory_space<hbm>> -> memref<157x64xi32, #tpu.memory_space<hbm>>
      %dma_wait3A_211 = arith.constant 0 : i32
      %dma_wait3A_212 = arith.constant 0 : i32
      %dma_wait3A_213 = tpu.memref_slice %arg4[%add3A, %dma_wait3A_211, %dma_wait3A_212] : memref<32x157x64xi32, #tpu.memory_space<hbm>> -> memref<1x157x64xi32, #tpu.memory_space<hbm>>
      %dma_wait3A_214 = tpu.memref_squeeze %dma_wait3A_213 : memref<1x157x64xi32, #tpu.memory_space<hbm>> -> memref<157x64xi32, #tpu.memory_space<hbm>>
      tpu.wait_dma2 semaphore(%run_scoped3A_198 : memref<!tpu.dma_semaphore, #tpu.memory_space<semaphore_mem>>) src(%dma_wait3A_214 : memref<157x64xi32, #tpu.memory_space<hbm>>) dst(%arg8 : memref<157x64xi32, #tpu.memory_space<vmem>>)
      tpu.yield
    }) : () -> ()
    %scan3A_158 = arith.constant 0 : i32
    %scan3A_159 = arith.constant 157 : i32
    %scan3A_160 = arith.addi %scan3A_158, %scan3A_159 : i32
    %scan3A_161 = arith.constant 1 : i32
    scf.for %scan3A_198 = %scan3A_158 to %scan3A_160 step %scan3A_161  : i32 {
      %mul3A_199 = arith.constant 64 : i32
      %mul3A_200 = arith.muli %scan3A_198, %mul3A_199 : i32
      %add3A_201 = arith.constant 0 : i32
      %add3A_202 = arith.addi %mul3A_200, %add3A_201 : i32
      %get3A = arith.index_cast %add3A_202 : i32 to index
      %get3A_203 = tpu.vector_load %arg7[%get3A] {strides = array<i32>} : memref<10048xi32, #tpu.memory_space<vmem>>, vector<16xi32>,
      %get3A_204 = arith.index_cast %scan3A_198 : i32 to index
      %get3A_205 = arith.constant 0 : index
      %get3A_206 = tpu.vector_load %arg8[%get3A_204, %get3A_205] {strides = array<i32>} : memref<157x64xi32, #tpu.memory_space<vmem>>, vector<16xi32>,
      %shift_right_logical3A = arith.constant 3 : i32
      %shift_right_logical3A_207 = vector.broadcast %shift_right_logical3A : i32 to vector<16xi32>
      %shift_right_logical3A_208 = arith.shrui %get3A_203, %shift_right_logical3A_207 : vector<16xi32>
      %gather3A = tpu.vector_load_idx %arg9[%shift_right_logical3A_208] : memref<1256xi32, #tpu.memory_space<vmem>>[vector<16xi32>], vector<16xi32>,
      %and3A = arith.constant 7 : i32
      %and3A_209 = vector.broadcast %and3A : i32 to vector<16xi32>
      %and3A_210 = arith.andi %get3A_203, %and3A_209 : vector<16xi32>
      %shift_left3A = arith.constant 2 : i32
      %shift_left3A_211 = vector.broadcast %shift_left3A : i32 to vector<16xi32>
      %shift_left3A_212 = arith.shli %and3A_210, %shift_left3A_211 : vector<16xi32>
      %add3A_213 = arith.constant 3 : i32
      %add3A_214 = vector.broadcast %add3A_213 : i32 to vector<16xi32>
      %add3A_215 = arith.addi %shift_left3A_212, %add3A_214 : vector<16xi32>
      %shift_right_logical3A_216 = arith.shrui %gather3A, %add3A_215 : vector<16xi32>
      %and3A_217 = arith.constant 1 : i32
      %and3A_218 = vector.broadcast %and3A_217 : i32 to vector<16xi32>
      %and3A_219 = arith.andi %shift_right_logical3A_216, %and3A_218 : vector<16xi32>
      %ne3A = arith.constant 0 : i32
      %ne3A_220 = vector.broadcast %ne3A : i32 to vector<16xi32>
      %ne3A_221 = arith.cmpi ne, %and3A_219, %ne3A_220 : vector<16xi32>
      %select_n3A = arith.select %ne3A_221, %broadcast_in_dim3A_40, %get3A_206 : vector<16xi1>, vector<16xi32>
      %swap3A = arith.index_cast %scan3A_198 : i32 to index
      %swap3A_222 = arith.constant 0 : index
      %swap3A_223 = tpu.vector_load %arg8[%swap3A, %swap3A_222] {strides = array<i32>} : memref<157x64xi32, #tpu.memory_space<vmem>>, vector<16xi32>,
      tpu.vector_store %arg8[%swap3A, %swap3A_222], %select_n3A {strides = array<i32>} : memref<157x64xi32, #tpu.memory_space<vmem>>, vector<16xi32>,
      %add3A_224 = arith.constant 16 : i32
      %add3A_225 = arith.addi %mul3A_200, %add3A_224 : i32
      %get3A_226 = arith.index_cast %add3A_225 : i32 to index
      %get3A_227 = tpu.vector_load %arg7[%get3A_226] {strides = array<i32>} : memref<10048xi32, #tpu.memory_space<vmem>>, vector<16xi32>,
      %get3A_228 = arith.index_cast %scan3A_198 : i32 to index
      %get3A_229 = arith.constant 16 : index
      %get3A_230 = tpu.vector_load %arg8[%get3A_228, %get3A_229] {strides = array<i32>} : memref<157x64xi32, #tpu.memory_space<vmem>>, vector<16xi32>,
      %shift_right_logical3A_231 = arith.constant 3 : i32
      %shift_right_logical3A_232 = vector.broadcast %shift_right_logical3A_231 : i32 to vector<16xi32>
      %shift_right_logical3A_233 = arith.shrui %get3A_227, %shift_right_logical3A_232 : vector<16xi32>
      %gather3A_234 = tpu.vector_load_idx %arg9[%shift_right_logical3A_233] : memref<1256xi32, #tpu.memory_space<vmem>>[vector<16xi32>], vector<16xi32>,
      %and3A_235 = arith.constant 7 : i32
      %and3A_236 = vector.broadcast %and3A_235 : i32 to vector<16xi32>
      %and3A_237 = arith.andi %get3A_227, %and3A_236 : vector<16xi32>
      %shift_left3A_238 = arith.constant 2 : i32
      %shift_left3A_239 = vector.broadcast %shift_left3A_238 : i32 to vector<16xi32>
      %shift_left3A_240 = arith.shli %and3A_237, %shift_left3A_239 : vector<16xi32>
      %add3A_241 = arith.constant 3 : i32
      %add3A_242 = vector.broadcast %add3A_241 : i32 to vector<16xi32>
      %add3A_243 = arith.addi %shift_left3A_240, %add3A_242 : vector<16xi32>
      %shift_right_logical3A_244 = arith.shrui %gather3A_234, %add3A_243 : vector<16xi32>
      %and3A_245 = arith.constant 1 : i32
      %and3A_246 = vector.broadcast %and3A_245 : i32 to vector<16xi32>
      %and3A_247 = arith.andi %shift_right_logical3A_244, %and3A_246 : vector<16xi32>
      %ne3A_248 = arith.constant 0 : i32
      %ne3A_249 = vector.broadcast %ne3A_248 : i32 to vector<16xi32>
      %ne3A_250 = arith.cmpi ne, %and3A_247, %ne3A_249 : vector<16xi32>
      %select_n3A_251 = arith.select %ne3A_250, %broadcast_in_dim3A_40, %get3A_230 : vector<16xi1>, vector<16xi32>
      %swap3A_252 = arith.index_cast %scan3A_198 : i32 to index
      %swap3A_253 = arith.constant 16 : index
      %swap3A_254 = tpu.vector_load %arg8[%swap3A_252, %swap3A_253] {strides = array<i32>} : memref<157x64xi32, #tpu.memory_space<vmem>>, vector<16xi32>,
      tpu.vector_store %arg8[%swap3A_252, %swap3A_253], %select_n3A_251 {strides = array<i32>} : memref<157x64xi32, #tpu.memory_space<vmem>>, vector<16xi32>,
      %add3A_255 = arith.constant 32 : i32
      %add3A_256 = arith.addi %mul3A_200, %add3A_255 : i32
      %get3A_257 = arith.index_cast %add3A_256 : i32 to index
      %get3A_258 = tpu.vector_load %arg7[%get3A_257] {strides = array<i32>} : memref<10048xi32, #tpu.memory_space<vmem>>, vector<16xi32>,
      %get3A_259 = arith.index_cast %scan3A_198 : i32 to index
      %get3A_260 = arith.constant 32 : index
      %get3A_261 = tpu.vector_load %arg8[%get3A_259, %get3A_260] {strides = array<i32>} : memref<157x64xi32, #tpu.memory_space<vmem>>, vector<16xi32>,
      %shift_right_logical3A_262 = arith.constant 3 : i32
      %shift_right_logical3A_263 = vector.broadcast %shift_right_logical3A_262 : i32 to vector<16xi32>
      %shift_right_logical3A_264 = arith.shrui %get3A_258, %shift_right_logical3A_263 : vector<16xi32>
      %gather3A_265 = tpu.vector_load_idx %arg9[%shift_right_logical3A_264] : memref<1256xi32, #tpu.memory_space<vmem>>[vector<16xi32>], vector<16xi32>,
      %and3A_266 = arith.constant 7 : i32
      %and3A_267 = vector.broadcast %and3A_266 : i32 to vector<16xi32>
      %and3A_268 = arith.andi %get3A_258, %and3A_267 : vector<16xi32>
      %shift_left3A_269 = arith.constant 2 : i32
      %shift_left3A_270 = vector.broadcast %shift_left3A_269 : i32 to vector<16xi32>
      %shift_left3A_271 = arith.shli %and3A_268, %shift_left3A_270 : vector<16xi32>
      %add3A_272 = arith.constant 3 : i32
      %add3A_273 = vector.broadcast %add3A_272 : i32 to vector<16xi32>
      %add3A_274 = arith.addi %shift_left3A_271, %add3A_273 : vector<16xi32>
      %shift_right_logical3A_275 = arith.shrui %gather3A_265, %add3A_274 : vector<16xi32>
      %and3A_276 = arith.constant 1 : i32
      %and3A_277 = vector.broadcast %and3A_276 : i32 to vector<16xi32>
      %and3A_278 = arith.andi %shift_right_logical3A_275, %and3A_277 : vector<16xi32>
      %ne3A_279 = arith.constant 0 : i32
      %ne3A_280 = vector.broadcast %ne3A_279 : i32 to vector<16xi32>
      %ne3A_281 = arith.cmpi ne, %and3A_278, %ne3A_280 : vector<16xi32>
      %select_n3A_282 = arith.select %ne3A_281, %broadcast_in_dim3A_40, %get3A_261 : vector<16xi1>, vector<16xi32>
      %swap3A_283 = arith.index_cast %scan3A_198 : i32 to index
      %swap3A_284 = arith.constant 32 : index
      %swap3A_285 = tpu.vector_load %arg8[%swap3A_283, %swap3A_284] {strides = array<i32>} : memref<157x64xi32, #tpu.memory_space<vmem>>, vector<16xi32>,
      tpu.vector_store %arg8[%swap3A_283, %swap3A_284], %select_n3A_282 {strides = array<i32>} : memref<157x64xi32, #tpu.memory_space<vmem>>, vector<16xi32>,
      %add3A_286 = arith.constant 48 : i32
      %add3A_287 = arith.addi %mul3A_200, %add3A_286 : i32
      %get3A_288 = arith.index_cast %add3A_287 : i32 to index
      %get3A_289 = tpu.vector_load %arg7[%get3A_288] {strides = array<i32>} : memref<10048xi32, #tpu.memory_space<vmem>>, vector<16xi32>,
      %get3A_290 = arith.index_cast %scan3A_198 : i32 to index
      %get3A_291 = arith.constant 48 : index
      %get3A_292 = tpu.vector_load %arg8[%get3A_290, %get3A_291] {strides = array<i32>} : memref<157x64xi32, #tpu.memory_space<vmem>>, vector<16xi32>,
      %shift_right_logical3A_293 = arith.constant 3 : i32
      %shift_right_logical3A_294 = vector.broadcast %shift_right_logical3A_293 : i32 to vector<16xi32>
      %shift_right_logical3A_295 = arith.shrui %get3A_289, %shift_right_logical3A_294 : vector<16xi32>
      %gather3A_296 = tpu.vector_load_idx %arg9[%shift_right_logical3A_295] : memref<1256xi32, #tpu.memory_space<vmem>>[vector<16xi32>], vector<16xi32>,
      %and3A_297 = arith.constant 7 : i32
      %and3A_298 = vector.broadcast %and3A_297 : i32 to vector<16xi32>
      %and3A_299 = arith.andi %get3A_289, %and3A_298 : vector<16xi32>
      %shift_left3A_300 = arith.constant 2 : i32
      %shift_left3A_301 = vector.broadcast %shift_left3A_300 : i32 to vector<16xi32>
      %shift_left3A_302 = arith.shli %and3A_299, %shift_left3A_301 : vector<16xi32>
      %add3A_303 = arith.constant 3 : i32
      %add3A_304 = vector.broadcast %add3A_303 : i32 to vector<16xi32>
      %add3A_305 = arith.addi %shift_left3A_302, %add3A_304 : vector<16xi32>
      %shift_right_logical3A_306 = arith.shrui %gather3A_296, %add3A_305 : vector<16xi32>
      %and3A_307 = arith.constant 1 : i32
      %and3A_308 = vector.broadcast %and3A_307 : i32 to vector<16xi32>
      %and3A_309 = arith.andi %shift_right_logical3A_306, %and3A_308 : vector<16xi32>
      %ne3A_310 = arith.constant 0 : i32
      %ne3A_311 = vector.broadcast %ne3A_310 : i32 to vector<16xi32>
      %ne3A_312 = arith.cmpi ne, %and3A_309, %ne3A_311 : vector<16xi32>
      %select_n3A_313 = arith.select %ne3A_312, %broadcast_in_dim3A_40, %get3A_292 : vector<16xi1>, vector<16xi32>
      %swap3A_314 = arith.index_cast %scan3A_198 : i32 to index
      %swap3A_315 = arith.constant 48 : index
      %swap3A_316 = tpu.vector_load %arg8[%swap3A_314, %swap3A_315] {strides = array<i32>} : memref<157x64xi32, #tpu.memory_space<vmem>>, vector<16xi32>,
      tpu.vector_store %arg8[%swap3A_314, %swap3A_315], %select_n3A_313 {strides = array<i32>} : memref<157x64xi32, #tpu.memory_space<vmem>>, vector<16xi32>,
    }
    %scan3A_162 = arith.constant 157 : i32
    %barrier3A_163 = arith.constant 0 : index
    tpu.barrier barrier_id(%barrier3A_163)
    %dma_start3A_164 = arith.constant 0 : i32
    %dma_start3A_165 = arith.constant 0 : i32
    %dma_start3A_166 = arith.constant 0 : i32
    %dma_start3A_167 = tpu.memref_slice %arg10[%dma_start3A_164, %dma_start3A_165, %dma_start3A_166] : memref<2x64x128xf32, #tpu.memory_space<vmem>> -> memref<1x64x128xf32, #tpu.memory_space<vmem>>
    %dma_start3A_168 = tpu.memref_squeeze %dma_start3A_167 : memref<1x64x128xf32, #tpu.memory_space<vmem>> -> memref<64x128xf32, #tpu.memory_space<vmem>>
    %dma_start3A_169 = arith.constant 0 : i32
    %dma_start3A_170 = tpu.memref_slice %arg7[%dma_start3A_169] : memref<10048xi32, #tpu.memory_space<vmem>> -> memref<64xi32, #tpu.memory_space<vmem>>
    %dma_start3A_171 = arith.constant 0 : i32
    %dma_start3A_172 = arith.constant 0 : i32
    %dma_start3A_173 = tpu.memref_slice %arg2[%dma_start3A_171, %dma_start3A_172] : memref<10000x128xf32, #tpu.memory_space<hbm>> -> memref<10000x128xf32, #tpu.memory_space<hbm>>
    tpu.enqueue_indirect_dma source(%dma_start3A_173 : memref<10000x128xf32, #tpu.memory_space<hbm>>) target(%dma_start3A_168 : memref<64x128xf32, #tpu.memory_space<vmem>>) offsets(%dma_start3A_170 : memref<64xi32, #tpu.memory_space<vmem>>) semaphore(%arg11 : memref<!tpu.dma_semaphore, #tpu.memory_space<semaphore_mem>>)
    %scan3A_174 = arith.constant 0 : i32
    %scan3A_175 = arith.constant 78 : i32
    %scan3A_176 = arith.addi %scan3A_174, %scan3A_175 : i32
    %scan3A_177 = arith.constant 1 : i32
    scf.for %scan3A_198 = %scan3A_174 to %scan3A_176 step %scan3A_177  : i32 {
      %mul3A_199 = arith.constant 2 : i32
      %mul3A_200 = arith.muli %scan3A_198, %mul3A_199 : i32
      %add3A_201 = arith.constant 1 : i32
      %add3A_202 = arith.addi %mul3A_200, %add3A_201 : i32
      %mul3A_203 = arith.constant 64 : i32
      %mul3A_204 = arith.muli %add3A_202, %mul3A_203 : i32
      %dma_start3A_205 = arith.constant 1 : i32
      %dma_start3A_206 = arith.constant 0 : i32
      %dma_start3A_207 = arith.constant 0 : i32
      %dma_start3A_208 = tpu.memref_slice %arg10[%dma_start3A_205, %dma_start3A_206, %dma_start3A_207] : memref<2x64x128xf32, #tpu.memory_space<vmem>> -> memref<1x64x128xf32, #tpu.memory_space<vmem>>
      %dma_start3A_209 = tpu.memref_squeeze %dma_start3A_208 : memref<1x64x128xf32, #tpu.memory_space<vmem>> -> memref<64x128xf32, #tpu.memory_space<vmem>>
      %dma_start3A_210 = tpu.memref_slice %arg7[%mul3A_204] : memref<10048xi32, #tpu.memory_space<vmem>> -> memref<64xi32, #tpu.memory_space<vmem>>
      %dma_start3A_211 = arith.constant 0 : i32
      %dma_start3A_212 = arith.constant 0 : i32
      %dma_start3A_213 = tpu.memref_slice %arg2[%dma_start3A_211, %dma_start3A_212] : memref<10000x128xf32, #tpu.memory_space<hbm>> -> memref<10000x128xf32, #tpu.memory_space<hbm>>
      tpu.enqueue_indirect_dma source(%dma_start3A_213 : memref<10000x128xf32, #tpu.memory_space<hbm>>) target(%dma_start3A_209 : memref<64x128xf32, #tpu.memory_space<vmem>>) offsets(%dma_start3A_210 : memref<64xi32, #tpu.memory_space<vmem>>) semaphore(%arg12 : memref<!tpu.dma_semaphore, #tpu.memory_space<semaphore_mem>>)
      %dma_wait3A_214 = arith.constant 0 : i32
      %dma_wait3A_215 = arith.constant 0 : i32
      %dma_wait3A_216 = arith.constant 0 : i32
      %dma_wait3A_217 = tpu.memref_slice %arg10[%dma_wait3A_214, %dma_wait3A_215, %dma_wait3A_216] : memref<2x64x128xf32, #tpu.memory_space<vmem>> -> memref<1x64x128xf32, #tpu.memory_space<vmem>>
      %dma_wait3A_218 = tpu.memref_squeeze %dma_wait3A_217 : memref<1x64x128xf32, #tpu.memory_space<vmem>> -> memref<64x128xf32, #tpu.memory_space<vmem>>
      %dma_wait3A_219 = arith.constant 0 : i32
      %dma_wait3A_220 = arith.constant 0 : i32
      %dma_wait3A_221 = tpu.memref_slice %arg2[%dma_wait3A_219, %dma_wait3A_220] : memref<10000x128xf32, #tpu.memory_space<hbm>> -> memref<64x128xf32, #tpu.memory_space<hbm>>
      %dma_wait3A_222 = arith.constant 0 : i32
      %dma_wait3A_223 = arith.constant 0 : i32
      %dma_wait3A_224 = tpu.memref_slice %arg10[%dma_wait3A_214, %dma_wait3A_222, %dma_wait3A_223] : memref<2x64x128xf32, #tpu.memory_space<vmem>> -> memref<1x64x128xf32, #tpu.memory_space<vmem>>
      %dma_wait3A_225 = tpu.memref_squeeze %dma_wait3A_224 : memref<1x64x128xf32, #tpu.memory_space<vmem>> -> memref<64x128xf32, #tpu.memory_space<vmem>>
      %dma_wait3A_226 = arith.constant 0 : i32
      %dma_wait3A_227 = arith.constant 0 : i32
      %dma_wait3A_228 = tpu.memref_slice %arg2[%dma_wait3A_226, %dma_wait3A_227] : memref<10000x128xf32, #tpu.memory_space<hbm>> -> memref<64x128xf32, #tpu.memory_space<hbm>>
      tpu.wait_dma2 semaphore(%arg11 : memref<!tpu.dma_semaphore, #tpu.memory_space<semaphore_mem>>) src(%dma_wait3A_228 : memref<64x128xf32, #tpu.memory_space<hbm>>) dst(%dma_wait3A_225 : memref<64x128xf32, #tpu.memory_space<vmem>>)
      %run_scoped3A_229 = arith.constant 0 : i32
      "tpu.region"() ({
        %run_scoped3A_261 = tpu.sem_alloc : memref<!tpu.dma_semaphore, #tpu.memory_space<semaphore_mem>>
        %dma_start3A_262 = arith.constant 0 : i32
        %dma_start3A_263 = arith.constant 0 : i32
        %dma_start3A_264 = tpu.memref_slice %arg10[%run_scoped3A_229, %dma_start3A_262, %dma_start3A_263] : memref<2x64x128xf32, #tpu.memory_space<vmem>> -> memref<1x64x128xf32, #tpu.memory_space<vmem>>
        %dma_start3A_265 = tpu.memref_squeeze %dma_start3A_264 : memref<1x64x128xf32, #tpu.memory_space<vmem>> -> memref<64x128xf32, #tpu.memory_space<vmem>>
        %dma_start3A_266 = arith.constant 0 : i32
        %dma_start3A_267 = tpu.memref_slice %arg8[%mul3A_200, %dma_start3A_266] : memref<157x64xi32, #tpu.memory_space<vmem>> -> memref<1x64xi32, #tpu.memory_space<vmem>>
        %dma_start3A_268 = tpu.memref_squeeze %dma_start3A_267 : memref<1x64xi32, #tpu.memory_space<vmem>> -> memref<64xi32, #tpu.memory_space<vmem>>
        %dma_start3A_269 = arith.constant 0 : i32
        %dma_start3A_270 = arith.constant 0 : i32
        %dma_start3A_271 = tpu.memref_slice %arg13[%dma_start3A_269, %dma_start3A_270] : memref<10112x128xf32, #tpu.memory_space<vmem_shared>> -> memref<10112x128xf32, #tpu.memory_space<vmem_shared>>
        tpu.enqueue_indirect_dma source(%dma_start3A_265 : memref<64x128xf32, #tpu.memory_space<vmem>>) target(%dma_start3A_271 : memref<10112x128xf32, #tpu.memory_space<vmem_shared>>) offsets(%dma_start3A_268 : memref<64xi32, #tpu.memory_space<vmem>>) semaphore(%run_scoped3A_261 : memref<!tpu.dma_semaphore, #tpu.memory_space<semaphore_mem>>) {add = true}
        %dma_wait3A_272 = arith.constant 0 : i32
        %dma_wait3A_273 = arith.constant 0 : i32
        %dma_wait3A_274 = tpu.memref_slice %arg10[%run_scoped3A_229, %dma_wait3A_272, %dma_wait3A_273] : memref<2x64x128xf32, #tpu.memory_space<vmem>> -> memref<1x64x128xf32, #tpu.memory_space<vmem>>
        %dma_wait3A_275 = tpu.memref_squeeze %dma_wait3A_274 : memref<1x64x128xf32, #tpu.memory_space<vmem>> -> memref<64x128xf32, #tpu.memory_space<vmem>>
        %dma_wait3A_276 = arith.constant 0 : i32
        %dma_wait3A_277 = tpu.memref_slice %arg8[%mul3A_200, %dma_wait3A_276] : memref<157x64xi32, #tpu.memory_space<vmem>> -> memref<1x64xi32, #tpu.memory_space<vmem>>
        %dma_wait3A_278 = tpu.memref_squeeze %dma_wait3A_277 : memref<1x64xi32, #tpu.memory_space<vmem>> -> memref<64xi32, #tpu.memory_space<vmem>>
        %dma_wait3A_279 = arith.constant 0 : i32
        %dma_wait3A_280 = arith.constant 0 : i32
        %dma_wait3A_281 = tpu.memref_slice %arg13[%dma_wait3A_279, %dma_wait3A_280] : memref<10112x128xf32, #tpu.memory_space<vmem_shared>> -> memref<10112x128xf32, #tpu.memory_space<vmem_shared>>
        tpu.wait_indirect_dma semaphore(%run_scoped3A_261 : memref<!tpu.dma_semaphore, #tpu.memory_space<semaphore_mem>>) src(%dma_wait3A_275 : memref<64x128xf32, #tpu.memory_space<vmem>>) dst(%dma_wait3A_281 : memref<10112x128xf32, #tpu.memory_space<vmem_shared>>)
        tpu.yield
      }) : () -> ()
      %add3A_230 = arith.constant 2 : i32
      %add3A_231 = arith.addi %mul3A_200, %add3A_230 : i32
      %mul3A_232 = arith.constant 64 : i32
      %mul3A_233 = arith.muli %add3A_231, %mul3A_232 : i32
      %dma_start3A_234 = arith.constant 0 : i32
      %dma_start3A_235 = arith.constant 0 : i32
      %dma_start3A_236 = arith.constant 0 : i32
      %dma_start3A_237 = tpu.memref_slice %arg10[%dma_start3A_234, %dma_start3A_235, %dma_start3A_236] : memref<2x64x128xf32, #tpu.memory_space<vmem>> -> memref<1x64x128xf32, #tpu.memory_space<vmem>>
      %dma_start3A_238 = tpu.memref_squeeze %dma_start3A_237 : memref<1x64x128xf32, #tpu.memory_space<vmem>> -> memref<64x128xf32, #tpu.memory_space<vmem>>
      %dma_start3A_239 = tpu.memref_slice %arg7[%mul3A_233] : memref<10048xi32, #tpu.memory_space<vmem>> -> memref<64xi32, #tpu.memory_space<vmem>>
      %dma_start3A_240 = arith.constant 0 : i32
      %dma_start3A_241 = arith.constant 0 : i32
      %dma_start3A_242 = tpu.memref_slice %arg2[%dma_start3A_240, %dma_start3A_241] : memref<10000x128xf32, #tpu.memory_space<hbm>> -> memref<10000x128xf32, #tpu.memory_space<hbm>>
      tpu.enqueue_indirect_dma source(%dma_start3A_242 : memref<10000x128xf32, #tpu.memory_space<hbm>>) target(%dma_start3A_238 : memref<64x128xf32, #tpu.memory_space<vmem>>) offsets(%dma_start3A_239 : memref<64xi32, #tpu.memory_space<vmem>>) semaphore(%arg11 : memref<!tpu.dma_semaphore, #tpu.memory_space<semaphore_mem>>)
      %dma_wait3A_243 = arith.constant 1 : i32
      %dma_wait3A_244 = arith.constant 0 : i32
      %dma_wait3A_245 = arith.constant 0 : i32
      %dma_wait3A_246 = tpu.memref_slice %arg10[%dma_wait3A_243, %dma_wait3A_244, %dma_wait3A_245] : memref<2x64x128xf32, #tpu.memory_space<vmem>> -> memref<1x64x128xf32, #tpu.memory_space<vmem>>
      %dma_wait3A_247 = tpu.memref_squeeze %dma_wait3A_246 : memref<1x64x128xf32, #tpu.memory_space<vmem>> -> memref<64x128xf32, #tpu.memory_space<vmem>>
      %dma_wait3A_248 = arith.constant 0 : i32
      %dma_wait3A_249 = arith.constant 0 : i32
      %dma_wait3A_250 = tpu.memref_slice %arg2[%dma_wait3A_248, %dma_wait3A_249] : memref<10000x128xf32, #tpu.memory_space<hbm>> -> memref<64x128xf32, #tpu.memory_space<hbm>>
      %dma_wait3A_251 = arith.constant 0 : i32
      %dma_wait3A_252 = arith.constant 0 : i32
      %dma_wait3A_253 = tpu.memref_slice %arg10[%dma_wait3A_243, %dma_wait3A_251, %dma_wait3A_252] : memref<2x64x128xf32, #tpu.memory_space<vmem>> -> memref<1x64x128xf32, #tpu.memory_space<vmem>>
      %dma_wait3A_254 = tpu.memref_squeeze %dma_wait3A_253 : memref<1x64x128xf32, #tpu.memory_space<vmem>> -> memref<64x128xf32, #tpu.memory_space<vmem>>
      %dma_wait3A_255 = arith.constant 0 : i32
      %dma_wait3A_256 = arith.constant 0 : i32
      %dma_wait3A_257 = tpu.memref_slice %arg2[%dma_wait3A_255, %dma_wait3A_256] : memref<10000x128xf32, #tpu.memory_space<hbm>> -> memref<64x128xf32, #tpu.memory_space<hbm>>
      tpu.wait_dma2 semaphore(%arg12 : memref<!tpu.dma_semaphore, #tpu.memory_space<semaphore_mem>>) src(%dma_wait3A_257 : memref<64x128xf32, #tpu.memory_space<hbm>>) dst(%dma_wait3A_254 : memref<64x128xf32, #tpu.memory_space<vmem>>)
      %add3A_258 = arith.constant 1 : i32
      %add3A_259 = arith.addi %mul3A_200, %add3A_258 : i32
      %run_scoped3A_260 = arith.constant 1 : i32
      "tpu.region"() ({
        %run_scoped3A_261 = tpu.sem_alloc : memref<!tpu.dma_semaphore, #tpu.memory_space<semaphore_mem>>
        %dma_start3A_262 = arith.constant 0 : i32
        %dma_start3A_263 = arith.constant 0 : i32
        %dma_start3A_264 = tpu.memref_slice %arg10[%run_scoped3A_260, %dma_start3A_262, %dma_start3A_263] : memref<2x64x128xf32, #tpu.memory_space<vmem>> -> memref<1x64x128xf32, #tpu.memory_space<vmem>>
        %dma_start3A_265 = tpu.memref_squeeze %dma_start3A_264 : memref<1x64x128xf32, #tpu.memory_space<vmem>> -> memref<64x128xf32, #tpu.memory_space<vmem>>
        %dma_start3A_266 = arith.constant 0 : i32
        %dma_start3A_267 = tpu.memref_slice %arg8[%add3A_259, %dma_start3A_266] : memref<157x64xi32, #tpu.memory_space<vmem>> -> memref<1x64xi32, #tpu.memory_space<vmem>>
        %dma_start3A_268 = tpu.memref_squeeze %dma_start3A_267 : memref<1x64xi32, #tpu.memory_space<vmem>> -> memref<64xi32, #tpu.memory_space<vmem>>
        %dma_start3A_269 = arith.constant 0 : i32
        %dma_start3A_270 = arith.constant 0 : i32
        %dma_start3A_271 = tpu.memref_slice %arg13[%dma_start3A_269, %dma_start3A_270] : memref<10112x128xf32, #tpu.memory_space<vmem_shared>> -> memref<10112x128xf32, #tpu.memory_space<vmem_shared>>
        tpu.enqueue_indirect_dma source(%dma_start3A_265 : memref<64x128xf32, #tpu.memory_space<vmem>>) target(%dma_start3A_271 : memref<10112x128xf32, #tpu.memory_space<vmem_shared>>) offsets(%dma_start3A_268 : memref<64xi32, #tpu.memory_space<vmem>>) semaphore(%run_scoped3A_261 : memref<!tpu.dma_semaphore, #tpu.memory_space<semaphore_mem>>) {add = true}
        %dma_wait3A_272 = arith.constant 0 : i32
        %dma_wait3A_273 = arith.constant 0 : i32
        %dma_wait3A_274 = tpu.memref_slice %arg10[%run_scoped3A_260, %dma_wait3A_272, %dma_wait3A_273] : memref<2x64x128xf32, #tpu.memory_space<vmem>> -> memref<1x64x128xf32, #tpu.memory_space<vmem>>
        %dma_wait3A_275 = tpu.memref_squeeze %dma_wait3A_274 : memref<1x64x128xf32, #tpu.memory_space<vmem>> -> memref<64x128xf32, #tpu.memory_space<vmem>>
        %dma_wait3A_276 = arith.constant 0 : i32
        %dma_wait3A_277 = tpu.memref_slice %arg8[%add3A_259, %dma_wait3A_276] : memref<157x64xi32, #tpu.memory_space<vmem>> -> memref<1x64xi32, #tpu.memory_space<vmem>>
        %dma_wait3A_278 = tpu.memref_squeeze %dma_wait3A_277 : memref<1x64xi32, #tpu.memory_space<vmem>> -> memref<64xi32, #tpu.memory_space<vmem>>
        %dma_wait3A_279 = arith.constant 0 : i32
        %dma_wait3A_280 = arith.constant 0 : i32
        %dma_wait3A_281 = tpu.memref_slice %arg13[%dma_wait3A_279, %dma_wait3A_280] : memref<10112x128xf32, #tpu.memory_space<vmem_shared>> -> memref<10112x128xf32, #tpu.memory_space<vmem_shared>>
        tpu.wait_indirect_dma semaphore(%run_scoped3A_261 : memref<!tpu.dma_semaphore, #tpu.memory_space<semaphore_mem>>) src(%dma_wait3A_275 : memref<64x128xf32, #tpu.memory_space<vmem>>) dst(%dma_wait3A_281 : memref<10112x128xf32, #tpu.memory_space<vmem_shared>>)
        tpu.yield
      }) : () -> ()
    }
    %scan3A_178 = arith.constant 78 : i32
    %dma_wait3A_179 = arith.constant 0 : i32
    %dma_wait3A_180 = arith.constant 0 : i32
    %dma_wait3A_181 = arith.constant 0 : i32
    %dma_wait3A_182 = tpu.memref_slice %arg10[%dma_wait3A_179, %dma_wait3A_180, %dma_wait3A_181] : memref<2x64x128xf32, #tpu.memory_space<vmem>> -> memref<1x64x128xf32, #tpu.memory_space<vmem>>
    %dma_wait3A_183 = tpu.memref_squeeze %dma_wait3A_182 : memref<1x64x128xf32, #tpu.memory_space<vmem>> -> memref<64x128xf32, #tpu.memory_space<vmem>>
    %dma_wait3A_184 = arith.constant 0 : i32
    %dma_wait3A_185 = arith.constant 0 : i32
    %dma_wait3A_186 = tpu.memref_slice %arg2[%dma_wait3A_184, %dma_wait3A_185] : memref<10000x128xf32, #tpu.memory_space<hbm>> -> memref<64x128xf32, #tpu.memory_space<hbm>>
    %dma_wait3A_187 = arith.constant 0 : i32
    %dma_wait3A_188 = arith.constant 0 : i32
    %dma_wait3A_189 = tpu.memref_slice %arg10[%dma_wait3A_179, %dma_wait3A_187, %dma_wait3A_188] : memref<2x64x128xf32, #tpu.memory_space<vmem>> -> memref<1x64x128xf32, #tpu.memory_space<vmem>>
    %dma_wait3A_190 = tpu.memref_squeeze %dma_wait3A_189 : memref<1x64x128xf32, #tpu.memory_space<vmem>> -> memref<64x128xf32, #tpu.memory_space<vmem>>
    %dma_wait3A_191 = arith.constant 0 : i32
    %dma_wait3A_192 = arith.constant 0 : i32
    %dma_wait3A_193 = tpu.memref_slice %arg2[%dma_wait3A_191, %dma_wait3A_192] : memref<10000x128xf32, #tpu.memory_space<hbm>> -> memref<64x128xf32, #tpu.memory_space<hbm>>
    tpu.wait_dma2 semaphore(%arg11 : memref<!tpu.dma_semaphore, #tpu.memory_space<semaphore_mem>>) src(%dma_wait3A_193 : memref<64x128xf32, #tpu.memory_space<hbm>>) dst(%dma_wait3A_190 : memref<64x128xf32, #tpu.memory_space<vmem>>)
    %run_scoped3A_194 = arith.constant 0 : i32
    %run_scoped3A_195 = arith.constant 156 : i32
    "tpu.region"() ({
      %run_scoped3A_198 = tpu.sem_alloc : memref<!tpu.dma_semaphore, #tpu.memory_space<semaphore_mem>>
      %dma_start3A_199 = arith.constant 0 : i32
      %dma_start3A_200 = arith.constant 0 : i32
      %dma_start3A_201 = tpu.memref_slice %arg10[%run_scoped3A_194, %dma_start3A_199, %dma_start3A_200] : memref<2x64x128xf32, #tpu.memory_space<vmem>> -> memref<1x64x128xf32, #tpu.memory_space<vmem>>
      %dma_start3A_202 = tpu.memref_squeeze %dma_start3A_201 : memref<1x64x128xf32, #tpu.memory_space<vmem>> -> memref<64x128xf32, #tpu.memory_space<vmem>>
      %dma_start3A_203 = arith.constant 0 : i32
      %dma_start3A_204 = tpu.memref_slice %arg8[%run_scoped3A_195, %dma_start3A_203] : memref<157x64xi32, #tpu.memory_space<vmem>> -> memref<1x64xi32, #tpu.memory_space<vmem>>
      %dma_start3A_205 = tpu.memref_squeeze %dma_start3A_204 : memref<1x64xi32, #tpu.memory_space<vmem>> -> memref<64xi32, #tpu.memory_space<vmem>>
      %dma_start3A_206 = arith.constant 0 : i32
      %dma_start3A_207 = arith.constant 0 : i32
      %dma_start3A_208 = tpu.memref_slice %arg13[%dma_start3A_206, %dma_start3A_207] : memref<10112x128xf32, #tpu.memory_space<vmem_shared>> -> memref<10112x128xf32, #tpu.memory_space<vmem_shared>>
      tpu.enqueue_indirect_dma source(%dma_start3A_202 : memref<64x128xf32, #tpu.memory_space<vmem>>) target(%dma_start3A_208 : memref<10112x128xf32, #tpu.memory_space<vmem_shared>>) offsets(%dma_start3A_205 : memref<64xi32, #tpu.memory_space<vmem>>) semaphore(%run_scoped3A_198 : memref<!tpu.dma_semaphore, #tpu.memory_space<semaphore_mem>>) {add = true}
      %dma_wait3A_209 = arith.constant 0 : i32
      %dma_wait3A_210 = arith.constant 0 : i32
      %dma_wait3A_211 = tpu.memref_slice %arg10[%run_scoped3A_194, %dma_wait3A_209, %dma_wait3A_210] : memref<2x64x128xf32, #tpu.memory_space<vmem>> -> memref<1x64x128xf32, #tpu.memory_space<vmem>>
      %dma_wait3A_212 = tpu.memref_squeeze %dma_wait3A_211 : memref<1x64x128xf32, #tpu.memory_space<vmem>> -> memref<64x128xf32, #tpu.memory_space<vmem>>
      %dma_wait3A_213 = arith.constant 0 : i32
      %dma_wait3A_214 = tpu.memref_slice %arg8[%run_scoped3A_195, %dma_wait3A_213] : memref<157x64xi32, #tpu.memory_space<vmem>> -> memref<1x64xi32, #tpu.memory_space<vmem>>
      %dma_wait3A_215 = tpu.memref_squeeze %dma_wait3A_214 : memref<1x64xi32, #tpu.memory_space<vmem>> -> memref<64xi32, #tpu.memory_space<vmem>>
      %dma_wait3A_216 = arith.constant 0 : i32
      %dma_wait3A_217 = arith.constant 0 : i32
      %dma_wait3A_218 = tpu.memref_slice %arg13[%dma_wait3A_216, %dma_wait3A_217] : memref<10112x128xf32, #tpu.memory_space<vmem_shared>> -> memref<10112x128xf32, #tpu.memory_space<vmem_shared>>
      tpu.wait_indirect_dma semaphore(%run_scoped3A_198 : memref<!tpu.dma_semaphore, #tpu.memory_space<semaphore_mem>>) src(%dma_wait3A_212 : memref<64x128xf32, #tpu.memory_space<vmem>>) dst(%dma_wait3A_218 : memref<10112x128xf32, #tpu.memory_space<vmem_shared>>)
      tpu.yield
    }) : () -> ()
    %barrier3A_196 = arith.constant 0 : index
    tpu.barrier barrier_id(%barrier3A_196)
    %run_scoped3A_197 = arith.constant 3 : i32
    "tpu.region"() ({
      %run_scoped3A_198 = tpu.sem_alloc : memref<!tpu.dma_semaphore, #tpu.memory_space<semaphore_mem>>
      %dma_start3A_199 = arith.constant 0 : i32
      %dma_start3A_200 = tpu.memref_slice %arg6[%run_scoped3A_197, %arg0, %mul3A_2, %dma_start3A_199] : memref<4x2x10112x128xf32, #tpu.memory_space<hbm>> -> memref<1x1x632x128xf32, #tpu.memory_space<hbm>>
      %dma_start3A_201 = tpu.memref_squeeze %dma_start3A_200 : memref<1x1x632x128xf32, #tpu.memory_space<hbm>> -> memref<632x128xf32, #tpu.memory_space<hbm>>
      %dma_start3A_202 = arith.constant 0 : i32
      %dma_start3A_203 = tpu.memref_slice %arg13[%mul3A_2, %dma_start3A_202] : memref<10112x128xf32, #tpu.memory_space<vmem_shared>> -> memref<632x128xf32, #tpu.memory_space<vmem_shared>>
      tpu.enqueue_dma source(%dma_start3A_203 : memref<632x128xf32, #tpu.memory_space<vmem_shared>>) target(%dma_start3A_201 : memref<632x128xf32, #tpu.memory_space<hbm>>) target_semaphore(%run_scoped3A_198 : memref<!tpu.dma_semaphore, #tpu.memory_space<semaphore_mem>>)
      %dma_wait3A_204 = arith.constant 0 : i32
      %dma_wait3A_205 = tpu.memref_slice %arg6[%run_scoped3A_197, %arg0, %mul3A_2, %dma_wait3A_204] : memref<4x2x10112x128xf32, #tpu.memory_space<hbm>> -> memref<1x1x632x128xf32, #tpu.memory_space<hbm>>
      %dma_wait3A_206 = tpu.memref_squeeze %dma_wait3A_205 : memref<1x1x632x128xf32, #tpu.memory_space<hbm>> -> memref<632x128xf32, #tpu.memory_space<hbm>>
      %dma_wait3A_207 = arith.constant 0 : i32
      %dma_wait3A_208 = tpu.memref_slice %arg13[%mul3A_2, %dma_wait3A_207] : memref<10112x128xf32, #tpu.memory_space<vmem_shared>> -> memref<632x128xf32, #tpu.memory_space<vmem_shared>>
      tpu.wait_dma2 semaphore(%run_scoped3A_198 : memref<!tpu.dma_semaphore, #tpu.memory_space<semaphore_mem>>) src(%dma_wait3A_208 : memref<632x128xf32, #tpu.memory_space<vmem_shared>>) dst(%dma_wait3A_206 : memref<632x128xf32, #tpu.memory_space<hbm>>)
      tpu.yield
    }) : () -> ()
    return
  }
}

module attributes {stable_mosaic.version = 14 : i64} {
  func.func @_mlp_body(%arg0: i32, %arg1: memref<400x128xf32, #tpu.memory_space<vmem>>, %arg2: memref<128x128xf32, #tpu.memory_space<vmem>>, %arg3: memref<1x128xf32, #tpu.memory_space<vmem>>, %arg4: memref<128x128xf32, #tpu.memory_space<vmem>>, %arg5: memref<1x128xf32, #tpu.memory_space<vmem>>, %arg6: memref<400x128xf32, #tpu.memory_space<vmem>>) attributes {dimension_semantics = [#tpu.dimension_semantics<arbitrary>], iteration_bounds = array<i64: 25>, scalar_prefetch = 0 : i64, scratch_operands = 0 : i64, tpu.core_type = #tpu.core_type<tc>, window_params = [{transform_indices = @transform_0, window_bounds = array<i64: 400, 128>}, {pipeline_mode = #tpu.pipeline_mode<synchronous>, transform_indices = @transform_1, window_bounds = array<i64: 128, 128>}, {pipeline_mode = #tpu.pipeline_mode<synchronous>, transform_indices = @transform_2, window_bounds = array<i64: 1, 128>}, {pipeline_mode = #tpu.pipeline_mode<synchronous>, transform_indices = @transform_3, window_bounds = array<i64: 128, 128>}, {pipeline_mode = #tpu.pipeline_mode<synchronous>, transform_indices = @transform_4, window_bounds = array<i64: 1, 128>}, {transform_indices = @transform_5, window_bounds = array<i64: 400, 128>}]} {
    %get3A = arith.constant 0 : index
    %get3A_0 = arith.constant 0 : index
    %get3A_1 = vector.load %arg1[%get3A, %get3A_0] : memref<400x128xf32, #tpu.memory_space<vmem>>, vector<400x128xf32>
    %get3A_2 = arith.constant 0 : index
    %get3A_3 = arith.constant 0 : index
    %get3A_4 = vector.load %arg2[%get3A_2, %get3A_3] : memref<128x128xf32, #tpu.memory_space<vmem>>, vector<128x128xf32>
    %dot_general3A = arith.constant dense<0.000000e+00> : vector<400x128xf32>
    %dot_general3A_5 = tpu.matmul %get3A_1, %get3A_4, %dot_general3A {dimension_numbers = #tpu.dot_dimension_numbers<[1], [0], [0], [1], [0, 0, 1, 1], [], []>, transpose_lhs_hint = false} : vector<400x128xf32>, vector<128x128xf32>, vector<400x128xf32> -> vector<400x128xf32>
    %get3A_6 = arith.constant 0 : index
    %get3A_7 = arith.constant 0 : index
    %get3A_8 = vector.load %arg3[%get3A_6, %get3A_7] : memref<1x128xf32, #tpu.memory_space<vmem>>, vector<1x128xf32>
    %add3A = vector.broadcast %get3A_8 : vector<1x128xf32> to vector<400x128xf32>
    %add3A_9 = arith.addf %dot_general3A_5, %add3A : vector<400x128xf32>
    %abs3A = math.absf %add3A_9 : vector<400x128xf32>
    %neg3A = arith.constant 0.000000e+00 : f32
    %neg3A_10 = vector.broadcast %neg3A : f32 to vector<400x128xf32>
    %neg3A_11 = arith.subf %neg3A_10, %abs3A : vector<400x128xf32>
    %exp3A = math.exp %neg3A_11 : vector<400x128xf32>
    %log1p3A = math.log1p %exp3A : vector<400x128xf32>
    %max3A = arith.constant 0.000000e+00 : f32
    %max3A_12 = vector.broadcast %max3A : f32 to vector<400x128xf32>
    %max3A_13 = arith.maximumf %add3A_9, %max3A_12 : vector<400x128xf32>
    %add3A_14 = arith.addf %log1p3A, %max3A_13 : vector<400x128xf32>
    %tanh3A = math.tanh %add3A_14 : vector<400x128xf32>
    %mul3A = arith.mulf %add3A_9, %tanh3A : vector<400x128xf32>
    %get3A_15 = arith.constant 0 : index
    %get3A_16 = arith.constant 0 : index
    %get3A_17 = vector.load %arg4[%get3A_15, %get3A_16] : memref<128x128xf32, #tpu.memory_space<vmem>>, vector<128x128xf32>
    %dot_general3A_18 = arith.constant dense<0.000000e+00> : vector<400x128xf32>
    %dot_general3A_19 = tpu.matmul %mul3A, %get3A_17, %dot_general3A_18 {dimension_numbers = #tpu.dot_dimension_numbers<[1], [0], [0], [1], [0, 0, 1, 1], [], []>, transpose_lhs_hint = false} : vector<400x128xf32>, vector<128x128xf32>, vector<400x128xf32> -> vector<400x128xf32>
    %get3A_20 = arith.constant 0 : index
    %get3A_21 = arith.constant 0 : index
    %get3A_22 = vector.load %arg5[%get3A_20, %get3A_21] : memref<1x128xf32, #tpu.memory_space<vmem>>, vector<1x128xf32>
    %add3A_23 = vector.broadcast %get3A_22 : vector<1x128xf32> to vector<400x128xf32>
    %add3A_24 = arith.addf %dot_general3A_19, %add3A_23 : vector<400x128xf32>
    %swap3A = arith.constant 0 : index
    %swap3A_25 = arith.constant 0 : index
    %swap3A_26 = vector.load %arg6[%swap3A, %swap3A_25] : memref<400x128xf32, #tpu.memory_space<vmem>>, vector<400x128xf32>
    tpu.vector_store %arg6[%swap3A, %swap3A_25], %add3A_24 {strides = array<i32>} : memref<400x128xf32, #tpu.memory_space<vmem>>, vector<400x128xf32>,
    return
  }
  func.func @transform_0(%arg0: i32) -> (i32, i32) {
    %c0_i32 = arith.constant 0 : i32
    %c0_i32_0 = arith.constant 0 : i32
    return %arg0, %c0_i32 : i32, i32
  }
  func.func @transform_1(%arg0: i32) -> (i32, i32) {
    %c0_i32 = arith.constant 0 : i32
    %c0_i32_0 = arith.constant 0 : i32
    %c0_i32_1 = arith.constant 0 : i32
    return %c0_i32, %c0_i32_0 : i32, i32
  }
  func.func @transform_2(%arg0: i32) -> (i32, i32) {
    %c0_i32 = arith.constant 0 : i32
    %c0_i32_0 = arith.constant 0 : i32
    %c0_i32_1 = arith.constant 0 : i32
    return %c0_i32, %c0_i32_0 : i32, i32
  }
  func.func @transform_3(%arg0: i32) -> (i32, i32) {
    %c0_i32 = arith.constant 0 : i32
    %c0_i32_0 = arith.constant 0 : i32
    %c0_i32_1 = arith.constant 0 : i32
    return %c0_i32, %c0_i32_0 : i32, i32
  }
  func.func @transform_4(%arg0: i32) -> (i32, i32) {
    %c0_i32 = arith.constant 0 : i32
    %c0_i32_0 = arith.constant 0 : i32
    %c0_i32_1 = arith.constant 0 : i32
    return %c0_i32, %c0_i32_0 : i32, i32
  }
  func.func @transform_5(%arg0: i32) -> (i32, i32) {
    %c0_i32 = arith.constant 0 : i32
    %c0_i32_0 = arith.constant 0 : i32
    return %arg0, %c0_i32 : i32, i32
  }
}

module attributes {stable_mosaic.version = 14 : i64} {
  func.func @_post_body(%arg0: i32, %arg1: memref<400x128xf32, #tpu.memory_space<vmem>>, %arg2: memref<400x4xf32, #tpu.memory_space<vmem>>, %arg3: memref<4x2x400x128xf32, #tpu.memory_space<vmem>>, %arg4: memref<128x128xf32, #tpu.memory_space<vmem>>, %arg5: memref<1x128xf32, #tpu.memory_space<vmem>>, %arg6: memref<128x128xf32, #tpu.memory_space<vmem>>, %arg7: memref<1x128xf32, #tpu.memory_space<vmem>>, %arg8: memref<400x128xf32, #tpu.memory_space<vmem>>, %arg9: memref<1x128xf32, #tpu.memory_space<vmem>>, %arg10: memref<1x128xf32, #tpu.memory_space<vmem>>) attributes {dimension_semantics = [#tpu.dimension_semantics<arbitrary>], iteration_bounds = array<i64: 25>, scalar_prefetch = 0 : i64, scratch_operands = 0 : i64, tpu.core_type = #tpu.core_type<tc>, window_params = [{transform_indices = @transform_0, window_bounds = array<i64: 400, 128>}, {transform_indices = @transform_1, window_bounds = array<i64: 400, 4>}, {transform_indices = @transform_2, window_bounds = array<i64: 4, 2, 400, 128>}, {pipeline_mode = #tpu.pipeline_mode<synchronous>, transform_indices = @transform_3, window_bounds = array<i64: 128, 128>}, {pipeline_mode = #tpu.pipeline_mode<synchronous>, transform_indices = @transform_4, window_bounds = array<i64: 1, 128>}, {pipeline_mode = #tpu.pipeline_mode<synchronous>, transform_indices = @transform_5, window_bounds = array<i64: 128, 128>}, {pipeline_mode = #tpu.pipeline_mode<synchronous>, transform_indices = @transform_6, window_bounds = array<i64: 1, 128>}, {transform_indices = @transform_7, window_bounds = array<i64: 400, 128>}, {pipeline_mode = #tpu.pipeline_mode<synchronous>, transform_indices = @transform_8, window_bounds = array<i64: 1, 128>}, {pipeline_mode = #tpu.pipeline_mode<synchronous>, transform_indices = @transform_9, window_bounds = array<i64: 1, 128>}]} {
    %get3A = arith.constant 0 : index
    %get3A_0 = arith.constant 0 : index
    %get3A_1 = vector.load %arg1[%get3A, %get3A_0] : memref<400x128xf32, #tpu.memory_space<vmem>>, vector<400x128xf32>
    %get3A_2 = arith.constant 0 : index
    %get3A_3 = arith.constant 0 : index
    %get3A_4 = vector.load %arg2[%get3A_2, %get3A_3] : memref<400x4xf32, #tpu.memory_space<vmem>>, vector<400x4xf32>
    %get3A_5 = arith.constant 0 : index
    %get3A_6 = arith.constant 0 : index
    %get3A_7 = arith.constant 0 : index
    %get3A_8 = arith.constant 0 : index
    %get3A_9 = vector.load %arg3[%get3A_5, %get3A_6, %get3A_7, %get3A_8] : memref<4x2x400x128xf32, #tpu.memory_space<vmem>>, vector<4x2x400x128xf32>
    %broadcast_in_dim3A = arith.constant 0.000000e+00 : f32
    %broadcast_in_dim3A_10 = vector.broadcast %broadcast_in_dim3A : f32 to vector<400x128xf32>
    %broadcast_in_dim3A_11 = arith.constant 0.000000e+00 : f32
    %broadcast_in_dim3A_12 = vector.broadcast %broadcast_in_dim3A_11 : f32 to vector<400x128xf32>
    %slice3A = vector.extract_strided_slice %get3A_9 {offsets = [0, 0, 0, 0], sizes = [1, 1, 400, 128], strides = [1, 1, 1, 1]} : vector<4x2x400x128xf32> to vector<1x1x400x128xf32>
    %squeeze3A = vector.shape_cast %slice3A : vector<1x1x400x128xf32> to vector<400x128xf32>
    %slice3A_13 = vector.extract_strided_slice %get3A_9 {offsets = [0, 1, 0, 0], sizes = [1, 1, 400, 128], strides = [1, 1, 1, 1]} : vector<4x2x400x128xf32> to vector<1x1x400x128xf32>
    %squeeze3A_14 = vector.shape_cast %slice3A_13 : vector<1x1x400x128xf32> to vector<400x128xf32>
    %add3A = arith.addf %squeeze3A, %squeeze3A_14 : vector<400x128xf32>
    %slice3A_15 = vector.extract_strided_slice %get3A_4 {offsets = [0, 0], sizes = [400, 1], strides = [1, 1]} : vector<400x4xf32> to vector<400x1xf32>
    %mul3A = vector.broadcast %slice3A_15 : vector<400x1xf32> to vector<400x128xf32>
    %mul3A_16 = arith.mulf %get3A_1, %mul3A : vector<400x128xf32>
    %sub3A = arith.subf %add3A, %broadcast_in_dim3A_12 : vector<400x128xf32>
    %add3A_17 = arith.addf %mul3A_16, %sub3A : vector<400x128xf32>
    %get3A_18 = arith.constant 0 : index
    %get3A_19 = arith.constant 0 : index
    %get3A_20 = vector.load %arg4[%get3A_18, %get3A_19] : memref<128x128xf32, #tpu.memory_space<vmem>>, vector<128x128xf32>
    %dot_general3A = arith.constant dense<0.000000e+00> : vector<400x128xf32>
    %dot_general3A_21 = tpu.matmul %add3A_17, %get3A_20, %dot_general3A {dimension_numbers = #tpu.dot_dimension_numbers<[1], [0], [0], [1], [0, 0, 1, 1], [], []>, transpose_lhs_hint = false} : vector<400x128xf32>, vector<128x128xf32>, vector<400x128xf32> -> vector<400x128xf32>
    %get3A_22 = arith.constant 0 : index
    %get3A_23 = arith.constant 0 : index
    %get3A_24 = vector.load %arg5[%get3A_22, %get3A_23] : memref<1x128xf32, #tpu.memory_space<vmem>>, vector<1x128xf32>
    %add3A_25 = vector.broadcast %get3A_24 : vector<1x128xf32> to vector<400x128xf32>
    %add3A_26 = arith.addf %dot_general3A_21, %add3A_25 : vector<400x128xf32>
    %abs3A = math.absf %add3A_26 : vector<400x128xf32>
    %neg3A = arith.constant 0.000000e+00 : f32
    %neg3A_27 = vector.broadcast %neg3A : f32 to vector<400x128xf32>
    %neg3A_28 = arith.subf %neg3A_27, %abs3A : vector<400x128xf32>
    %exp3A = math.exp %neg3A_28 : vector<400x128xf32>
    %log1p3A = math.log1p %exp3A : vector<400x128xf32>
    %max3A = arith.constant 0.000000e+00 : f32
    %max3A_29 = vector.broadcast %max3A : f32 to vector<400x128xf32>
    %max3A_30 = arith.maximumf %add3A_26, %max3A_29 : vector<400x128xf32>
    %add3A_31 = arith.addf %log1p3A, %max3A_30 : vector<400x128xf32>
    %tanh3A = math.tanh %add3A_31 : vector<400x128xf32>
    %mul3A_32 = arith.mulf %add3A_26, %tanh3A : vector<400x128xf32>
    %get3A_33 = arith.constant 0 : index
    %get3A_34 = arith.constant 0 : index
    %get3A_35 = vector.load %arg6[%get3A_33, %get3A_34] : memref<128x128xf32, #tpu.memory_space<vmem>>, vector<128x128xf32>
    %dot_general3A_36 = arith.constant dense<0.000000e+00> : vector<400x128xf32>
    %dot_general3A_37 = tpu.matmul %mul3A_32, %get3A_35, %dot_general3A_36 {dimension_numbers = #tpu.dot_dimension_numbers<[1], [0], [0], [1], [0, 0, 1, 1], [], []>, transpose_lhs_hint = false} : vector<400x128xf32>, vector<128x128xf32>, vector<400x128xf32> -> vector<400x128xf32>
    %add3A_38 = arith.addf %broadcast_in_dim3A_10, %dot_general3A_37 : vector<400x128xf32>
    %get3A_39 = arith.constant 0 : index
    %get3A_40 = arith.constant 0 : index
    %get3A_41 = vector.load %arg7[%get3A_39, %get3A_40] : memref<1x128xf32, #tpu.memory_space<vmem>>, vector<1x128xf32>
    %add3A_42 = vector.broadcast %get3A_41 : vector<1x128xf32> to vector<400x128xf32>
    %add3A_43 = arith.addf %add3A_38, %add3A_42 : vector<400x128xf32>
    %slice3A_44 = vector.extract_strided_slice %get3A_9 {offsets = [1, 0, 0, 0], sizes = [1, 1, 400, 128], strides = [1, 1, 1, 1]} : vector<4x2x400x128xf32> to vector<1x1x400x128xf32>
    %squeeze3A_45 = vector.shape_cast %slice3A_44 : vector<1x1x400x128xf32> to vector<400x128xf32>
    %slice3A_46 = vector.extract_strided_slice %get3A_9 {offsets = [1, 1, 0, 0], sizes = [1, 1, 400, 128], strides = [1, 1, 1, 1]} : vector<4x2x400x128xf32> to vector<1x1x400x128xf32>
    %squeeze3A_47 = vector.shape_cast %slice3A_46 : vector<1x1x400x128xf32> to vector<400x128xf32>
    %add3A_48 = arith.addf %squeeze3A_45, %squeeze3A_47 : vector<400x128xf32>
    %slice3A_49 = vector.extract_strided_slice %get3A_4 {offsets = [0, 1], sizes = [400, 1], strides = [1, 1]} : vector<400x4xf32> to vector<400x1xf32>
    %mul3A_50 = vector.broadcast %slice3A_49 : vector<400x1xf32> to vector<400x128xf32>
    %mul3A_51 = arith.mulf %get3A_1, %mul3A_50 : vector<400x128xf32>
    %sub3A_52 = arith.subf %add3A_48, %add3A : vector<400x128xf32>
    %add3A_53 = arith.addf %mul3A_51, %sub3A_52 : vector<400x128xf32>
    %get3A_54 = arith.constant 0 : index
    %get3A_55 = arith.constant 0 : index
    %get3A_56 = vector.load %arg4[%get3A_54, %get3A_55] : memref<128x128xf32, #tpu.memory_space<vmem>>, vector<128x128xf32>
    %dot_general3A_57 = arith.constant dense<0.000000e+00> : vector<400x128xf32>
    %dot_general3A_58 = tpu.matmul %add3A_53, %get3A_56, %dot_general3A_57 {dimension_numbers = #tpu.dot_dimension_numbers<[1], [0], [0], [1], [0, 0, 1, 1], [], []>, transpose_lhs_hint = false} : vector<400x128xf32>, vector<128x128xf32>, vector<400x128xf32> -> vector<400x128xf32>
    %get3A_59 = arith.constant 0 : index
    %get3A_60 = arith.constant 0 : index
    %get3A_61 = vector.load %arg5[%get3A_59, %get3A_60] : memref<1x128xf32, #tpu.memory_space<vmem>>, vector<1x128xf32>
    %add3A_62 = vector.broadcast %get3A_61 : vector<1x128xf32> to vector<400x128xf32>
    %add3A_63 = arith.addf %dot_general3A_58, %add3A_62 : vector<400x128xf32>
    %abs3A_64 = math.absf %add3A_63 : vector<400x128xf32>
    %neg3A_65 = arith.constant 0.000000e+00 : f32
    %neg3A_66 = vector.broadcast %neg3A_65 : f32 to vector<400x128xf32>
    %neg3A_67 = arith.subf %neg3A_66, %abs3A_64 : vector<400x128xf32>
    %exp3A_68 = math.exp %neg3A_67 : vector<400x128xf32>
    %log1p3A_69 = math.log1p %exp3A_68 : vector<400x128xf32>
    %max3A_70 = arith.constant 0.000000e+00 : f32
    %max3A_71 = vector.broadcast %max3A_70 : f32 to vector<400x128xf32>
    %max3A_72 = arith.maximumf %add3A_63, %max3A_71 : vector<400x128xf32>
    %add3A_73 = arith.addf %log1p3A_69, %max3A_72 : vector<400x128xf32>
    %tanh3A_74 = math.tanh %add3A_73 : vector<400x128xf32>
    %mul3A_75 = arith.mulf %add3A_63, %tanh3A_74 : vector<400x128xf32>
    %get3A_76 = arith.constant 0 : index
    %get3A_77 = arith.constant 0 : index
    %get3A_78 = vector.load %arg6[%get3A_76, %get3A_77] : memref<128x128xf32, #tpu.memory_space<vmem>>, vector<128x128xf32>
    %dot_general3A_79 = arith.constant dense<0.000000e+00> : vector<400x128xf32>
    %dot_general3A_80 = tpu.matmul %mul3A_75, %get3A_78, %dot_general3A_79 {dimension_numbers = #tpu.dot_dimension_numbers<[1], [0], [0], [1], [0, 0, 1, 1], [], []>, transpose_lhs_hint = false} : vector<400x128xf32>, vector<128x128xf32>, vector<400x128xf32> -> vector<400x128xf32>
    %add3A_81 = arith.addf %add3A_43, %dot_general3A_80 : vector<400x128xf32>
    %get3A_82 = arith.constant 0 : index
    %get3A_83 = arith.constant 0 : index
    %get3A_84 = vector.load %arg7[%get3A_82, %get3A_83] : memref<1x128xf32, #tpu.memory_space<vmem>>, vector<1x128xf32>
    %add3A_85 = vector.broadcast %get3A_84 : vector<1x128xf32> to vector<400x128xf32>
    %add3A_86 = arith.addf %add3A_81, %add3A_85 : vector<400x128xf32>
    %slice3A_87 = vector.extract_strided_slice %get3A_9 {offsets = [2, 0, 0, 0], sizes = [1, 1, 400, 128], strides = [1, 1, 1, 1]} : vector<4x2x400x128xf32> to vector<1x1x400x128xf32>
    %squeeze3A_88 = vector.shape_cast %slice3A_87 : vector<1x1x400x128xf32> to vector<400x128xf32>
    %slice3A_89 = vector.extract_strided_slice %get3A_9 {offsets = [2, 1, 0, 0], sizes = [1, 1, 400, 128], strides = [1, 1, 1, 1]} : vector<4x2x400x128xf32> to vector<1x1x400x128xf32>
    %squeeze3A_90 = vector.shape_cast %slice3A_89 : vector<1x1x400x128xf32> to vector<400x128xf32>
    %add3A_91 = arith.addf %squeeze3A_88, %squeeze3A_90 : vector<400x128xf32>
    %slice3A_92 = vector.extract_strided_slice %get3A_4 {offsets = [0, 2], sizes = [400, 1], strides = [1, 1]} : vector<400x4xf32> to vector<400x1xf32>
    %mul3A_93 = vector.broadcast %slice3A_92 : vector<400x1xf32> to vector<400x128xf32>
    %mul3A_94 = arith.mulf %get3A_1, %mul3A_93 : vector<400x128xf32>
    %sub3A_95 = arith.subf %add3A_91, %add3A_48 : vector<400x128xf32>
    %add3A_96 = arith.addf %mul3A_94, %sub3A_95 : vector<400x128xf32>
    %get3A_97 = arith.constant 0 : index
    %get3A_98 = arith.constant 0 : index
    %get3A_99 = vector.load %arg4[%get3A_97, %get3A_98] : memref<128x128xf32, #tpu.memory_space<vmem>>, vector<128x128xf32>
    %dot_general3A_100 = arith.constant dense<0.000000e+00> : vector<400x128xf32>
    %dot_general3A_101 = tpu.matmul %add3A_96, %get3A_99, %dot_general3A_100 {dimension_numbers = #tpu.dot_dimension_numbers<[1], [0], [0], [1], [0, 0, 1, 1], [], []>, transpose_lhs_hint = false} : vector<400x128xf32>, vector<128x128xf32>, vector<400x128xf32> -> vector<400x128xf32>
    %get3A_102 = arith.constant 0 : index
    %get3A_103 = arith.constant 0 : index
    %get3A_104 = vector.load %arg5[%get3A_102, %get3A_103] : memref<1x128xf32, #tpu.memory_space<vmem>>, vector<1x128xf32>
    %add3A_105 = vector.broadcast %get3A_104 : vector<1x128xf32> to vector<400x128xf32>
    %add3A_106 = arith.addf %dot_general3A_101, %add3A_105 : vector<400x128xf32>
    %abs3A_107 = math.absf %add3A_106 : vector<400x128xf32>
    %neg3A_108 = arith.constant 0.000000e+00 : f32
    %neg3A_109 = vector.broadcast %neg3A_108 : f32 to vector<400x128xf32>
    %neg3A_110 = arith.subf %neg3A_109, %abs3A_107 : vector<400x128xf32>
    %exp3A_111 = math.exp %neg3A_110 : vector<400x128xf32>
    %log1p3A_112 = math.log1p %exp3A_111 : vector<400x128xf32>
    %max3A_113 = arith.constant 0.000000e+00 : f32
    %max3A_114 = vector.broadcast %max3A_113 : f32 to vector<400x128xf32>
    %max3A_115 = arith.maximumf %add3A_106, %max3A_114 : vector<400x128xf32>
    %add3A_116 = arith.addf %log1p3A_112, %max3A_115 : vector<400x128xf32>
    %tanh3A_117 = math.tanh %add3A_116 : vector<400x128xf32>
    %mul3A_118 = arith.mulf %add3A_106, %tanh3A_117 : vector<400x128xf32>
    %get3A_119 = arith.constant 0 : index
    %get3A_120 = arith.constant 0 : index
    %get3A_121 = vector.load %arg6[%get3A_119, %get3A_120] : memref<128x128xf32, #tpu.memory_space<vmem>>, vector<128x128xf32>
    %dot_general3A_122 = arith.constant dense<0.000000e+00> : vector<400x128xf32>
    %dot_general3A_123 = tpu.matmul %mul3A_118, %get3A_121, %dot_general3A_122 {dimension_numbers = #tpu.dot_dimension_numbers<[1], [0], [0], [1], [0, 0, 1, 1], [], []>, transpose_lhs_hint = false} : vector<400x128xf32>, vector<128x128xf32>, vector<400x128xf32> -> vector<400x128xf32>
    %add3A_124 = arith.addf %add3A_86, %dot_general3A_123 : vector<400x128xf32>
    %get3A_125 = arith.constant 0 : index
    %get3A_126 = arith.constant 0 : index
    %get3A_127 = vector.load %arg7[%get3A_125, %get3A_126] : memref<1x128xf32, #tpu.memory_space<vmem>>, vector<1x128xf32>
    %add3A_128 = vector.broadcast %get3A_127 : vector<1x128xf32> to vector<400x128xf32>
    %add3A_129 = arith.addf %add3A_124, %add3A_128 : vector<400x128xf32>
    %slice3A_130 = vector.extract_strided_slice %get3A_9 {offsets = [3, 0, 0, 0], sizes = [1, 1, 400, 128], strides = [1, 1, 1, 1]} : vector<4x2x400x128xf32> to vector<1x1x400x128xf32>
    %squeeze3A_131 = vector.shape_cast %slice3A_130 : vector<1x1x400x128xf32> to vector<400x128xf32>
    %slice3A_132 = vector.extract_strided_slice %get3A_9 {offsets = [3, 1, 0, 0], sizes = [1, 1, 400, 128], strides = [1, 1, 1, 1]} : vector<4x2x400x128xf32> to vector<1x1x400x128xf32>
    %squeeze3A_133 = vector.shape_cast %slice3A_132 : vector<1x1x400x128xf32> to vector<400x128xf32>
    %add3A_134 = arith.addf %squeeze3A_131, %squeeze3A_133 : vector<400x128xf32>
    %slice3A_135 = vector.extract_strided_slice %get3A_4 {offsets = [0, 3], sizes = [400, 1], strides = [1, 1]} : vector<400x4xf32> to vector<400x1xf32>
    %mul3A_136 = vector.broadcast %slice3A_135 : vector<400x1xf32> to vector<400x128xf32>
    %mul3A_137 = arith.mulf %get3A_1, %mul3A_136 : vector<400x128xf32>
    %sub3A_138 = arith.subf %add3A_134, %add3A_91 : vector<400x128xf32>
    %add3A_139 = arith.addf %mul3A_137, %sub3A_138 : vector<400x128xf32>
    %get3A_140 = arith.constant 0 : index
    %get3A_141 = arith.constant 0 : index
    %get3A_142 = vector.load %arg4[%get3A_140, %get3A_141] : memref<128x128xf32, #tpu.memory_space<vmem>>, vector<128x128xf32>
    %dot_general3A_143 = arith.constant dense<0.000000e+00> : vector<400x128xf32>
    %dot_general3A_144 = tpu.matmul %add3A_139, %get3A_142, %dot_general3A_143 {dimension_numbers = #tpu.dot_dimension_numbers<[1], [0], [0], [1], [0, 0, 1, 1], [], []>, transpose_lhs_hint = false} : vector<400x128xf32>, vector<128x128xf32>, vector<400x128xf32> -> vector<400x128xf32>
    %get3A_145 = arith.constant 0 : index
    %get3A_146 = arith.constant 0 : index
    %get3A_147 = vector.load %arg5[%get3A_145, %get3A_146] : memref<1x128xf32, #tpu.memory_space<vmem>>, vector<1x128xf32>
    %add3A_148 = vector.broadcast %get3A_147 : vector<1x128xf32> to vector<400x128xf32>
    %add3A_149 = arith.addf %dot_general3A_144, %add3A_148 : vector<400x128xf32>
    %abs3A_150 = math.absf %add3A_149 : vector<400x128xf32>
    %neg3A_151 = arith.constant 0.000000e+00 : f32
    %neg3A_152 = vector.broadcast %neg3A_151 : f32 to vector<400x128xf32>
    %neg3A_153 = arith.subf %neg3A_152, %abs3A_150 : vector<400x128xf32>
    %exp3A_154 = math.exp %neg3A_153 : vector<400x128xf32>
    %log1p3A_155 = math.log1p %exp3A_154 : vector<400x128xf32>
    %max3A_156 = arith.constant 0.000000e+00 : f32
    %max3A_157 = vector.broadcast %max3A_156 : f32 to vector<400x128xf32>
    %max3A_158 = arith.maximumf %add3A_149, %max3A_157 : vector<400x128xf32>
    %add3A_159 = arith.addf %log1p3A_155, %max3A_158 : vector<400x128xf32>
    %tanh3A_160 = math.tanh %add3A_159 : vector<400x128xf32>
    %mul3A_161 = arith.mulf %add3A_149, %tanh3A_160 : vector<400x128xf32>
    %get3A_162 = arith.constant 0 : index
    %get3A_163 = arith.constant 0 : index
    %get3A_164 = vector.load %arg6[%get3A_162, %get3A_163] : memref<128x128xf32, #tpu.memory_space<vmem>>, vector<128x128xf32>
    %dot_general3A_165 = arith.constant dense<0.000000e+00> : vector<400x128xf32>
    %dot_general3A_166 = tpu.matmul %mul3A_161, %get3A_164, %dot_general3A_165 {dimension_numbers = #tpu.dot_dimension_numbers<[1], [0], [0], [1], [0, 0, 1, 1], [], []>, transpose_lhs_hint = false} : vector<400x128xf32>, vector<128x128xf32>, vector<400x128xf32> -> vector<400x128xf32>
    %add3A_167 = arith.addf %add3A_129, %dot_general3A_166 : vector<400x128xf32>
    %get3A_168 = arith.constant 0 : index
    %get3A_169 = arith.constant 0 : index
    %get3A_170 = vector.load %arg7[%get3A_168, %get3A_169] : memref<1x128xf32, #tpu.memory_space<vmem>>, vector<1x128xf32>
    %add3A_171 = vector.broadcast %get3A_170 : vector<1x128xf32> to vector<400x128xf32>
    %add3A_172 = arith.addf %add3A_167, %add3A_171 : vector<400x128xf32>
    %mul3A_173 = arith.constant 2.500000e-01 : f32
    %mul3A_174 = vector.broadcast %mul3A_173 : f32 to vector<400x128xf32>
    %mul3A_175 = arith.mulf %add3A_172, %mul3A_174 : vector<400x128xf32>
    %add3A_176 = arith.addf %mul3A_175, %get3A_1 : vector<400x128xf32>
    %swap3A = arith.constant 0 : index
    %swap3A_177 = arith.constant 0 : index
    %swap3A_178 = vector.load %arg8[%swap3A, %swap3A_177] : memref<400x128xf32, #tpu.memory_space<vmem>>, vector<400x128xf32>
    tpu.vector_store %arg8[%swap3A, %swap3A_177], %add3A_176 {strides = array<i32>} : memref<400x128xf32, #tpu.memory_space<vmem>>, vector<400x128xf32>,
    %eq3A = arith.constant 0 : i32
    %eq3A_179 = arith.cmpi eq, %arg0, %eq3A : i32
    %convert_element_type3A = arith.extui %eq3A_179 : i1 to i32
    %cond3A = arith.constant 0 : i32
    %cond3A_180 = arith.cmpi ne, %convert_element_type3A, %cond3A : i32
    scf.if %cond3A_180 {
      %broadcast_in_dim3A_201 = arith.constant 0.000000e+00 : f32
      %broadcast_in_dim3A_202 = vector.broadcast %broadcast_in_dim3A_201 : f32 to vector<1x128xf32>
      %swap3A_203 = arith.constant 0 : index
      %swap3A_204 = arith.constant 0 : index
      %swap3A_205 = vector.load %arg9[%swap3A_203, %swap3A_204] : memref<1x128xf32, #tpu.memory_space<vmem>>, vector<1x128xf32>
      tpu.vector_store %arg9[%swap3A_203, %swap3A_204], %broadcast_in_dim3A_202 {strides = array<i32>} : memref<1x128xf32, #tpu.memory_space<vmem>>, vector<1x128xf32>,
      %broadcast_in_dim3A_206 = arith.constant 0.000000e+00 : f32
      %broadcast_in_dim3A_207 = vector.broadcast %broadcast_in_dim3A_206 : f32 to vector<1x128xf32>
      %swap3A_208 = arith.constant 0 : index
      %swap3A_209 = arith.constant 0 : index
      %swap3A_210 = vector.load %arg10[%swap3A_208, %swap3A_209] : memref<1x128xf32, #tpu.memory_space<vmem>>, vector<1x128xf32>
      tpu.vector_store %arg10[%swap3A_208, %swap3A_209], %broadcast_in_dim3A_207 {strides = array<i32>} : memref<1x128xf32, #tpu.memory_space<vmem>>, vector<1x128xf32>,
    } else {
    }
    %get3A_181 = arith.constant 0 : index
    %get3A_182 = arith.constant 0 : index
    %get3A_183 = vector.load %arg9[%get3A_181, %get3A_182] : memref<1x128xf32, #tpu.memory_space<vmem>>, vector<1x128xf32>
    %reduce_sum3A = arith.constant dense<0.000000e+00> : vector<128xf32>
    %reduce_sum3A_184 = vector.multi_reduction <add>, %add3A_176, %reduce_sum3A [0] : vector<400x128xf32> to vector<128xf32>
    %broadcast_in_dim3A_185 = vector.shape_cast %reduce_sum3A_184 : vector<128xf32> to vector<1x128xf32>
    %add3A_186 = arith.addf %get3A_183, %broadcast_in_dim3A_185 : vector<1x128xf32>
    %swap3A_187 = arith.constant 0 : index
    %swap3A_188 = arith.constant 0 : index
    %swap3A_189 = vector.load %arg9[%swap3A_187, %swap3A_188] : memref<1x128xf32, #tpu.memory_space<vmem>>, vector<1x128xf32>
    tpu.vector_store %arg9[%swap3A_187, %swap3A_188], %add3A_186 {strides = array<i32>} : memref<1x128xf32, #tpu.memory_space<vmem>>, vector<1x128xf32>,
    %get3A_190 = arith.constant 0 : index
    %get3A_191 = arith.constant 0 : index
    %get3A_192 = vector.load %arg10[%get3A_190, %get3A_191] : memref<1x128xf32, #tpu.memory_space<vmem>>, vector<1x128xf32>
    %mul3A_193 = arith.mulf %add3A_176, %add3A_176 : vector<400x128xf32>
    %reduce_sum3A_194 = arith.constant dense<0.000000e+00> : vector<128xf32>
    %reduce_sum3A_195 = vector.multi_reduction <add>, %mul3A_193, %reduce_sum3A_194 [0] : vector<400x128xf32> to vector<128xf32>
    %broadcast_in_dim3A_196 = vector.shape_cast %reduce_sum3A_195 : vector<128xf32> to vector<1x128xf32>
    %add3A_197 = arith.addf %get3A_192, %broadcast_in_dim3A_196 : vector<1x128xf32>
    %swap3A_198 = arith.constant 0 : index
    %swap3A_199 = arith.constant 0 : index
    %swap3A_200 = vector.load %arg10[%swap3A_198, %swap3A_199] : memref<1x128xf32, #tpu.memory_space<vmem>>, vector<1x128xf32>
    tpu.vector_store %arg10[%swap3A_198, %swap3A_199], %add3A_197 {strides = array<i32>} : memref<1x128xf32, #tpu.memory_space<vmem>>, vector<1x128xf32>,
    return
  }
  func.func @transform_0(%arg0: i32) -> (i32, i32) {
    %c0_i32 = arith.constant 0 : i32
    %c0_i32_0 = arith.constant 0 : i32
    return %arg0, %c0_i32 : i32, i32
  }
  func.func @transform_1(%arg0: i32) -> (i32, i32) {
    %c0_i32 = arith.constant 0 : i32
    %c0_i32_0 = arith.constant 0 : i32
    return %arg0, %c0_i32 : i32, i32
  }
  func.func @transform_2(%arg0: i32) -> (i32, i32, i32, i32) {
    %c0_i32 = arith.constant 0 : i32
    %c0_i32_0 = arith.constant 0 : i32
    %c0_i32_1 = arith.constant 0 : i32
    %c0_i32_2 = arith.constant 0 : i32
    return %c0_i32, %c0_i32_0, %arg0, %c0_i32_1 : i32, i32, i32, i32
  }
  func.func @transform_3(%arg0: i32) -> (i32, i32) {
    %c0_i32 = arith.constant 0 : i32
    %c0_i32_0 = arith.constant 0 : i32
    %c0_i32_1 = arith.constant 0 : i32
    return %c0_i32, %c0_i32_0 : i32, i32
  }
  func.func @transform_4(%arg0: i32) -> (i32, i32) {
    %c0_i32 = arith.constant 0 : i32
    %c0_i32_0 = arith.constant 0 : i32
    %c0_i32_1 = arith.constant 0 : i32
    return %c0_i32, %c0_i32_0 : i32, i32
  }
  func.func @transform_5(%arg0: i32) -> (i32, i32) {
    %c0_i32 = arith.constant 0 : i32
    %c0_i32_0 = arith.constant 0 : i32
    %c0_i32_1 = arith.constant 0 : i32
    return %c0_i32, %c0_i32_0 : i32, i32
  }
  func.func @transform_6(%arg0: i32) -> (i32, i32) {
    %c0_i32 = arith.constant 0 : i32
    %c0_i32_0 = arith.constant 0 : i32
    %c0_i32_1 = arith.constant 0 : i32
    return %c0_i32, %c0_i32_0 : i32, i32
  }
  func.func @transform_7(%arg0: i32) -> (i32, i32) {
    %c0_i32 = arith.constant 0 : i32
    %c0_i32_0 = arith.constant 0 : i32
    return %arg0, %c0_i32 : i32, i32
  }
  func.func @transform_8(%arg0: i32) -> (i32, i32) {
    %c0_i32 = arith.constant 0 : i32
    %c0_i32_0 = arith.constant 0 : i32
    %c0_i32_1 = arith.constant 0 : i32
    return %c0_i32, %c0_i32_0 : i32, i32
  }
  func.func @transform_9(%arg0: i32) -> (i32, i32) {
    %c0_i32 = arith.constant 0 : i32
    %c0_i32_0 = arith.constant 0 : i32
    %c0_i32_1 = arith.constant 0 : i32
    return %c0_i32, %c0_i32_0 : i32, i32
  }
}

module attributes {stable_mosaic.version = 14 : i64} {
  func.func @_bn_body(%arg0: i32, %arg1: memref<400x128xf32, #tpu.memory_space<vmem>>, %arg2: memref<1x128xf32, #tpu.memory_space<vmem>>, %arg3: memref<1x128xf32, #tpu.memory_space<vmem>>, %arg4: memref<1x128xf32, #tpu.memory_space<vmem>>, %arg5: memref<1x128xf32, #tpu.memory_space<vmem>>, %arg6: memref<400x128xf32, #tpu.memory_space<vmem>>) attributes {dimension_semantics = [#tpu.dimension_semantics<arbitrary>], iteration_bounds = array<i64: 25>, scalar_prefetch = 0 : i64, scratch_operands = 0 : i64, tpu.core_type = #tpu.core_type<tc>, window_params = [{transform_indices = @transform_0, window_bounds = array<i64: 400, 128>}, {pipeline_mode = #tpu.pipeline_mode<synchronous>, transform_indices = @transform_1, window_bounds = array<i64: 1, 128>}, {pipeline_mode = #tpu.pipeline_mode<synchronous>, transform_indices = @transform_2, window_bounds = array<i64: 1, 128>}, {pipeline_mode = #tpu.pipeline_mode<synchronous>, transform_indices = @transform_3, window_bounds = array<i64: 1, 128>}, {pipeline_mode = #tpu.pipeline_mode<synchronous>, transform_indices = @transform_4, window_bounds = array<i64: 1, 128>}, {transform_indices = @transform_5, window_bounds = array<i64: 400, 128>}]} {
    %get3A = arith.constant 0 : index
    %get3A_0 = arith.constant 0 : index
    %get3A_1 = vector.load %arg2[%get3A, %get3A_0] : memref<1x128xf32, #tpu.memory_space<vmem>>, vector<1x128xf32>
    %mul3A = arith.constant 9.99999974E-5 : f32
    %mul3A_2 = vector.broadcast %mul3A : f32 to vector<1x128xf32>
    %mul3A_3 = arith.mulf %get3A_1, %mul3A_2 : vector<1x128xf32>
    %get3A_4 = arith.constant 0 : index
    %get3A_5 = arith.constant 0 : index
    %get3A_6 = vector.load %arg3[%get3A_4, %get3A_5] : memref<1x128xf32, #tpu.memory_space<vmem>>, vector<1x128xf32>
    %mul3A_7 = arith.constant 9.99999974E-5 : f32
    %mul3A_8 = vector.broadcast %mul3A_7 : f32 to vector<1x128xf32>
    %mul3A_9 = arith.mulf %get3A_6, %mul3A_8 : vector<1x128xf32>
    %mul3A_10 = arith.mulf %mul3A_3, %mul3A_3 : vector<1x128xf32>
    %sub3A = arith.subf %mul3A_9, %mul3A_10 : vector<1x128xf32>
    %add3A = arith.constant 9.99999974E-6 : f32
    %add3A_11 = vector.broadcast %add3A : f32 to vector<1x128xf32>
    %add3A_12 = arith.addf %sub3A, %add3A_11 : vector<1x128xf32>
    %rsqrt3A = math.rsqrt %add3A_12 : vector<1x128xf32>
    %get3A_13 = arith.constant 0 : index
    %get3A_14 = arith.constant 0 : index
    %get3A_15 = vector.load %arg4[%get3A_13, %get3A_14] : memref<1x128xf32, #tpu.memory_space<vmem>>, vector<1x128xf32>
    %get3A_16 = arith.constant 0 : index
    %get3A_17 = arith.constant 0 : index
    %get3A_18 = vector.load %arg1[%get3A_16, %get3A_17] : memref<400x128xf32, #tpu.memory_space<vmem>>, vector<400x128xf32>
    %sub3A_19 = vector.broadcast %mul3A_3 : vector<1x128xf32> to vector<400x128xf32>
    %sub3A_20 = arith.subf %get3A_18, %sub3A_19 : vector<400x128xf32>
    %mul3A_21 = vector.broadcast %get3A_15 : vector<1x128xf32> to vector<400x128xf32>
    %mul3A_22 = arith.mulf %mul3A_21, %sub3A_20 : vector<400x128xf32>
    %mul3A_23 = vector.broadcast %rsqrt3A : vector<1x128xf32> to vector<400x128xf32>
    %mul3A_24 = arith.mulf %mul3A_22, %mul3A_23 : vector<400x128xf32>
    %get3A_25 = arith.constant 0 : index
    %get3A_26 = arith.constant 0 : index
    %get3A_27 = vector.load %arg5[%get3A_25, %get3A_26] : memref<1x128xf32, #tpu.memory_space<vmem>>, vector<1x128xf32>
    %add3A_28 = vector.broadcast %get3A_27 : vector<1x128xf32> to vector<400x128xf32>
    %add3A_29 = arith.addf %mul3A_24, %add3A_28 : vector<400x128xf32>
    %abs3A = math.absf %add3A_29 : vector<400x128xf32>
    %neg3A = arith.constant 0.000000e+00 : f32
    %neg3A_30 = vector.broadcast %neg3A : f32 to vector<400x128xf32>
    %neg3A_31 = arith.subf %neg3A_30, %abs3A : vector<400x128xf32>
    %exp3A = math.exp %neg3A_31 : vector<400x128xf32>
    %log1p3A = math.log1p %exp3A : vector<400x128xf32>
    %max3A = arith.constant 0.000000e+00 : f32
    %max3A_32 = vector.broadcast %max3A : f32 to vector<400x128xf32>
    %max3A_33 = arith.maximumf %add3A_29, %max3A_32 : vector<400x128xf32>
    %add3A_34 = arith.addf %log1p3A, %max3A_33 : vector<400x128xf32>
    %tanh3A = math.tanh %add3A_34 : vector<400x128xf32>
    %mul3A_35 = arith.mulf %add3A_29, %tanh3A : vector<400x128xf32>
    %swap3A = arith.constant 0 : index
    %swap3A_36 = arith.constant 0 : index
    %swap3A_37 = vector.load %arg6[%swap3A, %swap3A_36] : memref<400x128xf32, #tpu.memory_space<vmem>>, vector<400x128xf32>
    tpu.vector_store %arg6[%swap3A, %swap3A_36], %mul3A_35 {strides = array<i32>} : memref<400x128xf32, #tpu.memory_space<vmem>>, vector<400x128xf32>,
    return
  }
  func.func @transform_0(%arg0: i32) -> (i32, i32) {
    %c0_i32 = arith.constant 0 : i32
    %c0_i32_0 = arith.constant 0 : i32
    return %arg0, %c0_i32 : i32, i32
  }
  func.func @transform_1(%arg0: i32) -> (i32, i32) {
    %c0_i32 = arith.constant 0 : i32
    %c0_i32_0 = arith.constant 0 : i32
    %c0_i32_1 = arith.constant 0 : i32
    return %c0_i32, %c0_i32_0 : i32, i32
  }
  func.func @transform_2(%arg0: i32) -> (i32, i32) {
    %c0_i32 = arith.constant 0 : i32
    %c0_i32_0 = arith.constant 0 : i32
    %c0_i32_1 = arith.constant 0 : i32
    return %c0_i32, %c0_i32_0 : i32, i32
  }
  func.func @transform_3(%arg0: i32) -> (i32, i32) {
    %c0_i32 = arith.constant 0 : i32
    %c0_i32_0 = arith.constant 0 : i32
    %c0_i32_1 = arith.constant 0 : i32
    return %c0_i32, %c0_i32_0 : i32, i32
  }
  func.func @transform_4(%arg0: i32) -> (i32, i32) {
    %c0_i32 = arith.constant 0 : i32
    %c0_i32_0 = arith.constant 0 : i32
    %c0_i32_1 = arith.constant 0 : i32
    return %c0_i32, %c0_i32_0 : i32, i32
  }
  func.func @transform_5(%arg0: i32) -> (i32, i32) {
    %c0_i32 = arith.constant 0 : i32
    %c0_i32_0 = arith.constant 0 : i32
    return %arg0, %c0_i32 : i32, i32
  }
}

module attributes {stable_mosaic.version = 14 : i64} {
  func.func @_bn_res_body(%arg0: i32, %arg1: memref<400x128xf32, #tpu.memory_space<vmem>>, %arg2: memref<1x128xf32, #tpu.memory_space<vmem>>, %arg3: memref<1x128xf32, #tpu.memory_space<vmem>>, %arg4: memref<1x128xf32, #tpu.memory_space<vmem>>, %arg5: memref<1x128xf32, #tpu.memory_space<vmem>>, %arg6: memref<400x128xf32, #tpu.memory_space<vmem>>, %arg7: memref<400x128xf32, #tpu.memory_space<vmem>>) attributes {dimension_semantics = [#tpu.dimension_semantics<arbitrary>], iteration_bounds = array<i64: 25>, scalar_prefetch = 0 : i64, scratch_operands = 0 : i64, tpu.core_type = #tpu.core_type<tc>, window_params = [{transform_indices = @transform_0, window_bounds = array<i64: 400, 128>}, {pipeline_mode = #tpu.pipeline_mode<synchronous>, transform_indices = @transform_1, window_bounds = array<i64: 1, 128>}, {pipeline_mode = #tpu.pipeline_mode<synchronous>, transform_indices = @transform_2, window_bounds = array<i64: 1, 128>}, {pipeline_mode = #tpu.pipeline_mode<synchronous>, transform_indices = @transform_3, window_bounds = array<i64: 1, 128>}, {pipeline_mode = #tpu.pipeline_mode<synchronous>, transform_indices = @transform_4, window_bounds = array<i64: 1, 128>}, {transform_indices = @transform_5, window_bounds = array<i64: 400, 128>}, {transform_indices = @transform_6, window_bounds = array<i64: 400, 128>}]} {
    %get3A = arith.constant 0 : index
    %get3A_0 = arith.constant 0 : index
    %get3A_1 = vector.load %arg2[%get3A, %get3A_0] : memref<1x128xf32, #tpu.memory_space<vmem>>, vector<1x128xf32>
    %mul3A = arith.constant 9.99999974E-5 : f32
    %mul3A_2 = vector.broadcast %mul3A : f32 to vector<1x128xf32>
    %mul3A_3 = arith.mulf %get3A_1, %mul3A_2 : vector<1x128xf32>
    %get3A_4 = arith.constant 0 : index
    %get3A_5 = arith.constant 0 : index
    %get3A_6 = vector.load %arg3[%get3A_4, %get3A_5] : memref<1x128xf32, #tpu.memory_space<vmem>>, vector<1x128xf32>
    %mul3A_7 = arith.constant 9.99999974E-5 : f32
    %mul3A_8 = vector.broadcast %mul3A_7 : f32 to vector<1x128xf32>
    %mul3A_9 = arith.mulf %get3A_6, %mul3A_8 : vector<1x128xf32>
    %mul3A_10 = arith.mulf %mul3A_3, %mul3A_3 : vector<1x128xf32>
    %sub3A = arith.subf %mul3A_9, %mul3A_10 : vector<1x128xf32>
    %add3A = arith.constant 9.99999974E-6 : f32
    %add3A_11 = vector.broadcast %add3A : f32 to vector<1x128xf32>
    %add3A_12 = arith.addf %sub3A, %add3A_11 : vector<1x128xf32>
    %rsqrt3A = math.rsqrt %add3A_12 : vector<1x128xf32>
    %get3A_13 = arith.constant 0 : index
    %get3A_14 = arith.constant 0 : index
    %get3A_15 = vector.load %arg6[%get3A_13, %get3A_14] : memref<400x128xf32, #tpu.memory_space<vmem>>, vector<400x128xf32>
    %get3A_16 = arith.constant 0 : index
    %get3A_17 = arith.constant 0 : index
    %get3A_18 = vector.load %arg4[%get3A_16, %get3A_17] : memref<1x128xf32, #tpu.memory_space<vmem>>, vector<1x128xf32>
    %get3A_19 = arith.constant 0 : index
    %get3A_20 = arith.constant 0 : index
    %get3A_21 = vector.load %arg1[%get3A_19, %get3A_20] : memref<400x128xf32, #tpu.memory_space<vmem>>, vector<400x128xf32>
    %sub3A_22 = vector.broadcast %mul3A_3 : vector<1x128xf32> to vector<400x128xf32>
    %sub3A_23 = arith.subf %get3A_21, %sub3A_22 : vector<400x128xf32>
    %mul3A_24 = vector.broadcast %get3A_18 : vector<1x128xf32> to vector<400x128xf32>
    %mul3A_25 = arith.mulf %mul3A_24, %sub3A_23 : vector<400x128xf32>
    %mul3A_26 = vector.broadcast %rsqrt3A : vector<1x128xf32> to vector<400x128xf32>
    %mul3A_27 = arith.mulf %mul3A_25, %mul3A_26 : vector<400x128xf32>
    %get3A_28 = arith.constant 0 : index
    %get3A_29 = arith.constant 0 : index
    %get3A_30 = vector.load %arg5[%get3A_28, %get3A_29] : memref<1x128xf32, #tpu.memory_space<vmem>>, vector<1x128xf32>
    %add3A_31 = vector.broadcast %get3A_30 : vector<1x128xf32> to vector<400x128xf32>
    %add3A_32 = arith.addf %mul3A_27, %add3A_31 : vector<400x128xf32>
    %abs3A = math.absf %add3A_32 : vector<400x128xf32>
    %neg3A = arith.constant 0.000000e+00 : f32
    %neg3A_33 = vector.broadcast %neg3A : f32 to vector<400x128xf32>
    %neg3A_34 = arith.subf %neg3A_33, %abs3A : vector<400x128xf32>
    %exp3A = math.exp %neg3A_34 : vector<400x128xf32>
    %log1p3A = math.log1p %exp3A : vector<400x128xf32>
    %max3A = arith.constant 0.000000e+00 : f32
    %max3A_35 = vector.broadcast %max3A : f32 to vector<400x128xf32>
    %max3A_36 = arith.maximumf %add3A_32, %max3A_35 : vector<400x128xf32>
    %add3A_37 = arith.addf %log1p3A, %max3A_36 : vector<400x128xf32>
    %tanh3A = math.tanh %add3A_37 : vector<400x128xf32>
    %mul3A_38 = arith.mulf %add3A_32, %tanh3A : vector<400x128xf32>
    %add3A_39 = arith.addf %get3A_15, %mul3A_38 : vector<400x128xf32>
    %swap3A = arith.constant 0 : index
    %swap3A_40 = arith.constant 0 : index
    %swap3A_41 = vector.load %arg7[%swap3A, %swap3A_40] : memref<400x128xf32, #tpu.memory_space<vmem>>, vector<400x128xf32>
    tpu.vector_store %arg7[%swap3A, %swap3A_40], %add3A_39 {strides = array<i32>} : memref<400x128xf32, #tpu.memory_space<vmem>>, vector<400x128xf32>,
    return
  }
  func.func @transform_0(%arg0: i32) -> (i32, i32) {
    %c0_i32 = arith.constant 0 : i32
    %c0_i32_0 = arith.constant 0 : i32
    return %arg0, %c0_i32 : i32, i32
  }
  func.func @transform_1(%arg0: i32) -> (i32, i32) {
    %c0_i32 = arith.constant 0 : i32
    %c0_i32_0 = arith.constant 0 : i32
    %c0_i32_1 = arith.constant 0 : i32
    return %c0_i32, %c0_i32_0 : i32, i32
  }
  func.func @transform_2(%arg0: i32) -> (i32, i32) {
    %c0_i32 = arith.constant 0 : i32
    %c0_i32_0 = arith.constant 0 : i32
    %c0_i32_1 = arith.constant 0 : i32
    return %c0_i32, %c0_i32_0 : i32, i32
  }
  func.func @transform_3(%arg0: i32) -> (i32, i32) {
    %c0_i32 = arith.constant 0 : i32
    %c0_i32_0 = arith.constant 0 : i32
    %c0_i32_1 = arith.constant 0 : i32
    return %c0_i32, %c0_i32_0 : i32, i32
  }
  func.func @transform_4(%arg0: i32) -> (i32, i32) {
    %c0_i32 = arith.constant 0 : i32
    %c0_i32_0 = arith.constant 0 : i32
    %c0_i32_1 = arith.constant 0 : i32
    return %c0_i32, %c0_i32_0 : i32, i32
  }
  func.func @transform_5(%arg0: i32) -> (i32, i32) {
    %c0_i32 = arith.constant 0 : i32
    %c0_i32_0 = arith.constant 0 : i32
    return %arg0, %c0_i32 : i32, i32
  }
  func.func @transform_6(%arg0: i32) -> (i32, i32) {
    %c0_i32 = arith.constant 0 : i32
    %c0_i32_0 = arith.constant 0 : i32
    return %arg0, %c0_i32 : i32, i32
  }
}

</mosaic_0001>

<sc_bundles>
// kernel: kernel.12.cloned.1.call-start
scs
__scs_entry_jumppad:
0x0: {  	(pc) =	sbr.rel $0x88, $3  }
0x1: {  	(tag) =	ssettag $0x0;
	lr =	simm.s32 $0x1  }
0x2: {  	[smem:$0x3F8D] =	sst lr;
	_ =	strace $0xD0000000  }
0x3: {  	_ = 	snop  }
0x4: {  	_ = 	snop  }
0x5: {  	_ = 	snop  }
0x6: {  	_ = 	snop  }
0x7: {  	_ = 	snop  }
__scs_overlays_trampoline_lowered:
0x8: {  	[smem:$0x3F9C] =	sst s0  }
0x9: {  	[smem:$0x3F9D] =	sst s1  }
0xa: {  	[smem:$0x3F9E] =	sst s2  }
0xb: {  	[smem:$0x3F9F] =	sst s3  }
0xc: {  	[smem:$0x3FA0] =	sst s4  }
0xd: {  	[smem:$0x3FA1] =	sst s5  }
0xe: {  	[smem:$0x3FA2] =	sst s6  }
0xf: {  	[smem:$0x3FA3] =	sst s7  }
0x10: {  	[smem:$0x3FA4] =	sst s8  }
0x11: {  	[smem:$0x3FA5] =	sst s9;
	s0 =	simm.s32 @!p0 $0x0  }
0x12: {  	s1 =	sld [smem:$0x3F8B];
	s0 =	simm.s32 @p0 $0x1  }
0x13: {  	[smem:$0x3FA6] =	sst s0;
	s0 =	simm.s32 @!p1 $0x0  }
0x14: {  	s2 =	sld [smem:$0x3F8A];
	s0 =	simm.s32 @p1 $0x1  }
0x15: {  	[smem:$0x3FA7] =	sst s0;
	s0 =	simm.s32 @!p2 $0x0  }
0x16: {  	s3 =	sld [smem:$0x3FDB];
	s0 =	simm.s32 @p2 $0x1  }
0x17: {  	s4 =	simm.s32 $0x1BF5;
	[smem:$0x3FA9] =	sst s0  }
0x18: {  	s0 =	sld [smem:$0x3F8C];
	_ =	swait.ge [sflag:s4], $0x0  }
0x19: {  	s7 =	sld [smem:$0x3F8D]  }
0x1a: {  	s8 =	sadd.s32 $0xFFFFE003, lr  }
0x1b: {  	s9 =	sadd.s32 $0xFFFFFEF7, lr;
	s5 =	simm.s32 $0xFFFFFFFF;
	p2 =	slt.u32 s8, $0xFFFFF086  }
0x1c: {  	p1 =	slt.u32 s9, $0xF7A;
	s5 =	simm.s32 @!p2 $0x0  }
0x1d: {  	s5 =	simm.s32 @p1 $0x1;
	p0 =	seq.s32 s7, s2  }
0x1e: {  	s7 =	smul.u32 @!p0 $0xF7A, s2;
	p2 =	seq.s32 @!p0 s5, $0x0  }
0x1f: {  	s9 =	smul.u32 $0xF7A, s1;
	s8 =	simm.s32 @!p0 $0x1BF5;
	p2 =	por !p2, p0  }
0x20: {  	[sflag:s8] =	ssyncset.s32 @!p0 $0xFFFFF086;
	s6 =	sadd.s32 @!p0 s3, s7;
	s7 =	simm.s32 @!p0 $0x108  }
0x21: {  	s3 =	sadd.s32 s3, s9;
	s6 =	sadd.s32 @!p0 $0x88, s6;
	s7 =	simm.s32 @p2 $0x1082  }
0x22: {  	[simem:s7], [sflag:s8] =	dma.local @!p0 [hbm:s6], $0xF7A  }
0x23: {  	s9 =	sor.u32 $0xD0000000, s2;
	s6 =	simm.s32 $0x108;
	_ =	swait.ge @!p0 [sflag:s8], $0x0  }
0x24: {  	s3 =	sadd.s32 $0x88, s3;
	s6 =	simm.s32 @!p1 $0x1082;
	[sflag:s4] =	ssyncset.s32 $0xFFFFF086  }
0x25: {  	[simem:s6], [sflag:s4] =	dma.local [hbm:s3], $0xF7A  }
0x26: {  	[smem:$0x3F8D] =	sst s1;
	(tag) =	ssettag s2;
	_ =	strace s9  }
0x27: {  	s1 =	sld [smem:$0x3F9D]  }
0x28: {  	s2 =	sld [smem:$0x3F9E]  }
0x29: {  	s4 =	sld [smem:$0x3FA0]  }
0x2a: {  	p0 =	seq.s32 s5, $0x0;
	s5 =	sld [smem:$0x3FA1]  }
0x2b: {  	s6 =	sld [smem:$0x3FA2]  }
0x2c: {  	s7 =	sld [smem:$0x3FA3]  }
0x2d: {  	s3 =	simm.s32 $0x108;
	s8 =	sld [smem:$0x3FA4]  }
0x2e: {  	s3 =	simm.s32 @!p0 $0x1082;
	s9 =	sld [smem:$0x3FA5]  }
0x2f: {  	lr =	sadd.s32 s0, s3;
	s0 =	sld [smem:$0x3F9C]  }
0x30: {  	s3 =	sld [smem:$0x3F9F]  }
0x31: {  	[smem:$0x3FA8] =	sst s10  }
0x32: {  	s10 =	sld [smem:$0x3FA6];
	_ =	sdelay $0x3  }
0x33: {  	p0 =	seq.s32 s10, $0x1;
	s10 =	sld [smem:$0x3FA8];
	_ =	sdelay $0x3  }
0x34: {  	[smem:$0x3FA8] =	sst s10  }
0x35: {  	s10 =	sld [smem:$0x3FA7];
	_ =	sdelay $0x3  }
0x36: {  	p1 =	seq.s32 s10, $0x1;
	s10 =	sld [smem:$0x3FA8];
	_ =	sdelay $0x3  }
0x37: {  	[smem:$0x3FA8] =	sst s10  }
0x38: {  	s10 =	sld [smem:$0x3FA9]  }
0x39: {  	_ = 	snop;
	(pc) =	sbr.ind lr, $3  }
0x3a: {  	_ = 	snop  }
0x3b: {  	_ = 	snop  }
0x3c: {  	p2 =	seq.s32 s10, $0x1;
	s10 =	sld [smem:$0x3FA8]  }
0x3d: {  	_ =	shalt  }
0x3e: {  	_ =	shalt  }
0x3f: {  	_ =	shalt  }
0x40: {  	_ =	shalt  }
0x41: {  	_ =	shalt  }
0x42: {  	_ =	shalt  }
0x43: {  	_ =	shalt  }
0x44: {  	_ =	shalt  }
0x45: {  	_ =	shalt  }
0x46: {  	_ =	shalt  }
0x47: {  	_ =	shalt  }
0x48: {  	_ =	shalt  }
0x49: {  	_ =	shalt  }
0x4a: {  	_ =	shalt  }
0x4b: {  	_ =	shalt  }
0x4c: {  	_ =	shalt  }
0x4d: {  	_ =	shalt  }
0x4e: {  	_ =	shalt  }
0x4f: {  	_ =	shalt  }
0x50: {  	_ =	shalt  }
0x51: {  	_ =	shalt  }
0x52: {  	_ =	shalt  }
0x53: {  	_ =	shalt  }
0x54: {  	_ =	shalt  }
0x55: {  	_ =	shalt  }
0x56: {  	_ =	shalt  }
0x57: {  	_ =	shalt  }
0x58: {  	_ =	shalt  }
0x59: {  	_ =	shalt  }
0x5a: {  	_ =	shalt  }
0x5b: {  	_ =	shalt  }
0x5c: {  	_ =	shalt  }
0x5d: {  	_ =	shalt  }
0x5e: {  	_ =	shalt  }
0x5f: {  	_ =	shalt  }
0x60: {  	_ =	shalt  }
0x61: {  	_ =	shalt  }
0x62: {  	_ =	shalt  }
0x63: {  	_ =	shalt  }
0x64: {  	_ =	shalt  }
0x65: {  	_ =	shalt  }
0x66: {  	_ =	shalt  }
0x67: {  	_ =	shalt  }
0x68: {  	_ =	shalt  }
0x69: {  	_ =	shalt  }
0x6a: {  	_ =	shalt  }
0x6b: {  	_ =	shalt  }
0x6c: {  	_ =	shalt  }
0x6d: {  	_ =	shalt  }
0x6e: {  	_ =	shalt  }
0x6f: {  	_ =	shalt  }
0x70: {  	_ =	shalt  }
0x71: {  	_ =	shalt  }
0x72: {  	_ =	shalt  }
0x73: {  	_ =	shalt  }
0x74: {  	_ =	shalt  }
0x75: {  	_ =	shalt  }
0x76: {  	_ =	shalt  }
0x77: {  	_ =	shalt  }
0x78: {  	_ =	shalt  }
0x79: {  	_ =	shalt  }
0x7a: {  	_ =	shalt  }
0x7b: {  	_ =	shalt  }
0x7c: {  	_ =	shalt  }
0x7d: {  	_ =	shalt  }
0x7e: {  	_ =	shalt  }
0x7f: {  	_ =	shalt  }
0x80: {  	_ =	shalt  }
0x81: {  	_ =	shalt  }
0x82: {  	_ =	shalt  }
0x83: {  	_ =	shalt  }
0x84: {  	_ =	shalt  }
0x85: {  	_ =	shalt  }
0x86: {  	_ =	shalt  }
0x87: {  	_ =	shalt  }
.Lfunc_end0:
.L_simem_size_0:
called_computation.1_lowered:
.L_overlay_start_0:
0x88: {  	s2 =	sld [smem:$0x3FD9]  }
0x89: {  	s3 =	sld [smem:$0x3FFE];
	_ =	sdelay $0x1  }
0x8a: {  	s1 =	srdreg.scid  }
0x8b: {  	s0 =	sand.u32 $0x1, s1  }
0x8c: {  	s17 =	sshll.u32 s0, $0xA;
	s2 =	sadd.s32 s3, s2  }
0x8d: {  	s2 =	sadd.s32 s2, s17  }
0x8e: {  	[smem:$0x3FB4] =	sst s2  }
0x8f: {  	_ = 	snop  }
0x90: {  	s2 =	sld [smem:$0x3FD0];
	(tm) =	ssettm $0x1  }
0x91: {  	s18 =	sld [smem:$0x3FFB];
	_ =	sdelay $0x3  }
0x92: {  	_ =	strace s18  }
0x93: {  	s3 =	sld [smem:$0x3FFC];
	_ =	sdelay $0x3  }
0x94: {  	_ =	strace s3  }
0x95: {  	s3 =	sld [smem:$0x3FFD];
	_ =	sdelay $0x3  }
0x96: {  	_ =	strace s3  }
0x97: {  	_ =	strace $0x8FFFFFFF  }
0x98: {  	s19 =	sld [smem:$0x3FDB];
	_ =	sdelay $0x1  }
0x99: {  	s4 =	simm.s32 $_scs_section_size  }
0x9a: {  	s5 =	simm.s32 $_size__tile_overlayer_lowered;
	s6 =	simm.s32 $_tile_overlayer_lowered  }
0x9b: {  	s22 =	simm.s32 $0x1BFF;
	s21 =	sshll.u32 s6, $0x1;
	s3 =	sadd.s32 s4, s19  }
0x9c: {  	s7 =	simm.s32 $0x0;
	s20 =	sshll.u32 s5, $0x1;
	s5 =	sadd.s32 s21, s3  }
0x9d: {  	[timem:s7], [sflag:s22] =	dma.local [hbm:s5], s20  }
0x9e: {  	_ =	swait.ge [sflag:s22], s20  }
0x9f: {  	s4 =	ssub.s32 $0x0, s20;
	[sflag:s22] =	ssyncset.done $0x0  }
0xa0: {  	[sflag:s22] =	ssyncadd.s32 s4;
	_ =	sdelay $0x1  }
0xa1: {  	s23 =	simm.s32 $0x1B8B  }
0xa2: {  	_ =	swait.ge [sflag:s23], $0x1  }
0xa3: {  	[sflag:s23] =	ssyncset.done $0x0  }
0xa4: {  	s25 =	simm.s32 $0x1B8E;
	s24 =	sld [smem:$0x3FFE];
	[sflag:s23] =	ssyncadd.s32 $0xFFFFFFFF  }
0xa5: {  	s26 =	simm.s32 $execute0_lowered;
	[smem:$0x3FD2] =	sst s25  }
0xa6: {  	s5 =	sshll.u32 s26, $0x1;
	_ =	strace $0x80000049;
	[dreg:$0x1] =	wrdreg $0xFFFFFFFF  }
0xa7: {  	s28 =	simm.s32 $_size_execute0_lowered;
	s3 =	sadd.s32 s3, s5;
	[dreg:$0x0] =	wrdreg $0x0  }
0xa8: {  	s5 =	sshll.u32 s28, $0x1;
	[dreg:$0x2] =	wrdreg s3  }
0xa9: {  	[dreg:$0x3] =	wrdreg s5  }
0xaa: {  	[dreg:$0x4] =	wrdreg $0xC0  }
0xab: {  	_ =	task [dreg:s7], $0x5FFFF  }
0xac: {  	[dreg:$0x1] =	wrdreg $0xFFFFFFFF  }
0xad: {  	[dreg:$0x0] =	wrdreg $0x60  }
0xae: {  	[dreg:$0x2] =	wrdreg s2  }
0xaf: {  	[dreg:$0x3] =	wrdreg s24  }
0xb0: {  	[dreg:$0x4] =	wrdreg $0xBC800  }
0xb1: {  	[dreg:$0x5] =	wrdreg $0x9  }
0xb2: {  	_ =	task.clear_ibuf [dreg:s7], $0x6FFFF;
	_ =	strace $0x90000049  }
0xb3: {  	s29 =	simm.s32 $0x9;
	_ =	strace $0x8000004B  }
0xb4: {  	_ =	swait.ge [sflag:s29], $0x1  }
0xb5: {  	[sflag:s29] =	ssyncadd.s32 $0xFFFFFFFF  }
0xb6: {  	_ =	strace $0x9000004B  }
0xb7: {  	_ =	sfence  }
0xb8: {  	s30 =	sld [smem:$0x0];
	_ =	sdelay $0x2  }
0xb9: {  	s31 =	sshll.u32 s1, $0xD;
	s1 =	sshrl.u32 s1, $0x2  }
0xba: {  	s3 =	sand.u32 $0x4000, s31;
	s1 =	sadd.s32 s1, s30  }
0xbb: {  	s0 =	sor.u32 s3, s0;
	s1 =	sshll.u32 s1, $0x11  }
0xbc: {  	s0 =	sor.u32 s1, s0  }
0xbd: {  	s0 =	sadd.s32 $0x8F2B, s0  }
0xbe: {  	[sflag:s0] =	ssyncadd.remote.s32 $0x1  }
0xbf: {  	_ =	sfence.sel $0xFFFF  }
0xc0: {  	[dreg:$0x0] =	wrdreg $0xFFFFFFFF;
	(pc) =	sbr.abs _section_cstart, $3  }
0xc1: {  	[dreg:$0x1] =	wrdreg $0xFFFFFFFF  }
0xc2: {  	_ =	task.clear_ibuf [dreg:s7], $0x2FFFF;
	_ =	strace $0x9FFFFFFF  }
0xc3: {  	(tm) =	ssettm $0x7FFFFFFF  }
tec
execute0_lowered:
.L_overlay_start_1:
0x0: {  	(tag) =	ssettag $0x1  }
0x1: {  	s2 =	rddreg [dreg:$0x0]  }
0x2: {  	s0 =	srdreg.scid;
	s4 =	rddreg [dreg:$0x1]  }
0x3: {  	s8 =	stileid.u32;
	s3 =	rddreg [dreg:$0x2]  }
0x4: {  	s7 =	simm.s32 $0x0;
	s28 =	simm.s32 $0x40;
	s29 =	simm.s32 $0x9C80  }
0x5: {  	s30 =	simm.s32 $0x1;
	s31 =	simm.s32 $0x2;
	s0 =	sand.u32 $0x1, s0  }
0x6: {  	[smem:$0x7FF] =	sst s7;
	s20 =	smul.u32 $0x13C00, s8;
	s9 =	sadd.s32 $0x20E00, s4  }
0x7: {  	s1 =	sshll.u32 s0, $0x4;
	s6 =	smul.u32 $0x13C000, s0;
	_ =	strace $0x8000004A  }
0x8: {  	s0 =	ssub.s32 $0x2, s0;
	s1 =	sor.u32 s8, s1;
	s8 =	smul.u32 $0x4F000, s8  }
0x9: {  	[dreg:$0x4] =	wrdreg s9;
	s22 =	sshrl.u32 s0, $0x1;
	s5 =	smul.u32 $0x4E8, s1  }
0xa: {  	s1 =	smul.u32 $0xA00, s1;
	s6 =	sadd.s32 s20, s6;
	s0 =	ssub.s32 s0, s22  }
0xb: {  	s6 =	sshrl.u32 s6, $0x3;
	s21 =	sshrl.u32 s8, $0x2;
	s22 =	smax.u32 s0, $0x1  }
0xc: {  	s0 =	simm.s32 $0x0;
	s5 =	sadd.s32 s5, s4;
	s1 =	sadd.s32 s1, s4  }
0xd: {  	s4 =	sadd.s32 s6, s4;
	s6 =	sadd.s32 s21, s3;
	s5 =	sadd.s32 $0x16E00, s5  }
0xe: {  	s23 =	sadd.s32 $0x2000, s6;
	s24 =	sadd.s32 $0x4000, s6;
	s25 =	sadd.s32 $0x6000, s6  }
0xf: {  	s26 =	sadd.s32 $0x8000, s6;
	s12 =	sadd.s32 $0xA000, s6;
	s13 =	sadd.s32 $0xC000, s6  }
0x10: {  	s14 =	sadd.s32 $0xE000, s6;
	s15 =	sadd.s32 $0x10000, s6;
	[dreg:$0x5] =	wrdreg s5  }
0x11: {  	s16 =	sadd.s32 $0x12000, s6;
	s17 =	sadd.s32 $0x2E00, s1;
	[dreg:$0x6] =	wrdreg s23  }
0x12: {  	s18 =	sadd.s32 $0x21000, s4;
	s19 =	sadd.s32 $0x70000, s4;
	[dreg:$0x7] =	wrdreg s24  }
0x13: {  	s20 =	sadd.s32 $0xBF000, s4;
	s21 =	sadd.s32 $0x10E000, s4;
	[dreg:$0x8] =	wrdreg s25  }
0x14: {  	s1 =	simm.s32 $0x7580;
	[dreg:$0x9] =	wrdreg s26;
	s23 =	simm.s32 $0x3  }
0x15: {  	v0 =	vimm.f32 $0.0e+00;
	s24 =	simm.s32 $0x7780;
	s25 =	simm.s32 $0x7C80;
	s26 =	simm.s32 $0x2780  }
.LBB2_1:
0x16: {  	s4 =	simm.s32 $0x0;
	s5 =	rddreg [dreg:$0x5]  }
0x17: {  	[tilespmem:s4], [sflag:$0x3] =	stream.linear.gather [hbm4b:s5+s4], $0x2740, $0x38;
	[tilespmem:$0x1F880] =	vst v63  }
0x18: {  	_ =	swait.ge [sflag:s23], $0x2740  }
0x19: {  	[sflag:s23] =	ssyncset.done $0x0  }
0x1a: {  	s11 =	rddreg [dreg:$0x4];
	[sflag:s23] =	ssyncadd.s32 $0xFFFFD8C0  }
0x1b: {  	[tilespmem:s24], [sflag:$0x3] =	stream.linear.gather [hbm4b:s11+s4], $0x500, $0x38;
	[tilespmem:$0x1F880] =	vst v63  }
0x1c: {  	_ =	swait.ge [sflag:s23], $0x500  }
0x1d: {  	[sflag:s23] =	ssyncset.done $0x0  }
0x1e: {  	s5 =	simm.s32 $0x200;
	s4 =	simm.s32 $0x0;
	[sflag:s23] =	ssyncadd.s32 $0xFFFFFB00  }
.LBB2_2:
0x1f: {  	p0 =	sne.s32 s5, $0x7E00;
	[tilespmem:s4+$0x7CF0] =	vst v0  }
0x20: {  	[tilespmem:s4+$0x7C80] =	vst v0  }
0x21: {  	[tilespmem:s4+$0x7C90] =	vst v0  }
.Ltmp0:
0x22: {  	[tilespmem:s4+$0x7CA0] =	vst v0;
	(pc) =	sbr.rel @p0 .LBB2_2-.Ltmp0, $4  }
0x23: {  	[tilespmem:s4+$0x7CB0] =	vst v0  }
0x24: {  	[tilespmem:s4+$0x7CC0] =	vst v0  }
0x25: {  	[tilespmem:s4+$0x7CD0] =	vst v0  }
0x26: {  	[tilespmem:s4+$0x7CE0] =	vst v0;
	s4 =	sshra.s32 s5, $0x2;
	s5 =	sadd.s32 $0x200, s5  }
0x27: {  	[tilespmem:s4+$0x7CF0] =	vst v0  }
0x28: {  	[tilespmem:s4+$0x7C80] =	vst v0  }
0x29: {  	[tilespmem:s4+$0x7C90] =	vst v0  }
0x2a: {  	[tilespmem:s4+$0x7CA0] =	vst v0  }
0x2b: {  	[tilespmem:s4+$0x7CB0] =	vst v0  }
0x2c: {  	[tilespmem:s4+$0x7CC0] =	vst v0  }
0x2d: {  	[tilespmem:s4+$0x7CD0] =	vst v0  }
0x2e: {  	[tilespmem:s4+$0x7CE0] =	vst v0  }
0x2f: {  	[spmem:s6] =	stream.linear.scatter [tilespmem:s25], [sflag:$0x3], $0x2000, $0x38;
	[tilespmem:$0x1F880] =	vst v63  }
0x30: {  	_ =	swait.ge [sflag:s23], $0x2000  }
0x31: {  	[sflag:s23] =	ssyncset.done $0x0  }
0x32: {  	s8 =	rddreg [dreg:$0x6];
	[sflag:s23] =	ssyncadd.s32 $0xFFFFE000  }
0x33: {  	[spmem:s8] =	stream.linear.scatter [tilespmem:s25], [sflag:$0x3], $0x2000, $0x38;
	[tilespmem:$0x1F880] =	vst v63  }
0x34: {  	_ =	swait.ge [sflag:s23], $0x2000  }
0x35: {  	[sflag:s23] =	ssyncset.done $0x0  }
0x36: {  	s9 =	rddreg [dreg:$0x7];
	[sflag:s23] =	ssyncadd.s32 $0xFFFFE000  }
0x37: {  	[spmem:s9] =	stream.linear.scatter [tilespmem:s25], [sflag:$0x3], $0x2000, $0x38;
	[tilespmem:$0x1F880] =	vst v63  }
0x38: {  	_ =	swait.ge [sflag:s23], $0x2000  }
0x39: {  	[sflag:s23] =	ssyncset.done $0x0  }
0x3a: {  	s10 =	rddreg [dreg:$0x8];
	[sflag:s23] =	ssyncadd.s32 $0xFFFFE000  }
0x3b: {  	[spmem:s10] =	stream.linear.scatter [tilespmem:s25], [sflag:$0x3], $0x2000, $0x38;
	[tilespmem:$0x1F880] =	vst v63  }
0x3c: {  	_ =	swait.ge [sflag:s23], $0x2000  }
0x3d: {  	[sflag:s23] =	ssyncset.done $0x0  }
0x3e: {  	s11 =	rddreg [dreg:$0x9];
	[sflag:s23] =	ssyncadd.s32 $0xFFFFE000  }
0x3f: {  	[spmem:s11] =	stream.linear.scatter [tilespmem:s25], [sflag:$0x3], $0x2000, $0x38;
	[tilespmem:$0x1F880] =	vst v63  }
0x40: {  	_ =	swait.ge [sflag:s23], $0x2000  }
0x41: {  	[sflag:s23] =	ssyncset.done $0x0  }
0x42: {  	[sflag:s23] =	ssyncadd.s32 $0xFFFFE000  }
0x43: {  	[spmem:s12] =	stream.linear.scatter [tilespmem:s25], [sflag:$0x3], $0x2000, $0x38;
	[tilespmem:$0x1F880] =	vst v63  }
0x44: {  	_ =	swait.ge [sflag:s23], $0x2000  }
0x45: {  	[sflag:s23] =	ssyncset.done $0x0  }
0x46: {  	[sflag:s23] =	ssyncadd.s32 $0xFFFFE000  }
0x47: {  	[spmem:s13] =	stream.linear.scatter [tilespmem:s25], [sflag:$0x3], $0x2000, $0x38;
	[tilespmem:$0x1F880] =	vst v63  }
0x48: {  	_ =	swait.ge [sflag:s23], $0x2000  }
0x49: {  	[sflag:s23] =	ssyncset.done $0x0  }
0x4a: {  	[sflag:s23] =	ssyncadd.s32 $0xFFFFE000  }
0x4b: {  	[spmem:s14] =	stream.linear.scatter [tilespmem:s25], [sflag:$0x3], $0x2000, $0x38;
	[tilespmem:$0x1F880] =	vst v63  }
0x4c: {  	_ =	swait.ge [sflag:s23], $0x2000  }
0x4d: {  	[sflag:s23] =	ssyncset.done $0x0  }
0x4e: {  	[sflag:s23] =	ssyncadd.s32 $0xFFFFE000  }
0x4f: {  	[spmem:s15] =	stream.linear.scatter [tilespmem:s25], [sflag:$0x3], $0x2000, $0x38;
	[tilespmem:$0x1F880] =	vst v63  }
0x50: {  	_ =	swait.ge [sflag:s23], $0x2000  }
0x51: {  	[sflag:s23] =	ssyncset.done $0x0  }
0x52: {  	[sflag:s23] =	ssyncadd.s32 $0xFFFFE000  }
0x53: {  	[spmem:s16] =	stream.linear.scatter [tilespmem:s25], [sflag:$0x3], $0x1C00, $0x38;
	[tilespmem:$0x1F880] =	vst v63  }
0x54: {  	_ =	swait.ge [sflag:s23], $0x1C00  }
0x55: {  	[sflag:s23] =	ssyncset.done $0x0  }
0x56: {  	s4 =	simm.s32 $0x0;
	[sflag:s23] =	ssyncadd.s32 $0xFFFFE400  }
0x57: {  	[tilespmem:s26], [sflag:$0x3] =	stream.linear.gather [hbm4b:s17+s4], $0x4E80, $0x38;
	[tilespmem:$0x1F880] =	vst v63  }
0x58: {  	_ =	swait.ge [sflag:s23], $0x4E80  }
0x59: {  	[sflag:s23] =	ssyncset.done $0x0  }
0x5a: {  	s5 =	simm.s32 $0x27A0;
	[sflag:s23] =	ssyncadd.s32 $0xFFFFB180  }
.LBB2_4:
0x5b: {  	s7 =	sshra.s32 s4, $0x2  }
0x5c: {  	v1 =	vld [tilespmem:s7+$0x0];
	_ =	sdelay $0x4  }
0x5d: {  	v2 =	vshrl.u32 v1, $0x3;
	_ =	sdelay $0x4  }
0x5e: {  	v2 =	vld.idx.msk [tilespmem:v2+s24+$0x0], $0xffff;
	_ =	sdelay $0x2  }
0x5f: {  	v3 =	vld [tilespmem:s5+$0xFFFFFFE0];
	v1 =	vshll.u32 v1, $0x2  }
0x60: {  	v1 =	vand.u32 $0x1C, v1  }
0x61: {  	v1 =	vshrl.u32 v2, v1  }
0x62: {  	v1 =	vand.u32 $0x1, v1  }
0x63: {  	vm0 =	veq.s32 v1, $0x0  }
0x64: {  	v1 =	vnsel vm0, $0x2710, v3  }
0x65: {  	[tilespmem:s5+$0xFFFFFFE0] =	vst v1  }
0x66: {  	v1 =	vld [tilespmem:s7+$0x10];
	_ =	sdelay $0x4  }
0x67: {  	v2 =	vshrl.u32 v1, $0x3;
	_ =	sdelay $0x4  }
0x68: {  	v2 =	vld.idx.msk [tilespmem:v2+s24+$0x0], $0xffff;
	_ =	sdelay $0x2  }
0x69: {  	v3 =	vld [tilespmem:s5+$0xFFFFFFF0];
	v1 =	vshll.u32 v1, $0x2  }
0x6a: {  	v1 =	vand.u32 $0x1C, v1  }
0x6b: {  	v1 =	vshrl.u32 v2, v1  }
0x6c: {  	v1 =	vand.u32 $0x1, v1  }
0x6d: {  	vm13 =	veq.s32 v1, $0x0  }
0x6e: {  	v1 =	vnsel vm13, $0x2710, v3  }
0x6f: {  	[tilespmem:s5+$0xFFFFFFF0] =	vst v1  }
0x70: {  	v1 =	vld [tilespmem:s7+$0x20];
	_ =	sdelay $0x4  }
0x71: {  	v2 =	vshrl.u32 v1, $0x3;
	_ =	sdelay $0x4  }
0x72: {  	v2 =	vld.idx.msk [tilespmem:v2+s24+$0x0], $0xffff;
	_ =	sdelay $0x2  }
0x73: {  	v3 =	vld [tilespmem:s5+$0x0];
	v1 =	vshll.u32 v1, $0x2  }
0x74: {  	v1 =	vand.u32 $0x1C, v1  }
0x75: {  	v1 =	vshrl.u32 v2, v1  }
0x76: {  	v1 =	vand.u32 $0x1, v1  }
0x77: {  	vm14 =	veq.s32 v1, $0x0  }
0x78: {  	v1 =	vnsel vm14, $0x2710, v3  }
0x79: {  	[tilespmem:s5+$0x0] =	vst v1  }
0x7a: {  	v1 =	vld [tilespmem:s7+$0x30];
	_ =	sdelay $0x4  }
0x7b: {  	v2 =	vshrl.u32 v1, $0x3;
	_ =	sdelay $0x4  }
0x7c: {  	v2 =	vld.idx.msk [tilespmem:v2+s24+$0x0], $0xffff;
	_ =	sdelay $0x2  }
0x7d: {  	v3 =	vld [tilespmem:s5+$0x10];
	v1 =	vshll.u32 v1, $0x2  }
0x7e: {  	p0 =	sne.s32 s4, $0x9C00;
	v1 =	vand.u32 $0x1C, v1  }
.Ltmp1:
0x7f: {  	v1 =	vshrl.u32 v2, v1;
	(pc) =	sbr.rel @p0 .LBB2_4-.Ltmp1, $4  }
0x80: {  	v1 =	vand.u32 $0x1, v1  }
0x81: {  	vm15 =	veq.s32 v1, $0x0  }
0x82: {  	v1 =	vnsel vm15, $0x2710, v3  }
0x83: {  	s4 =	sadd.s32 $0x100, s4;
	[tilespmem:s5+$0x10] =	vst v1;
	s5 =	sadd.s32 $0x80, s5  }
0x84: {  	[bflag:$0x0] =	sbarrier.arrive $0xFFFF;
	s4 =	simm.s32 $0x0  }
0x85: {  	[tilespmem:s25], [sflag:$0x1] =	stream.indirect.gather [hbm4b:s2+s28], $0x80, s4, s28, $0xb8;
	[tilespmem:$0x1F880] =	vst v63  }
0x86: {  	s8 =	simm.s32 $0x40  }
0x87: {  	[tilespmem:s29], [sflag:$0x2] =	stream.indirect.gather [hbm4b:s2+s28], $0x80, s8, s28, $0xb8;
	[tilespmem:$0x1F880] =	vst v63  }
0x88: {  	_ =	swait.ge [sflag:s30], $0x2000  }
0x89: {  	[sflag:s30] =	ssyncset.done $0x0  }
0x8a: {  	s9 =	simm.s32 $0x2780;
	[sflag:s30] =	ssyncadd.s32 $0xFFFFE000  }
0x8b: {  	[spmem:s3] =	stream.indirect.scatter.add.f32 [tilespmem:s25], [sflag:$0x3], $0x80, s9, s28, $0xb8;
	[tilespmem:$0x1F880] =	vst v63  }
0x8c: {  	_ =	swait.ge [sflag:s23], $0x2000  }
0x8d: {  	[sflag:s23] =	ssyncset.done $0x0  }
0x8e: {  	s10 =	simm.s32 $0x80;
	[sflag:s23] =	ssyncadd.s32 $0xFFFFE000  }
0x8f: {  	[tilespmem:s25], [sflag:$0x1] =	stream.indirect.gather [hbm4b:s2+s28], $0x80, s10, s28, $0xb8;
	[tilespmem:$0x1F880] =	vst v63  }
0x90: {  	_ =	swait.ge [sflag:s31], $0x2000  }
0x91: {  	[sflag:s31] =	ssyncset.done $0x0  }
0x92: {  	s11 =	simm.s32 $0x2800;
	[sflag:s31] =	ssyncadd.s32 $0xFFFFE000  }
0x93: {  	[spmem:s3] =	stream.indirect.scatter.add.f32 [tilespmem:s29], [sflag:$0x3], $0x80, s11, s28, $0xb8;
	[tilespmem:$0x1F880] =	vst v63  }
0x94: {  	s5 =	simm.s32 $0x400;
	_ =	swait.ge [sflag:s23], $0x2000  }
0x95: {  	s7 =	simm.s32 $0x800;
	s4 =	simm.s32 $0x100;
	[sflag:s23] =	ssyncset.done $0x0  }
.LBB2_6:
0x96: {  	p0 =	sne.s32 s7, $0x13400;
	s8 =	sadd.s32 $0xFFFFFFC0, s4;
	[sflag:s23] =	ssyncadd.s32 $0xFFFFE000  }
0x97: {  	[tilespmem:s29], [sflag:$0x2] =	stream.indirect.gather [hbm4b:s2+s28], $0x80, s8, s28, $0xb8;
	[tilespmem:$0x1F880] =	vst v63  }
0x98: {  	s8 =	smov.u32 s7;
	s7 =	sadd.s32 $0x400, s7;
	_ =	swait.ge [sflag:s30], $0x2000  }
0x99: {  	s9 =	sshra.s32 s5, $0x2;
	s5 =	smov.u32 s8;
	[sflag:s30] =	ssyncset.done $0x0  }
0x9a: {  	s8 =	sadd.s32 $0x2780, s9;
	[sflag:s30] =	ssyncadd.s32 $0xFFFFE000  }
0x9b: {  	[spmem:s3] =	stream.indirect.scatter.add.f32 [tilespmem:s25], [sflag:$0x3], $0x80, s8, s28, $0xb8;
	[tilespmem:$0x1F880] =	vst v63  }
0x9c: {  	_ =	swait.ge [sflag:s23], $0x2000  }
0x9d: {  	[sflag:s23] =	ssyncset.done $0x0  }
0x9e: {  	[sflag:s23] =	ssyncadd.s32 $0xFFFFE000  }
0x9f: {  	[tilespmem:s25], [sflag:$0x1] =	stream.indirect.gather [hbm4b:s2+s28], $0x80, s4, s28, $0xb8;
	[tilespmem:$0x1F880] =	vst v63  }
0xa0: {  	_ =	swait.ge [sflag:s31], $0x2000  }
.Ltmp2:
0xa1: {  	[sflag:s31] =	ssyncset.done $0x0;
	(pc) =	sbr.rel @p0 .LBB2_6-.Ltmp2, $4  }
0xa2: {  	s8 =	sadd.s32 $0x2800, s9;
	[sflag:s31] =	ssyncadd.s32 $0xFFFFE000  }
0xa3: {  	[spmem:s3] =	stream.indirect.scatter.add.f32 [tilespmem:s29], [sflag:$0x3], $0x80, s8, s28, $0xb8;
	[tilespmem:$0x1F880] =	vst v63  }
0xa4: {  	_ =	swait.ge [sflag:s23], $0x2000  }
0xa5: {  	s4 =	sadd.s32 $0x80, s4;
	[sflag:s23] =	ssyncset.done $0x0  }
0xa6: {  	s7 =	sadd.s32 $0xFFFFFFC0, s4;
	[sflag:s23] =	ssyncadd.s32 $0xFFFFE000  }
0xa7: {  	[tilespmem:s29], [sflag:$0x2] =	stream.indirect.gather [hbm4b:s2+s28], $0x80, s7, s28, $0xb8;
	[tilespmem:$0x1F880] =	vst v63  }
0xa8: {  	_ =	swait.ge [sflag:s30], $0x2000  }
0xa9: {  	s5 =	sshra.s32 s5, $0x2;
	[sflag:s30] =	ssyncset.done $0x0  }
0xaa: {  	s9 =	sadd.s32 $0x2780, s5;
	[sflag:s30] =	ssyncadd.s32 $0xFFFFE000  }
0xab: {  	[spmem:s3] =	stream.indirect.scatter.add.f32 [tilespmem:s25], [sflag:$0x3], $0x80, s9, s28, $0xb8;
	[tilespmem:$0x1F880] =	vst v63  }
0xac: {  	_ =	swait.ge [sflag:s23], $0x2000  }
0xad: {  	[sflag:s23] =	ssyncset.done $0x0  }
0xae: {  	[sflag:s23] =	ssyncadd.s32 $0xFFFFE000  }
0xaf: {  	[tilespmem:s25], [sflag:$0x1] =	stream.indirect.gather [hbm4b:s2+s28], $0x80, s4, s28, $0xb8;
	[tilespmem:$0x1F880] =	vst v63  }
0xb0: {  	_ =	swait.ge [sflag:s31], $0x2000  }
0xb1: {  	[sflag:s31] =	ssyncset.done $0x0  }
0xb2: {  	s10 =	sadd.s32 $0x2800, s5;
	[sflag:s31] =	ssyncadd.s32 $0xFFFFE000  }
0xb3: {  	[spmem:s3] =	stream.indirect.scatter.add.f32 [tilespmem:s29], [sflag:$0x3], $0x80, s10, s28, $0xb8;
	[tilespmem:$0x1F880] =	vst v63  }
0xb4: {  	_ =	swait.ge [sflag:s23], $0x2000  }
0xb5: {  	[sflag:s23] =	ssyncset.done $0x0  }
0xb6: {  	[sflag:s23] =	ssyncadd.s32 $0xFFFFE000  }
0xb7: {  	_ =	swait.ge [sflag:s30], $0x2000  }
0xb8: {  	[sflag:s30] =	ssyncset.done $0x0  }
0xb9: {  	[sflag:s30] =	ssyncadd.s32 $0xFFFFE000  }
0xba: {  	[spmem:s3] =	stream.indirect.scatter.add.f32 [tilespmem:s25], [sflag:$0x3], $0x80, s1, s28, $0xb8;
	[tilespmem:$0x1F880] =	vst v63  }
0xbb: {  	_ =	swait.ge [sflag:s23], $0x2000  }
0xbc: {  	s11 =	stileid.u32;
	[sflag:s23] =	ssyncset.done $0x0  }
0xbd: {  	s4 =	sshll.u32 s11, $0x6;
	[sflag:s23] =	ssyncadd.s32 $0xFFFFE000  }
0xbe: {  	s5 =	sshrl.u32 s6, $0x3;
	s4 =	sor.u32 $0x1C03, s4;
	[bflag:$0x0] =	sbarrier.arrive $0xFFFF  }
0xbf: {  	[hbm:s18], [sflag:s4] =	dma.local [spmem:s5], $0x2780  }
0xc0: {  	_ =	swait.ge [sflag:s23], $0x2780  }
0xc1: {  	[sflag:s23] =	ssyncset.done $0x0  }
0xc2: {  	s7 =	simm.s32 $0x0;
	[sflag:s23] =	ssyncadd.s32 $0xFFFFD880  }
0xc3: {  	[tilespmem:s26], [sflag:$0x3] =	stream.linear.gather [hbm4b:s17+s7], $0x4E80, $0x38;
	[tilespmem:$0x1F880] =	vst v63  }
0xc4: {  	_ =	swait.ge [sflag:s23], $0x4E80  }
0xc5: {  	[sflag:s23] =	ssyncset.done $0x0  }
0xc6: {  	s8 =	simm.s32 $0x27A0;
	[sflag:s23] =	ssyncadd.s32 $0xFFFFB180  }
.LBB2_8:
0xc7: {  	s9 =	sshra.s32 s7, $0x2  }
0xc8: {  	v1 =	vld [tilespmem:s9+$0x0];
	_ =	sdelay $0x4  }
0xc9: {  	v2 =	vshrl.u32 v1, $0x3;
	_ =	sdelay $0x4  }
0xca: {  	v2 =	vld.idx.msk [tilespmem:v2+s24+$0x0], $0xffff;
	_ =	sdelay $0x2  }
0xcb: {  	v3 =	vld [tilespmem:s8+$0xFFFFFFE0];
	v1 =	vshll.u32 v1, $0x2  }
0xcc: {  	v1 =	vand.u32 $0x1C, v1  }
0xcd: {  	v1 =	vshrl.u32 v2, v1  }
0xce: {  	v1 =	vand.u32 $0x2, v1  }
0xcf: {  	vm0 =	veq.s32 v1, $0x0  }
0xd0: {  	v1 =	vnsel vm0, $0x2710, v3  }
0xd1: {  	[tilespmem:s8+$0xFFFFFFE0] =	vst v1  }
0xd2: {  	v1 =	vld [tilespmem:s9+$0x10];
	_ =	sdelay $0x4  }
0xd3: {  	v2 =	vshrl.u32 v1, $0x3;
	_ =	sdelay $0x4  }
0xd4: {  	v2 =	vld.idx.msk [tilespmem:v2+s24+$0x0], $0xffff;
	_ =	sdelay $0x2  }
0xd5: {  	v3 =	vld [tilespmem:s8+$0xFFFFFFF0];
	v1 =	vshll.u32 v1, $0x2  }
0xd6: {  	v1 =	vand.u32 $0x1C, v1  }
0xd7: {  	v1 =	vshrl.u32 v2, v1  }
0xd8: {  	v1 =	vand.u32 $0x2, v1  }
0xd9: {  	vm13 =	veq.s32 v1, $0x0  }
0xda: {  	v1 =	vnsel vm13, $0x2710, v3  }
0xdb: {  	[tilespmem:s8+$0xFFFFFFF0] =	vst v1  }
0xdc: {  	v1 =	vld [tilespmem:s9+$0x20];
	_ =	sdelay $0x4  }
0xdd: {  	v2 =	vshrl.u32 v1, $0x3;
	_ =	sdelay $0x4  }
0xde: {  	v2 =	vld.idx.msk [tilespmem:v2+s24+$0x0], $0xffff;
	_ =	sdelay $0x2  }
0xdf: {  	v3 =	vld [tilespmem:s8+$0x0];
	v1 =	vshll.u32 v1, $0x2  }
0xe0: {  	v1 =	vand.u32 $0x1C, v1  }
0xe1: {  	v1 =	vshrl.u32 v2, v1  }
0xe2: {  	v1 =	vand.u32 $0x2, v1  }
0xe3: {  	vm14 =	veq.s32 v1, $0x0  }
0xe4: {  	v1 =	vnsel vm14, $0x2710, v3  }
0xe5: {  	[tilespmem:s8+$0x0] =	vst v1  }
0xe6: {  	v1 =	vld [tilespmem:s9+$0x30];
	_ =	sdelay $0x4  }
0xe7: {  	v2 =	vshrl.u32 v1, $0x3;
	_ =	sdelay $0x4  }
0xe8: {  	v2 =	vld.idx.msk [tilespmem:v2+s24+$0x0], $0xffff;
	_ =	sdelay $0x2  }
0xe9: {  	v3 =	vld [tilespmem:s8+$0x10];
	v1 =	vshll.u32 v1, $0x2  }
0xea: {  	p0 =	sne.s32 s7, $0x9C00;
	v1 =	vand.u32 $0x1C, v1  }
.Ltmp3:
0xeb: {  	v1 =	vshrl.u32 v2, v1;
	(pc) =	sbr.rel @p0 .LBB2_8-.Ltmp3, $4  }
0xec: {  	v1 =	vand.u32 $0x2, v1  }
0xed: {  	vm15 =	veq.s32 v1, $0x0  }
0xee: {  	v1 =	vnsel vm15, $0x2710, v3  }
0xef: {  	s7 =	sadd.s32 $0x100, s7;
	[tilespmem:s8+$0x10] =	vst v1;
	s8 =	sadd.s32 $0x80, s8  }
0xf0: {  	[bflag:$0x0] =	sbarrier.arrive $0xFFFF;
	s7 =	simm.s32 $0x0  }
0xf1: {  	[tilespmem:s25], [sflag:$0x1] =	stream.indirect.gather [hbm4b:s2+s28], $0x80, s7, s28, $0xb8;
	[tilespmem:$0x1F880] =	vst v63  }
0xf2: {  	s8 =	simm.s32 $0x40  }
0xf3: {  	[tilespmem:s29], [sflag:$0x2] =	stream.indirect.gather [hbm4b:s2+s28], $0x80, s8, s28, $0xb8;
	[tilespmem:$0x1F880] =	vst v63  }
0xf4: {  	_ =	swait.ge [sflag:s30], $0x2000  }
0xf5: {  	[sflag:s30] =	ssyncset.done $0x0  }
0xf6: {  	s9 =	simm.s32 $0x2780;
	[sflag:s30] =	ssyncadd.s32 $0xFFFFE000  }
0xf7: {  	[spmem:s3] =	stream.indirect.scatter.add.f32 [tilespmem:s25], [sflag:$0x3], $0x80, s9, s28, $0xb8;
	[tilespmem:$0x1F880] =	vst v63  }
0xf8: {  	_ =	swait.ge [sflag:s23], $0x2000  }
0xf9: {  	[sflag:s23] =	ssyncset.done $0x0  }
0xfa: {  	s10 =	simm.s32 $0x80;
	[sflag:s23] =	ssyncadd.s32 $0xFFFFE000  }
0xfb: {  	[tilespmem:s25], [sflag:$0x1] =	stream.indirect.gather [hbm4b:s2+s28], $0x80, s10, s28, $0xb8;
	[tilespmem:$0x1F880] =	vst v63  }
0xfc: {  	_ =	swait.ge [sflag:s31], $0x2000  }
0xfd: {  	[sflag:s31] =	ssyncset.done $0x0  }
0xfe: {  	s11 =	simm.s32 $0x2800;
	[sflag:s31] =	ssyncadd.s32 $0xFFFFE000  }
0xff: {  	[spmem:s3] =	stream.indirect.scatter.add.f32 [tilespmem:s29], [sflag:$0x3], $0x80, s11, s28, $0xb8;
	[tilespmem:$0x1F880] =	vst v63  }
0x100: {  	s7 =	simm.s32 $0x100;
	_ =	swait.ge [sflag:s23], $0x2000  }
0x101: {  	s8 =	simm.s32 $0x400;
	s9 =	simm.s32 $0x800;
	[sflag:s23] =	ssyncset.done $0x0  }
.LBB2_10:
0x102: {  	p0 =	sne.s32 s9, $0x13400;
	s10 =	sadd.s32 $0xFFFFFFC0, s7;
	[sflag:s23] =	ssyncadd.s32 $0xFFFFE000  }
0x103: {  	[tilespmem:s29], [sflag:$0x2] =	stream.indirect.gather [hbm4b:s2+s28], $0x80, s10, s28, $0xb8;
	[tilespmem:$0x1F880] =	vst v63  }
0x104: {  	s10 =	smov.u32 s9;
	s9 =	sadd.s32 $0x400, s9;
	_ =	swait.ge [sflag:s30], $0x2000  }
0x105: {  	s11 =	sshra.s32 s8, $0x2;
	s8 =	smov.u32 s10;
	[sflag:s30] =	ssyncset.done $0x0  }
0x106: {  	s10 =	sadd.s32 $0x2780, s11;
	[sflag:s30] =	ssyncadd.s32 $0xFFFFE000  }
0x107: {  	[spmem:s3] =	stream.indirect.scatter.add.f32 [tilespmem:s25], [sflag:$0x3], $0x80, s10, s28, $0xb8;
	[tilespmem:$0x1F880] =	vst v63  }
0x108: {  	_ =	swait.ge [sflag:s23], $0x2000  }
0x109: {  	[sflag:s23] =	ssyncset.done $0x0  }
0x10a: {  	[sflag:s23] =	ssyncadd.s32 $0xFFFFE000  }
0x10b: {  	[tilespmem:s25], [sflag:$0x1] =	stream.indirect.gather [hbm4b:s2+s28], $0x80, s7, s28, $0xb8;
	[tilespmem:$0x1F880] =	vst v63  }
0x10c: {  	_ =	swait.ge [sflag:s31], $0x2000  }
.Ltmp4:
0x10d: {  	[sflag:s31] =	ssyncset.done $0x0;
	(pc) =	sbr.rel @p0 .LBB2_10-.Ltmp4, $4  }
0x10e: {  	s10 =	sadd.s32 $0x2800, s11;
	[sflag:s31] =	ssyncadd.s32 $0xFFFFE000  }
0x10f: {  	[spmem:s3] =	stream.indirect.scatter.add.f32 [tilespmem:s29], [sflag:$0x3], $0x80, s10, s28, $0xb8;
	[tilespmem:$0x1F880] =	vst v63  }
0x110: {  	_ =	swait.ge [sflag:s23], $0x2000  }
0x111: {  	s7 =	sadd.s32 $0x80, s7;
	[sflag:s23] =	ssyncset.done $0x0  }
0x112: {  	s9 =	sadd.s32 $0xFFFFFFC0, s7;
	[sflag:s23] =	ssyncadd.s32 $0xFFFFE000  }
0x113: {  	[tilespmem:s29], [sflag:$0x2] =	stream.indirect.gather [hbm4b:s2+s28], $0x80, s9, s28, $0xb8;
	[tilespmem:$0x1F880] =	vst v63  }
0x114: {  	_ =	swait.ge [sflag:s30], $0x2000  }
0x115: {  	s8 =	sshra.s32 s8, $0x2;
	[sflag:s30] =	ssyncset.done $0x0  }
0x116: {  	s10 =	sadd.s32 $0x2780, s8;
	[sflag:s30] =	ssyncadd.s32 $0xFFFFE000  }
0x117: {  	[spmem:s3] =	stream.indirect.scatter.add.f32 [tilespmem:s25], [sflag:$0x3], $0x80, s10, s28, $0xb8;
	[tilespmem:$0x1F880] =	vst v63  }
0x118: {  	_ =	swait.ge [sflag:s23], $0x2000  }
0x119: {  	[sflag:s23] =	ssyncset.done $0x0  }
0x11a: {  	[sflag:s23] =	ssyncadd.s32 $0xFFFFE000  }
0x11b: {  	[tilespmem:s25], [sflag:$0x1] =	stream.indirect.gather [hbm4b:s2+s28], $0x80, s7, s28, $0xb8;
	[tilespmem:$0x1F880] =	vst v63  }
0x11c: {  	_ =	swait.ge [sflag:s31], $0x2000  }
0x11d: {  	[sflag:s31] =	ssyncset.done $0x0  }
0x11e: {  	s11 =	sadd.s32 $0x2800, s8;
	[sflag:s31] =	ssyncadd.s32 $0xFFFFE000  }
0x11f: {  	[spmem:s3] =	stream.indirect.scatter.add.f32 [tilespmem:s29], [sflag:$0x3], $0x80, s11, s28, $0xb8;
	[tilespmem:$0x1F880] =	vst v63  }
0x120: {  	_ =	swait.ge [sflag:s23], $0x2000  }
0x121: {  	[sflag:s23] =	ssyncset.done $0x0  }
0x122: {  	[sflag:s23] =	ssyncadd.s32 $0xFFFFE000  }
0x123: {  	_ =	swait.ge [sflag:s30], $0x2000  }
0x124: {  	[sflag:s30] =	ssyncset.done $0x0  }
0x125: {  	[sflag:s30] =	ssyncadd.s32 $0xFFFFE000  }
0x126: {  	[spmem:s3] =	stream.indirect.scatter.add.f32 [tilespmem:s25], [sflag:$0x3], $0x80, s1, s28, $0xb8;
	[tilespmem:$0x1F880] =	vst v63  }
0x127: {  	_ =	swait.ge [sflag:s23], $0x2000  }
0x128: {  	[sflag:s23] =	ssyncset.done $0x0  }
0x129: {  	[sflag:s23] =	ssyncadd.s32 $0xFFFFE000  }
0x12a: {  	[bflag:$0x0] =	sbarrier.arrive $0xFFFF  }
0x12b: {  	[hbm:s19], [sflag:s4] =	dma.local [spmem:s5], $0x2780  }
0x12c: {  	_ =	swait.ge [sflag:s23], $0x2780  }
0x12d: {  	[sflag:s23] =	ssyncset.done $0x0  }
0x12e: {  	s7 =	simm.s32 $0x0;
	[sflag:s23] =	ssyncadd.s32 $0xFFFFD880  }
0x12f: {  	[tilespmem:s26], [sflag:$0x3] =	stream.linear.gather [hbm4b:s17+s7], $0x4E80, $0x38;
	[tilespmem:$0x1F880] =	vst v63  }
0x130: {  	_ =	swait.ge [sflag:s23], $0x4E80  }
0x131: {  	[sflag:s23] =	ssyncset.done $0x0  }
0x132: {  	s8 =	simm.s32 $0x27A0;
	[sflag:s23] =	ssyncadd.s32 $0xFFFFB180  }
.LBB2_12:
0x133: {  	s9 =	sshra.s32 s7, $0x2  }
0x134: {  	v1 =	vld [tilespmem:s9+$0x0];
	_ =	sdelay $0x4  }
0x135: {  	v2 =	vshrl.u32 v1, $0x3;
	_ =	sdelay $0x4  }
0x136: {  	v2 =	vld.idx.msk [tilespmem:v2+s24+$0x0], $0xffff;
	_ =	sdelay $0x2  }
0x137: {  	v3 =	vld [tilespmem:s8+$0xFFFFFFE0];
	v1 =	vshll.u32 v1, $0x2  }
0x138: {  	v1 =	vand.u32 $0x1C, v1  }
0x139: {  	v1 =	vshrl.u32 v2, v1  }
0x13a: {  	v1 =	vand.u32 $0x4, v1  }
0x13b: {  	vm0 =	veq.s32 v1, $0x0  }
0x13c: {  	v1 =	vnsel vm0, $0x2710, v3  }
0x13d: {  	[tilespmem:s8+$0xFFFFFFE0] =	vst v1  }
0x13e: {  	v1 =	vld [tilespmem:s9+$0x10];
	_ =	sdelay $0x4  }
0x13f: {  	v2 =	vshrl.u32 v1, $0x3;
	_ =	sdelay $0x4  }
0x140: {  	v2 =	vld.idx.msk [tilespmem:v2+s24+$0x0], $0xffff;
	_ =	sdelay $0x2  }
0x141: {  	v3 =	vld [tilespmem:s8+$0xFFFFFFF0];
	v1 =	vshll.u32 v1, $0x2  }
0x142: {  	v1 =	vand.u32 $0x1C, v1  }
0x143: {  	v1 =	vshrl.u32 v2, v1  }
0x144: {  	v1 =	vand.u32 $0x4, v1  }
0x145: {  	vm13 =	veq.s32 v1, $0x0  }
0x146: {  	v1 =	vnsel vm13, $0x2710, v3  }
0x147: {  	[tilespmem:s8+$0xFFFFFFF0] =	vst v1  }
0x148: {  	v1 =	vld [tilespmem:s9+$0x20];
	_ =	sdelay $0x4  }
0x149: {  	v2 =	vshrl.u32 v1, $0x3;
	_ =	sdelay $0x4  }
0x14a: {  	v2 =	vld.idx.msk [tilespmem:v2+s24+$0x0], $0xffff;
	_ =	sdelay $0x2  }
0x14b: {  	v3 =	vld [tilespmem:s8+$0x0];
	v1 =	vshll.u32 v1, $0x2  }
0x14c: {  	v1 =	vand.u32 $0x1C, v1  }
0x14d: {  	v1 =	vshrl.u32 v2, v1  }
0x14e: {  	v1 =	vand.u32 $0x4, v1  }
0x14f: {  	vm14 =	veq.s32 v1, $0x0  }
0x150: {  	v1 =	vnsel vm14, $0x2710, v3  }
0x151: {  	[tilespmem:s8+$0x0] =	vst v1  }
0x152: {  	v1 =	vld [tilespmem:s9+$0x30];
	_ =	sdelay $0x4  }
0x153: {  	v2 =	vshrl.u32 v1, $0x3;
	_ =	sdelay $0x4  }
0x154: {  	v2 =	vld.idx.msk [tilespmem:v2+s24+$0x0], $0xffff;
	_ =	sdelay $0x2  }
0x155: {  	v3 =	vld [tilespmem:s8+$0x10];
	v1 =	vshll.u32 v1, $0x2  }
0x156: {  	p0 =	sne.s32 s7, $0x9C00;
	v1 =	vand.u32 $0x1C, v1  }
.Ltmp5:
0x157: {  	v1 =	vshrl.u32 v2, v1;
	(pc) =	sbr.rel @p0 .LBB2_12-.Ltmp5, $4  }
0x158: {  	v1 =	vand.u32 $0x4, v1  }
0x159: {  	vm15 =	veq.s32 v1, $0x0  }
0x15a: {  	v1 =	vnsel vm15, $0x2710, v3  }
0x15b: {  	s7 =	sadd.s32 $0x100, s7;
	[tilespmem:s8+$0x10] =	vst v1;
	s8 =	sadd.s32 $0x80, s8  }
0x15c: {  	[bflag:$0x0] =	sbarrier.arrive $0xFFFF;
	s7 =	simm.s32 $0x0  }
0x15d: {  	[tilespmem:s25], [sflag:$0x1] =	stream.indirect.gather [hbm4b:s2+s28], $0x80, s7, s28, $0xb8;
	[tilespmem:$0x1F880] =	vst v63  }
0x15e: {  	s8 =	simm.s32 $0x40  }
0x15f: {  	[tilespmem:s29], [sflag:$0x2] =	stream.indirect.gather [hbm4b:s2+s28], $0x80, s8, s28, $0xb8;
	[tilespmem:$0x1F880] =	vst v63  }
0x160: {  	_ =	swait.ge [sflag:s30], $0x2000  }
0x161: {  	[sflag:s30] =	ssyncset.done $0x0  }
0x162: {  	s9 =	simm.s32 $0x2780;
	[sflag:s30] =	ssyncadd.s32 $0xFFFFE000  }
0x163: {  	[spmem:s3] =	stream.indirect.scatter.add.f32 [tilespmem:s25], [sflag:$0x3], $0x80, s9, s28, $0xb8;
	[tilespmem:$0x1F880] =	vst v63  }
0x164: {  	_ =	swait.ge [sflag:s23], $0x2000  }
0x165: {  	[sflag:s23] =	ssyncset.done $0x0  }
0x166: {  	s10 =	simm.s32 $0x80;
	[sflag:s23] =	ssyncadd.s32 $0xFFFFE000  }
0x167: {  	[tilespmem:s25], [sflag:$0x1] =	stream.indirect.gather [hbm4b:s2+s28], $0x80, s10, s28, $0xb8;
	[tilespmem:$0x1F880] =	vst v63  }
0x168: {  	_ =	swait.ge [sflag:s31], $0x2000  }
0x169: {  	[sflag:s31] =	ssyncset.done $0x0  }
0x16a: {  	s11 =	simm.s32 $0x2800;
	[sflag:s31] =	ssyncadd.s32 $0xFFFFE000  }
0x16b: {  	[spmem:s3] =	stream.indirect.scatter.add.f32 [tilespmem:s29], [sflag:$0x3], $0x80, s11, s28, $0xb8;
	[tilespmem:$0x1F880] =	vst v63  }
0x16c: {  	s7 =	simm.s32 $0x100;
	_ =	swait.ge [sflag:s23], $0x2000  }
0x16d: {  	s8 =	simm.s32 $0x400;
	s9 =	simm.s32 $0x800;
	[sflag:s23] =	ssyncset.done $0x0  }
.LBB2_14:
0x16e: {  	p0 =	sne.s32 s9, $0x13400;
	s10 =	sadd.s32 $0xFFFFFFC0, s7;
	[sflag:s23] =	ssyncadd.s32 $0xFFFFE000  }
0x16f: {  	[tilespmem:s29], [sflag:$0x2] =	stream.indirect.gather [hbm4b:s2+s28], $0x80, s10, s28, $0xb8;
	[tilespmem:$0x1F880] =	vst v63  }
0x170: {  	s10 =	smov.u32 s9;
	s9 =	sadd.s32 $0x400, s9;
	_ =	swait.ge [sflag:s30], $0x2000  }
0x171: {  	s11 =	sshra.s32 s8, $0x2;
	s8 =	smov.u32 s10;
	[sflag:s30] =	ssyncset.done $0x0  }
0x172: {  	s10 =	sadd.s32 $0x2780, s11;
	[sflag:s30] =	ssyncadd.s32 $0xFFFFE000  }
0x173: {  	[spmem:s3] =	stream.indirect.scatter.add.f32 [tilespmem:s25], [sflag:$0x3], $0x80, s10, s28, $0xb8;
	[tilespmem:$0x1F880] =	vst v63  }
0x174: {  	_ =	swait.ge [sflag:s23], $0x2000  }
0x175: {  	[sflag:s23] =	ssyncset.done $0x0  }
0x176: {  	[sflag:s23] =	ssyncadd.s32 $0xFFFFE000  }
0x177: {  	[tilespmem:s25], [sflag:$0x1] =	stream.indirect.gather [hbm4b:s2+s28], $0x80, s7, s28, $0xb8;
	[tilespmem:$0x1F880] =	vst v63  }
0x178: {  	_ =	swait.ge [sflag:s31], $0x2000  }
.Ltmp6:
0x179: {  	[sflag:s31] =	ssyncset.done $0x0;
	(pc) =	sbr.rel @p0 .LBB2_14-.Ltmp6, $4  }
0x17a: {  	s10 =	sadd.s32 $0x2800, s11;
	[sflag:s31] =	ssyncadd.s32 $0xFFFFE000  }
0x17b: {  	[spmem:s3] =	stream.indirect.scatter.add.f32 [tilespmem:s29], [sflag:$0x3], $0x80, s10, s28, $0xb8;
	[tilespmem:$0x1F880] =	vst v63  }
0x17c: {  	_ =	swait.ge [sflag:s23], $0x2000  }
0x17d: {  	s7 =	sadd.s32 $0x80, s7;
	[sflag:s23] =	ssyncset.done $0x0  }
0x17e: {  	s9 =	sadd.s32 $0xFFFFFFC0, s7;
	[sflag:s23] =	ssyncadd.s32 $0xFFFFE000  }
0x17f: {  	[tilespmem:s29], [sflag:$0x2] =	stream.indirect.gather [hbm4b:s2+s28], $0x80, s9, s28, $0xb8;
	[tilespmem:$0x1F880] =	vst v63  }
0x180: {  	_ =	swait.ge [sflag:s30], $0x2000  }
0x181: {  	s8 =	sshra.s32 s8, $0x2;
	[sflag:s30] =	ssyncset.done $0x0  }
0x182: {  	s10 =	sadd.s32 $0x2780, s8;
	[sflag:s30] =	ssyncadd.s32 $0xFFFFE000  }
0x183: {  	[spmem:s3] =	stream.indirect.scatter.add.f32 [tilespmem:s25], [sflag:$0x3], $0x80, s10, s28, $0xb8;
	[tilespmem:$0x1F880] =	vst v63  }
0x184: {  	_ =	swait.ge [sflag:s23], $0x2000  }
0x185: {  	[sflag:s23] =	ssyncset.done $0x0  }
0x186: {  	[sflag:s23] =	ssyncadd.s32 $0xFFFFE000  }
0x187: {  	[tilespmem:s25], [sflag:$0x1] =	stream.indirect.gather [hbm4b:s2+s28], $0x80, s7, s28, $0xb8;
	[tilespmem:$0x1F880] =	vst v63  }
0x188: {  	_ =	swait.ge [sflag:s31], $0x2000  }
0x189: {  	[sflag:s31] =	ssyncset.done $0x0  }
0x18a: {  	s11 =	sadd.s32 $0x2800, s8;
	[sflag:s31] =	ssyncadd.s32 $0xFFFFE000  }
0x18b: {  	[spmem:s3] =	stream.indirect.scatter.add.f32 [tilespmem:s29], [sflag:$0x3], $0x80, s11, s28, $0xb8;
	[tilespmem:$0x1F880] =	vst v63  }
0x18c: {  	_ =	swait.ge [sflag:s23], $0x2000  }
0x18d: {  	[sflag:s23] =	ssyncset.done $0x0  }
0x18e: {  	[sflag:s23] =	ssyncadd.s32 $0xFFFFE000  }
0x18f: {  	_ =	swait.ge [sflag:s30], $0x2000  }
0x190: {  	[sflag:s30] =	ssyncset.done $0x0  }
0x191: {  	[sflag:s30] =	ssyncadd.s32 $0xFFFFE000  }
0x192: {  	[spmem:s3] =	stream.indirect.scatter.add.f32 [tilespmem:s25], [sflag:$0x3], $0x80, s1, s28, $0xb8;
	[tilespmem:$0x1F880] =	vst v63  }
0x193: {  	_ =	swait.ge [sflag:s23], $0x2000  }
0x194: {  	[sflag:s23] =	ssyncset.done $0x0  }
0x195: {  	[sflag:s23] =	ssyncadd.s32 $0xFFFFE000  }
0x196: {  	[bflag:$0x0] =	sbarrier.arrive $0xFFFF  }
0x197: {  	[hbm:s20], [sflag:s4] =	dma.local [spmem:s5], $0x2780  }
0x198: {  	_ =	swait.ge [sflag:s23], $0x2780  }
0x199: {  	[sflag:s23] =	ssyncset.done $0x0  }
0x19a: {  	s7 =	simm.s32 $0x0;
	[sflag:s23] =	ssyncadd.s32 $0xFFFFD880  }
0x19b: {  	[tilespmem:s26], [sflag:$0x3] =	stream.linear.gather [hbm4b:s17+s7], $0x4E80, $0x38;
	[tilespmem:$0x1F880] =	vst v63  }
0x19c: {  	_ =	swait.ge [sflag:s23], $0x4E80  }
0x19d: {  	[sflag:s23] =	ssyncset.done $0x0  }
0x19e: {  	s8 =	simm.s32 $0x27A0;
	[sflag:s23] =	ssyncadd.s32 $0xFFFFB180  }
.LBB2_16:
0x19f: {  	s9 =	sshra.s32 s7, $0x2  }
0x1a0: {  	v1 =	vld [tilespmem:s9+$0x0];
	_ =	sdelay $0x4  }
0x1a1: {  	v2 =	vshrl.u32 v1, $0x3;
	_ =	sdelay $0x4  }
0x1a2: {  	v2 =	vld.idx.msk [tilespmem:v2+s24+$0x0], $0xffff;
	_ =	sdelay $0x2  }
0x1a3: {  	v3 =	vld [tilespmem:s8+$0xFFFFFFE0];
	v1 =	vshll.u32 v1, $0x2  }
0x1a4: {  	v1 =	vand.u32 $0x1C, v1  }
0x1a5: {  	v1 =	vshrl.u32 v2, v1  }
0x1a6: {  	v1 =	vand.u32 $0x8, v1  }
0x1a7: {  	vm0 =	veq.s32 v1, $0x0  }
0x1a8: {  	v1 =	vnsel vm0, $0x2710, v3  }
0x1a9: {  	[tilespmem:s8+$0xFFFFFFE0] =	vst v1  }
0x1aa: {  	v1 =	vld [tilespmem:s9+$0x10];
	_ =	sdelay $0x4  }
0x1ab: {  	v2 =	vshrl.u32 v1, $0x3;
	_ =	sdelay $0x4  }
0x1ac: {  	v2 =	vld.idx.msk [tilespmem:v2+s24+$0x0], $0xffff;
	_ =	sdelay $0x2  }
0x1ad: {  	v3 =	vld [tilespmem:s8+$0xFFFFFFF0];
	v1 =	vshll.u32 v1, $0x2  }
0x1ae: {  	v1 =	vand.u32 $0x1C, v1  }
0x1af: {  	v1 =	vshrl.u32 v2, v1  }
0x1b0: {  	v1 =	vand.u32 $0x8, v1  }
0x1b1: {  	vm13 =	veq.s32 v1, $0x0  }
0x1b2: {  	v1 =	vnsel vm13, $0x2710, v3  }
0x1b3: {  	[tilespmem:s8+$0xFFFFFFF0] =	vst v1  }
0x1b4: {  	v1 =	vld [tilespmem:s9+$0x20];
	_ =	sdelay $0x4  }
0x1b5: {  	v2 =	vshrl.u32 v1, $0x3;
	_ =	sdelay $0x4  }
0x1b6: {  	v2 =	vld.idx.msk [tilespmem:v2+s24+$0x0], $0xffff;
	_ =	sdelay $0x2  }
0x1b7: {  	v3 =	vld [tilespmem:s8+$0x0];
	v1 =	vshll.u32 v1, $0x2  }
0x1b8: {  	v1 =	vand.u32 $0x1C, v1  }
0x1b9: {  	v1 =	vshrl.u32 v2, v1  }
0x1ba: {  	v1 =	vand.u32 $0x8, v1  }
0x1bb: {  	vm14 =	veq.s32 v1, $0x0  }
0x1bc: {  	v1 =	vnsel vm14, $0x2710, v3  }
0x1bd: {  	[tilespmem:s8+$0x0] =	vst v1  }
0x1be: {  	v1 =	vld [tilespmem:s9+$0x30];
	_ =	sdelay $0x4  }
0x1bf: {  	v2 =	vshrl.u32 v1, $0x3;
	_ =	sdelay $0x4  }
0x1c0: {  	v2 =	vld.idx.msk [tilespmem:v2+s24+$0x0], $0xffff;
	_ =	sdelay $0x2  }
0x1c1: {  	v3 =	vld [tilespmem:s8+$0x10];
	v1 =	vshll.u32 v1, $0x2  }
0x1c2: {  	p0 =	sne.s32 s7, $0x9C00;
	v1 =	vand.u32 $0x1C, v1  }
.Ltmp7:
0x1c3: {  	v1 =	vshrl.u32 v2, v1;
	(pc) =	sbr.rel @p0 .LBB2_16-.Ltmp7, $4  }
0x1c4: {  	v1 =	vand.u32 $0x8, v1  }
0x1c5: {  	vm15 =	veq.s32 v1, $0x0  }
0x1c6: {  	v1 =	vnsel vm15, $0x2710, v3  }
0x1c7: {  	s7 =	sadd.s32 $0x100, s7;
	[tilespmem:s8+$0x10] =	vst v1;
	s8 =	sadd.s32 $0x80, s8  }
0x1c8: {  	[bflag:$0x0] =	sbarrier.arrive $0xFFFF;
	s7 =	simm.s32 $0x0  }
0x1c9: {  	[tilespmem:s25], [sflag:$0x1] =	stream.indirect.gather [hbm4b:s2+s28], $0x80, s7, s28, $0xb8;
	[tilespmem:$0x1F880] =	vst v63  }
0x1ca: {  	s8 =	simm.s32 $0x40  }
0x1cb: {  	[tilespmem:s29], [sflag:$0x2] =	stream.indirect.gather [hbm4b:s2+s28], $0x80, s8, s28, $0xb8;
	[tilespmem:$0x1F880] =	vst v63  }
0x1cc: {  	_ =	swait.ge [sflag:s30], $0x2000  }
0x1cd: {  	[sflag:s30] =	ssyncset.done $0x0  }
0x1ce: {  	s9 =	simm.s32 $0x2780;
	[sflag:s30] =	ssyncadd.s32 $0xFFFFE000  }
0x1cf: {  	[spmem:s3] =	stream.indirect.scatter.add.f32 [tilespmem:s25], [sflag:$0x3], $0x80, s9, s28, $0xb8;
	[tilespmem:$0x1F880] =	vst v63  }
0x1d0: {  	_ =	swait.ge [sflag:s23], $0x2000  }
0x1d1: {  	[sflag:s23] =	ssyncset.done $0x0  }
0x1d2: {  	s10 =	simm.s32 $0x80;
	[sflag:s23] =	ssyncadd.s32 $0xFFFFE000  }
0x1d3: {  	[tilespmem:s25], [sflag:$0x1] =	stream.indirect.gather [hbm4b:s2+s28], $0x80, s10, s28, $0xb8;
	[tilespmem:$0x1F880] =	vst v63  }
0x1d4: {  	_ =	swait.ge [sflag:s31], $0x2000  }
0x1d5: {  	[sflag:s31] =	ssyncset.done $0x0  }
0x1d6: {  	s11 =	simm.s32 $0x2800;
	[sflag:s31] =	ssyncadd.s32 $0xFFFFE000  }
0x1d7: {  	[spmem:s3] =	stream.indirect.scatter.add.f32 [tilespmem:s29], [sflag:$0x3], $0x80, s11, s28, $0xb8;
	[tilespmem:$0x1F880] =	vst v63  }
0x1d8: {  	s7 =	simm.s32 $0x100;
	_ =	swait.ge [sflag:s23], $0x2000  }
0x1d9: {  	s8 =	simm.s32 $0x400;
	s9 =	simm.s32 $0x800;
	[sflag:s23] =	ssyncset.done $0x0  }
.LBB2_18:
0x1da: {  	p0 =	sne.s32 s9, $0x13400;
	s10 =	sadd.s32 $0xFFFFFFC0, s7;
	[sflag:s23] =	ssyncadd.s32 $0xFFFFE000  }
0x1db: {  	[tilespmem:s29], [sflag:$0x2] =	stream.indirect.gather [hbm4b:s2+s28], $0x80, s10, s28, $0xb8;
	[tilespmem:$0x1F880] =	vst v63  }
0x1dc: {  	s10 =	smov.u32 s9;
	s9 =	sadd.s32 $0x400, s9;
	_ =	swait.ge [sflag:s30], $0x2000  }
0x1dd: {  	s11 =	sshra.s32 s8, $0x2;
	s8 =	smov.u32 s10;
	[sflag:s30] =	ssyncset.done $0x0  }
0x1de: {  	s10 =	sadd.s32 $0x2780, s11;
	[sflag:s30] =	ssyncadd.s32 $0xFFFFE000  }
0x1df: {  	[spmem:s3] =	stream.indirect.scatter.add.f32 [tilespmem:s25], [sflag:$0x3], $0x80, s10, s28, $0xb8;
	[tilespmem:$0x1F880] =	vst v63  }
0x1e0: {  	_ =	swait.ge [sflag:s23], $0x2000  }
0x1e1: {  	[sflag:s23] =	ssyncset.done $0x0  }
0x1e2: {  	[sflag:s23] =	ssyncadd.s32 $0xFFFFE000  }
0x1e3: {  	[tilespmem:s25], [sflag:$0x1] =	stream.indirect.gather [hbm4b:s2+s28], $0x80, s7, s28, $0xb8;
	[tilespmem:$0x1F880] =	vst v63  }
0x1e4: {  	_ =	swait.ge [sflag:s31], $0x2000  }
.Ltmp8:
0x1e5: {  	[sflag:s31] =	ssyncset.done $0x0;
	(pc) =	sbr.rel @p0 .LBB2_18-.Ltmp8, $4  }
0x1e6: {  	s10 =	sadd.s32 $0x2800, s11;
	[sflag:s31] =	ssyncadd.s32 $0xFFFFE000  }
0x1e7: {  	[spmem:s3] =	stream.indirect.scatter.add.f32 [tilespmem:s29], [sflag:$0x3], $0x80, s10, s28, $0xb8;
	[tilespmem:$0x1F880] =	vst v63  }
0x1e8: {  	_ =	swait.ge [sflag:s23], $0x2000  }
0x1e9: {  	s7 =	sadd.s32 $0x80, s7;
	[sflag:s23] =	ssyncset.done $0x0  }
0x1ea: {  	s9 =	sadd.s32 $0xFFFFFFC0, s7;
	[sflag:s23] =	ssyncadd.s32 $0xFFFFE000  }
0x1eb: {  	[tilespmem:s29], [sflag:$0x2] =	stream.indirect.gather [hbm4b:s2+s28], $0x80, s9, s28, $0xb8;
	[tilespmem:$0x1F880] =	vst v63  }
0x1ec: {  	_ =	swait.ge [sflag:s30], $0x2000  }
0x1ed: {  	s8 =	sshra.s32 s8, $0x2;
	[sflag:s30] =	ssyncset.done $0x0  }
0x1ee: {  	s10 =	sadd.s32 $0x2780, s8;
	[sflag:s30] =	ssyncadd.s32 $0xFFFFE000  }
0x1ef: {  	[spmem:s3] =	stream.indirect.scatter.add.f32 [tilespmem:s25], [sflag:$0x3], $0x80, s10, s28, $0xb8;
	[tilespmem:$0x1F880] =	vst v63  }
0x1f0: {  	_ =	swait.ge [sflag:s23], $0x2000  }
0x1f1: {  	[sflag:s23] =	ssyncset.done $0x0  }
0x1f2: {  	[sflag:s23] =	ssyncadd.s32 $0xFFFFE000  }
0x1f3: {  	[tilespmem:s25], [sflag:$0x1] =	stream.indirect.gather [hbm4b:s2+s28], $0x80, s7, s28, $0xb8;
	[tilespmem:$0x1F880] =	vst v63  }
0x1f4: {  	_ =	swait.ge [sflag:s31], $0x2000  }
0x1f5: {  	[sflag:s31] =	ssyncset.done $0x0  }
0x1f6: {  	s11 =	sadd.s32 $0x2800, s8;
	[sflag:s31] =	ssyncadd.s32 $0xFFFFE000  }
0x1f7: {  	[spmem:s3] =	stream.indirect.scatter.add.f32 [tilespmem:s29], [sflag:$0x3], $0x80, s11, s28, $0xb8;
	[tilespmem:$0x1F880] =	vst v63  }
0x1f8: {  	_ =	swait.ge [sflag:s23], $0x2000  }
0x1f9: {  	[sflag:s23] =	ssyncset.done $0x0  }
0x1fa: {  	[sflag:s23] =	ssyncadd.s32 $0xFFFFE000  }
0x1fb: {  	_ =	swait.ge [sflag:s30], $0x2000  }
0x1fc: {  	[sflag:s30] =	ssyncset.done $0x0  }
0x1fd: {  	[sflag:s30] =	ssyncadd.s32 $0xFFFFE000  }
0x1fe: {  	[spmem:s3] =	stream.indirect.scatter.add.f32 [tilespmem:s25], [sflag:$0x3], $0x80, s1, s28, $0xb8;
	[tilespmem:$0x1F880] =	vst v63  }
0x1ff: {  	_ =	swait.ge [sflag:s23], $0x2000  }
0x200: {  	s0 =	sadd.s32 $0x1, s0;
	[sflag:s23] =	ssyncset.done $0x0  }
0x201: {  	p0 =	sne.s32 s0, s22;
	[sflag:s23] =	ssyncadd.s32 $0xFFFFE000  }
.Ltmp9:
0x202: {  	[bflag:$0x0] =	sbarrier.arrive $0xFFFF;
	(pc) =	sbr.rel @p0 .LBB2_1-.Ltmp9, $4  }
0x203: {  	[hbm:s21], [sflag:s4] =	dma.local [spmem:s5], $0x2780  }
0x204: {  	_ =	swait.ge [sflag:s23], $0x2780  }
0x205: {  	[sflag:s23] =	ssyncset.done $0x0  }
0x206: {  	[sflag:s23] =	ssyncadd.s32 $0xFFFFD880  }
0x207: {  	_ =	sfence.sel $0x180000  }
0x208: {  	[bflag:$0x0] =	sbarrier.arrive $0xFFFF  }
0x209: {  	_ =	strace $0x9000004A  }
0x20a: {  	s0 =	stileid.u32;
	[bflag:$0x2] =	sbarrier.arrive $0xFFFF  }
0x20b: {  	p0 =	sne.s32 s0, $0x0;
	s0 =	rddreg [dreg:$0x3]  }
0x20c: {  	s0 =	sadd.s32 @!p0 $0x100000, s0  }
0x20d: {  	[sflag:s0] =	ssyncadd.tile.s32 @!p0 $0x1;
	_ =	shalt  }
.Lfunc_end2:
_tile_overlayer_lowered:
.L_overlay_start_2:
0x20e: {  	(tag) =	ssettag $0x2  }
0x20f: {  	s0 =	rddreg [dreg:$0x0];
	s2 =	stileid.u32  }
0x210: {  	s1 =	rddreg [dreg:$0x1];
	p0 =	sne.s32 s2, $0x0  }
0x211: {  	s3 =	rddreg [dreg:$0x2];
	[bflag:$0x3] =	sbarrier.arrive $0xFFFF;
	s2 =	simm.s32 @!p0 $0x1C03  }
0x212: {  	[timem:s3], [sflag:s2] =	dma.local @!p0 [hbm:s0], s1  }
0x213: {  	s0 =	simm.s32 @!p0 $0x3  }
0x214: {  	_ =	swait.ge @!p0 [sflag:s0], s1  }
0x215: {  	s1 =	ssub.s32 @!p0 $0x0, s1;
	[sflag:s0] =	ssyncset.done @!p0 $0x0  }
0x216: {  	[sflag:s0] =	ssyncadd.s32 @!p0 s1  }
0x217: {  	[bflag:$0x3] =	sbarrier.arrive $0xFFFF  }
0x218: {  	_ =	shalt  }

// kernel: kernel.9.cloned.1.call-start
scs
__scs_entry_jumppad:
0x0: {  	(pc) =	sbr.rel $0x88, $3  }
0x1: {  	(tag) =	ssettag $0x0;
	lr =	simm.s32 $0x1  }
0x2: {  	[smem:$0x3F8D] =	sst lr;
	_ =	strace $0xD0000000  }
0x3: {  	_ = 	snop  }
0x4: {  	_ = 	snop  }
0x5: {  	_ = 	snop  }
0x6: {  	_ = 	snop  }
0x7: {  	_ = 	snop  }
__scs_overlays_trampoline_lowered:
0x8: {  	[smem:$0x3F9C] =	sst s0  }
0x9: {  	[smem:$0x3F9D] =	sst s1  }
0xa: {  	[smem:$0x3F9E] =	sst s2  }
0xb: {  	[smem:$0x3F9F] =	sst s3  }
0xc: {  	[smem:$0x3FA0] =	sst s4  }
0xd: {  	[smem:$0x3FA1] =	sst s5  }
0xe: {  	[smem:$0x3FA2] =	sst s6  }
0xf: {  	[smem:$0x3FA3] =	sst s7  }
0x10: {  	[smem:$0x3FA4] =	sst s8  }
0x11: {  	[smem:$0x3FA5] =	sst s9;
	s0 =	simm.s32 @!p0 $0x0  }
0x12: {  	s1 =	sld [smem:$0x3F8B];
	s0 =	simm.s32 @p0 $0x1  }
0x13: {  	[smem:$0x3FA6] =	sst s0;
	s0 =	simm.s32 @!p1 $0x0  }
0x14: {  	s2 =	sld [smem:$0x3F8A];
	s0 =	simm.s32 @p1 $0x1  }
0x15: {  	[smem:$0x3FA7] =	sst s0;
	s0 =	simm.s32 @!p2 $0x0  }
0x16: {  	s3 =	sld [smem:$0x3FDB];
	s0 =	simm.s32 @p2 $0x1  }
0x17: {  	s4 =	simm.s32 $0x1BF5;
	[smem:$0x3FA9] =	sst s0  }
0x18: {  	s0 =	sld [smem:$0x3F8C];
	_ =	swait.ge [sflag:s4], $0x0  }
0x19: {  	s7 =	sld [smem:$0x3F8D]  }
0x1a: {  	s8 =	sadd.s32 $0xFFFFE003, lr  }
0x1b: {  	s9 =	sadd.s32 $0xFFFFFEF7, lr;
	s5 =	simm.s32 $0xFFFFFFFF;
	p2 =	slt.u32 s8, $0xFFFFF086  }
0x1c: {  	p1 =	slt.u32 s9, $0xF7A;
	s5 =	simm.s32 @!p2 $0x0  }
0x1d: {  	s5 =	simm.s32 @p1 $0x1;
	p0 =	seq.s32 s7, s2  }
0x1e: {  	s7 =	smul.u32 @!p0 $0xF7A, s2;
	p2 =	seq.s32 @!p0 s5, $0x0  }
0x1f: {  	s9 =	smul.u32 $0xF7A, s1;
	s8 =	simm.s32 @!p0 $0x1BF5;
	p2 =	por !p2, p0  }
0x20: {  	[sflag:s8] =	ssyncset.s32 @!p0 $0xFFFFF086;
	s6 =	sadd.s32 @!p0 s3, s7;
	s7 =	simm.s32 @!p0 $0x108  }
0x21: {  	s3 =	sadd.s32 s3, s9;
	s6 =	sadd.s32 @!p0 $0x88, s6;
	s7 =	simm.s32 @p2 $0x1082  }
0x22: {  	[simem:s7], [sflag:s8] =	dma.local @!p0 [hbm:s6], $0xF7A  }
0x23: {  	s9 =	sor.u32 $0xD0000000, s2;
	s6 =	simm.s32 $0x108;
	_ =	swait.ge @!p0 [sflag:s8], $0x0  }
0x24: {  	s3 =	sadd.s32 $0x88, s3;
	s6 =	simm.s32 @!p1 $0x1082;
	[sflag:s4] =	ssyncset.s32 $0xFFFFF086  }
0x25: {  	[simem:s6], [sflag:s4] =	dma.local [hbm:s3], $0xF7A  }
0x26: {  	[smem:$0x3F8D] =	sst s1;
	(tag) =	ssettag s2;
	_ =	strace s9  }
0x27: {  	s1 =	sld [smem:$0x3F9D]  }
0x28: {  	s2 =	sld [smem:$0x3F9E]  }
0x29: {  	s4 =	sld [smem:$0x3FA0]  }
0x2a: {  	p0 =	seq.s32 s5, $0x0;
	s5 =	sld [smem:$0x3FA1]  }
0x2b: {  	s6 =	sld [smem:$0x3FA2]  }
0x2c: {  	s7 =	sld [smem:$0x3FA3]  }
0x2d: {  	s3 =	simm.s32 $0x108;
	s8 =	sld [smem:$0x3FA4]  }
0x2e: {  	s3 =	simm.s32 @!p0 $0x1082;
	s9 =	sld [smem:$0x3FA5]  }
0x2f: {  	lr =	sadd.s32 s0, s3;
	s0 =	sld [smem:$0x3F9C]  }
0x30: {  	s3 =	sld [smem:$0x3F9F]  }
0x31: {  	[smem:$0x3FA8] =	sst s10  }
0x32: {  	s10 =	sld [smem:$0x3FA6];
	_ =	sdelay $0x3  }
0x33: {  	p0 =	seq.s32 s10, $0x1;
	s10 =	sld [smem:$0x3FA8];
	_ =	sdelay $0x3  }
0x34: {  	[smem:$0x3FA8] =	sst s10  }
0x35: {  	s10 =	sld [smem:$0x3FA7];
	_ =	sdelay $0x3  }
0x36: {  	p1 =	seq.s32 s10, $0x1;
	s10 =	sld [smem:$0x3FA8];
	_ =	sdelay $0x3  }
0x37: {  	[smem:$0x3FA8] =	sst s10  }
0x38: {  	s10 =	sld [smem:$0x3FA9]  }
0x39: {  	_ = 	snop;
	(pc) =	sbr.ind lr, $3  }
0x3a: {  	_ = 	snop  }
0x3b: {  	_ = 	snop  }
0x3c: {  	p2 =	seq.s32 s10, $0x1;
	s10 =	sld [smem:$0x3FA8]  }
0x3d: {  	_ =	shalt  }
0x3e: {  	_ =	shalt  }
0x3f: {  	_ =	shalt  }
0x40: {  	_ =	shalt  }
0x41: {  	_ =	shalt  }
0x42: {  	_ =	shalt  }
0x43: {  	_ =	shalt  }
0x44: {  	_ =	shalt  }
0x45: {  	_ =	shalt  }
0x46: {  	_ =	shalt  }
0x47: {  	_ =	shalt  }
0x48: {  	_ =	shalt  }
0x49: {  	_ =	shalt  }
0x4a: {  	_ =	shalt  }
0x4b: {  	_ =	shalt  }
0x4c: {  	_ =	shalt  }
0x4d: {  	_ =	shalt  }
0x4e: {  	_ =	shalt  }
0x4f: {  	_ =	shalt  }
0x50: {  	_ =	shalt  }
0x51: {  	_ =	shalt  }
0x52: {  	_ =	shalt  }
0x53: {  	_ =	shalt  }
0x54: {  	_ =	shalt  }
0x55: {  	_ =	shalt  }
0x56: {  	_ =	shalt  }
0x57: {  	_ =	shalt  }
0x58: {  	_ =	shalt  }
0x59: {  	_ =	shalt  }
0x5a: {  	_ =	shalt  }
0x5b: {  	_ =	shalt  }
0x5c: {  	_ =	shalt  }
0x5d: {  	_ =	shalt  }
0x5e: {  	_ =	shalt  }
0x5f: {  	_ =	shalt  }
0x60: {  	_ =	shalt  }
0x61: {  	_ =	shalt  }
0x62: {  	_ =	shalt  }
0x63: {  	_ =	shalt  }
0x64: {  	_ =	shalt  }
0x65: {  	_ =	shalt  }
0x66: {  	_ =	shalt  }
0x67: {  	_ =	shalt  }
0x68: {  	_ =	shalt  }
0x69: {  	_ =	shalt  }
0x6a: {  	_ =	shalt  }
0x6b: {  	_ =	shalt  }
0x6c: {  	_ =	shalt  }
0x6d: {  	_ =	shalt  }
0x6e: {  	_ =	shalt  }
0x6f: {  	_ =	shalt  }
0x70: {  	_ =	shalt  }
0x71: {  	_ =	shalt  }
0x72: {  	_ =	shalt  }
0x73: {  	_ =	shalt  }
0x74: {  	_ =	shalt  }
0x75: {  	_ =	shalt  }
0x76: {  	_ =	shalt  }
0x77: {  	_ =	shalt  }
0x78: {  	_ =	shalt  }
0x79: {  	_ =	shalt  }
0x7a: {  	_ =	shalt  }
0x7b: {  	_ =	shalt  }
0x7c: {  	_ =	shalt  }
0x7d: {  	_ =	shalt  }
0x7e: {  	_ =	shalt  }
0x7f: {  	_ =	shalt  }
0x80: {  	_ =	shalt  }
0x81: {  	_ =	shalt  }
0x82: {  	_ =	shalt  }
0x83: {  	_ =	shalt  }
0x84: {  	_ =	shalt  }
0x85: {  	_ =	shalt  }
0x86: {  	_ =	shalt  }
0x87: {  	_ =	shalt  }
.Lfunc_end0:
.L_simem_size_0:
called_computation_lowered:
.L_overlay_start_0:
0x88: {  	s2 =	sld [smem:$0x3FD9]  }
0x89: {  	s3 =	sld [smem:$0x3FFE];
	_ =	sdelay $0x1  }
0x8a: {  	s1 =	srdreg.scid  }
0x8b: {  	s0 =	sand.u32 $0x1, s1  }
0x8c: {  	s17 =	sshll.u32 s0, $0xA;
	s2 =	sadd.s32 s3, s2  }
0x8d: {  	s2 =	sadd.s32 s2, s17  }
0x8e: {  	[smem:$0x3FB4] =	sst s2  }
0x8f: {  	_ = 	snop  }
0x90: {  	s2 =	sld [smem:$0x3FD0];
	(tm) =	ssettm $0x1  }
0x91: {  	s18 =	sld [smem:$0x3FFB];
	_ =	sdelay $0x3  }
0x92: {  	_ =	strace s18  }
0x93: {  	s3 =	sld [smem:$0x3FFC];
	_ =	sdelay $0x3  }
0x94: {  	_ =	strace s3  }
0x95: {  	s3 =	sld [smem:$0x3FFD];
	_ =	sdelay $0x3  }
0x96: {  	_ =	strace s3  }
0x97: {  	_ =	strace $0x8FFFFFFF  }
0x98: {  	s19 =	sld [smem:$0x3FDB];
	_ =	sdelay $0x1  }
0x99: {  	s4 =	simm.s32 $_scs_section_size  }
0x9a: {  	s5 =	simm.s32 $_size__tile_overlayer_lowered;
	s6 =	simm.s32 $_tile_overlayer_lowered  }
0x9b: {  	s22 =	simm.s32 $0x1BFF;
	s21 =	sshll.u32 s6, $0x1;
	s3 =	sadd.s32 s4, s19  }
0x9c: {  	s7 =	simm.s32 $0x0;
	s20 =	sshll.u32 s5, $0x1;
	s5 =	sadd.s32 s21, s3  }
0x9d: {  	[timem:s7], [sflag:s22] =	dma.local [hbm:s5], s20  }
0x9e: {  	_ =	swait.ge [sflag:s22], s20  }
0x9f: {  	s4 =	ssub.s32 $0x0, s20;
	[sflag:s22] =	ssyncset.done $0x0  }
0xa0: {  	[sflag:s22] =	ssyncadd.s32 s4;
	_ =	sdelay $0x1  }
0xa1: {  	s23 =	simm.s32 $0x1B8B  }
0xa2: {  	_ =	swait.ge [sflag:s23], $0x1  }
0xa3: {  	[sflag:s23] =	ssyncset.done $0x0  }
0xa4: {  	s25 =	simm.s32 $0x1B8E;
	s24 =	sld [smem:$0x3FFE];
	[sflag:s23] =	ssyncadd.s32 $0xFFFFFFFF  }
0xa5: {  	s26 =	simm.s32 $execute0_lowered;
	[smem:$0x3FD2] =	sst s25  }
0xa6: {  	s5 =	sshll.u32 s26, $0x1;
	_ =	strace $0x80000046;
	[dreg:$0x1] =	wrdreg $0xFFFFFFFF  }
0xa7: {  	s28 =	simm.s32 $_size_execute0_lowered;
	s3 =	sadd.s32 s3, s5;
	[dreg:$0x0] =	wrdreg $0x0  }
0xa8: {  	s5 =	sshll.u32 s28, $0x1;
	[dreg:$0x2] =	wrdreg s3  }
0xa9: {  	[dreg:$0x3] =	wrdreg s5  }
0xaa: {  	[dreg:$0x4] =	wrdreg $0xC0  }
0xab: {  	_ =	task [dreg:s7], $0x5FFFF  }
0xac: {  	[dreg:$0x1] =	wrdreg $0xFFFFFFFF  }
0xad: {  	[dreg:$0x0] =	wrdreg $0x60  }
0xae: {  	[dreg:$0x2] =	wrdreg s2  }
0xaf: {  	[dreg:$0x3] =	wrdreg s24  }
0xb0: {  	[dreg:$0x4] =	wrdreg $0xBC800  }
0xb1: {  	[dreg:$0x5] =	wrdreg $0x9  }
0xb2: {  	_ =	task.clear_ibuf [dreg:s7], $0x6FFFF;
	_ =	strace $0x90000046  }
0xb3: {  	s29 =	simm.s32 $0x9;
	_ =	strace $0x80000048  }
0xb4: {  	_ =	swait.ge [sflag:s29], $0x1  }
0xb5: {  	[sflag:s29] =	ssyncadd.s32 $0xFFFFFFFF  }
0xb6: {  	_ =	strace $0x90000048  }
0xb7: {  	_ =	sfence  }
0xb8: {  	s30 =	sld [smem:$0x0];
	_ =	sdelay $0x2  }
0xb9: {  	s31 =	sshll.u32 s1, $0xD;
	s1 =	sshrl.u32 s1, $0x2  }
0xba: {  	s3 =	sand.u32 $0x4000, s31;
	s1 =	sadd.s32 s1, s30  }
0xbb: {  	s0 =	sor.u32 s3, s0;
	s1 =	sshll.u32 s1, $0x11  }
0xbc: {  	s0 =	sor.u32 s1, s0  }
0xbd: {  	s0 =	sadd.s32 $0x8F2B, s0  }
0xbe: {  	[sflag:s0] =	ssyncadd.remote.s32 $0x1  }
0xbf: {  	_ =	sfence.sel $0xFFFF  }
0xc0: {  	[dreg:$0x0] =	wrdreg $0xFFFFFFFF;
	(pc) =	sbr.abs _section_cstart, $3  }
0xc1: {  	[dreg:$0x1] =	wrdreg $0xFFFFFFFF  }
0xc2: {  	_ =	task.clear_ibuf [dreg:s7], $0x2FFFF;
	_ =	strace $0x9FFFFFFF  }
0xc3: {  	(tm) =	ssettm $0x7FFFFFFF  }
tec
execute0_lowered:
.L_overlay_start_1:
0x0: {  	(tag) =	ssettag $0x1  }
0x1: {  	s2 =	rddreg [dreg:$0x0]  }
0x2: {  	s0 =	srdreg.scid;
	s4 =	rddreg [dreg:$0x1]  }
0x3: {  	s8 =	stileid.u32;
	s3 =	rddreg [dreg:$0x2]  }
0x4: {  	s7 =	simm.s32 $0x0;
	s28 =	simm.s32 $0x40;
	s29 =	simm.s32 $0x9C80  }
0x5: {  	s30 =	simm.s32 $0x1;
	s31 =	simm.s32 $0x2;
	s0 =	sand.u32 $0x1, s0  }
0x6: {  	[smem:$0x7FF] =	sst s7;
	s20 =	smul.u32 $0x13C00, s8;
	s9 =	sadd.s32 $0x20C00, s4  }
0x7: {  	s1 =	sshll.u32 s0, $0x4;
	s6 =	smul.u32 $0x13C000, s0;
	_ =	strace $0x80000047  }
0x8: {  	s0 =	ssub.s32 $0x2, s0;
	s1 =	sor.u32 s8, s1;
	s8 =	smul.u32 $0x4F000, s8  }
0x9: {  	[dreg:$0x4] =	wrdreg s9;
	s22 =	sshrl.u32 s0, $0x1;
	s5 =	smul.u32 $0x4E8, s1  }
0xa: {  	s1 =	smul.u32 $0xA00, s1;
	s6 =	sadd.s32 s20, s6;
	s0 =	ssub.s32 s0, s22  }
0xb: {  	s6 =	sshrl.u32 s6, $0x3;
	s21 =	sshrl.u32 s8, $0x2;
	s22 =	smax.u32 s0, $0x1  }
0xc: {  	s0 =	simm.s32 $0x0;
	s5 =	sadd.s32 s5, s4;
	s1 =	sadd.s32 s1, s4  }
0xd: {  	s4 =	sadd.s32 s6, s4;
	s6 =	sadd.s32 s21, s3;
	s5 =	sadd.s32 $0x16E00, s5  }
0xe: {  	s23 =	sadd.s32 $0x2000, s6;
	s24 =	sadd.s32 $0x4000, s6;
	s25 =	sadd.s32 $0x6000, s6  }
0xf: {  	s26 =	sadd.s32 $0x8000, s6;
	s12 =	sadd.s32 $0xA000, s6;
	s13 =	sadd.s32 $0xC000, s6  }
0x10: {  	s14 =	sadd.s32 $0xE000, s6;
	s15 =	sadd.s32 $0x10000, s6;
	[dreg:$0x5] =	wrdreg s5  }
0x11: {  	s16 =	sadd.s32 $0x12000, s6;
	s17 =	sadd.s32 $0x2E00, s1;
	[dreg:$0x6] =	wrdreg s23  }
0x12: {  	s18 =	sadd.s32 $0x21000, s4;
	s19 =	sadd.s32 $0x70000, s4;
	[dreg:$0x7] =	wrdreg s24  }
0x13: {  	s20 =	sadd.s32 $0xBF000, s4;
	s21 =	sadd.s32 $0x10E000, s4;
	[dreg:$0x8] =	wrdreg s25  }
0x14: {  	s1 =	simm.s32 $0x7580;
	[dreg:$0x9] =	wrdreg s26;
	s23 =	simm.s32 $0x3  }
0x15: {  	v0 =	vimm.f32 $0.0e+00;
	s24 =	simm.s32 $0x7780;
	s25 =	simm.s32 $0x7C80;
	s26 =	simm.s32 $0x2780  }
.LBB2_1:
0x16: {  	s4 =	simm.s32 $0x0;
	s5 =	rddreg [dreg:$0x5]  }
0x17: {  	[tilespmem:s4], [sflag:$0x3] =	stream.linear.gather [hbm4b:s5+s4], $0x2740, $0x38;
	[tilespmem:$0x1F880] =	vst v63  }
0x18: {  	_ =	swait.ge [sflag:s23], $0x2740  }
0x19: {  	[sflag:s23] =	ssyncset.done $0x0  }
0x1a: {  	s11 =	rddreg [dreg:$0x4];
	[sflag:s23] =	ssyncadd.s32 $0xFFFFD8C0  }
0x1b: {  	[tilespmem:s24], [sflag:$0x3] =	stream.linear.gather [hbm4b:s11+s4], $0x500, $0x38;
	[tilespmem:$0x1F880] =	vst v63  }
0x1c: {  	_ =	swait.ge [sflag:s23], $0x500  }
0x1d: {  	[sflag:s23] =	ssyncset.done $0x0  }
0x1e: {  	s5 =	simm.s32 $0x200;
	s4 =	simm.s32 $0x0;
	[sflag:s23] =	ssyncadd.s32 $0xFFFFFB00  }
.LBB2_2:
0x1f: {  	p0 =	sne.s32 s5, $0x7E00;
	[tilespmem:s4+$0x7CF0] =	vst v0  }
0x20: {  	[tilespmem:s4+$0x7C80] =	vst v0  }
0x21: {  	[tilespmem:s4+$0x7C90] =	vst v0  }
.Ltmp0:
0x22: {  	[tilespmem:s4+$0x7CA0] =	vst v0;
	(pc) =	sbr.rel @p0 .LBB2_2-.Ltmp0, $4  }
0x23: {  	[tilespmem:s4+$0x7CB0] =	vst v0  }
0x24: {  	[tilespmem:s4+$0x7CC0] =	vst v0  }
0x25: {  	[tilespmem:s4+$0x7CD0] =	vst v0  }
0x26: {  	[tilespmem:s4+$0x7CE0] =	vst v0;
	s4 =	sshra.s32 s5, $0x2;
	s5 =	sadd.s32 $0x200, s5  }
0x27: {  	[tilespmem:s4+$0x7CF0] =	vst v0  }
0x28: {  	[tilespmem:s4+$0x7C80] =	vst v0  }
0x29: {  	[tilespmem:s4+$0x7C90] =	vst v0  }
0x2a: {  	[tilespmem:s4+$0x7CA0] =	vst v0  }
0x2b: {  	[tilespmem:s4+$0x7CB0] =	vst v0  }
0x2c: {  	[tilespmem:s4+$0x7CC0] =	vst v0  }
0x2d: {  	[tilespmem:s4+$0x7CD0] =	vst v0  }
0x2e: {  	[tilespmem:s4+$0x7CE0] =	vst v0  }
0x2f: {  	[spmem:s6] =	stream.linear.scatter [tilespmem:s25], [sflag:$0x3], $0x2000, $0x38;
	[tilespmem:$0x1F880] =	vst v63  }
0x30: {  	_ =	swait.ge [sflag:s23], $0x2000  }
0x31: {  	[sflag:s23] =	ssyncset.done $0x0  }
0x32: {  	s8 =	rddreg [dreg:$0x6];
	[sflag:s23] =	ssyncadd.s32 $0xFFFFE000  }
0x33: {  	[spmem:s8] =	stream.linear.scatter [tilespmem:s25], [sflag:$0x3], $0x2000, $0x38;
	[tilespmem:$0x1F880] =	vst v63  }
0x34: {  	_ =	swait.ge [sflag:s23], $0x2000  }
0x35: {  	[sflag:s23] =	ssyncset.done $0x0  }
0x36: {  	s9 =	rddreg [dreg:$0x7];
	[sflag:s23] =	ssyncadd.s32 $0xFFFFE000  }
0x37: {  	[spmem:s9] =	stream.linear.scatter [tilespmem:s25], [sflag:$0x3], $0x2000, $0x38;
	[tilespmem:$0x1F880] =	vst v63  }
0x38: {  	_ =	swait.ge [sflag:s23], $0x2000  }
0x39: {  	[sflag:s23] =	ssyncset.done $0x0  }
0x3a: {  	s10 =	rddreg [dreg:$0x8];
	[sflag:s23] =	ssyncadd.s32 $0xFFFFE000  }
0x3b: {  	[spmem:s10] =	stream.linear.scatter [tilespmem:s25], [sflag:$0x3], $0x2000, $0x38;
	[tilespmem:$0x1F880] =	vst v63  }
0x3c: {  	_ =	swait.ge [sflag:s23], $0x2000  }
0x3d: {  	[sflag:s23] =	ssyncset.done $0x0  }
0x3e: {  	s11 =	rddreg [dreg:$0x9];
	[sflag:s23] =	ssyncadd.s32 $0xFFFFE000  }
0x3f: {  	[spmem:s11] =	stream.linear.scatter [tilespmem:s25], [sflag:$0x3], $0x2000, $0x38;
	[tilespmem:$0x1F880] =	vst v63  }
0x40: {  	_ =	swait.ge [sflag:s23], $0x2000  }
0x41: {  	[sflag:s23] =	ssyncset.done $0x0  }
0x42: {  	[sflag:s23] =	ssyncadd.s32 $0xFFFFE000  }
0x43: {  	[spmem:s12] =	stream.linear.scatter [tilespmem:s25], [sflag:$0x3], $0x2000, $0x38;
	[tilespmem:$0x1F880] =	vst v63  }
0x44: {  	_ =	swait.ge [sflag:s23], $0x2000  }
0x45: {  	[sflag:s23] =	ssyncset.done $0x0  }
0x46: {  	[sflag:s23] =	ssyncadd.s32 $0xFFFFE000  }
0x47: {  	[spmem:s13] =	stream.linear.scatter [tilespmem:s25], [sflag:$0x3], $0x2000, $0x38;
	[tilespmem:$0x1F880] =	vst v63  }
0x48: {  	_ =	swait.ge [sflag:s23], $0x2000  }
0x49: {  	[sflag:s23] =	ssyncset.done $0x0  }
0x4a: {  	[sflag:s23] =	ssyncadd.s32 $0xFFFFE000  }
0x4b: {  	[spmem:s14] =	stream.linear.scatter [tilespmem:s25], [sflag:$0x3], $0x2000, $0x38;
	[tilespmem:$0x1F880] =	vst v63  }
0x4c: {  	_ =	swait.ge [sflag:s23], $0x2000  }
0x4d: {  	[sflag:s23] =	ssyncset.done $0x0  }
0x4e: {  	[sflag:s23] =	ssyncadd.s32 $0xFFFFE000  }
0x4f: {  	[spmem:s15] =	stream.linear.scatter [tilespmem:s25], [sflag:$0x3], $0x2000, $0x38;
	[tilespmem:$0x1F880] =	vst v63  }
0x50: {  	_ =	swait.ge [sflag:s23], $0x2000  }
0x51: {  	[sflag:s23] =	ssyncset.done $0x0  }
0x52: {  	[sflag:s23] =	ssyncadd.s32 $0xFFFFE000  }
0x53: {  	[spmem:s16] =	stream.linear.scatter [tilespmem:s25], [sflag:$0x3], $0x1C00, $0x38;
	[tilespmem:$0x1F880] =	vst v63  }
0x54: {  	_ =	swait.ge [sflag:s23], $0x1C00  }
0x55: {  	[sflag:s23] =	ssyncset.done $0x0  }
0x56: {  	s4 =	simm.s32 $0x0;
	[sflag:s23] =	ssyncadd.s32 $0xFFFFE400  }
0x57: {  	[tilespmem:s26], [sflag:$0x3] =	stream.linear.gather [hbm4b:s17+s4], $0x4E80, $0x38;
	[tilespmem:$0x1F880] =	vst v63  }
0x58: {  	_ =	swait.ge [sflag:s23], $0x4E80  }
0x59: {  	[sflag:s23] =	ssyncset.done $0x0  }
0x5a: {  	s5 =	simm.s32 $0x27A0;
	[sflag:s23] =	ssyncadd.s32 $0xFFFFB180  }
.LBB2_4:
0x5b: {  	s7 =	sshra.s32 s4, $0x2  }
0x5c: {  	v1 =	vld [tilespmem:s7+$0x0];
	_ =	sdelay $0x4  }
0x5d: {  	v2 =	vshrl.u32 v1, $0x3;
	_ =	sdelay $0x4  }
0x5e: {  	v2 =	vld.idx.msk [tilespmem:v2+s24+$0x0], $0xffff;
	_ =	sdelay $0x2  }
0x5f: {  	v3 =	vld [tilespmem:s5+$0xFFFFFFE0];
	v1 =	vshll.u32 v1, $0x2  }
0x60: {  	v1 =	vand.u32 $0x1C, v1  }
0x61: {  	v1 =	vshrl.u32 v2, v1  }
0x62: {  	v1 =	vand.u32 $0x1, v1  }
0x63: {  	vm0 =	veq.s32 v1, $0x0  }
0x64: {  	v1 =	vnsel vm0, $0x2710, v3  }
0x65: {  	[tilespmem:s5+$0xFFFFFFE0] =	vst v1  }
0x66: {  	v1 =	vld [tilespmem:s7+$0x10];
	_ =	sdelay $0x4  }
0x67: {  	v2 =	vshrl.u32 v1, $0x3;
	_ =	sdelay $0x4  }
0x68: {  	v2 =	vld.idx.msk [tilespmem:v2+s24+$0x0], $0xffff;
	_ =	sdelay $0x2  }
0x69: {  	v3 =	vld [tilespmem:s5+$0xFFFFFFF0];
	v1 =	vshll.u32 v1, $0x2  }
0x6a: {  	v1 =	vand.u32 $0x1C, v1  }
0x6b: {  	v1 =	vshrl.u32 v2, v1  }
0x6c: {  	v1 =	vand.u32 $0x1, v1  }
0x6d: {  	vm13 =	veq.s32 v1, $0x0  }
0x6e: {  	v1 =	vnsel vm13, $0x2710, v3  }
0x6f: {  	[tilespmem:s5+$0xFFFFFFF0] =	vst v1  }
0x70: {  	v1 =	vld [tilespmem:s7+$0x20];
	_ =	sdelay $0x4  }
0x71: {  	v2 =	vshrl.u32 v1, $0x3;
	_ =	sdelay $0x4  }
0x72: {  	v2 =	vld.idx.msk [tilespmem:v2+s24+$0x0], $0xffff;
	_ =	sdelay $0x2  }
0x73: {  	v3 =	vld [tilespmem:s5+$0x0];
	v1 =	vshll.u32 v1, $0x2  }
0x74: {  	v1 =	vand.u32 $0x1C, v1  }
0x75: {  	v1 =	vshrl.u32 v2, v1  }
0x76: {  	v1 =	vand.u32 $0x1, v1  }
0x77: {  	vm14 =	veq.s32 v1, $0x0  }
0x78: {  	v1 =	vnsel vm14, $0x2710, v3  }
0x79: {  	[tilespmem:s5+$0x0] =	vst v1  }
0x7a: {  	v1 =	vld [tilespmem:s7+$0x30];
	_ =	sdelay $0x4  }
0x7b: {  	v2 =	vshrl.u32 v1, $0x3;
	_ =	sdelay $0x4  }
0x7c: {  	v2 =	vld.idx.msk [tilespmem:v2+s24+$0x0], $0xffff;
	_ =	sdelay $0x2  }
0x7d: {  	v3 =	vld [tilespmem:s5+$0x10];
	v1 =	vshll.u32 v1, $0x2  }
0x7e: {  	p0 =	sne.s32 s4, $0x9C00;
	v1 =	vand.u32 $0x1C, v1  }
.Ltmp1:
0x7f: {  	v1 =	vshrl.u32 v2, v1;
	(pc) =	sbr.rel @p0 .LBB2_4-.Ltmp1, $4  }
0x80: {  	v1 =	vand.u32 $0x1, v1  }
0x81: {  	vm15 =	veq.s32 v1, $0x0  }
0x82: {  	v1 =	vnsel vm15, $0x2710, v3  }
0x83: {  	s4 =	sadd.s32 $0x100, s4;
	[tilespmem:s5+$0x10] =	vst v1;
	s5 =	sadd.s32 $0x80, s5  }
0x84: {  	[bflag:$0x0] =	sbarrier.arrive $0xFFFF;
	s4 =	simm.s32 $0x0  }
0x85: {  	[tilespmem:s25], [sflag:$0x1] =	stream.indirect.gather [hbm4b:s2+s28], $0x80, s4, s28, $0xb8;
	[tilespmem:$0x1F880] =	vst v63  }
0x86: {  	s8 =	simm.s32 $0x40  }
0x87: {  	[tilespmem:s29], [sflag:$0x2] =	stream.indirect.gather [hbm4b:s2+s28], $0x80, s8, s28, $0xb8;
	[tilespmem:$0x1F880] =	vst v63  }
0x88: {  	_ =	swait.ge [sflag:s30], $0x2000  }
0x89: {  	[sflag:s30] =	ssyncset.done $0x0  }
0x8a: {  	s9 =	simm.s32 $0x2780;
	[sflag:s30] =	ssyncadd.s32 $0xFFFFE000  }
0x8b: {  	[spmem:s3] =	stream.indirect.scatter.add.f32 [tilespmem:s25], [sflag:$0x3], $0x80, s9, s28, $0xb8;
	[tilespmem:$0x1F880] =	vst v63  }
0x8c: {  	_ =	swait.ge [sflag:s23], $0x2000  }
0x8d: {  	[sflag:s23] =	ssyncset.done $0x0  }
0x8e: {  	s10 =	simm.s32 $0x80;
	[sflag:s23] =	ssyncadd.s32 $0xFFFFE000  }
0x8f: {  	[tilespmem:s25], [sflag:$0x1] =	stream.indirect.gather [hbm4b:s2+s28], $0x80, s10, s28, $0xb8;
	[tilespmem:$0x1F880] =	vst v63  }
0x90: {  	_ =	swait.ge [sflag:s31], $0x2000  }
0x91: {  	[sflag:s31] =	ssyncset.done $0x0  }
0x92: {  	s11 =	simm.s32 $0x2800;
	[sflag:s31] =	ssyncadd.s32 $0xFFFFE000  }
0x93: {  	[spmem:s3] =	stream.indirect.scatter.add.f32 [tilespmem:s29], [sflag:$0x3], $0x80, s11, s28, $0xb8;
	[tilespmem:$0x1F880] =	vst v63  }
0x94: {  	s5 =	simm.s32 $0x400;
	_ =	swait.ge [sflag:s23], $0x2000  }
0x95: {  	s7 =	simm.s32 $0x800;
	s4 =	simm.s32 $0x100;
	[sflag:s23] =	ssyncset.done $0x0  }
.LBB2_6:
0x96: {  	p0 =	sne.s32 s7, $0x13400;
	s8 =	sadd.s32 $0xFFFFFFC0, s4;
	[sflag:s23] =	ssyncadd.s32 $0xFFFFE000  }
0x97: {  	[tilespmem:s29], [sflag:$0x2] =	stream.indirect.gather [hbm4b:s2+s28], $0x80, s8, s28, $0xb8;
	[tilespmem:$0x1F880] =	vst v63  }
0x98: {  	s8 =	smov.u32 s7;
	s7 =	sadd.s32 $0x400, s7;
	_ =	swait.ge [sflag:s30], $0x2000  }
0x99: {  	s9 =	sshra.s32 s5, $0x2;
	s5 =	smov.u32 s8;
	[sflag:s30] =	ssyncset.done $0x0  }
0x9a: {  	s8 =	sadd.s32 $0x2780, s9;
	[sflag:s30] =	ssyncadd.s32 $0xFFFFE000  }
0x9b: {  	[spmem:s3] =	stream.indirect.scatter.add.f32 [tilespmem:s25], [sflag:$0x3], $0x80, s8, s28, $0xb8;
	[tilespmem:$0x1F880] =	vst v63  }
0x9c: {  	_ =	swait.ge [sflag:s23], $0x2000  }
0x9d: {  	[sflag:s23] =	ssyncset.done $0x0  }
0x9e: {  	[sflag:s23] =	ssyncadd.s32 $0xFFFFE000  }
0x9f: {  	[tilespmem:s25], [sflag:$0x1] =	stream.indirect.gather [hbm4b:s2+s28], $0x80, s4, s28, $0xb8;
	[tilespmem:$0x1F880] =	vst v63  }
0xa0: {  	_ =	swait.ge [sflag:s31], $0x2000  }
.Ltmp2:
0xa1: {  	[sflag:s31] =	ssyncset.done $0x0;
	(pc) =	sbr.rel @p0 .LBB2_6-.Ltmp2, $4  }
0xa2: {  	s8 =	sadd.s32 $0x2800, s9;
	[sflag:s31] =	ssyncadd.s32 $0xFFFFE000  }
0xa3: {  	[spmem:s3] =	stream.indirect.scatter.add.f32 [tilespmem:s29], [sflag:$0x3], $0x80, s8, s28, $0xb8;
	[tilespmem:$0x1F880] =	vst v63  }
0xa4: {  	_ =	swait.ge [sflag:s23], $0x2000  }
0xa5: {  	s4 =	sadd.s32 $0x80, s4;
	[sflag:s23] =	ssyncset.done $0x0  }
0xa6: {  	s7 =	sadd.s32 $0xFFFFFFC0, s4;
	[sflag:s23] =	ssyncadd.s32 $0xFFFFE000  }
0xa7: {  	[tilespmem:s29], [sflag:$0x2] =	stream.indirect.gather [hbm4b:s2+s28], $0x80, s7, s28, $0xb8;
	[tilespmem:$0x1F880] =	vst v63  }
0xa8: {  	_ =	swait.ge [sflag:s30], $0x2000  }
0xa9: {  	s5 =	sshra.s32 s5, $0x2;
	[sflag:s30] =	ssyncset.done $0x0  }
0xaa: {  	s9 =	sadd.s32 $0x2780, s5;
	[sflag:s30] =	ssyncadd.s32 $0xFFFFE000  }
0xab: {  	[spmem:s3] =	stream.indirect.scatter.add.f32 [tilespmem:s25], [sflag:$0x3], $0x80, s9, s28, $0xb8;
	[tilespmem:$0x1F880] =	vst v63  }
0xac: {  	_ =	swait.ge [sflag:s23], $0x2000  }
0xad: {  	[sflag:s23] =	ssyncset.done $0x0  }
0xae: {  	[sflag:s23] =	ssyncadd.s32 $0xFFFFE000  }
0xaf: {  	[tilespmem:s25], [sflag:$0x1] =	stream.indirect.gather [hbm4b:s2+s28], $0x80, s4, s28, $0xb8;
	[tilespmem:$0x1F880] =	vst v63  }
0xb0: {  	_ =	swait.ge [sflag:s31], $0x2000  }
0xb1: {  	[sflag:s31] =	ssyncset.done $0x0  }
0xb2: {  	s10 =	sadd.s32 $0x2800, s5;
	[sflag:s31] =	ssyncadd.s32 $0xFFFFE000  }
0xb3: {  	[spmem:s3] =	stream.indirect.scatter.add.f32 [tilespmem:s29], [sflag:$0x3], $0x80, s10, s28, $0xb8;
	[tilespmem:$0x1F880] =	vst v63  }
0xb4: {  	_ =	swait.ge [sflag:s23], $0x2000  }
0xb5: {  	[sflag:s23] =	ssyncset.done $0x0  }
0xb6: {  	[sflag:s23] =	ssyncadd.s32 $0xFFFFE000  }
0xb7: {  	_ =	swait.ge [sflag:s30], $0x2000  }
0xb8: {  	[sflag:s30] =	ssyncset.done $0x0  }
0xb9: {  	[sflag:s30] =	ssyncadd.s32 $0xFFFFE000  }
0xba: {  	[spmem:s3] =	stream.indirect.scatter.add.f32 [tilespmem:s25], [sflag:$0x3], $0x80, s1, s28, $0xb8;
	[tilespmem:$0x1F880] =	vst v63  }
0xbb: {  	_ =	swait.ge [sflag:s23], $0x2000  }
0xbc: {  	s11 =	stileid.u32;
	[sflag:s23] =	ssyncset.done $0x0  }
0xbd: {  	s4 =	sshll.u32 s11, $0x6;
	[sflag:s23] =	ssyncadd.s32 $0xFFFFE000  }
0xbe: {  	s5 =	sshrl.u32 s6, $0x3;
	s4 =	sor.u32 $0x1C03, s4;
	[bflag:$0x0] =	sbarrier.arrive $0xFFFF  }
0xbf: {  	[hbm:s18], [sflag:s4] =	dma.local [spmem:s5], $0x2780  }
0xc0: {  	_ =	swait.ge [sflag:s23], $0x2780  }
0xc1: {  	[sflag:s23] =	ssyncset.done $0x0  }
0xc2: {  	s7 =	simm.s32 $0x0;
	[sflag:s23] =	ssyncadd.s32 $0xFFFFD880  }
0xc3: {  	[tilespmem:s26], [sflag:$0x3] =	stream.linear.gather [hbm4b:s17+s7], $0x4E80, $0x38;
	[tilespmem:$0x1F880] =	vst v63  }
0xc4: {  	_ =	swait.ge [sflag:s23], $0x4E80  }
0xc5: {  	[sflag:s23] =	ssyncset.done $0x0  }
0xc6: {  	s8 =	simm.s32 $0x27A0;
	[sflag:s23] =	ssyncadd.s32 $0xFFFFB180  }
.LBB2_8:
0xc7: {  	s9 =	sshra.s32 s7, $0x2  }
0xc8: {  	v1 =	vld [tilespmem:s9+$0x0];
	_ =	sdelay $0x4  }
0xc9: {  	v2 =	vshrl.u32 v1, $0x3;
	_ =	sdelay $0x4  }
0xca: {  	v2 =	vld.idx.msk [tilespmem:v2+s24+$0x0], $0xffff;
	_ =	sdelay $0x2  }
0xcb: {  	v3 =	vld [tilespmem:s8+$0xFFFFFFE0];
	v1 =	vshll.u32 v1, $0x2  }
0xcc: {  	v1 =	vand.u32 $0x1C, v1  }
0xcd: {  	v1 =	vshrl.u32 v2, v1  }
0xce: {  	v1 =	vand.u32 $0x2, v1  }
0xcf: {  	vm0 =	veq.s32 v1, $0x0  }
0xd0: {  	v1 =	vnsel vm0, $0x2710, v3  }
0xd1: {  	[tilespmem:s8+$0xFFFFFFE0] =	vst v1  }
0xd2: {  	v1 =	vld [tilespmem:s9+$0x10];
	_ =	sdelay $0x4  }
0xd3: {  	v2 =	vshrl.u32 v1, $0x3;
	_ =	sdelay $0x4  }
0xd4: {  	v2 =	vld.idx.msk [tilespmem:v2+s24+$0x0], $0xffff;
	_ =	sdelay $0x2  }
0xd5: {  	v3 =	vld [tilespmem:s8+$0xFFFFFFF0];
	v1 =	vshll.u32 v1, $0x2  }
0xd6: {  	v1 =	vand.u32 $0x1C, v1  }
0xd7: {  	v1 =	vshrl.u32 v2, v1  }
0xd8: {  	v1 =	vand.u32 $0x2, v1  }
0xd9: {  	vm13 =	veq.s32 v1, $0x0  }
0xda: {  	v1 =	vnsel vm13, $0x2710, v3  }
0xdb: {  	[tilespmem:s8+$0xFFFFFFF0] =	vst v1  }
0xdc: {  	v1 =	vld [tilespmem:s9+$0x20];
	_ =	sdelay $0x4  }
0xdd: {  	v2 =	vshrl.u32 v1, $0x3;
	_ =	sdelay $0x4  }
0xde: {  	v2 =	vld.idx.msk [tilespmem:v2+s24+$0x0], $0xffff;
	_ =	sdelay $0x2  }
0xdf: {  	v3 =	vld [tilespmem:s8+$0x0];
	v1 =	vshll.u32 v1, $0x2  }
0xe0: {  	v1 =	vand.u32 $0x1C, v1  }
0xe1: {  	v1 =	vshrl.u32 v2, v1  }
0xe2: {  	v1 =	vand.u32 $0x2, v1  }
0xe3: {  	vm14 =	veq.s32 v1, $0x0  }
0xe4: {  	v1 =	vnsel vm14, $0x2710, v3  }
0xe5: {  	[tilespmem:s8+$0x0] =	vst v1  }
0xe6: {  	v1 =	vld [tilespmem:s9+$0x30];
	_ =	sdelay $0x4  }
0xe7: {  	v2 =	vshrl.u32 v1, $0x3;
	_ =	sdelay $0x4  }
0xe8: {  	v2 =	vld.idx.msk [tilespmem:v2+s24+$0x0], $0xffff;
	_ =	sdelay $0x2  }
0xe9: {  	v3 =	vld [tilespmem:s8+$0x10];
	v1 =	vshll.u32 v1, $0x2  }
0xea: {  	p0 =	sne.s32 s7, $0x9C00;
	v1 =	vand.u32 $0x1C, v1  }
.Ltmp3:
0xeb: {  	v1 =	vshrl.u32 v2, v1;
	(pc) =	sbr.rel @p0 .LBB2_8-.Ltmp3, $4  }
0xec: {  	v1 =	vand.u32 $0x2, v1  }
0xed: {  	vm15 =	veq.s32 v1, $0x0  }
0xee: {  	v1 =	vnsel vm15, $0x2710, v3  }
0xef: {  	s7 =	sadd.s32 $0x100, s7;
	[tilespmem:s8+$0x10] =	vst v1;
	s8 =	sadd.s32 $0x80, s8  }
0xf0: {  	[bflag:$0x0] =	sbarrier.arrive $0xFFFF;
	s7 =	simm.s32 $0x0  }
0xf1: {  	[tilespmem:s25], [sflag:$0x1] =	stream.indirect.gather [hbm4b:s2+s28], $0x80, s7, s28, $0xb8;
	[tilespmem:$0x1F880] =	vst v63  }
0xf2: {  	s8 =	simm.s32 $0x40  }
0xf3: {  	[tilespmem:s29], [sflag:$0x2] =	stream.indirect.gather [hbm4b:s2+s28], $0x80, s8, s28, $0xb8;
	[tilespmem:$0x1F880] =	vst v63  }
0xf4: {  	_ =	swait.ge [sflag:s30], $0x2000  }
0xf5: {  	[sflag:s30] =	ssyncset.done $0x0  }
0xf6: {  	s9 =	simm.s32 $0x2780;
	[sflag:s30] =	ssyncadd.s32 $0xFFFFE000  }
0xf7: {  	[spmem:s3] =	stream.indirect.scatter.add.f32 [tilespmem:s25], [sflag:$0x3], $0x80, s9, s28, $0xb8;
	[tilespmem:$0x1F880] =	vst v63  }
0xf8: {  	_ =	swait.ge [sflag:s23], $0x2000  }
0xf9: {  	[sflag:s23] =	ssyncset.done $0x0  }
0xfa: {  	s10 =	simm.s32 $0x80;
	[sflag:s23] =	ssyncadd.s32 $0xFFFFE000  }
0xfb: {  	[tilespmem:s25], [sflag:$0x1] =	stream.indirect.gather [hbm4b:s2+s28], $0x80, s10, s28, $0xb8;
	[tilespmem:$0x1F880] =	vst v63  }
0xfc: {  	_ =	swait.ge [sflag:s31], $0x2000  }
0xfd: {  	[sflag:s31] =	ssyncset.done $0x0  }
0xfe: {  	s11 =	simm.s32 $0x2800;
	[sflag:s31] =	ssyncadd.s32 $0xFFFFE000  }
0xff: {  	[spmem:s3] =	stream.indirect.scatter.add.f32 [tilespmem:s29], [sflag:$0x3], $0x80, s11, s28, $0xb8;
	[tilespmem:$0x1F880] =	vst v63  }
0x100: {  	s7 =	simm.s32 $0x100;
	_ =	swait.ge [sflag:s23], $0x2000  }
0x101: {  	s8 =	simm.s32 $0x400;
	s9 =	simm.s32 $0x800;
	[sflag:s23] =	ssyncset.done $0x0  }
.LBB2_10:
0x102: {  	p0 =	sne.s32 s9, $0x13400;
	s10 =	sadd.s32 $0xFFFFFFC0, s7;
	[sflag:s23] =	ssyncadd.s32 $0xFFFFE000  }
0x103: {  	[tilespmem:s29], [sflag:$0x2] =	stream.indirect.gather [hbm4b:s2+s28], $0x80, s10, s28, $0xb8;
	[tilespmem:$0x1F880] =	vst v63  }
0x104: {  	s10 =	smov.u32 s9;
	s9 =	sadd.s32 $0x400, s9;
	_ =	swait.ge [sflag:s30], $0x2000  }
0x105: {  	s11 =	sshra.s32 s8, $0x2;
	s8 =	smov.u32 s10;
	[sflag:s30] =	ssyncset.done $0x0  }
0x106: {  	s10 =	sadd.s32 $0x2780, s11;
	[sflag:s30] =	ssyncadd.s32 $0xFFFFE000  }
0x107: {  	[spmem:s3] =	stream.indirect.scatter.add.f32 [tilespmem:s25], [sflag:$0x3], $0x80, s10, s28, $0xb8;
	[tilespmem:$0x1F880] =	vst v63  }
0x108: {  	_ =	swait.ge [sflag:s23], $0x2000  }
0x109: {  	[sflag:s23] =	ssyncset.done $0x0  }
0x10a: {  	[sflag:s23] =	ssyncadd.s32 $0xFFFFE000  }
0x10b: {  	[tilespmem:s25], [sflag:$0x1] =	stream.indirect.gather [hbm4b:s2+s28], $0x80, s7, s28, $0xb8;
	[tilespmem:$0x1F880] =	vst v63  }
0x10c: {  	_ =	swait.ge [sflag:s31], $0x2000  }
.Ltmp4:
0x10d: {  	[sflag:s31] =	ssyncset.done $0x0;
	(pc) =	sbr.rel @p0 .LBB2_10-.Ltmp4, $4  }
0x10e: {  	s10 =	sadd.s32 $0x2800, s11;
	[sflag:s31] =	ssyncadd.s32 $0xFFFFE000  }
0x10f: {  	[spmem:s3] =	stream.indirect.scatter.add.f32 [tilespmem:s29], [sflag:$0x3], $0x80, s10, s28, $0xb8;
	[tilespmem:$0x1F880] =	vst v63  }
0x110: {  	_ =	swait.ge [sflag:s23], $0x2000  }
0x111: {  	s7 =	sadd.s32 $0x80, s7;
	[sflag:s23] =	ssyncset.done $0x0  }
0x112: {  	s9 =	sadd.s32 $0xFFFFFFC0, s7;
	[sflag:s23] =	ssyncadd.s32 $0xFFFFE000  }
0x113: {  	[tilespmem:s29], [sflag:$0x2] =	stream.indirect.gather [hbm4b:s2+s28], $0x80, s9, s28, $0xb8;
	[tilespmem:$0x1F880] =	vst v63  }
0x114: {  	_ =	swait.ge [sflag:s30], $0x2000  }
0x115: {  	s8 =	sshra.s32 s8, $0x2;
	[sflag:s30] =	ssyncset.done $0x0  }
0x116: {  	s10 =	sadd.s32 $0x2780, s8;
	[sflag:s30] =	ssyncadd.s32 $0xFFFFE000  }
0x117: {  	[spmem:s3] =	stream.indirect.scatter.add.f32 [tilespmem:s25], [sflag:$0x3], $0x80, s10, s28, $0xb8;
	[tilespmem:$0x1F880] =	vst v63  }
0x118: {  	_ =	swait.ge [sflag:s23], $0x2000  }
0x119: {  	[sflag:s23] =	ssyncset.done $0x0  }
0x11a: {  	[sflag:s23] =	ssyncadd.s32 $0xFFFFE000  }
0x11b: {  	[tilespmem:s25], [sflag:$0x1] =	stream.indirect.gather [hbm4b:s2+s28], $0x80, s7, s28, $0xb8;
	[tilespmem:$0x1F880] =	vst v63  }
0x11c: {  	_ =	swait.ge [sflag:s31], $0x2000  }
0x11d: {  	[sflag:s31] =	ssyncset.done $0x0  }
0x11e: {  	s11 =	sadd.s32 $0x2800, s8;
	[sflag:s31] =	ssyncadd.s32 $0xFFFFE000  }
0x11f: {  	[spmem:s3] =	stream.indirect.scatter.add.f32 [tilespmem:s29], [sflag:$0x3], $0x80, s11, s28, $0xb8;
	[tilespmem:$0x1F880] =	vst v63  }
0x120: {  	_ =	swait.ge [sflag:s23], $0x2000  }
0x121: {  	[sflag:s23] =	ssyncset.done $0x0  }
0x122: {  	[sflag:s23] =	ssyncadd.s32 $0xFFFFE000  }
0x123: {  	_ =	swait.ge [sflag:s30], $0x2000  }
0x124: {  	[sflag:s30] =	ssyncset.done $0x0  }
0x125: {  	[sflag:s30] =	ssyncadd.s32 $0xFFFFE000  }
0x126: {  	[spmem:s3] =	stream.indirect.scatter.add.f32 [tilespmem:s25], [sflag:$0x3], $0x80, s1, s28, $0xb8;
	[tilespmem:$0x1F880] =	vst v63  }
0x127: {  	_ =	swait.ge [sflag:s23], $0x2000  }
0x128: {  	[sflag:s23] =	ssyncset.done $0x0  }
0x129: {  	[sflag:s23] =	ssyncadd.s32 $0xFFFFE000  }
0x12a: {  	[bflag:$0x0] =	sbarrier.arrive $0xFFFF  }
0x12b: {  	[hbm:s19], [sflag:s4] =	dma.local [spmem:s5], $0x2780  }
0x12c: {  	_ =	swait.ge [sflag:s23], $0x2780  }
0x12d: {  	[sflag:s23] =	ssyncset.done $0x0  }
0x12e: {  	s7 =	simm.s32 $0x0;
	[sflag:s23] =	ssyncadd.s32 $0xFFFFD880  }
0x12f: {  	[tilespmem:s26], [sflag:$0x3] =	stream.linear.gather [hbm4b:s17+s7], $0x4E80, $0x38;
	[tilespmem:$0x1F880] =	vst v63  }
0x130: {  	_ =	swait.ge [sflag:s23], $0x4E80  }
0x131: {  	[sflag:s23] =	ssyncset.done $0x0  }
0x132: {  	s8 =	simm.s32 $0x27A0;
	[sflag:s23] =	ssyncadd.s32 $0xFFFFB180  }
.LBB2_12:
0x133: {  	s9 =	sshra.s32 s7, $0x2  }
0x134: {  	v1 =	vld [tilespmem:s9+$0x0];
	_ =	sdelay $0x4  }
0x135: {  	v2 =	vshrl.u32 v1, $0x3;
	_ =	sdelay $0x4  }
0x136: {  	v2 =	vld.idx.msk [tilespmem:v2+s24+$0x0], $0xffff;
	_ =	sdelay $0x2  }
0x137: {  	v3 =	vld [tilespmem:s8+$0xFFFFFFE0];
	v1 =	vshll.u32 v1, $0x2  }
0x138: {  	v1 =	vand.u32 $0x1C, v1  }
0x139: {  	v1 =	vshrl.u32 v2, v1  }
0x13a: {  	v1 =	vand.u32 $0x4, v1  }
0x13b: {  	vm0 =	veq.s32 v1, $0x0  }
0x13c: {  	v1 =	vnsel vm0, $0x2710, v3  }
0x13d: {  	[tilespmem:s8+$0xFFFFFFE0] =	vst v1  }
0x13e: {  	v1 =	vld [tilespmem:s9+$0x10];
	_ =	sdelay $0x4  }
0x13f: {  	v2 =	vshrl.u32 v1, $0x3;
	_ =	sdelay $0x4  }
0x140: {  	v2 =	vld.idx.msk [tilespmem:v2+s24+$0x0], $0xffff;
	_ =	sdelay $0x2  }
0x141: {  	v3 =	vld [tilespmem:s8+$0xFFFFFFF0];
	v1 =	vshll.u32 v1, $0x2  }
0x142: {  	v1 =	vand.u32 $0x1C, v1  }
0x143: {  	v1 =	vshrl.u32 v2, v1  }
0x144: {  	v1 =	vand.u32 $0x4, v1  }
0x145: {  	vm13 =	veq.s32 v1, $0x0  }
0x146: {  	v1 =	vnsel vm13, $0x2710, v3  }
0x147: {  	[tilespmem:s8+$0xFFFFFFF0] =	vst v1  }
0x148: {  	v1 =	vld [tilespmem:s9+$0x20];
	_ =	sdelay $0x4  }
0x149: {  	v2 =	vshrl.u32 v1, $0x3;
	_ =	sdelay $0x4  }
0x14a: {  	v2 =	vld.idx.msk [tilespmem:v2+s24+$0x0], $0xffff;
	_ =	sdelay $0x2  }
0x14b: {  	v3 =	vld [tilespmem:s8+$0x0];
	v1 =	vshll.u32 v1, $0x2  }
0x14c: {  	v1 =	vand.u32 $0x1C, v1  }
0x14d: {  	v1 =	vshrl.u32 v2, v1  }
0x14e: {  	v1 =	vand.u32 $0x4, v1  }
0x14f: {  	vm14 =	veq.s32 v1, $0x0  }
0x150: {  	v1 =	vnsel vm14, $0x2710, v3  }
0x151: {  	[tilespmem:s8+$0x0] =	vst v1  }
0x152: {  	v1 =	vld [tilespmem:s9+$0x30];
	_ =	sdelay $0x4  }
0x153: {  	v2 =	vshrl.u32 v1, $0x3;
	_ =	sdelay $0x4  }
0x154: {  	v2 =	vld.idx.msk [tilespmem:v2+s24+$0x0], $0xffff;
	_ =	sdelay $0x2  }
0x155: {  	v3 =	vld [tilespmem:s8+$0x10];
	v1 =	vshll.u32 v1, $0x2  }
0x156: {  	p0 =	sne.s32 s7, $0x9C00;
	v1 =	vand.u32 $0x1C, v1  }
.Ltmp5:
0x157: {  	v1 =	vshrl.u32 v2, v1;
	(pc) =	sbr.rel @p0 .LBB2_12-.Ltmp5, $4  }
0x158: {  	v1 =	vand.u32 $0x4, v1  }
0x159: {  	vm15 =	veq.s32 v1, $0x0  }
0x15a: {  	v1 =	vnsel vm15, $0x2710, v3  }
0x15b: {  	s7 =	sadd.s32 $0x100, s7;
	[tilespmem:s8+$0x10] =	vst v1;
	s8 =	sadd.s32 $0x80, s8  }
0x15c: {  	[bflag:$0x0] =	sbarrier.arrive $0xFFFF;
	s7 =	simm.s32 $0x0  }
0x15d: {  	[tilespmem:s25], [sflag:$0x1] =	stream.indirect.gather [hbm4b:s2+s28], $0x80, s7, s28, $0xb8;
	[tilespmem:$0x1F880] =	vst v63  }
0x15e: {  	s8 =	simm.s32 $0x40  }
0x15f: {  	[tilespmem:s29], [sflag:$0x2] =	stream.indirect.gather [hbm4b:s2+s28], $0x80, s8, s28, $0xb8;
	[tilespmem:$0x1F880] =	vst v63  }
0x160: {  	_ =	swait.ge [sflag:s30], $0x2000  }
0x161: {  	[sflag:s30] =	ssyncset.done $0x0  }
0x162: {  	s9 =	simm.s32 $0x2780;
	[sflag:s30] =	ssyncadd.s32 $0xFFFFE000  }
0x163: {  	[spmem:s3] =	stream.indirect.scatter.add.f32 [tilespmem:s25], [sflag:$0x3], $0x80, s9, s28, $0xb8;
	[tilespmem:$0x1F880] =	vst v63  }
0x164: {  	_ =	swait.ge [sflag:s23], $0x2000  }
0x165: {  	[sflag:s23] =	ssyncset.done $0x0  }
0x166: {  	s10 =	simm.s32 $0x80;
	[sflag:s23] =	ssyncadd.s32 $0xFFFFE000  }
0x167: {  	[tilespmem:s25], [sflag:$0x1] =	stream.indirect.gather [hbm4b:s2+s28], $0x80, s10, s28, $0xb8;
	[tilespmem:$0x1F880] =	vst v63  }
0x168: {  	_ =	swait.ge [sflag:s31], $0x2000  }
0x169: {  	[sflag:s31] =	ssyncset.done $0x0  }
0x16a: {  	s11 =	simm.s32 $0x2800;
	[sflag:s31] =	ssyncadd.s32 $0xFFFFE000  }
0x16b: {  	[spmem:s3] =	stream.indirect.scatter.add.f32 [tilespmem:s29], [sflag:$0x3], $0x80, s11, s28, $0xb8;
	[tilespmem:$0x1F880] =	vst v63  }
0x16c: {  	s7 =	simm.s32 $0x100;
	_ =	swait.ge [sflag:s23], $0x2000  }
0x16d: {  	s8 =	simm.s32 $0x400;
	s9 =	simm.s32 $0x800;
	[sflag:s23] =	ssyncset.done $0x0  }
.LBB2_14:
0x16e: {  	p0 =	sne.s32 s9, $0x13400;
	s10 =	sadd.s32 $0xFFFFFFC0, s7;
	[sflag:s23] =	ssyncadd.s32 $0xFFFFE000  }
0x16f: {  	[tilespmem:s29], [sflag:$0x2] =	stream.indirect.gather [hbm4b:s2+s28], $0x80, s10, s28, $0xb8;
	[tilespmem:$0x1F880] =	vst v63  }
0x170: {  	s10 =	smov.u32 s9;
	s9 =	sadd.s32 $0x400, s9;
	_ =	swait.ge [sflag:s30], $0x2000  }
0x171: {  	s11 =	sshra.s32 s8, $0x2;
	s8 =	smov.u32 s10;
	[sflag:s30] =	ssyncset.done $0x0  }
0x172: {  	s10 =	sadd.s32 $0x2780, s11;
	[sflag:s30] =	ssyncadd.s32 $0xFFFFE000  }
0x173: {  	[spmem:s3] =	stream.indirect.scatter.add.f32 [tilespmem:s25], [sflag:$0x3], $0x80, s10, s28, $0xb8;
	[tilespmem:$0x1F880] =	vst v63  }
0x174: {  	_ =	swait.ge [sflag:s23], $0x2000  }
0x175: {  	[sflag:s23] =	ssyncset.done $0x0  }
0x176: {  	[sflag:s23] =	ssyncadd.s32 $0xFFFFE000  }
0x177: {  	[tilespmem:s25], [sflag:$0x1] =	stream.indirect.gather [hbm4b:s2+s28], $0x80, s7, s28, $0xb8;
	[tilespmem:$0x1F880] =	vst v63  }
0x178: {  	_ =	swait.ge [sflag:s31], $0x2000  }
.Ltmp6:
0x179: {  	[sflag:s31] =	ssyncset.done $0x0;
	(pc) =	sbr.rel @p0 .LBB2_14-.Ltmp6, $4  }
0x17a: {  	s10 =	sadd.s32 $0x2800, s11;
	[sflag:s31] =	ssyncadd.s32 $0xFFFFE000  }
0x17b: {  	[spmem:s3] =	stream.indirect.scatter.add.f32 [tilespmem:s29], [sflag:$0x3], $0x80, s10, s28, $0xb8;
	[tilespmem:$0x1F880] =	vst v63  }
0x17c: {  	_ =	swait.ge [sflag:s23], $0x2000  }
0x17d: {  	s7 =	sadd.s32 $0x80, s7;
	[sflag:s23] =	ssyncset.done $0x0  }
0x17e: {  	s9 =	sadd.s32 $0xFFFFFFC0, s7;
	[sflag:s23] =	ssyncadd.s32 $0xFFFFE000  }
0x17f: {  	[tilespmem:s29], [sflag:$0x2] =	stream.indirect.gather [hbm4b:s2+s28], $0x80, s9, s28, $0xb8;
	[tilespmem:$0x1F880] =	vst v63  }
0x180: {  	_ =	swait.ge [sflag:s30], $0x2000  }
0x181: {  	s8 =	sshra.s32 s8, $0x2;
	[sflag:s30] =	ssyncset.done $0x0  }
0x182: {  	s10 =	sadd.s32 $0x2780, s8;
	[sflag:s30] =	ssyncadd.s32 $0xFFFFE000  }
0x183: {  	[spmem:s3] =	stream.indirect.scatter.add.f32 [tilespmem:s25], [sflag:$0x3], $0x80, s10, s28, $0xb8;
	[tilespmem:$0x1F880] =	vst v63  }
0x184: {  	_ =	swait.ge [sflag:s23], $0x2000  }
0x185: {  	[sflag:s23] =	ssyncset.done $0x0  }
0x186: {  	[sflag:s23] =	ssyncadd.s32 $0xFFFFE000  }
0x187: {  	[tilespmem:s25], [sflag:$0x1] =	stream.indirect.gather [hbm4b:s2+s28], $0x80, s7, s28, $0xb8;
	[tilespmem:$0x1F880] =	vst v63  }
0x188: {  	_ =	swait.ge [sflag:s31], $0x2000  }
0x189: {  	[sflag:s31] =	ssyncset.done $0x0  }
0x18a: {  	s11 =	sadd.s32 $0x2800, s8;
	[sflag:s31] =	ssyncadd.s32 $0xFFFFE000  }
0x18b: {  	[spmem:s3] =	stream.indirect.scatter.add.f32 [tilespmem:s29], [sflag:$0x3], $0x80, s11, s28, $0xb8;
	[tilespmem:$0x1F880] =	vst v63  }
0x18c: {  	_ =	swait.ge [sflag:s23], $0x2000  }
0x18d: {  	[sflag:s23] =	ssyncset.done $0x0  }
0x18e: {  	[sflag:s23] =	ssyncadd.s32 $0xFFFFE000  }
0x18f: {  	_ =	swait.ge [sflag:s30], $0x2000  }
0x190: {  	[sflag:s30] =	ssyncset.done $0x0  }
0x191: {  	[sflag:s30] =	ssyncadd.s32 $0xFFFFE000  }
0x192: {  	[spmem:s3] =	stream.indirect.scatter.add.f32 [tilespmem:s25], [sflag:$0x3], $0x80, s1, s28, $0xb8;
	[tilespmem:$0x1F880] =	vst v63  }
0x193: {  	_ =	swait.ge [sflag:s23], $0x2000  }
0x194: {  	[sflag:s23] =	ssyncset.done $0x0  }
0x195: {  	[sflag:s23] =	ssyncadd.s32 $0xFFFFE000  }
0x196: {  	[bflag:$0x0] =	sbarrier.arrive $0xFFFF  }
0x197: {  	[hbm:s20], [sflag:s4] =	dma.local [spmem:s5], $0x2780  }
0x198: {  	_ =	swait.ge [sflag:s23], $0x2780  }
0x199: {  	[sflag:s23] =	ssyncset.done $0x0  }
0x19a: {  	s7 =	simm.s32 $0x0;
	[sflag:s23] =	ssyncadd.s32 $0xFFFFD880  }
0x19b: {  	[tilespmem:s26], [sflag:$0x3] =	stream.linear.gather [hbm4b:s17+s7], $0x4E80, $0x38;
	[tilespmem:$0x1F880] =	vst v63  }
0x19c: {  	_ =	swait.ge [sflag:s23], $0x4E80  }
0x19d: {  	[sflag:s23] =	ssyncset.done $0x0  }
0x19e: {  	s8 =	simm.s32 $0x27A0;
	[sflag:s23] =	ssyncadd.s32 $0xFFFFB180  }
.LBB2_16:
0x19f: {  	s9 =	sshra.s32 s7, $0x2  }
0x1a0: {  	v1 =	vld [tilespmem:s9+$0x0];
	_ =	sdelay $0x4  }
0x1a1: {  	v2 =	vshrl.u32 v1, $0x3;
	_ =	sdelay $0x4  }
0x1a2: {  	v2 =	vld.idx.msk [tilespmem:v2+s24+$0x0], $0xffff;
	_ =	sdelay $0x2  }
0x1a3: {  	v3 =	vld [tilespmem:s8+$0xFFFFFFE0];
	v1 =	vshll.u32 v1, $0x2  }
0x1a4: {  	v1 =	vand.u32 $0x1C, v1  }
0x1a5: {  	v1 =	vshrl.u32 v2, v1  }
0x1a6: {  	v1 =	vand.u32 $0x8, v1  }
0x1a7: {  	vm0 =	veq.s32 v1, $0x0  }
0x1a8: {  	v1 =	vnsel vm0, $0x2710, v3  }
0x1a9: {  	[tilespmem:s8+$0xFFFFFFE0] =	vst v1  }
0x1aa: {  	v1 =	vld [tilespmem:s9+$0x10];
	_ =	sdelay $0x4  }
0x1ab: {  	v2 =	vshrl.u32 v1, $0x3;
	_ =	sdelay $0x4  }
0x1ac: {  	v2 =	vld.idx.msk [tilespmem:v2+s24+$0x0], $0xffff;
	_ =	sdelay $0x2  }
0x1ad: {  	v3 =	vld [tilespmem:s8+$0xFFFFFFF0];
	v1 =	vshll.u32 v1, $0x2  }
0x1ae: {  	v1 =	vand.u32 $0x1C, v1  }
0x1af: {  	v1 =	vshrl.u32 v2, v1  }
0x1b0: {  	v1 =	vand.u32 $0x8, v1  }
0x1b1: {  	vm13 =	veq.s32 v1, $0x0  }
0x1b2: {  	v1 =	vnsel vm13, $0x2710, v3  }
0x1b3: {  	[tilespmem:s8+$0xFFFFFFF0] =	vst v1  }
0x1b4: {  	v1 =	vld [tilespmem:s9+$0x20];
	_ =	sdelay $0x4  }
0x1b5: {  	v2 =	vshrl.u32 v1, $0x3;
	_ =	sdelay $0x4  }
0x1b6: {  	v2 =	vld.idx.msk [tilespmem:v2+s24+$0x0], $0xffff;
	_ =	sdelay $0x2  }
0x1b7: {  	v3 =	vld [tilespmem:s8+$0x0];
	v1 =	vshll.u32 v1, $0x2  }
0x1b8: {  	v1 =	vand.u32 $0x1C, v1  }
0x1b9: {  	v1 =	vshrl.u32 v2, v1  }
0x1ba: {  	v1 =	vand.u32 $0x8, v1  }
0x1bb: {  	vm14 =	veq.s32 v1, $0x0  }
0x1bc: {  	v1 =	vnsel vm14, $0x2710, v3  }
0x1bd: {  	[tilespmem:s8+$0x0] =	vst v1  }
0x1be: {  	v1 =	vld [tilespmem:s9+$0x30];
	_ =	sdelay $0x4  }
0x1bf: {  	v2 =	vshrl.u32 v1, $0x3;
	_ =	sdelay $0x4  }
0x1c0: {  	v2 =	vld.idx.msk [tilespmem:v2+s24+$0x0], $0xffff;
	_ =	sdelay $0x2  }
0x1c1: {  	v3 =	vld [tilespmem:s8+$0x10];
	v1 =	vshll.u32 v1, $0x2  }
0x1c2: {  	p0 =	sne.s32 s7, $0x9C00;
	v1 =	vand.u32 $0x1C, v1  }
.Ltmp7:
0x1c3: {  	v1 =	vshrl.u32 v2, v1;
	(pc) =	sbr.rel @p0 .LBB2_16-.Ltmp7, $4  }
0x1c4: {  	v1 =	vand.u32 $0x8, v1  }
0x1c5: {  	vm15 =	veq.s32 v1, $0x0  }
0x1c6: {  	v1 =	vnsel vm15, $0x2710, v3  }
0x1c7: {  	s7 =	sadd.s32 $0x100, s7;
	[tilespmem:s8+$0x10] =	vst v1;
	s8 =	sadd.s32 $0x80, s8  }
0x1c8: {  	[bflag:$0x0] =	sbarrier.arrive $0xFFFF;
	s7 =	simm.s32 $0x0  }
0x1c9: {  	[tilespmem:s25], [sflag:$0x1] =	stream.indirect.gather [hbm4b:s2+s28], $0x80, s7, s28, $0xb8;
	[tilespmem:$0x1F880] =	vst v63  }
0x1ca: {  	s8 =	simm.s32 $0x40  }
0x1cb: {  	[tilespmem:s29], [sflag:$0x2] =	stream.indirect.gather [hbm4b:s2+s28], $0x80, s8, s28, $0xb8;
	[tilespmem:$0x1F880] =	vst v63  }
0x1cc: {  	_ =	swait.ge [sflag:s30], $0x2000  }
0x1cd: {  	[sflag:s30] =	ssyncset.done $0x0  }
0x1ce: {  	s9 =	simm.s32 $0x2780;
	[sflag:s30] =	ssyncadd.s32 $0xFFFFE000  }
0x1cf: {  	[spmem:s3] =	stream.indirect.scatter.add.f32 [tilespmem:s25], [sflag:$0x3], $0x80, s9, s28, $0xb8;
	[tilespmem:$0x1F880] =	vst v63  }
0x1d0: {  	_ =	swait.ge [sflag:s23], $0x2000  }
0x1d1: {  	[sflag:s23] =	ssyncset.done $0x0  }
0x1d2: {  	s10 =	simm.s32 $0x80;
	[sflag:s23] =	ssyncadd.s32 $0xFFFFE000  }
0x1d3: {  	[tilespmem:s25], [sflag:$0x1] =	stream.indirect.gather [hbm4b:s2+s28], $0x80, s10, s28, $0xb8;
	[tilespmem:$0x1F880] =	vst v63  }
0x1d4: {  	_ =	swait.ge [sflag:s31], $0x2000  }
0x1d5: {  	[sflag:s31] =	ssyncset.done $0x0  }
0x1d6: {  	s11 =	simm.s32 $0x2800;
	[sflag:s31] =	ssyncadd.s32 $0xFFFFE000  }
0x1d7: {  	[spmem:s3] =	stream.indirect.scatter.add.f32 [tilespmem:s29], [sflag:$0x3], $0x80, s11, s28, $0xb8;
	[tilespmem:$0x1F880] =	vst v63  }
0x1d8: {  	s7 =	simm.s32 $0x100;
	_ =	swait.ge [sflag:s23], $0x2000  }
0x1d9: {  	s8 =	simm.s32 $0x400;
	s9 =	simm.s32 $0x800;
	[sflag:s23] =	ssyncset.done $0x0  }
.LBB2_18:
0x1da: {  	p0 =	sne.s32 s9, $0x13400;
	s10 =	sadd.s32 $0xFFFFFFC0, s7;
	[sflag:s23] =	ssyncadd.s32 $0xFFFFE000  }
0x1db: {  	[tilespmem:s29], [sflag:$0x2] =	stream.indirect.gather [hbm4b:s2+s28], $0x80, s10, s28, $0xb8;
	[tilespmem:$0x1F880] =	vst v63  }
0x1dc: {  	s10 =	smov.u32 s9;
	s9 =	sadd.s32 $0x400, s9;
	_ =	swait.ge [sflag:s30], $0x2000  }
0x1dd: {  	s11 =	sshra.s32 s8, $0x2;
	s8 =	smov.u32 s10;
	[sflag:s30] =	ssyncset.done $0x0  }
0x1de: {  	s10 =	sadd.s32 $0x2780, s11;
	[sflag:s30] =	ssyncadd.s32 $0xFFFFE000  }
0x1df: {  	[spmem:s3] =	stream.indirect.scatter.add.f32 [tilespmem:s25], [sflag:$0x3], $0x80, s10, s28, $0xb8;
	[tilespmem:$0x1F880] =	vst v63  }
0x1e0: {  	_ =	swait.ge [sflag:s23], $0x2000  }
0x1e1: {  	[sflag:s23] =	ssyncset.done $0x0  }
0x1e2: {  	[sflag:s23] =	ssyncadd.s32 $0xFFFFE000  }
0x1e3: {  	[tilespmem:s25], [sflag:$0x1] =	stream.indirect.gather [hbm4b:s2+s28], $0x80, s7, s28, $0xb8;
	[tilespmem:$0x1F880] =	vst v63  }
0x1e4: {  	_ =	swait.ge [sflag:s31], $0x2000  }
.Ltmp8:
0x1e5: {  	[sflag:s31] =	ssyncset.done $0x0;
	(pc) =	sbr.rel @p0 .LBB2_18-.Ltmp8, $4  }
0x1e6: {  	s10 =	sadd.s32 $0x2800, s11;
	[sflag:s31] =	ssyncadd.s32 $0xFFFFE000  }
0x1e7: {  	[spmem:s3] =	stream.indirect.scatter.add.f32 [tilespmem:s29], [sflag:$0x3], $0x80, s10, s28, $0xb8;
	[tilespmem:$0x1F880] =	vst v63  }
0x1e8: {  	_ =	swait.ge [sflag:s23], $0x2000  }
0x1e9: {  	s7 =	sadd.s32 $0x80, s7;
	[sflag:s23] =	ssyncset.done $0x0  }
0x1ea: {  	s9 =	sadd.s32 $0xFFFFFFC0, s7;
	[sflag:s23] =	ssyncadd.s32 $0xFFFFE000  }
0x1eb: {  	[tilespmem:s29], [sflag:$0x2] =	stream.indirect.gather [hbm4b:s2+s28], $0x80, s9, s28, $0xb8;
	[tilespmem:$0x1F880] =	vst v63  }
0x1ec: {  	_ =	swait.ge [sflag:s30], $0x2000  }
0x1ed: {  	s8 =	sshra.s32 s8, $0x2;
	[sflag:s30] =	ssyncset.done $0x0  }
0x1ee: {  	s10 =	sadd.s32 $0x2780, s8;
	[sflag:s30] =	ssyncadd.s32 $0xFFFFE000  }
0x1ef: {  	[spmem:s3] =	stream.indirect.scatter.add.f32 [tilespmem:s25], [sflag:$0x3], $0x80, s10, s28, $0xb8;
	[tilespmem:$0x1F880] =	vst v63  }
0x1f0: {  	_ =	swait.ge [sflag:s23], $0x2000  }
0x1f1: {  	[sflag:s23] =	ssyncset.done $0x0  }
0x1f2: {  	[sflag:s23] =	ssyncadd.s32 $0xFFFFE000  }
0x1f3: {  	[tilespmem:s25], [sflag:$0x1] =	stream.indirect.gather [hbm4b:s2+s28], $0x80, s7, s28, $0xb8;
	[tilespmem:$0x1F880] =	vst v63  }
0x1f4: {  	_ =	swait.ge [sflag:s31], $0x2000  }
0x1f5: {  	[sflag:s31] =	ssyncset.done $0x0  }
0x1f6: {  	s11 =	sadd.s32 $0x2800, s8;
	[sflag:s31] =	ssyncadd.s32 $0xFFFFE000  }
0x1f7: {  	[spmem:s3] =	stream.indirect.scatter.add.f32 [tilespmem:s29], [sflag:$0x3], $0x80, s11, s28, $0xb8;
	[tilespmem:$0x1F880] =	vst v63  }
0x1f8: {  	_ =	swait.ge [sflag:s23], $0x2000  }
0x1f9: {  	[sflag:s23] =	ssyncset.done $0x0  }
0x1fa: {  	[sflag:s23] =	ssyncadd.s32 $0xFFFFE000  }
0x1fb: {  	_ =	swait.ge [sflag:s30], $0x2000  }
0x1fc: {  	[sflag:s30] =	ssyncset.done $0x0  }
0x1fd: {  	[sflag:s30] =	ssyncadd.s32 $0xFFFFE000  }
0x1fe: {  	[spmem:s3] =	stream.indirect.scatter.add.f32 [tilespmem:s25], [sflag:$0x3], $0x80, s1, s28, $0xb8;
	[tilespmem:$0x1F880] =	vst v63  }
0x1ff: {  	_ =	swait.ge [sflag:s23], $0x2000  }
0x200: {  	s0 =	sadd.s32 $0x1, s0;
	[sflag:s23] =	ssyncset.done $0x0  }
0x201: {  	p0 =	sne.s32 s0, s22;
	[sflag:s23] =	ssyncadd.s32 $0xFFFFE000  }
.Ltmp9:
0x202: {  	[bflag:$0x0] =	sbarrier.arrive $0xFFFF;
	(pc) =	sbr.rel @p0 .LBB2_1-.Ltmp9, $4  }
0x203: {  	[hbm:s21], [sflag:s4] =	dma.local [spmem:s5], $0x2780  }
0x204: {  	_ =	swait.ge [sflag:s23], $0x2780  }
0x205: {  	[sflag:s23] =	ssyncset.done $0x0  }
0x206: {  	[sflag:s23] =	ssyncadd.s32 $0xFFFFD880  }
0x207: {  	_ =	sfence.sel $0x180000  }
0x208: {  	[bflag:$0x0] =	sbarrier.arrive $0xFFFF  }
0x209: {  	_ =	strace $0x90000047  }
0x20a: {  	s0 =	stileid.u32;
	[bflag:$0x2] =	sbarrier.arrive $0xFFFF  }
0x20b: {  	p0 =	sne.s32 s0, $0x0;
	s0 =	rddreg [dreg:$0x3]  }
0x20c: {  	s0 =	sadd.s32 @!p0 $0x100000, s0  }
0x20d: {  	[sflag:s0] =	ssyncadd.tile.s32 @!p0 $0x1;
	_ =	shalt  }
.Lfunc_end2:
_tile_overlayer_lowered:
.L_overlay_start_2:
0x20e: {  	(tag) =	ssettag $0x2  }
0x20f: {  	s0 =	rddreg [dreg:$0x0];
	s2 =	stileid.u32  }
0x210: {  	s1 =	rddreg [dreg:$0x1];
	p0 =	sne.s32 s2, $0x0  }
0x211: {  	s3 =	rddreg [dreg:$0x2];
	[bflag:$0x3] =	sbarrier.arrive $0xFFFF;
	s2 =	simm.s32 @!p0 $0x1C03  }
0x212: {  	[timem:s3], [sflag:s2] =	dma.local @!p0 [hbm:s0], s1  }
0x213: {  	s0 =	simm.s32 @!p0 $0x3  }
0x214: {  	_ =	swait.ge @!p0 [sflag:s0], s1  }
0x215: {  	s1 =	ssub.s32 @!p0 $0x0, s1;
	[sflag:s0] =	ssyncset.done @!p0 $0x0  }
0x216: {  	[sflag:s0] =	ssyncadd.s32 @!p0 s1  }
0x217: {  	[bflag:$0x3] =	sbarrier.arrive $0xFFFF  }
0x218: {  	_ =	shalt  }

</sc_bundles>
